<compile_context>
chip_gen: v7x
topology: tpu7x:2x2x1
jax: 0.10.2.dev20260603
libtpu: 0.0.44.dev20260713+nightly
codegen_flags: <defaults>
</compile_context>

<pallas_src>
import functools

import jax
import jax.numpy as jnp
from jax import lax
from jax.experimental import pallas as pl
from jax.experimental.pallas import tpu as pltpu
from jax.experimental.pallas import tpu_sc as plsc

N = 10000
E = 160000
F32 = jnp.float32
EPS = 1e-5


def _dot(a, b):
    return jnp.dot(a, b, preferred_element_type=F32)


ROW = lambda i: (0, 0)



def _colsum_kernel(x_ref, out_ref):
    @pl.when(pl.program_id(0) == 0)
    def _init():
        out_ref[...] = jnp.zeros_like(out_ref)

    out_ref[...] += jnp.sum(x_ref[...], axis=0, keepdims=True)


def _colsum(x, BE=8000):
    d = x.shape[1]
    return pl.pallas_call(
        _colsum_kernel,
        grid=(x.shape[0] // BE,),
        in_specs=[pl.BlockSpec((BE, d), lambda i: (i, 0))],
        out_specs=pl.BlockSpec((1, d), ROW),
        out_shape=jax.ShapeDtypeStruct((1, d), F32),
    )(x)


def _colvar_kernel(x_ref, mu_ref, out_ref):
    @pl.when(pl.program_id(0) == 0)
    def _init():
        out_ref[...] = jnp.zeros_like(out_ref)

    c = x_ref[...] - mu_ref[...]
    out_ref[...] += jnp.sum(c * c, axis=0, keepdims=True)


def _colvarsum(x, mu, BE=8000):
    d = x.shape[1]
    return pl.pallas_call(
        _colvar_kernel,
        grid=(x.shape[0] // BE,),
        in_specs=[pl.BlockSpec((BE, d), lambda i: (i, 0)),
                  pl.BlockSpec((1, d), ROW)],
        out_specs=pl.BlockSpec((1, d), ROW),
        out_shape=jax.ShapeDtypeStruct((1, d), F32),
    )(x, mu)


def _wstats_kernel(x_ref, ds_ref, dd_ref, out_ref):
    x = x_ref[...]
    ds = ds_ref[...]
    dd = dd_ref[...]
    inv_e = 1.0 / E
    s1s = jnp.sum(ds * x, axis=0, keepdims=True)
    mus = s1s * inv_e
    cs = x - mus
    vs = jnp.sum(ds * cs * cs, axis=0, keepdims=True)
    s1d = jnp.sum(dd * x, axis=0, keepdims=True)
    mud = s1d * inv_e
    cd = x - mud
    vd = jnp.sum(dd * cd * cd, axis=0, keepdims=True)
    out_ref[...] = jnp.concatenate([mus, vs, mud, vd], axis=0)


def _wstats(x, ds, dd):
    dn = x.shape[1]
    args = (x, ds, dd)
    return pl.pallas_call(
        _wstats_kernel,
        in_specs=[pl.BlockSpec((N, dn), lambda: (0, 0)),
                  pl.BlockSpec((N, 1), lambda: (0, 0)),
                  pl.BlockSpec((N, 1), lambda: (0, 0))],
        out_specs=pl.BlockSpec((4, dn), lambda: (0, 0)),
        out_shape=jax.ShapeDtypeStruct((4, dn), F32),
    )(*args)


def _edge_kernel(residual, dn,
                 ef_ref, sf_ref, df_ref,
                 ae_ref, as_ref, ad_ref, mue_ref, mus_ref, mud_ref,
                 be_ref, bs_ref, bd_ref, bu_ref,
                 w1e_ref, w1s_ref, w1d_ref, w1u_ref, b1_ref,
                 w2_ref, b2_ref, w3_ref, b3_ref,
                 out_ref, pre_ref, st_ref, stp_ref):
    const = _dot(bu_ref[...], w1u_ref[...]) + b1_ref[...]
    ef = ef_ref[...]
    sf = sf_ref[...][:, :dn]
    df = df_ref[...][:, :dn]
    h = _dot((ef - mue_ref[...]) * ae_ref[...] + be_ref[...], w1e_ref[...])
    h = h + _dot((sf - mus_ref[...]) * as_ref[...] + bs_ref[...],
                 w1s_ref[...])
    h = h + _dot((df - mud_ref[...]) * ad_ref[...] + bd_ref[...],
                 w1d_ref[...])
    h = jnp.maximum(h + const, 0.0)
    h = jnp.maximum(_dot(h, w2_ref[...]) + b2_ref[...], 0.0)
    e3 = jnp.maximum(_dot(h, w3_ref[...]) + b3_ref[...], 0.0)
    pre_ref[...] = jnp.pad(e3, ((0, 0), (0, 96)))
    if residual:
        e3 = e3 + ef
    out_ref[...] = e3

    @pl.when(pl.program_id(0) == 0)
    def _init():
        st_ref[...] = jnp.zeros_like(st_ref)
        stp_ref[...] = jnp.zeros_like(stp_ref)

    st_ref[...] += jnp.sum(e3, axis=0, keepdims=True)
    stp_ref[...] += jnp.sum(pre_ref[...][:, :32], axis=0, keepdims=True)


def _scale(varsum, denom, gg):
    return (gg * lax.rsqrt(varsum * (1.0 / denom) + EPS))[None, :]


def _edge_mlp(lp, ef, sfeat, dfeat, mu_ef, efV, nfst, u_norm, residual):
    de, dn = ef.shape[1], nfst.shape[1]
    dg = lp["em"]["Ws"][0].shape[0] - de - 2 * dn
    g, b = lp["em"]["gamma"], lp["em"]["beta"]

    a_e = _scale(efV[0], E, g[:de])
    a_s = _scale(nfst[1], E, g[de:de + dn])
    a_d = _scale(nfst[3], E, g[de + dn:de + 2 * dn])
    mu_s = nfst[0][None, :]
    mu_d = nfst[2][None, :]
    b_e = b[None, :de]
    b_s = b[None, de:de + dn]
    b_d = b[None, de + dn:de + 2 * dn]
    b_u = u_norm

    W1 = lp["em"]["Ws"][0]
    W1e, W1s = W1[:de], W1[de:de + dn]
    W1d, W1u = W1[de + dn:de + 2 * dn], W1[de + 2 * dn:]
    b1 = lp["em"]["bs"][0][None, :]
    W2, b2 = lp["em"]["Ws"][1], lp["em"]["bs"][1][None, :]
    W3, b3 = lp["em"]["Ws"][2], lp["em"]["bs"][2][None, :]

    BE = 2000
    e_new, e_pre, st, stp = pl.pallas_call(
        functools.partial(_edge_kernel, residual, dn),
        grid=(E // BE,),
        in_specs=[
            pl.BlockSpec((BE, de), lambda i: (i, 0)),
            pl.BlockSpec((BE, 128), lambda i: (i, 0)),
            pl.BlockSpec((BE, 128), lambda i: (i, 0)),
            pl.BlockSpec((1, de), ROW), pl.BlockSpec((1, dn), ROW),
            pl.BlockSpec((1, dn), ROW), pl.BlockSpec((1, de), ROW),
            pl.BlockSpec((1, dn), ROW), pl.BlockSpec((1, dn), ROW),
            pl.BlockSpec((1, de), ROW), pl.BlockSpec((1, dn), ROW),
            pl.BlockSpec((1, dn), ROW), pl.BlockSpec((1, dg), ROW),
            pl.BlockSpec((de, 256), ROW), pl.BlockSpec((dn, 256), ROW),
            pl.BlockSpec((dn, 256), ROW), pl.BlockSpec((dg, 256), ROW),
            pl.BlockSpec((1, 256), ROW),
            pl.BlockSpec((256, 128), ROW), pl.BlockSpec((1, 128), ROW),
            pl.BlockSpec((128, 32), ROW), pl.BlockSpec((1, 32), ROW),
        ],
        out_specs=[
            pl.BlockSpec((BE, 32), lambda i: (i, 0)),
            pl.BlockSpec((BE, 128), lambda i: (i, 0)),
            pl.BlockSpec((1, 32), ROW),
            pl.BlockSpec((1, 32), ROW),
        ],
        out_shape=[
            jax.ShapeDtypeStruct((E, 32), F32),
            jax.ShapeDtypeStruct((E, 128), F32),
            jax.ShapeDtypeStruct((1, 32), F32),
            jax.ShapeDtypeStruct((1, 32), F32),
        ],
    )(ef, sfeat, dfeat, a_e, a_s, a_d, mu_ef, mu_s, mu_d, b_e, b_s, b_d, b_u,
      W1e, W1s, W1d, W1u, b1, W2, b2, W3, b3)
    return e_new, e_pre, st, stp


def _nstats_kernel(nf_ref, p0_ref, p1_ref, deg_ref, nfst_ref, agst_ref):
    inv_n = 1.0 / N
    nf = nf_ref[...]
    agg = (p0_ref[...] + p1_ref[...]) / jnp.maximum(deg_ref[...], 1.0)
    mun = jnp.sum(nf, axis=0, keepdims=True) * inv_n
    cn = nf - mun
    vn = jnp.sum(cn * cn, axis=0, keepdims=True)
    mua = jnp.sum(agg, axis=0, keepdims=True) * inv_n
    ca = agg - mua
    va = jnp.sum(ca * ca, axis=0, keepdims=True)
    nfst_ref[...] = jnp.concatenate([mun, vn], axis=0)
    agst_ref[...] = jnp.concatenate([mua, va], axis=0)


def _node_stats(nf, p0, p1, deg_dst):
    dn = nf.shape[1]
    return pl.pallas_call(
        _nstats_kernel,
        in_specs=[pl.BlockSpec((N, dn), lambda: (0, 0)),
                  pl.BlockSpec((N, 32), lambda: (0, 0)),
                  pl.BlockSpec((N, 32), lambda: (0, 0)),
                  pl.BlockSpec((N, 1), lambda: (0, 0))],
        out_specs=[pl.BlockSpec((2, dn), lambda: (0, 0)),
                   pl.BlockSpec((2, 32), lambda: (0, 0))],
        out_shape=[jax.ShapeDtypeStruct((2, dn), F32),
                   jax.ShapeDtypeStruct((2, 32), F32)],
    )(nf, p0, p1, deg_dst)


def _node_body_kernel(residual,
                      nf_ref, p0_ref, p1_ref, deg_ref,
                      an_ref, mun_ref, bn_ref, aa_ref, mua_ref, ba_ref, bu_ref,
                      w1n_ref, w1a_ref, w1u_ref, b1_ref,
                      w2_ref, b2_ref, w3_ref, b3_ref,
                      nout_ref, mn_ref):
    const = _dot(bu_ref[...], w1u_ref[...]) + b1_ref[...]
    nf = nf_ref[...]
    agg = (p0_ref[...] + p1_ref[...]) / jnp.maximum(deg_ref[...], 1.0)
    h = (_dot((nf - mun_ref[...]) * an_ref[...] + bn_ref[...], w1n_ref[...])
         + _dot((agg - mua_ref[...]) * aa_ref[...] + ba_ref[...], w1a_ref[...]))
    h = jnp.maximum(h + const, 0.0)
    h = jnp.maximum(_dot(h, w2_ref[...]) + b2_ref[...], 0.0)
    n3 = jnp.maximum(_dot(h, w3_ref[...]) + b3_ref[...], 0.0)

    @pl.when(pl.program_id(0) == 0)
    def _init():
        mn_ref[...] = jnp.zeros_like(mn_ref)

    mn_ref[...] += jnp.sum(n3, axis=0, keepdims=True) * (1.0 / N)
    if residual:
        n3 = n3 + nf
    nout_ref[...] = n3


def _glob_kernel(residual,
                 u_ref, me_ref, mn_ref,
                 g1u_ref, g1e_ref, g1n_ref, gb1_ref,
                 g2_ref, gb2_ref, g3_ref, gb3_ref, uout_ref):
    u = u_ref[...]
    hg = (_dot(u, g1u_ref[...]) + _dot(me_ref[...], g1e_ref[...])
          + _dot(mn_ref[...], g1n_ref[...]) + gb1_ref[...])
    hg = jnp.maximum(hg, 0.0)
    hg = jnp.maximum(_dot(hg, g2_ref[...]) + gb2_ref[...], 0.0)
    u3 = jnp.maximum(_dot(hg, g3_ref[...]) + gb3_ref[...], 0.0)
    if residual:
        u3 = u3 + u
    uout_ref[...] = u3


def _node_mlp(lp, nf, p0, p1, deg_dst, u, mean_e, u_norm, residual):
    dn = nf.shape[1]
    dg = u.shape[1]
    g, b = lp["nm"]["gamma"], lp["nm"]["beta"]
    W1 = lp["nm"]["Ws"][0]
    W1n, W1a, W1u = W1[:dn], W1[dn:dn + 32], W1[dn + 32:]
    G1 = lp["gm"]["Ws"][0]
    G1u, G1e, G1n = G1[:dg], G1[dg:dg + 32], G1[dg + 32:]

    nfst, agst = _node_stats(nf, p0, p1, deg_dst)
    a_n = _scale(nfst[1], N, g[:dn])
    a_a = _scale(agst[1], N, g[dn:dn + 32])
    mu_n = nfst[0][None, :]
    mu_a = agst[0][None, :]
    b_n = b[None, :dn]
    b_a = b[None, dn:dn + 32]
    b_u = u_norm

    BN = 2000
    blk = lambda w: pl.BlockSpec((BN, w), lambda i: (i, 0))
    n_new, mean_n = pl.pallas_call(
        functools.partial(_node_body_kernel, residual),
        grid=(N // BN,),
        in_specs=[
            blk(dn), blk(32), blk(32), blk(1),
            pl.BlockSpec((1, dn), ROW), pl.BlockSpec((1, dn), ROW),
            pl.BlockSpec((1, dn), ROW),
            pl.BlockSpec((1, 32), ROW), pl.BlockSpec((1, 32), ROW),
            pl.BlockSpec((1, 32), ROW), pl.BlockSpec((1, dg), ROW),
            pl.BlockSpec((dn, 256), ROW), pl.BlockSpec((32, 256), ROW),
            pl.BlockSpec((dg, 256), ROW), pl.BlockSpec((1, 256), ROW),
            pl.BlockSpec((256, 128), ROW), pl.BlockSpec((1, 128), ROW),
            pl.BlockSpec((128, 32), ROW), pl.BlockSpec((1, 32), ROW),
        ],
        out_specs=[
            pl.BlockSpec((BN, 32), lambda i: (i, 0)),
            pl.BlockSpec((1, 32), ROW),
        ],
        out_shape=[
            jax.ShapeDtypeStruct((N, 32), F32),
            jax.ShapeDtypeStruct((1, 32), F32),
        ],
    )(nf, p0, p1, deg_dst,
      a_n, mu_n, b_n, a_a, mu_a, b_a, b_u,
      W1n, W1a, W1u, lp["nm"]["bs"][0][None, :],
      lp["nm"]["Ws"][1], lp["nm"]["bs"][1][None, :],
      lp["nm"]["Ws"][2], lp["nm"]["bs"][2][None, :])

    full = lambda a: pl.BlockSpec(a.shape, lambda: tuple(0 for _ in a.shape))
    gargs = (u, mean_e, mean_n,
             G1u, G1e, G1n, lp["gm"]["bs"][0][None, :],
             lp["gm"]["Ws"][1], lp["gm"]["bs"][1][None, :],
             lp["gm"]["Ws"][2], lp["gm"]["bs"][2][None, :])
    u_new = pl.pallas_call(
        functools.partial(_glob_kernel, residual),
        in_specs=[full(a) for a in gargs],
        out_specs=pl.BlockSpec((1, 32), lambda: (0, 0)),
        out_shape=jax.ShapeDtypeStruct((1, 32), F32),
    )(*gargs)
    return n_new, u_new


def _reg_kernel(nf_ref, w1_ref, b1_ref, w2_ref, b2_ref, w3_ref, b3_ref,
                out_ref):
    h = jnp.maximum(_dot(nf_ref[...], w1_ref[...]) + b1_ref[...], 0.0)
    h = jnp.maximum(_dot(h, w2_ref[...]) + b2_ref[...], 0.0)
    p = _dot(h, w3_ref[...]) + b3_ref[...]
    out_ref[...] = jnp.clip(p, 0.0, 1.0)


def _reg_mlp(rp, nf):
    BN = 2000
    args = (nf, rp["Ws"][0], rp["bs"][0][None, :],
            rp["Ws"][1], rp["bs"][1][None, :],
            rp["Ws"][2], rp["bs"][2][None, :])
    return pl.pallas_call(
        _reg_kernel,
        grid=(N // BN,),
        in_specs=[
            pl.BlockSpec((BN, 32), lambda i: (i, 0)),
            pl.BlockSpec((32, 256), ROW), pl.BlockSpec((1, 256), ROW),
            pl.BlockSpec((256, 128), ROW), pl.BlockSpec((1, 128), ROW),
            pl.BlockSpec((128, 1), ROW), pl.BlockSpec((1, 1), ROW),
        ],
        out_specs=pl.BlockSpec((BN, 1), lambda i: (i, 0)),
        out_shape=jax.ShapeDtypeStruct((N, 1), F32),
    )(*args)



_CH = 128
_NCH = E // _CH
_NW = 32
_PER_W = -(-_NCH // _NW)
_MESH = dict(core_axis_name="c", subcore_axis_name="s")


def _sc_gather(nf, src, dst):
    if nf.shape[1] < 128:
        nf = jnp.pad(nf, ((0, 0), (0, 128 - nf.shape[1])))
    dn = nf.shape[1]

    @functools.partial(
        pl.kernel,
        out_type=[jax.ShapeDtypeStruct((E, dn), F32),
                  jax.ShapeDtypeStruct((E, dn), F32)],
        mesh=plsc.VectorSubcoreMesh(**_MESH),
        scratch_types=[
            pltpu.VMEM((_CH,), jnp.int32),
            pltpu.VMEM((_CH,), jnp.int32),
            pltpu.VMEM((_CH, dn), F32),
            pltpu.VMEM((_CH, dn), F32),
            pltpu.SemaphoreType.DMA,
            pltpu.SemaphoreType.DMA,
        ],
    )
    def k(nf_hbm, src_hbm, dst_hbm, os_hbm, od_hbm,
          si_v, di_v, sr_v, dr_v, s_sem, d_sem):
        wid = lax.axis_index("s") * 2 + lax.axis_index("c")

        def body(j, carry):
            c = wid + _NW * j

            @pl.when(c < _NCH)
            def _():
                base = c * _CH
                pltpu.sync_copy(src_hbm.at[pl.ds(base, _CH)], si_v)
                pltpu.sync_copy(dst_hbm.at[pl.ds(base, _CH)], di_v)
                cs = pltpu.async_copy(nf_hbm.at[si_v], sr_v, s_sem)
                cd = pltpu.async_copy(nf_hbm.at[di_v], dr_v, d_sem)
                cs.wait()
                cd.wait()
                pltpu.sync_copy(sr_v, os_hbm.at[pl.ds(base, _CH)])
                pltpu.sync_copy(dr_v, od_hbm.at[pl.ds(base, _CH)])
            return carry

        lax.fori_loop(0, _PER_W, body, 0)

    return k(nf, src, dst)


def _sc_scatter(vals, idx, width):
    zeros = jnp.zeros((N, width), F32)

    @functools.partial(
        pl.kernel,
        out_type=jax.ShapeDtypeStruct((2, N, width), F32),
        mesh=plsc.VectorSubcoreMesh(**_MESH),
        scratch_types=[
            pltpu.VMEM((_CH,), jnp.int32),
            pltpu.VMEM((_CH, width), F32),
            pltpu.VMEM_SHARED((N, width), F32),
        ],
    )
    def k(vals_hbm, idx_hbm, z_hbm, out_hbm, i_v, r_v, shared):
        cid = lax.axis_index("c")
        sid = lax.axis_index("s")
        wid = sid * 2 + cid

        @pl.when(sid == 0)
        def _init():
            pltpu.sync_copy(z_hbm, shared)

        plsc.subcore_barrier()

        def body(j, carry):
            c = wid + _NW * j

            @pl.when(c < _NCH)
            def _():
                base = c * _CH
                pltpu.sync_copy(idx_hbm.at[pl.ds(base, _CH)], i_v)
                pltpu.sync_copy(vals_hbm.at[pl.ds(base, _CH)], r_v)
                pltpu.sync_copy(r_v, shared.at[i_v], add=True)
            return carry

        lax.fori_loop(0, _PER_W, body, 0)
        plsc.subcore_barrier()

        @pl.when(sid == 0)
        def _out():
            pltpu.sync_copy(shared, out_hbm.at[cid])

    return k(vals, idx, zeros)


def _gather(nf, src, dst):
    return _sc_gather(nf, src, dst)


def _scatter(e_val, dst):
    p = _sc_scatter(e_val, dst, 128)
    return p[0, :, :32], p[1, :, :32]


def _degrees(src, dst):
    ones = jnp.ones((E, 128), F32)
    ps = _sc_scatter(ones, src, 128)
    pd = _sc_scatter(ones, dst, 128)
    return (ps[0, :, 0] + ps[1, :, 0]), (pd[0, :, 0] + pd[1, :, 0])



def kernel(nf, ef, u, edge_index, params):
    src, dst = edge_index[0], edge_index[1]
    deg_src, deg_dst = _degrees(src, dst)
    dsrc_c = deg_src[:, None]
    ddst_c = deg_dst[:, None]

    efS1 = _colsum(ef)
    mu_ef = efS1 * (1.0 / E)
    efV = _colvarsum(ef, mu_ef)
    nfst4 = _wstats(nf, dsrc_c, ddst_c)

    n_layers = len(params["layers"])
    for i, lp in enumerate(params["layers"]):
        residual = i >= 1
        dn = nf.shape[1]
        dg = u.shape[1]
        de = ef.shape[1]

        def u_norm_row(n_rows, gg, bb):
            bc = jnp.broadcast_to(u, (n_rows, dg))
            mu_u = jnp.mean(bc, axis=0)
            var_u = jnp.var(bc, axis=0)
            return ((u[0] - mu_u) / jnp.sqrt(var_u + EPS) * gg + bb)[None, :]

        un_e = u_norm_row(E, lp["em"]["gamma"][de + 2 * dn:],
                          lp["em"]["beta"][de + 2 * dn:])
        un_n = u_norm_row(N, lp["nm"]["gamma"][dn + 32:],
                          lp["nm"]["beta"][dn + 32:])

        sfeat, dfeat = _gather(nf, src, dst)
        e_new, e_pre, esum, epsum = _edge_mlp(
            lp, ef, sfeat, dfeat, mu_ef, efV, nfst4, un_e, residual)
        p0, p1 = _scatter(e_pre, dst)
        mean_e = epsum * (1.0 / E)
        n_new, u_new = _node_mlp(lp, nf, p0, p1, ddst_c, u, mean_e, un_n,
                                 residual)
        if i + 1 < n_layers:
            mu_ef = esum * (1.0 / E)
            efV = _colvarsum(e_new, mu_ef)
            nfst4 = _wstats(n_new, dsrc_c, ddst_c)
        nf, ef, u = n_new, e_new, u_new

    return _reg_mlp(params["reg"], nf)

# --- scband reference (transcript-rebuilt; emitter-appended) ---
"""Pipeline reference for scband-pgnn-49563922596334 (READ-ONLY COPY).

The authoritative reference and input builder live on the scoring server;
editing this copy changes nothing except your own understanding.
"""

import jax, jax.numpy as jnp
import numpy as np

N = 10000
E = 160000
D_NODE = 128
D_EDGE = 16
D_GLOB = 16
H = 32
HIDDEN = [256, 128]
N_LAYERS = 4  # n_pgn_layers=3 -> 3+1 GN blocks


def _make_mlp(key, din, dout, norm):
    dims = [din] + HIDDEN + [dout]
    n = len(dims) - 1
    ks = jax.random.split(key, n)
    Ws = [jax.random.normal(ks[i], (dims[i], dims[i + 1]), dtype=jnp.float32) / np.sqrt(dims[i]) for i in range(n)]
    bs = [jnp.zeros((dims[i + 1],), jnp.float32) for i in range(n)]
    p = {"Ws": Ws, "bs": bs}
    if norm:
        p["gamma"] = jnp.ones((din,), jnp.float32)
        p["beta"] = jnp.zeros((din,), jnp.float32)
    return p


def _mlp(p, x, norm, out_act):
    if norm:
        mu = jnp.mean(x, axis=0, keepdims=True)
        var = jnp.var(x, axis=0, keepdims=True)
        x = (x - mu) / jnp.sqrt(var + 1e-5) * p["gamma"] + p["beta"]
    n = len(p["Ws"])
    for i in range(n):
        x = x @ p["Ws"][i] + p["bs"][i]
        if i < n - 1 or out_act:
            x = jax.nn.relu(x)
    return x


def _make_params(key):
    layers = []
    k = key
    edge_ins = [D_EDGE, H, H, H]
    node_ins = [D_NODE, H, H, H]
    glob_ins = [D_GLOB, H, H, H]
    for i in range(N_LAYERS):
        k, k1, k2, k3 = jax.random.split(k, 4)
        ei, ni, gi = edge_ins[i], node_ins[i], glob_ins[i]
        layers.append({
            "em": _make_mlp(k1, ei + 2 * ni + gi, H, True),
            "nm": _make_mlp(k2, ni + H + gi, H, True),
            "gm": _make_mlp(k3, gi + H + H, H, False),
        })
    k, kr = jax.random.split(k)
    reg = _make_mlp(kr, H, 1, False)
    return {"layers": layers, "reg": reg}


def setup_inputs(seed: int = 0):
    key = jax.random.key(seed)
    k1, k2, k3, k4, k5 = jax.random.split(key, 5)
    nf = jax.random.normal(k1, (N, D_NODE), dtype=jnp.float32)
    ef = jax.random.normal(k2, (E, D_EDGE), dtype=jnp.float32)
    u = jax.random.normal(k3, (1, D_GLOB), dtype=jnp.float32)
    edge_index = jax.random.randint(k4, (2, E), 0, N, dtype=jnp.int32)
    params = _make_params(k5)
    return {"nf": nf, "ef": ef, "u": u, "edge_index": edge_index, "params": params}


def _forward(nf, ef, u, params, edge_index):
    src = edge_index[0]
    dst = edge_index[1]
    n_nodes = nf.shape[0]
    n_edges = ef.shape[0]
    for i, lp in enumerate(params["layers"]):
        u_e = jnp.broadcast_to(u, (n_edges, u.shape[1]))
        u_n = jnp.broadcast_to(u, (n_nodes, u.shape[1]))
        e_in = jnp.concatenate([ef, nf[src], nf[dst], u_e], axis=1)
        e_new = _mlp(lp["em"], e_in, True, True)
        deg = jax.ops.segment_sum(jnp.ones((n_edges,), jnp.float32), dst, num_segments=n_nodes)
        agg = jax.ops.segment_sum(e_new, dst, num_segments=n_nodes) / jnp.maximum(deg, 1.0)[:, None]
        n_in = jnp.concatenate([nf, agg, u_n], axis=1)
        n_new = _mlp(lp["nm"], n_in, True, True)
        g_in = jnp.concatenate([u, jnp.mean(e_new, axis=0, keepdims=True), jnp.mean(n_new, axis=0, keepdims=True)], axis=1)
        u_new = _mlp(lp["gm"], g_in, False, True)
        if i >= 1:
            e_new = e_new + ef
            n_new = n_new + nf
            u_new = u_new + u
        nf, ef, u = n_new, e_new, u_new
    pred = _mlp(params["reg"], nf, False, False)
    return jnp.clip(pred, 0.0, 1.0)


def reference(nf, ef, u, edge_index, params):
    return _forward(nf, ef, u, params, edge_index)

if __name__ == "__main__":
    import jax
    _d = setup_inputs()
    print(jax.jit(kernel)(*tuple(_d.values())))

</pallas_src>

<mosaic_0001>
#map = affine_map<(d0, d1) -> (0, 0)>
#map1 = affine_map<(d0, d1) -> (0)>
#map2 = affine_map<(d0, d1) -> (0, 0, 0)>
module attributes {stable_mosaic.version = 14 : i64} {
  func.func @k(%arg0: i32, %arg1: i32, %arg2: memref<160000x128xf32, #tpu.memory_space<hbm>>, %arg3: memref<160000xi32, #tpu.memory_space<hbm>>, %arg4: memref<10000x128xf32, #tpu.memory_space<hbm>>, %arg5: memref<2x10000x128xf32, #tpu.memory_space<hbm>>, %arg6: memref<128xi32, #tpu.memory_space<vmem>>, %arg7: memref<128x128xf32, #tpu.memory_space<vmem>>, %arg8: memref<10000x128xf32, #tpu.memory_space<vmem_shared>>) attributes {dimension_semantics = [#tpu.dimension_semantics<core_parallel>, #tpu.dimension_semantics<subcore_parallel>], iteration_bounds = array<i64: 2, 16>, scalar_prefetch = 0 : i64, scratch_operands = 3 : i64, tpu.core_type = #tpu.core_type<sc_vector_subcore>, window_params = [{transform_indices = #map}, {transform_indices = #map1}, {transform_indices = #map}, {transform_indices = #map2}]} {
    %mul3A = arith.constant 2 : i32
    %mul3A_0 = arith.muli %arg1, %mul3A : i32
    %add3A = arith.addi %mul3A_0, %arg0 : i32
    %eq3A = arith.constant 0 : i32
    %eq3A_1 = arith.cmpi eq, %arg1, %eq3A : i32
    %convert_element_type3A = arith.extui %eq3A_1 : i1 to i32
    %cond3A = arith.constant 0 : i32
    %cond3A_2 = arith.cmpi ne, %convert_element_type3A, %cond3A : i32
    scf.if %cond3A_2 {
      "tpu.region"() ({
        %run_scoped3A = tpu.sem_alloc : memref<!tpu.dma_semaphore, #tpu.memory_space<semaphore_mem>>
        tpu.enqueue_dma source(%arg4 : memref<10000x128xf32, #tpu.memory_space<hbm>>) target(%arg8 : memref<10000x128xf32, #tpu.memory_space<vmem_shared>>) target_semaphore(%run_scoped3A : memref<!tpu.dma_semaphore, #tpu.memory_space<semaphore_mem>>)
        tpu.wait_dma2 semaphore(%run_scoped3A : memref<!tpu.dma_semaphore, #tpu.memory_space<semaphore_mem>>) src(%arg4 : memref<10000x128xf32, #tpu.memory_space<hbm>>) dst(%arg8 : memref<10000x128xf32, #tpu.memory_space<vmem_shared>>)
        tpu.yield
      }) : () -> ()
    } else {
    }
    %barrier3A = arith.constant 0 : index
    tpu.barrier barrier_id(%barrier3A)
    %scan3A = arith.constant 0 : i32
    %scan3A_3 = arith.constant 0 : i32
    %scan3A_4 = arith.constant 40 : i32
    %scan3A_5 = arith.addi %scan3A_3, %scan3A_4 : i32
    %scan3A_6 = arith.constant 1 : i32
    scf.for %scan3A_14 = %scan3A_3 to %scan3A_5 step %scan3A_6  : i32 {
      %mul3A_15 = arith.constant 32 : i32
      %mul3A_16 = arith.muli %mul3A_15, %scan3A_14 : i32
      %add3A_17 = arith.addi %add3A, %mul3A_16 : i32
      %lt3A = arith.constant 1250 : i32
      %lt3A_18 = arith.cmpi slt, %add3A_17, %lt3A : i32
      %convert_element_type3A_19 = arith.extui %lt3A_18 : i1 to i32
      %cond3A_20 = arith.constant 0 : i32
      %cond3A_21 = arith.cmpi ne, %convert_element_type3A_19, %cond3A_20 : i32
      scf.if %cond3A_21 {
        %mul3A_22 = arith.constant 128 : i32
        %mul3A_23 = arith.muli %add3A_17, %mul3A_22 : i32
        "tpu.region"() ({
          %run_scoped3A = tpu.sem_alloc : memref<!tpu.dma_semaphore, #tpu.memory_space<semaphore_mem>>
          %dma_start3A = tpu.memref_slice %arg3[%mul3A_23] : memref<160000xi32, #tpu.memory_space<hbm>> -> memref<128xi32, #tpu.memory_space<hbm>>
          %dma_start3A_24 = tpu.memref_slice %arg3[%mul3A_23] : memref<160000xi32, #tpu.memory_space<hbm>> -> memref<128xi32, #tpu.memory_space<hbm>>
          tpu.enqueue_dma source(%dma_start3A_24 : memref<128xi32, #tpu.memory_space<hbm>>) target(%arg6 : memref<128xi32, #tpu.memory_space<vmem>>) target_semaphore(%run_scoped3A : memref<!tpu.dma_semaphore, #tpu.memory_space<semaphore_mem>>)
          %dma_wait3A = tpu.memref_slice %arg3[%mul3A_23] : memref<160000xi32, #tpu.memory_space<hbm>> -> memref<128xi32, #tpu.memory_space<hbm>>
          %dma_wait3A_25 = tpu.memref_slice %arg3[%mul3A_23] : memref<160000xi32, #tpu.memory_space<hbm>> -> memref<128xi32, #tpu.memory_space<hbm>>
          tpu.wait_dma2 semaphore(%run_scoped3A : memref<!tpu.dma_semaphore, #tpu.memory_space<semaphore_mem>>) src(%dma_wait3A_25 : memref<128xi32, #tpu.memory_space<hbm>>) dst(%arg6 : memref<128xi32, #tpu.memory_space<vmem>>)
          tpu.yield
        }) : () -> ()
        "tpu.region"() ({
          %run_scoped3A = tpu.sem_alloc : memref<!tpu.dma_semaphore, #tpu.memory_space<semaphore_mem>>
          %dma_start3A = arith.constant 0 : i32
          %dma_start3A_24 = tpu.memref_slice %arg2[%mul3A_23, %dma_start3A] : memref<160000x128xf32, #tpu.memory_space<hbm>> -> memref<128x128xf32, #tpu.memory_space<hbm>>
          %dma_start3A_25 = arith.constant 0 : i32
          %dma_start3A_26 = tpu.memref_slice %arg2[%mul3A_23, %dma_start3A_25] : memref<160000x128xf32, #tpu.memory_space<hbm>> -> memref<128x128xf32, #tpu.memory_space<hbm>>
          tpu.enqueue_dma source(%dma_start3A_26 : memref<128x128xf32, #tpu.memory_space<hbm>>) target(%arg7 : memref<128x128xf32, #tpu.memory_space<vmem>>) target_semaphore(%run_scoped3A : memref<!tpu.dma_semaphore, #tpu.memory_space<semaphore_mem>>)
          %dma_wait3A = arith.constant 0 : i32
          %dma_wait3A_27 = tpu.memref_slice %arg2[%mul3A_23, %dma_wait3A] : memref<160000x128xf32, #tpu.memory_space<hbm>> -> memref<128x128xf32, #tpu.memory_space<hbm>>
          %dma_wait3A_28 = arith.constant 0 : i32
          %dma_wait3A_29 = tpu.memref_slice %arg2[%mul3A_23, %dma_wait3A_28] : memref<160000x128xf32, #tpu.memory_space<hbm>> -> memref<128x128xf32, #tpu.memory_space<hbm>>
          tpu.wait_dma2 semaphore(%run_scoped3A : memref<!tpu.dma_semaphore, #tpu.memory_space<semaphore_mem>>) src(%dma_wait3A_29 : memref<128x128xf32, #tpu.memory_space<hbm>>) dst(%arg7 : memref<128x128xf32, #tpu.memory_space<vmem>>)
          tpu.yield
        }) : () -> ()
        "tpu.region"() ({
          %run_scoped3A = tpu.sem_alloc : memref<!tpu.dma_semaphore, #tpu.memory_space<semaphore_mem>>
          %dma_start3A = arith.constant 0 : i32
          %dma_start3A_24 = arith.constant 0 : i32
          %dma_start3A_25 = tpu.memref_slice %arg8[%dma_start3A, %dma_start3A_24] : memref<10000x128xf32, #tpu.memory_space<vmem_shared>> -> memref<10000x128xf32, #tpu.memory_space<vmem_shared>>
          tpu.enqueue_indirect_dma source(%arg7 : memref<128x128xf32, #tpu.memory_space<vmem>>) target(%dma_start3A_25 : memref<10000x128xf32, #tpu.memory_space<vmem_shared>>) offsets(%arg6 : memref<128xi32, #tpu.memory_space<vmem>>) semaphore(%run_scoped3A : memref<!tpu.dma_semaphore, #tpu.memory_space<semaphore_mem>>) {add = true}
          %dma_wait3A = arith.constant 0 : i32
          %dma_wait3A_26 = arith.constant 0 : i32
          %dma_wait3A_27 = tpu.memref_slice %arg8[%dma_wait3A, %dma_wait3A_26] : memref<10000x128xf32, #tpu.memory_space<vmem_shared>> -> memref<10000x128xf32, #tpu.memory_space<vmem_shared>>
          tpu.wait_indirect_dma semaphore(%run_scoped3A : memref<!tpu.dma_semaphore, #tpu.memory_space<semaphore_mem>>) src(%arg7 : memref<128x128xf32, #tpu.memory_space<vmem>>) dst(%dma_wait3A_27 : memref<10000x128xf32, #tpu.memory_space<vmem_shared>>)
          tpu.yield
        }) : () -> ()
      } else {
      }
    }
    %scan3A_7 = arith.constant 40 : i32
    %barrier3A_8 = arith.constant 0 : index
    tpu.barrier barrier_id(%barrier3A_8)
    %eq3A_9 = arith.constant 0 : i32
    %eq3A_10 = arith.cmpi eq, %arg1, %eq3A_9 : i32
    %convert_element_type3A_11 = arith.extui %eq3A_10 : i1 to i32
    %cond3A_12 = arith.constant 0 : i32
    %cond3A_13 = arith.cmpi ne, %convert_element_type3A_11, %cond3A_12 : i32
    scf.if %cond3A_13 {
      "tpu.region"() ({
        %run_scoped3A = tpu.sem_alloc : memref<!tpu.dma_semaphore, #tpu.memory_space<semaphore_mem>>
        %dma_start3A = arith.constant 0 : i32
        %dma_start3A_14 = arith.constant 0 : i32
        %dma_start3A_15 = tpu.memref_slice %arg5[%arg0, %dma_start3A, %dma_start3A_14] : memref<2x10000x128xf32, #tpu.memory_space<hbm>> -> memref<1x10000x128xf32, #tpu.memory_space<hbm>>
        %dma_start3A_16 = tpu.memref_squeeze %dma_start3A_15 : memref<1x10000x128xf32, #tpu.memory_space<hbm>> -> memref<10000x128xf32, #tpu.memory_space<hbm>>
        tpu.enqueue_dma source(%arg8 : memref<10000x128xf32, #tpu.memory_space<vmem_shared>>) target(%dma_start3A_16 : memref<10000x128xf32, #tpu.memory_space<hbm>>) target_semaphore(%run_scoped3A : memref<!tpu.dma_semaphore, #tpu.memory_space<semaphore_mem>>)
        %dma_wait3A = arith.constant 0 : i32
        %dma_wait3A_17 = arith.constant 0 : i32
        %dma_wait3A_18 = tpu.memref_slice %arg5[%arg0, %dma_wait3A, %dma_wait3A_17] : memref<2x10000x128xf32, #tpu.memory_space<hbm>> -> memref<1x10000x128xf32, #tpu.memory_space<hbm>>
        %dma_wait3A_19 = tpu.memref_squeeze %dma_wait3A_18 : memref<1x10000x128xf32, #tpu.memory_space<hbm>> -> memref<10000x128xf32, #tpu.memory_space<hbm>>
        tpu.wait_dma2 semaphore(%run_scoped3A : memref<!tpu.dma_semaphore, #tpu.memory_space<semaphore_mem>>) src(%arg8 : memref<10000x128xf32, #tpu.memory_space<vmem_shared>>) dst(%dma_wait3A_19 : memref<10000x128xf32, #tpu.memory_space<hbm>>)
        tpu.yield
      }) : () -> ()
    } else {
    }
    return
  }
}

#map = affine_map<(d0, d1) -> (0, 0)>
#map1 = affine_map<(d0, d1) -> (0)>
module attributes {stable_mosaic.version = 14 : i64} {
  func.func @k(%arg0: i32, %arg1: i32, %arg2: memref<10000x128xf32, #tpu.memory_space<hbm>>, %arg3: memref<160000xi32, #tpu.memory_space<hbm>>, %arg4: memref<160000xi32, #tpu.memory_space<hbm>>, %arg5: memref<160000x128xf32, #tpu.memory_space<hbm>>, %arg6: memref<160000x128xf32, #tpu.memory_space<hbm>>, %arg7: memref<128xi32, #tpu.memory_space<vmem>>, %arg8: memref<128xi32, #tpu.memory_space<vmem>>, %arg9: memref<128x128xf32, #tpu.memory_space<vmem>>, %arg10: memref<128x128xf32, #tpu.memory_space<vmem>>, %arg11: memref<!tpu.dma_semaphore, #tpu.memory_space<semaphore_mem>>, %arg12: memref<!tpu.dma_semaphore, #tpu.memory_space<semaphore_mem>>) attributes {dimension_semantics = [#tpu.dimension_semantics<core_parallel>, #tpu.dimension_semantics<subcore_parallel>], iteration_bounds = array<i64: 2, 16>, scalar_prefetch = 0 : i64, scratch_operands = 6 : i64, tpu.core_type = #tpu.core_type<sc_vector_subcore>, window_params = [{transform_indices = #map}, {transform_indices = #map1}, {transform_indices = #map1}, {transform_indices = #map}, {transform_indices = #map}]} {
    %mul3A = arith.constant 2 : i32
    %mul3A_0 = arith.muli %arg1, %mul3A : i32
    %add3A = arith.addi %mul3A_0, %arg0 : i32
    %scan3A = arith.constant 0 : i32
    %scan3A_1 = arith.constant 0 : i32
    %scan3A_2 = arith.constant 40 : i32
    %scan3A_3 = arith.addi %scan3A_1, %scan3A_2 : i32
    %scan3A_4 = arith.constant 1 : i32
    scf.for %scan3A_6 = %scan3A_1 to %scan3A_3 step %scan3A_4  : i32 {
      %mul3A_7 = arith.constant 32 : i32
      %mul3A_8 = arith.muli %mul3A_7, %scan3A_6 : i32
      %add3A_9 = arith.addi %add3A, %mul3A_8 : i32
      %lt3A = arith.constant 1250 : i32
      %lt3A_10 = arith.cmpi slt, %add3A_9, %lt3A : i32
      %convert_element_type3A = arith.extui %lt3A_10 : i1 to i32
      %cond3A = arith.constant 0 : i32
      %cond3A_11 = arith.cmpi ne, %convert_element_type3A, %cond3A : i32
      scf.if %cond3A_11 {
        %mul3A_12 = arith.constant 128 : i32
        %mul3A_13 = arith.muli %add3A_9, %mul3A_12 : i32
        "tpu.region"() ({
          %run_scoped3A = tpu.sem_alloc : memref<!tpu.dma_semaphore, #tpu.memory_space<semaphore_mem>>
          %dma_start3A_24 = tpu.memref_slice %arg3[%mul3A_13] : memref<160000xi32, #tpu.memory_space<hbm>> -> memref<128xi32, #tpu.memory_space<hbm>>
          %dma_start3A_25 = tpu.memref_slice %arg3[%mul3A_13] : memref<160000xi32, #tpu.memory_space<hbm>> -> memref<128xi32, #tpu.memory_space<hbm>>
          tpu.enqueue_dma source(%dma_start3A_25 : memref<128xi32, #tpu.memory_space<hbm>>) target(%arg7 : memref<128xi32, #tpu.memory_space<vmem>>) target_semaphore(%run_scoped3A : memref<!tpu.dma_semaphore, #tpu.memory_space<semaphore_mem>>)
          %dma_wait3A_26 = tpu.memref_slice %arg3[%mul3A_13] : memref<160000xi32, #tpu.memory_space<hbm>> -> memref<128xi32, #tpu.memory_space<hbm>>
          %dma_wait3A_27 = tpu.memref_slice %arg3[%mul3A_13] : memref<160000xi32, #tpu.memory_space<hbm>> -> memref<128xi32, #tpu.memory_space<hbm>>
          tpu.wait_dma2 semaphore(%run_scoped3A : memref<!tpu.dma_semaphore, #tpu.memory_space<semaphore_mem>>) src(%dma_wait3A_27 : memref<128xi32, #tpu.memory_space<hbm>>) dst(%arg7 : memref<128xi32, #tpu.memory_space<vmem>>)
          tpu.yield
        }) : () -> ()
        "tpu.region"() ({
          %run_scoped3A = tpu.sem_alloc : memref<!tpu.dma_semaphore, #tpu.memory_space<semaphore_mem>>
          %dma_start3A_24 = tpu.memref_slice %arg4[%mul3A_13] : memref<160000xi32, #tpu.memory_space<hbm>> -> memref<128xi32, #tpu.memory_space<hbm>>
          %dma_start3A_25 = tpu.memref_slice %arg4[%mul3A_13] : memref<160000xi32, #tpu.memory_space<hbm>> -> memref<128xi32, #tpu.memory_space<hbm>>
          tpu.enqueue_dma source(%dma_start3A_25 : memref<128xi32, #tpu.memory_space<hbm>>) target(%arg8 : memref<128xi32, #tpu.memory_space<vmem>>) target_semaphore(%run_scoped3A : memref<!tpu.dma_semaphore, #tpu.memory_space<semaphore_mem>>)
          %dma_wait3A_26 = tpu.memref_slice %arg4[%mul3A_13] : memref<160000xi32, #tpu.memory_space<hbm>> -> memref<128xi32, #tpu.memory_space<hbm>>
          %dma_wait3A_27 = tpu.memref_slice %arg4[%mul3A_13] : memref<160000xi32, #tpu.memory_space<hbm>> -> memref<128xi32, #tpu.memory_space<hbm>>
          tpu.wait_dma2 semaphore(%run_scoped3A : memref<!tpu.dma_semaphore, #tpu.memory_space<semaphore_mem>>) src(%dma_wait3A_27 : memref<128xi32, #tpu.memory_space<hbm>>) dst(%arg8 : memref<128xi32, #tpu.memory_space<vmem>>)
          tpu.yield
        }) : () -> ()
        %dma_start3A = arith.constant 0 : i32
        %dma_start3A_14 = arith.constant 0 : i32
        %dma_start3A_15 = tpu.memref_slice %arg2[%dma_start3A, %dma_start3A_14] : memref<10000x128xf32, #tpu.memory_space<hbm>> -> memref<10000x128xf32, #tpu.memory_space<hbm>>
        tpu.enqueue_indirect_dma source(%dma_start3A_15 : memref<10000x128xf32, #tpu.memory_space<hbm>>) target(%arg9 : memref<128x128xf32, #tpu.memory_space<vmem>>) offsets(%arg7 : memref<128xi32, #tpu.memory_space<vmem>>) semaphore(%arg11 : memref<!tpu.dma_semaphore, #tpu.memory_space<semaphore_mem>>)
        %dma_start3A_16 = arith.constant 0 : i32
        %dma_start3A_17 = arith.constant 0 : i32
        %dma_start3A_18 = tpu.memref_slice %arg2[%dma_start3A_16, %dma_start3A_17] : memref<10000x128xf32, #tpu.memory_space<hbm>> -> memref<10000x128xf32, #tpu.memory_space<hbm>>
        tpu.enqueue_indirect_dma source(%dma_start3A_18 : memref<10000x128xf32, #tpu.memory_space<hbm>>) target(%arg10 : memref<128x128xf32, #tpu.memory_space<vmem>>) offsets(%arg8 : memref<128xi32, #tpu.memory_space<vmem>>) semaphore(%arg12 : memref<!tpu.dma_semaphore, #tpu.memory_space<semaphore_mem>>)
        %dma_wait3A = arith.constant 0 : i32
        %dma_wait3A_19 = arith.constant 0 : i32
        %dma_wait3A_20 = tpu.memref_slice %arg2[%dma_wait3A, %dma_wait3A_19] : memref<10000x128xf32, #tpu.memory_space<hbm>> -> memref<10000x128xf32, #tpu.memory_space<hbm>>
        tpu.wait_indirect_dma semaphore(%arg11 : memref<!tpu.dma_semaphore, #tpu.memory_space<semaphore_mem>>) src(%dma_wait3A_20 : memref<10000x128xf32, #tpu.memory_space<hbm>>) dst(%arg9 : memref<128x128xf32, #tpu.memory_space<vmem>>)
        %dma_wait3A_21 = arith.constant 0 : i32
        %dma_wait3A_22 = arith.constant 0 : i32
        %dma_wait3A_23 = tpu.memref_slice %arg2[%dma_wait3A_21, %dma_wait3A_22] : memref<10000x128xf32, #tpu.memory_space<hbm>> -> memref<10000x128xf32, #tpu.memory_space<hbm>>
        tpu.wait_indirect_dma semaphore(%arg12 : memref<!tpu.dma_semaphore, #tpu.memory_space<semaphore_mem>>) src(%dma_wait3A_23 : memref<10000x128xf32, #tpu.memory_space<hbm>>) dst(%arg10 : memref<128x128xf32, #tpu.memory_space<vmem>>)
        "tpu.region"() ({
          %run_scoped3A = tpu.sem_alloc : memref<!tpu.dma_semaphore, #tpu.memory_space<semaphore_mem>>
          %dma_start3A_24 = arith.constant 0 : i32
          %dma_start3A_25 = tpu.memref_slice %arg5[%mul3A_13, %dma_start3A_24] : memref<160000x128xf32, #tpu.memory_space<hbm>> -> memref<128x128xf32, #tpu.memory_space<hbm>>
          %dma_start3A_26 = arith.constant 0 : i32
          %dma_start3A_27 = tpu.memref_slice %arg5[%mul3A_13, %dma_start3A_26] : memref<160000x128xf32, #tpu.memory_space<hbm>> -> memref<128x128xf32, #tpu.memory_space<hbm>>
          tpu.enqueue_dma source(%arg9 : memref<128x128xf32, #tpu.memory_space<vmem>>) target(%dma_start3A_27 : memref<128x128xf32, #tpu.memory_space<hbm>>) target_semaphore(%run_scoped3A : memref<!tpu.dma_semaphore, #tpu.memory_space<semaphore_mem>>)
          %dma_wait3A_28 = arith.constant 0 : i32
          %dma_wait3A_29 = tpu.memref_slice %arg5[%mul3A_13, %dma_wait3A_28] : memref<160000x128xf32, #tpu.memory_space<hbm>> -> memref<128x128xf32, #tpu.memory_space<hbm>>
          %dma_wait3A_30 = arith.constant 0 : i32
          %dma_wait3A_31 = tpu.memref_slice %arg5[%mul3A_13, %dma_wait3A_30] : memref<160000x128xf32, #tpu.memory_space<hbm>> -> memref<128x128xf32, #tpu.memory_space<hbm>>
          tpu.wait_dma2 semaphore(%run_scoped3A : memref<!tpu.dma_semaphore, #tpu.memory_space<semaphore_mem>>) src(%arg9 : memref<128x128xf32, #tpu.memory_space<vmem>>) dst(%dma_wait3A_31 : memref<128x128xf32, #tpu.memory_space<hbm>>)
          tpu.yield
        }) : () -> ()
        "tpu.region"() ({
          %run_scoped3A = tpu.sem_alloc : memref<!tpu.dma_semaphore, #tpu.memory_space<semaphore_mem>>
          %dma_start3A_24 = arith.constant 0 : i32
          %dma_start3A_25 = tpu.memref_slice %arg6[%mul3A_13, %dma_start3A_24] : memref<160000x128xf32, #tpu.memory_space<hbm>> -> memref<128x128xf32, #tpu.memory_space<hbm>>
          %dma_start3A_26 = arith.constant 0 : i32
          %dma_start3A_27 = tpu.memref_slice %arg6[%mul3A_13, %dma_start3A_26] : memref<160000x128xf32, #tpu.memory_space<hbm>> -> memref<128x128xf32, #tpu.memory_space<hbm>>
          tpu.enqueue_dma source(%arg10 : memref<128x128xf32, #tpu.memory_space<vmem>>) target(%dma_start3A_27 : memref<128x128xf32, #tpu.memory_space<hbm>>) target_semaphore(%run_scoped3A : memref<!tpu.dma_semaphore, #tpu.memory_space<semaphore_mem>>)
          %dma_wait3A_28 = arith.constant 0 : i32
          %dma_wait3A_29 = tpu.memref_slice %arg6[%mul3A_13, %dma_wait3A_28] : memref<160000x128xf32, #tpu.memory_space<hbm>> -> memref<128x128xf32, #tpu.memory_space<hbm>>
          %dma_wait3A_30 = arith.constant 0 : i32
          %dma_wait3A_31 = tpu.memref_slice %arg6[%mul3A_13, %dma_wait3A_30] : memref<160000x128xf32, #tpu.memory_space<hbm>> -> memref<128x128xf32, #tpu.memory_space<hbm>>
          tpu.wait_dma2 semaphore(%run_scoped3A : memref<!tpu.dma_semaphore, #tpu.memory_space<semaphore_mem>>) src(%arg10 : memref<128x128xf32, #tpu.memory_space<vmem>>) dst(%dma_wait3A_31 : memref<128x128xf32, #tpu.memory_space<hbm>>)
          tpu.yield
        }) : () -> ()
      } else {
      }
    }
    %scan3A_5 = arith.constant 40 : i32
    return
  }
}

#map = affine_map<(d0, d1) -> (0, 0)>
#map1 = affine_map<(d0, d1) -> (0)>
#map2 = affine_map<(d0, d1) -> (0, 0, 0)>
module attributes {stable_mosaic.version = 14 : i64} {
  func.func @k(%arg0: i32, %arg1: i32, %arg2: memref<160000x128xf32, #tpu.memory_space<hbm>>, %arg3: memref<160000xi32, #tpu.memory_space<hbm>>, %arg4: memref<10000x128xf32, #tpu.memory_space<hbm>>, %arg5: memref<2x10000x128xf32, #tpu.memory_space<hbm>>, %arg6: memref<128xi32, #tpu.memory_space<vmem>>, %arg7: memref<128x128xf32, #tpu.memory_space<vmem>>, %arg8: memref<10000x128xf32, #tpu.memory_space<vmem_shared>>) attributes {dimension_semantics = [#tpu.dimension_semantics<core_parallel>, #tpu.dimension_semantics<subcore_parallel>], iteration_bounds = array<i64: 2, 16>, scalar_prefetch = 0 : i64, scratch_operands = 3 : i64, tpu.core_type = #tpu.core_type<sc_vector_subcore>, window_params = [{transform_indices = #map}, {transform_indices = #map1}, {transform_indices = #map}, {transform_indices = #map2}]} {
    %mul3A = arith.constant 2 : i32
    %mul3A_0 = arith.muli %arg1, %mul3A : i32
    %add3A = arith.addi %mul3A_0, %arg0 : i32
    %eq3A = arith.constant 0 : i32
    %eq3A_1 = arith.cmpi eq, %arg1, %eq3A : i32
    %convert_element_type3A = arith.extui %eq3A_1 : i1 to i32
    %cond3A = arith.constant 0 : i32
    %cond3A_2 = arith.cmpi ne, %convert_element_type3A, %cond3A : i32
    scf.if %cond3A_2 {
      "tpu.region"() ({
        %run_scoped3A = tpu.sem_alloc : memref<!tpu.dma_semaphore, #tpu.memory_space<semaphore_mem>>
        tpu.enqueue_dma source(%arg4 : memref<10000x128xf32, #tpu.memory_space<hbm>>) target(%arg8 : memref<10000x128xf32, #tpu.memory_space<vmem_shared>>) target_semaphore(%run_scoped3A : memref<!tpu.dma_semaphore, #tpu.memory_space<semaphore_mem>>)
        tpu.wait_dma2 semaphore(%run_scoped3A : memref<!tpu.dma_semaphore, #tpu.memory_space<semaphore_mem>>) src(%arg4 : memref<10000x128xf32, #tpu.memory_space<hbm>>) dst(%arg8 : memref<10000x128xf32, #tpu.memory_space<vmem_shared>>)
        tpu.yield
      }) : () -> ()
    } else {
    }
    %barrier3A = arith.constant 0 : index
    tpu.barrier barrier_id(%barrier3A)
    %scan3A = arith.constant 0 : i32
    %scan3A_3 = arith.constant 0 : i32
    %scan3A_4 = arith.constant 40 : i32
    %scan3A_5 = arith.addi %scan3A_3, %scan3A_4 : i32
    %scan3A_6 = arith.constant 1 : i32
    scf.for %scan3A_14 = %scan3A_3 to %scan3A_5 step %scan3A_6  : i32 {
      %mul3A_15 = arith.constant 32 : i32
      %mul3A_16 = arith.muli %mul3A_15, %scan3A_14 : i32
      %add3A_17 = arith.addi %add3A, %mul3A_16 : i32
      %lt3A = arith.constant 1250 : i32
      %lt3A_18 = arith.cmpi slt, %add3A_17, %lt3A : i32
      %convert_element_type3A_19 = arith.extui %lt3A_18 : i1 to i32
      %cond3A_20 = arith.constant 0 : i32
      %cond3A_21 = arith.cmpi ne, %convert_element_type3A_19, %cond3A_20 : i32
      scf.if %cond3A_21 {
        %mul3A_22 = arith.constant 128 : i32
        %mul3A_23 = arith.muli %add3A_17, %mul3A_22 : i32
        "tpu.region"() ({
          %run_scoped3A = tpu.sem_alloc : memref<!tpu.dma_semaphore, #tpu.memory_space<semaphore_mem>>
          %dma_start3A = tpu.memref_slice %arg3[%mul3A_23] : memref<160000xi32, #tpu.memory_space<hbm>> -> memref<128xi32, #tpu.memory_space<hbm>>
          %dma_start3A_24 = tpu.memref_slice %arg3[%mul3A_23] : memref<160000xi32, #tpu.memory_space<hbm>> -> memref<128xi32, #tpu.memory_space<hbm>>
          tpu.enqueue_dma source(%dma_start3A_24 : memref<128xi32, #tpu.memory_space<hbm>>) target(%arg6 : memref<128xi32, #tpu.memory_space<vmem>>) target_semaphore(%run_scoped3A : memref<!tpu.dma_semaphore, #tpu.memory_space<semaphore_mem>>)
          %dma_wait3A = tpu.memref_slice %arg3[%mul3A_23] : memref<160000xi32, #tpu.memory_space<hbm>> -> memref<128xi32, #tpu.memory_space<hbm>>
          %dma_wait3A_25 = tpu.memref_slice %arg3[%mul3A_23] : memref<160000xi32, #tpu.memory_space<hbm>> -> memref<128xi32, #tpu.memory_space<hbm>>
          tpu.wait_dma2 semaphore(%run_scoped3A : memref<!tpu.dma_semaphore, #tpu.memory_space<semaphore_mem>>) src(%dma_wait3A_25 : memref<128xi32, #tpu.memory_space<hbm>>) dst(%arg6 : memref<128xi32, #tpu.memory_space<vmem>>)
          tpu.yield
        }) : () -> ()
        "tpu.region"() ({
          %run_scoped3A = tpu.sem_alloc : memref<!tpu.dma_semaphore, #tpu.memory_space<semaphore_mem>>
          %dma_start3A = arith.constant 0 : i32
          %dma_start3A_24 = tpu.memref_slice %arg2[%mul3A_23, %dma_start3A] : memref<160000x128xf32, #tpu.memory_space<hbm>> -> memref<128x128xf32, #tpu.memory_space<hbm>>
          %dma_start3A_25 = arith.constant 0 : i32
          %dma_start3A_26 = tpu.memref_slice %arg2[%mul3A_23, %dma_start3A_25] : memref<160000x128xf32, #tpu.memory_space<hbm>> -> memref<128x128xf32, #tpu.memory_space<hbm>>
          tpu.enqueue_dma source(%dma_start3A_26 : memref<128x128xf32, #tpu.memory_space<hbm>>) target(%arg7 : memref<128x128xf32, #tpu.memory_space<vmem>>) target_semaphore(%run_scoped3A : memref<!tpu.dma_semaphore, #tpu.memory_space<semaphore_mem>>)
          %dma_wait3A = arith.constant 0 : i32
          %dma_wait3A_27 = tpu.memref_slice %arg2[%mul3A_23, %dma_wait3A] : memref<160000x128xf32, #tpu.memory_space<hbm>> -> memref<128x128xf32, #tpu.memory_space<hbm>>
          %dma_wait3A_28 = arith.constant 0 : i32
          %dma_wait3A_29 = tpu.memref_slice %arg2[%mul3A_23, %dma_wait3A_28] : memref<160000x128xf32, #tpu.memory_space<hbm>> -> memref<128x128xf32, #tpu.memory_space<hbm>>
          tpu.wait_dma2 semaphore(%run_scoped3A : memref<!tpu.dma_semaphore, #tpu.memory_space<semaphore_mem>>) src(%dma_wait3A_29 : memref<128x128xf32, #tpu.memory_space<hbm>>) dst(%arg7 : memref<128x128xf32, #tpu.memory_space<vmem>>)
          tpu.yield
        }) : () -> ()
        "tpu.region"() ({
          %run_scoped3A = tpu.sem_alloc : memref<!tpu.dma_semaphore, #tpu.memory_space<semaphore_mem>>
          %dma_start3A = arith.constant 0 : i32
          %dma_start3A_24 = arith.constant 0 : i32
          %dma_start3A_25 = tpu.memref_slice %arg8[%dma_start3A, %dma_start3A_24] : memref<10000x128xf32, #tpu.memory_space<vmem_shared>> -> memref<10000x128xf32, #tpu.memory_space<vmem_shared>>
          tpu.enqueue_indirect_dma source(%arg7 : memref<128x128xf32, #tpu.memory_space<vmem>>) target(%dma_start3A_25 : memref<10000x128xf32, #tpu.memory_space<vmem_shared>>) offsets(%arg6 : memref<128xi32, #tpu.memory_space<vmem>>) semaphore(%run_scoped3A : memref<!tpu.dma_semaphore, #tpu.memory_space<semaphore_mem>>) {add = true}
          %dma_wait3A = arith.constant 0 : i32
          %dma_wait3A_26 = arith.constant 0 : i32
          %dma_wait3A_27 = tpu.memref_slice %arg8[%dma_wait3A, %dma_wait3A_26] : memref<10000x128xf32, #tpu.memory_space<vmem_shared>> -> memref<10000x128xf32, #tpu.memory_space<vmem_shared>>
          tpu.wait_indirect_dma semaphore(%run_scoped3A : memref<!tpu.dma_semaphore, #tpu.memory_space<semaphore_mem>>) src(%arg7 : memref<128x128xf32, #tpu.memory_space<vmem>>) dst(%dma_wait3A_27 : memref<10000x128xf32, #tpu.memory_space<vmem_shared>>)
          tpu.yield
        }) : () -> ()
      } else {
      }
    }
    %scan3A_7 = arith.constant 40 : i32
    %barrier3A_8 = arith.constant 0 : index
    tpu.barrier barrier_id(%barrier3A_8)
    %eq3A_9 = arith.constant 0 : i32
    %eq3A_10 = arith.cmpi eq, %arg1, %eq3A_9 : i32
    %convert_element_type3A_11 = arith.extui %eq3A_10 : i1 to i32
    %cond3A_12 = arith.constant 0 : i32
    %cond3A_13 = arith.cmpi ne, %convert_element_type3A_11, %cond3A_12 : i32
    scf.if %cond3A_13 {
      "tpu.region"() ({
        %run_scoped3A = tpu.sem_alloc : memref<!tpu.dma_semaphore, #tpu.memory_space<semaphore_mem>>
        %dma_start3A = arith.constant 0 : i32
        %dma_start3A_14 = arith.constant 0 : i32
        %dma_start3A_15 = tpu.memref_slice %arg5[%arg0, %dma_start3A, %dma_start3A_14] : memref<2x10000x128xf32, #tpu.memory_space<hbm>> -> memref<1x10000x128xf32, #tpu.memory_space<hbm>>
        %dma_start3A_16 = tpu.memref_squeeze %dma_start3A_15 : memref<1x10000x128xf32, #tpu.memory_space<hbm>> -> memref<10000x128xf32, #tpu.memory_space<hbm>>
        tpu.enqueue_dma source(%arg8 : memref<10000x128xf32, #tpu.memory_space<vmem_shared>>) target(%dma_start3A_16 : memref<10000x128xf32, #tpu.memory_space<hbm>>) target_semaphore(%run_scoped3A : memref<!tpu.dma_semaphore, #tpu.memory_space<semaphore_mem>>)
        %dma_wait3A = arith.constant 0 : i32
        %dma_wait3A_17 = arith.constant 0 : i32
        %dma_wait3A_18 = tpu.memref_slice %arg5[%arg0, %dma_wait3A, %dma_wait3A_17] : memref<2x10000x128xf32, #tpu.memory_space<hbm>> -> memref<1x10000x128xf32, #tpu.memory_space<hbm>>
        %dma_wait3A_19 = tpu.memref_squeeze %dma_wait3A_18 : memref<1x10000x128xf32, #tpu.memory_space<hbm>> -> memref<10000x128xf32, #tpu.memory_space<hbm>>
        tpu.wait_dma2 semaphore(%run_scoped3A : memref<!tpu.dma_semaphore, #tpu.memory_space<semaphore_mem>>) src(%arg8 : memref<10000x128xf32, #tpu.memory_space<vmem_shared>>) dst(%dma_wait3A_19 : memref<10000x128xf32, #tpu.memory_space<hbm>>)
        tpu.yield
      }) : () -> ()
    } else {
    }
    return
  }
}

#map = affine_map<(d0, d1) -> (0, 0)>
#map1 = affine_map<(d0, d1) -> (0)>
#map2 = affine_map<(d0, d1) -> (0, 0, 0)>
module attributes {stable_mosaic.version = 14 : i64} {
  func.func @k(%arg0: i32, %arg1: i32, %arg2: memref<160000x128xf32, #tpu.memory_space<hbm>>, %arg3: memref<160000xi32, #tpu.memory_space<hbm>>, %arg4: memref<10000x128xf32, #tpu.memory_space<hbm>>, %arg5: memref<2x10000x128xf32, #tpu.memory_space<hbm>>, %arg6: memref<128xi32, #tpu.memory_space<vmem>>, %arg7: memref<128x128xf32, #tpu.memory_space<vmem>>, %arg8: memref<10000x128xf32, #tpu.memory_space<vmem_shared>>) attributes {dimension_semantics = [#tpu.dimension_semantics<core_parallel>, #tpu.dimension_semantics<subcore_parallel>], iteration_bounds = array<i64: 2, 16>, scalar_prefetch = 0 : i64, scratch_operands = 3 : i64, tpu.core_type = #tpu.core_type<sc_vector_subcore>, window_params = [{transform_indices = #map}, {transform_indices = #map1}, {transform_indices = #map}, {transform_indices = #map2}]} {
    %mul3A = arith.constant 2 : i32
    %mul3A_0 = arith.muli %arg1, %mul3A : i32
    %add3A = arith.addi %mul3A_0, %arg0 : i32
    %eq3A = arith.constant 0 : i32
    %eq3A_1 = arith.cmpi eq, %arg1, %eq3A : i32
    %convert_element_type3A = arith.extui %eq3A_1 : i1 to i32
    %cond3A = arith.constant 0 : i32
    %cond3A_2 = arith.cmpi ne, %convert_element_type3A, %cond3A : i32
    scf.if %cond3A_2 {
      "tpu.region"() ({
        %run_scoped3A = tpu.sem_alloc : memref<!tpu.dma_semaphore, #tpu.memory_space<semaphore_mem>>
        tpu.enqueue_dma source(%arg4 : memref<10000x128xf32, #tpu.memory_space<hbm>>) target(%arg8 : memref<10000x128xf32, #tpu.memory_space<vmem_shared>>) target_semaphore(%run_scoped3A : memref<!tpu.dma_semaphore, #tpu.memory_space<semaphore_mem>>)
        tpu.wait_dma2 semaphore(%run_scoped3A : memref<!tpu.dma_semaphore, #tpu.memory_space<semaphore_mem>>) src(%arg4 : memref<10000x128xf32, #tpu.memory_space<hbm>>) dst(%arg8 : memref<10000x128xf32, #tpu.memory_space<vmem_shared>>)
        tpu.yield
      }) : () -> ()
    } else {
    }
    %barrier3A = arith.constant 0 : index
    tpu.barrier barrier_id(%barrier3A)
    %scan3A = arith.constant 0 : i32
    %scan3A_3 = arith.constant 0 : i32
    %scan3A_4 = arith.constant 40 : i32
    %scan3A_5 = arith.addi %scan3A_3, %scan3A_4 : i32
    %scan3A_6 = arith.constant 1 : i32
    scf.for %scan3A_14 = %scan3A_3 to %scan3A_5 step %scan3A_6  : i32 {
      %mul3A_15 = arith.constant 32 : i32
      %mul3A_16 = arith.muli %mul3A_15, %scan3A_14 : i32
      %add3A_17 = arith.addi %add3A, %mul3A_16 : i32
      %lt3A = arith.constant 1250 : i32
      %lt3A_18 = arith.cmpi slt, %add3A_17, %lt3A : i32
      %convert_element_type3A_19 = arith.extui %lt3A_18 : i1 to i32
      %cond3A_20 = arith.constant 0 : i32
      %cond3A_21 = arith.cmpi ne, %convert_element_type3A_19, %cond3A_20 : i32
      scf.if %cond3A_21 {
        %mul3A_22 = arith.constant 128 : i32
        %mul3A_23 = arith.muli %add3A_17, %mul3A_22 : i32
        "tpu.region"() ({
          %run_scoped3A = tpu.sem_alloc : memref<!tpu.dma_semaphore, #tpu.memory_space<semaphore_mem>>
          %dma_start3A = tpu.memref_slice %arg3[%mul3A_23] : memref<160000xi32, #tpu.memory_space<hbm>> -> memref<128xi32, #tpu.memory_space<hbm>>
          %dma_start3A_24 = tpu.memref_slice %arg3[%mul3A_23] : memref<160000xi32, #tpu.memory_space<hbm>> -> memref<128xi32, #tpu.memory_space<hbm>>
          tpu.enqueue_dma source(%dma_start3A_24 : memref<128xi32, #tpu.memory_space<hbm>>) target(%arg6 : memref<128xi32, #tpu.memory_space<vmem>>) target_semaphore(%run_scoped3A : memref<!tpu.dma_semaphore, #tpu.memory_space<semaphore_mem>>)
          %dma_wait3A = tpu.memref_slice %arg3[%mul3A_23] : memref<160000xi32, #tpu.memory_space<hbm>> -> memref<128xi32, #tpu.memory_space<hbm>>
          %dma_wait3A_25 = tpu.memref_slice %arg3[%mul3A_23] : memref<160000xi32, #tpu.memory_space<hbm>> -> memref<128xi32, #tpu.memory_space<hbm>>
          tpu.wait_dma2 semaphore(%run_scoped3A : memref<!tpu.dma_semaphore, #tpu.memory_space<semaphore_mem>>) src(%dma_wait3A_25 : memref<128xi32, #tpu.memory_space<hbm>>) dst(%arg6 : memref<128xi32, #tpu.memory_space<vmem>>)
          tpu.yield
        }) : () -> ()
        "tpu.region"() ({
          %run_scoped3A = tpu.sem_alloc : memref<!tpu.dma_semaphore, #tpu.memory_space<semaphore_mem>>
          %dma_start3A = arith.constant 0 : i32
          %dma_start3A_24 = tpu.memref_slice %arg2[%mul3A_23, %dma_start3A] : memref<160000x128xf32, #tpu.memory_space<hbm>> -> memref<128x128xf32, #tpu.memory_space<hbm>>
          %dma_start3A_25 = arith.constant 0 : i32
          %dma_start3A_26 = tpu.memref_slice %arg2[%mul3A_23, %dma_start3A_25] : memref<160000x128xf32, #tpu.memory_space<hbm>> -> memref<128x128xf32, #tpu.memory_space<hbm>>
          tpu.enqueue_dma source(%dma_start3A_26 : memref<128x128xf32, #tpu.memory_space<hbm>>) target(%arg7 : memref<128x128xf32, #tpu.memory_space<vmem>>) target_semaphore(%run_scoped3A : memref<!tpu.dma_semaphore, #tpu.memory_space<semaphore_mem>>)
          %dma_wait3A = arith.constant 0 : i32
          %dma_wait3A_27 = tpu.memref_slice %arg2[%mul3A_23, %dma_wait3A] : memref<160000x128xf32, #tpu.memory_space<hbm>> -> memref<128x128xf32, #tpu.memory_space<hbm>>
          %dma_wait3A_28 = arith.constant 0 : i32
          %dma_wait3A_29 = tpu.memref_slice %arg2[%mul3A_23, %dma_wait3A_28] : memref<160000x128xf32, #tpu.memory_space<hbm>> -> memref<128x128xf32, #tpu.memory_space<hbm>>
          tpu.wait_dma2 semaphore(%run_scoped3A : memref<!tpu.dma_semaphore, #tpu.memory_space<semaphore_mem>>) src(%dma_wait3A_29 : memref<128x128xf32, #tpu.memory_space<hbm>>) dst(%arg7 : memref<128x128xf32, #tpu.memory_space<vmem>>)
          tpu.yield
        }) : () -> ()
        "tpu.region"() ({
          %run_scoped3A = tpu.sem_alloc : memref<!tpu.dma_semaphore, #tpu.memory_space<semaphore_mem>>
          %dma_start3A = arith.constant 0 : i32
          %dma_start3A_24 = arith.constant 0 : i32
          %dma_start3A_25 = tpu.memref_slice %arg8[%dma_start3A, %dma_start3A_24] : memref<10000x128xf32, #tpu.memory_space<vmem_shared>> -> memref<10000x128xf32, #tpu.memory_space<vmem_shared>>
          tpu.enqueue_indirect_dma source(%arg7 : memref<128x128xf32, #tpu.memory_space<vmem>>) target(%dma_start3A_25 : memref<10000x128xf32, #tpu.memory_space<vmem_shared>>) offsets(%arg6 : memref<128xi32, #tpu.memory_space<vmem>>) semaphore(%run_scoped3A : memref<!tpu.dma_semaphore, #tpu.memory_space<semaphore_mem>>) {add = true}
          %dma_wait3A = arith.constant 0 : i32
          %dma_wait3A_26 = arith.constant 0 : i32
          %dma_wait3A_27 = tpu.memref_slice %arg8[%dma_wait3A, %dma_wait3A_26] : memref<10000x128xf32, #tpu.memory_space<vmem_shared>> -> memref<10000x128xf32, #tpu.memory_space<vmem_shared>>
          tpu.wait_indirect_dma semaphore(%run_scoped3A : memref<!tpu.dma_semaphore, #tpu.memory_space<semaphore_mem>>) src(%arg7 : memref<128x128xf32, #tpu.memory_space<vmem>>) dst(%dma_wait3A_27 : memref<10000x128xf32, #tpu.memory_space<vmem_shared>>)
          tpu.yield
        }) : () -> ()
      } else {
      }
    }
    %scan3A_7 = arith.constant 40 : i32
    %barrier3A_8 = arith.constant 0 : index
    tpu.barrier barrier_id(%barrier3A_8)
    %eq3A_9 = arith.constant 0 : i32
    %eq3A_10 = arith.cmpi eq, %arg1, %eq3A_9 : i32
    %convert_element_type3A_11 = arith.extui %eq3A_10 : i1 to i32
    %cond3A_12 = arith.constant 0 : i32
    %cond3A_13 = arith.cmpi ne, %convert_element_type3A_11, %cond3A_12 : i32
    scf.if %cond3A_13 {
      "tpu.region"() ({
        %run_scoped3A = tpu.sem_alloc : memref<!tpu.dma_semaphore, #tpu.memory_space<semaphore_mem>>
        %dma_start3A = arith.constant 0 : i32
        %dma_start3A_14 = arith.constant 0 : i32
        %dma_start3A_15 = tpu.memref_slice %arg5[%arg0, %dma_start3A, %dma_start3A_14] : memref<2x10000x128xf32, #tpu.memory_space<hbm>> -> memref<1x10000x128xf32, #tpu.memory_space<hbm>>
        %dma_start3A_16 = tpu.memref_squeeze %dma_start3A_15 : memref<1x10000x128xf32, #tpu.memory_space<hbm>> -> memref<10000x128xf32, #tpu.memory_space<hbm>>
        tpu.enqueue_dma source(%arg8 : memref<10000x128xf32, #tpu.memory_space<vmem_shared>>) target(%dma_start3A_16 : memref<10000x128xf32, #tpu.memory_space<hbm>>) target_semaphore(%run_scoped3A : memref<!tpu.dma_semaphore, #tpu.memory_space<semaphore_mem>>)
        %dma_wait3A = arith.constant 0 : i32
        %dma_wait3A_17 = arith.constant 0 : i32
        %dma_wait3A_18 = tpu.memref_slice %arg5[%arg0, %dma_wait3A, %dma_wait3A_17] : memref<2x10000x128xf32, #tpu.memory_space<hbm>> -> memref<1x10000x128xf32, #tpu.memory_space<hbm>>
        %dma_wait3A_19 = tpu.memref_squeeze %dma_wait3A_18 : memref<1x10000x128xf32, #tpu.memory_space<hbm>> -> memref<10000x128xf32, #tpu.memory_space<hbm>>
        tpu.wait_dma2 semaphore(%run_scoped3A : memref<!tpu.dma_semaphore, #tpu.memory_space<semaphore_mem>>) src(%arg8 : memref<10000x128xf32, #tpu.memory_space<vmem_shared>>) dst(%dma_wait3A_19 : memref<10000x128xf32, #tpu.memory_space<hbm>>)
        tpu.yield
      }) : () -> ()
    } else {
    }
    return
  }
}

#map = affine_map<(d0, d1) -> (0, 0)>
#map1 = affine_map<(d0, d1) -> (0)>
module attributes {stable_mosaic.version = 14 : i64} {
  func.func @k(%arg0: i32, %arg1: i32, %arg2: memref<10000x128xf32, #tpu.memory_space<hbm>>, %arg3: memref<160000xi32, #tpu.memory_space<hbm>>, %arg4: memref<160000xi32, #tpu.memory_space<hbm>>, %arg5: memref<160000x128xf32, #tpu.memory_space<hbm>>, %arg6: memref<160000x128xf32, #tpu.memory_space<hbm>>, %arg7: memref<128xi32, #tpu.memory_space<vmem>>, %arg8: memref<128xi32, #tpu.memory_space<vmem>>, %arg9: memref<128x128xf32, #tpu.memory_space<vmem>>, %arg10: memref<128x128xf32, #tpu.memory_space<vmem>>, %arg11: memref<!tpu.dma_semaphore, #tpu.memory_space<semaphore_mem>>, %arg12: memref<!tpu.dma_semaphore, #tpu.memory_space<semaphore_mem>>) attributes {dimension_semantics = [#tpu.dimension_semantics<core_parallel>, #tpu.dimension_semantics<subcore_parallel>], iteration_bounds = array<i64: 2, 16>, scalar_prefetch = 0 : i64, scratch_operands = 6 : i64, tpu.core_type = #tpu.core_type<sc_vector_subcore>, window_params = [{transform_indices = #map}, {transform_indices = #map1}, {transform_indices = #map1}, {transform_indices = #map}, {transform_indices = #map}]} {
    %mul3A = arith.constant 2 : i32
    %mul3A_0 = arith.muli %arg1, %mul3A : i32
    %add3A = arith.addi %mul3A_0, %arg0 : i32
    %scan3A = arith.constant 0 : i32
    %scan3A_1 = arith.constant 0 : i32
    %scan3A_2 = arith.constant 40 : i32
    %scan3A_3 = arith.addi %scan3A_1, %scan3A_2 : i32
    %scan3A_4 = arith.constant 1 : i32
    scf.for %scan3A_6 = %scan3A_1 to %scan3A_3 step %scan3A_4  : i32 {
      %mul3A_7 = arith.constant 32 : i32
      %mul3A_8 = arith.muli %mul3A_7, %scan3A_6 : i32
      %add3A_9 = arith.addi %add3A, %mul3A_8 : i32
      %lt3A = arith.constant 1250 : i32
      %lt3A_10 = arith.cmpi slt, %add3A_9, %lt3A : i32
      %convert_element_type3A = arith.extui %lt3A_10 : i1 to i32
      %cond3A = arith.constant 0 : i32
      %cond3A_11 = arith.cmpi ne, %convert_element_type3A, %cond3A : i32
      scf.if %cond3A_11 {
        %mul3A_12 = arith.constant 128 : i32
        %mul3A_13 = arith.muli %add3A_9, %mul3A_12 : i32
        "tpu.region"() ({
          %run_scoped3A = tpu.sem_alloc : memref<!tpu.dma_semaphore, #tpu.memory_space<semaphore_mem>>
          %dma_start3A_24 = tpu.memref_slice %arg3[%mul3A_13] : memref<160000xi32, #tpu.memory_space<hbm>> -> memref<128xi32, #tpu.memory_space<hbm>>
          %dma_start3A_25 = tpu.memref_slice %arg3[%mul3A_13] : memref<160000xi32, #tpu.memory_space<hbm>> -> memref<128xi32, #tpu.memory_space<hbm>>
          tpu.enqueue_dma source(%dma_start3A_25 : memref<128xi32, #tpu.memory_space<hbm>>) target(%arg7 : memref<128xi32, #tpu.memory_space<vmem>>) target_semaphore(%run_scoped3A : memref<!tpu.dma_semaphore, #tpu.memory_space<semaphore_mem>>)
          %dma_wait3A_26 = tpu.memref_slice %arg3[%mul3A_13] : memref<160000xi32, #tpu.memory_space<hbm>> -> memref<128xi32, #tpu.memory_space<hbm>>
          %dma_wait3A_27 = tpu.memref_slice %arg3[%mul3A_13] : memref<160000xi32, #tpu.memory_space<hbm>> -> memref<128xi32, #tpu.memory_space<hbm>>
          tpu.wait_dma2 semaphore(%run_scoped3A : memref<!tpu.dma_semaphore, #tpu.memory_space<semaphore_mem>>) src(%dma_wait3A_27 : memref<128xi32, #tpu.memory_space<hbm>>) dst(%arg7 : memref<128xi32, #tpu.memory_space<vmem>>)
          tpu.yield
        }) : () -> ()
        "tpu.region"() ({
          %run_scoped3A = tpu.sem_alloc : memref<!tpu.dma_semaphore, #tpu.memory_space<semaphore_mem>>
          %dma_start3A_24 = tpu.memref_slice %arg4[%mul3A_13] : memref<160000xi32, #tpu.memory_space<hbm>> -> memref<128xi32, #tpu.memory_space<hbm>>
          %dma_start3A_25 = tpu.memref_slice %arg4[%mul3A_13] : memref<160000xi32, #tpu.memory_space<hbm>> -> memref<128xi32, #tpu.memory_space<hbm>>
          tpu.enqueue_dma source(%dma_start3A_25 : memref<128xi32, #tpu.memory_space<hbm>>) target(%arg8 : memref<128xi32, #tpu.memory_space<vmem>>) target_semaphore(%run_scoped3A : memref<!tpu.dma_semaphore, #tpu.memory_space<semaphore_mem>>)
          %dma_wait3A_26 = tpu.memref_slice %arg4[%mul3A_13] : memref<160000xi32, #tpu.memory_space<hbm>> -> memref<128xi32, #tpu.memory_space<hbm>>
          %dma_wait3A_27 = tpu.memref_slice %arg4[%mul3A_13] : memref<160000xi32, #tpu.memory_space<hbm>> -> memref<128xi32, #tpu.memory_space<hbm>>
          tpu.wait_dma2 semaphore(%run_scoped3A : memref<!tpu.dma_semaphore, #tpu.memory_space<semaphore_mem>>) src(%dma_wait3A_27 : memref<128xi32, #tpu.memory_space<hbm>>) dst(%arg8 : memref<128xi32, #tpu.memory_space<vmem>>)
          tpu.yield
        }) : () -> ()
        %dma_start3A = arith.constant 0 : i32
        %dma_start3A_14 = arith.constant 0 : i32
        %dma_start3A_15 = tpu.memref_slice %arg2[%dma_start3A, %dma_start3A_14] : memref<10000x128xf32, #tpu.memory_space<hbm>> -> memref<10000x128xf32, #tpu.memory_space<hbm>>
        tpu.enqueue_indirect_dma source(%dma_start3A_15 : memref<10000x128xf32, #tpu.memory_space<hbm>>) target(%arg9 : memref<128x128xf32, #tpu.memory_space<vmem>>) offsets(%arg7 : memref<128xi32, #tpu.memory_space<vmem>>) semaphore(%arg11 : memref<!tpu.dma_semaphore, #tpu.memory_space<semaphore_mem>>)
        %dma_start3A_16 = arith.constant 0 : i32
        %dma_start3A_17 = arith.constant 0 : i32
        %dma_start3A_18 = tpu.memref_slice %arg2[%dma_start3A_16, %dma_start3A_17] : memref<10000x128xf32, #tpu.memory_space<hbm>> -> memref<10000x128xf32, #tpu.memory_space<hbm>>
        tpu.enqueue_indirect_dma source(%dma_start3A_18 : memref<10000x128xf32, #tpu.memory_space<hbm>>) target(%arg10 : memref<128x128xf32, #tpu.memory_space<vmem>>) offsets(%arg8 : memref<128xi32, #tpu.memory_space<vmem>>) semaphore(%arg12 : memref<!tpu.dma_semaphore, #tpu.memory_space<semaphore_mem>>)
        %dma_wait3A = arith.constant 0 : i32
        %dma_wait3A_19 = arith.constant 0 : i32
        %dma_wait3A_20 = tpu.memref_slice %arg2[%dma_wait3A, %dma_wait3A_19] : memref<10000x128xf32, #tpu.memory_space<hbm>> -> memref<10000x128xf32, #tpu.memory_space<hbm>>
        tpu.wait_indirect_dma semaphore(%arg11 : memref<!tpu.dma_semaphore, #tpu.memory_space<semaphore_mem>>) src(%dma_wait3A_20 : memref<10000x128xf32, #tpu.memory_space<hbm>>) dst(%arg9 : memref<128x128xf32, #tpu.memory_space<vmem>>)
        %dma_wait3A_21 = arith.constant 0 : i32
        %dma_wait3A_22 = arith.constant 0 : i32
        %dma_wait3A_23 = tpu.memref_slice %arg2[%dma_wait3A_21, %dma_wait3A_22] : memref<10000x128xf32, #tpu.memory_space<hbm>> -> memref<10000x128xf32, #tpu.memory_space<hbm>>
        tpu.wait_indirect_dma semaphore(%arg12 : memref<!tpu.dma_semaphore, #tpu.memory_space<semaphore_mem>>) src(%dma_wait3A_23 : memref<10000x128xf32, #tpu.memory_space<hbm>>) dst(%arg10 : memref<128x128xf32, #tpu.memory_space<vmem>>)
        "tpu.region"() ({
          %run_scoped3A = tpu.sem_alloc : memref<!tpu.dma_semaphore, #tpu.memory_space<semaphore_mem>>
          %dma_start3A_24 = arith.constant 0 : i32
          %dma_start3A_25 = tpu.memref_slice %arg5[%mul3A_13, %dma_start3A_24] : memref<160000x128xf32, #tpu.memory_space<hbm>> -> memref<128x128xf32, #tpu.memory_space<hbm>>
          %dma_start3A_26 = arith.constant 0 : i32
          %dma_start3A_27 = tpu.memref_slice %arg5[%mul3A_13, %dma_start3A_26] : memref<160000x128xf32, #tpu.memory_space<hbm>> -> memref<128x128xf32, #tpu.memory_space<hbm>>
          tpu.enqueue_dma source(%arg9 : memref<128x128xf32, #tpu.memory_space<vmem>>) target(%dma_start3A_27 : memref<128x128xf32, #tpu.memory_space<hbm>>) target_semaphore(%run_scoped3A : memref<!tpu.dma_semaphore, #tpu.memory_space<semaphore_mem>>)
          %dma_wait3A_28 = arith.constant 0 : i32
          %dma_wait3A_29 = tpu.memref_slice %arg5[%mul3A_13, %dma_wait3A_28] : memref<160000x128xf32, #tpu.memory_space<hbm>> -> memref<128x128xf32, #tpu.memory_space<hbm>>
          %dma_wait3A_30 = arith.constant 0 : i32
          %dma_wait3A_31 = tpu.memref_slice %arg5[%mul3A_13, %dma_wait3A_30] : memref<160000x128xf32, #tpu.memory_space<hbm>> -> memref<128x128xf32, #tpu.memory_space<hbm>>
          tpu.wait_dma2 semaphore(%run_scoped3A : memref<!tpu.dma_semaphore, #tpu.memory_space<semaphore_mem>>) src(%arg9 : memref<128x128xf32, #tpu.memory_space<vmem>>) dst(%dma_wait3A_31 : memref<128x128xf32, #tpu.memory_space<hbm>>)
          tpu.yield
        }) : () -> ()
        "tpu.region"() ({
          %run_scoped3A = tpu.sem_alloc : memref<!tpu.dma_semaphore, #tpu.memory_space<semaphore_mem>>
          %dma_start3A_24 = arith.constant 0 : i32
          %dma_start3A_25 = tpu.memref_slice %arg6[%mul3A_13, %dma_start3A_24] : memref<160000x128xf32, #tpu.memory_space<hbm>> -> memref<128x128xf32, #tpu.memory_space<hbm>>
          %dma_start3A_26 = arith.constant 0 : i32
          %dma_start3A_27 = tpu.memref_slice %arg6[%mul3A_13, %dma_start3A_26] : memref<160000x128xf32, #tpu.memory_space<hbm>> -> memref<128x128xf32, #tpu.memory_space<hbm>>
          tpu.enqueue_dma source(%arg10 : memref<128x128xf32, #tpu.memory_space<vmem>>) target(%dma_start3A_27 : memref<128x128xf32, #tpu.memory_space<hbm>>) target_semaphore(%run_scoped3A : memref<!tpu.dma_semaphore, #tpu.memory_space<semaphore_mem>>)
          %dma_wait3A_28 = arith.constant 0 : i32
          %dma_wait3A_29 = tpu.memref_slice %arg6[%mul3A_13, %dma_wait3A_28] : memref<160000x128xf32, #tpu.memory_space<hbm>> -> memref<128x128xf32, #tpu.memory_space<hbm>>
          %dma_wait3A_30 = arith.constant 0 : i32
          %dma_wait3A_31 = tpu.memref_slice %arg6[%mul3A_13, %dma_wait3A_30] : memref<160000x128xf32, #tpu.memory_space<hbm>> -> memref<128x128xf32, #tpu.memory_space<hbm>>
          tpu.wait_dma2 semaphore(%run_scoped3A : memref<!tpu.dma_semaphore, #tpu.memory_space<semaphore_mem>>) src(%arg10 : memref<128x128xf32, #tpu.memory_space<vmem>>) dst(%dma_wait3A_31 : memref<128x128xf32, #tpu.memory_space<hbm>>)
          tpu.yield
        }) : () -> ()
      } else {
      }
    }
    %scan3A_5 = arith.constant 40 : i32
    return
  }
}

#map = affine_map<(d0, d1) -> (0, 0)>
#map1 = affine_map<(d0, d1) -> (0)>
#map2 = affine_map<(d0, d1) -> (0, 0, 0)>
module attributes {stable_mosaic.version = 14 : i64} {
  func.func @k(%arg0: i32, %arg1: i32, %arg2: memref<160000x128xf32, #tpu.memory_space<hbm>>, %arg3: memref<160000xi32, #tpu.memory_space<hbm>>, %arg4: memref<10000x128xf32, #tpu.memory_space<hbm>>, %arg5: memref<2x10000x128xf32, #tpu.memory_space<hbm>>, %arg6: memref<128xi32, #tpu.memory_space<vmem>>, %arg7: memref<128x128xf32, #tpu.memory_space<vmem>>, %arg8: memref<10000x128xf32, #tpu.memory_space<vmem_shared>>) attributes {dimension_semantics = [#tpu.dimension_semantics<core_parallel>, #tpu.dimension_semantics<subcore_parallel>], iteration_bounds = array<i64: 2, 16>, scalar_prefetch = 0 : i64, scratch_operands = 3 : i64, tpu.core_type = #tpu.core_type<sc_vector_subcore>, window_params = [{transform_indices = #map}, {transform_indices = #map1}, {transform_indices = #map}, {transform_indices = #map2}]} {
    %mul3A = arith.constant 2 : i32
    %mul3A_0 = arith.muli %arg1, %mul3A : i32
    %add3A = arith.addi %mul3A_0, %arg0 : i32
    %eq3A = arith.constant 0 : i32
    %eq3A_1 = arith.cmpi eq, %arg1, %eq3A : i32
    %convert_element_type3A = arith.extui %eq3A_1 : i1 to i32
    %cond3A = arith.constant 0 : i32
    %cond3A_2 = arith.cmpi ne, %convert_element_type3A, %cond3A : i32
    scf.if %cond3A_2 {
      "tpu.region"() ({
        %run_scoped3A = tpu.sem_alloc : memref<!tpu.dma_semaphore, #tpu.memory_space<semaphore_mem>>
        tpu.enqueue_dma source(%arg4 : memref<10000x128xf32, #tpu.memory_space<hbm>>) target(%arg8 : memref<10000x128xf32, #tpu.memory_space<vmem_shared>>) target_semaphore(%run_scoped3A : memref<!tpu.dma_semaphore, #tpu.memory_space<semaphore_mem>>)
        tpu.wait_dma2 semaphore(%run_scoped3A : memref<!tpu.dma_semaphore, #tpu.memory_space<semaphore_mem>>) src(%arg4 : memref<10000x128xf32, #tpu.memory_space<hbm>>) dst(%arg8 : memref<10000x128xf32, #tpu.memory_space<vmem_shared>>)
        tpu.yield
      }) : () -> ()
    } else {
    }
    %barrier3A = arith.constant 0 : index
    tpu.barrier barrier_id(%barrier3A)
    %scan3A = arith.constant 0 : i32
    %scan3A_3 = arith.constant 0 : i32
    %scan3A_4 = arith.constant 40 : i32
    %scan3A_5 = arith.addi %scan3A_3, %scan3A_4 : i32
    %scan3A_6 = arith.constant 1 : i32
    scf.for %scan3A_14 = %scan3A_3 to %scan3A_5 step %scan3A_6  : i32 {
      %mul3A_15 = arith.constant 32 : i32
      %mul3A_16 = arith.muli %mul3A_15, %scan3A_14 : i32
      %add3A_17 = arith.addi %add3A, %mul3A_16 : i32
      %lt3A = arith.constant 1250 : i32
      %lt3A_18 = arith.cmpi slt, %add3A_17, %lt3A : i32
      %convert_element_type3A_19 = arith.extui %lt3A_18 : i1 to i32
      %cond3A_20 = arith.constant 0 : i32
      %cond3A_21 = arith.cmpi ne, %convert_element_type3A_19, %cond3A_20 : i32
      scf.if %cond3A_21 {
        %mul3A_22 = arith.constant 128 : i32
        %mul3A_23 = arith.muli %add3A_17, %mul3A_22 : i32
        "tpu.region"() ({
          %run_scoped3A = tpu.sem_alloc : memref<!tpu.dma_semaphore, #tpu.memory_space<semaphore_mem>>
          %dma_start3A = tpu.memref_slice %arg3[%mul3A_23] : memref<160000xi32, #tpu.memory_space<hbm>> -> memref<128xi32, #tpu.memory_space<hbm>>
          %dma_start3A_24 = tpu.memref_slice %arg3[%mul3A_23] : memref<160000xi32, #tpu.memory_space<hbm>> -> memref<128xi32, #tpu.memory_space<hbm>>
          tpu.enqueue_dma source(%dma_start3A_24 : memref<128xi32, #tpu.memory_space<hbm>>) target(%arg6 : memref<128xi32, #tpu.memory_space<vmem>>) target_semaphore(%run_scoped3A : memref<!tpu.dma_semaphore, #tpu.memory_space<semaphore_mem>>)
          %dma_wait3A = tpu.memref_slice %arg3[%mul3A_23] : memref<160000xi32, #tpu.memory_space<hbm>> -> memref<128xi32, #tpu.memory_space<hbm>>
          %dma_wait3A_25 = tpu.memref_slice %arg3[%mul3A_23] : memref<160000xi32, #tpu.memory_space<hbm>> -> memref<128xi32, #tpu.memory_space<hbm>>
          tpu.wait_dma2 semaphore(%run_scoped3A : memref<!tpu.dma_semaphore, #tpu.memory_space<semaphore_mem>>) src(%dma_wait3A_25 : memref<128xi32, #tpu.memory_space<hbm>>) dst(%arg6 : memref<128xi32, #tpu.memory_space<vmem>>)
          tpu.yield
        }) : () -> ()
        "tpu.region"() ({
          %run_scoped3A = tpu.sem_alloc : memref<!tpu.dma_semaphore, #tpu.memory_space<semaphore_mem>>
          %dma_start3A = arith.constant 0 : i32
          %dma_start3A_24 = tpu.memref_slice %arg2[%mul3A_23, %dma_start3A] : memref<160000x128xf32, #tpu.memory_space<hbm>> -> memref<128x128xf32, #tpu.memory_space<hbm>>
          %dma_start3A_25 = arith.constant 0 : i32
          %dma_start3A_26 = tpu.memref_slice %arg2[%mul3A_23, %dma_start3A_25] : memref<160000x128xf32, #tpu.memory_space<hbm>> -> memref<128x128xf32, #tpu.memory_space<hbm>>
          tpu.enqueue_dma source(%dma_start3A_26 : memref<128x128xf32, #tpu.memory_space<hbm>>) target(%arg7 : memref<128x128xf32, #tpu.memory_space<vmem>>) target_semaphore(%run_scoped3A : memref<!tpu.dma_semaphore, #tpu.memory_space<semaphore_mem>>)
          %dma_wait3A = arith.constant 0 : i32
          %dma_wait3A_27 = tpu.memref_slice %arg2[%mul3A_23, %dma_wait3A] : memref<160000x128xf32, #tpu.memory_space<hbm>> -> memref<128x128xf32, #tpu.memory_space<hbm>>
          %dma_wait3A_28 = arith.constant 0 : i32
          %dma_wait3A_29 = tpu.memref_slice %arg2[%mul3A_23, %dma_wait3A_28] : memref<160000x128xf32, #tpu.memory_space<hbm>> -> memref<128x128xf32, #tpu.memory_space<hbm>>
          tpu.wait_dma2 semaphore(%run_scoped3A : memref<!tpu.dma_semaphore, #tpu.memory_space<semaphore_mem>>) src(%dma_wait3A_29 : memref<128x128xf32, #tpu.memory_space<hbm>>) dst(%arg7 : memref<128x128xf32, #tpu.memory_space<vmem>>)
          tpu.yield
        }) : () -> ()
        "tpu.region"() ({
          %run_scoped3A = tpu.sem_alloc : memref<!tpu.dma_semaphore, #tpu.memory_space<semaphore_mem>>
          %dma_start3A = arith.constant 0 : i32
          %dma_start3A_24 = arith.constant 0 : i32
          %dma_start3A_25 = tpu.memref_slice %arg8[%dma_start3A, %dma_start3A_24] : memref<10000x128xf32, #tpu.memory_space<vmem_shared>> -> memref<10000x128xf32, #tpu.memory_space<vmem_shared>>
          tpu.enqueue_indirect_dma source(%arg7 : memref<128x128xf32, #tpu.memory_space<vmem>>) target(%dma_start3A_25 : memref<10000x128xf32, #tpu.memory_space<vmem_shared>>) offsets(%arg6 : memref<128xi32, #tpu.memory_space<vmem>>) semaphore(%run_scoped3A : memref<!tpu.dma_semaphore, #tpu.memory_space<semaphore_mem>>) {add = true}
          %dma_wait3A = arith.constant 0 : i32
          %dma_wait3A_26 = arith.constant 0 : i32
          %dma_wait3A_27 = tpu.memref_slice %arg8[%dma_wait3A, %dma_wait3A_26] : memref<10000x128xf32, #tpu.memory_space<vmem_shared>> -> memref<10000x128xf32, #tpu.memory_space<vmem_shared>>
          tpu.wait_indirect_dma semaphore(%run_scoped3A : memref<!tpu.dma_semaphore, #tpu.memory_space<semaphore_mem>>) src(%arg7 : memref<128x128xf32, #tpu.memory_space<vmem>>) dst(%dma_wait3A_27 : memref<10000x128xf32, #tpu.memory_space<vmem_shared>>)
          tpu.yield
        }) : () -> ()
      } else {
      }
    }
    %scan3A_7 = arith.constant 40 : i32
    %barrier3A_8 = arith.constant 0 : index
    tpu.barrier barrier_id(%barrier3A_8)
    %eq3A_9 = arith.constant 0 : i32
    %eq3A_10 = arith.cmpi eq, %arg1, %eq3A_9 : i32
    %convert_element_type3A_11 = arith.extui %eq3A_10 : i1 to i32
    %cond3A_12 = arith.constant 0 : i32
    %cond3A_13 = arith.cmpi ne, %convert_element_type3A_11, %cond3A_12 : i32
    scf.if %cond3A_13 {
      "tpu.region"() ({
        %run_scoped3A = tpu.sem_alloc : memref<!tpu.dma_semaphore, #tpu.memory_space<semaphore_mem>>
        %dma_start3A = arith.constant 0 : i32
        %dma_start3A_14 = arith.constant 0 : i32
        %dma_start3A_15 = tpu.memref_slice %arg5[%arg0, %dma_start3A, %dma_start3A_14] : memref<2x10000x128xf32, #tpu.memory_space<hbm>> -> memref<1x10000x128xf32, #tpu.memory_space<hbm>>
        %dma_start3A_16 = tpu.memref_squeeze %dma_start3A_15 : memref<1x10000x128xf32, #tpu.memory_space<hbm>> -> memref<10000x128xf32, #tpu.memory_space<hbm>>
        tpu.enqueue_dma source(%arg8 : memref<10000x128xf32, #tpu.memory_space<vmem_shared>>) target(%dma_start3A_16 : memref<10000x128xf32, #tpu.memory_space<hbm>>) target_semaphore(%run_scoped3A : memref<!tpu.dma_semaphore, #tpu.memory_space<semaphore_mem>>)
        %dma_wait3A = arith.constant 0 : i32
        %dma_wait3A_17 = arith.constant 0 : i32
        %dma_wait3A_18 = tpu.memref_slice %arg5[%arg0, %dma_wait3A, %dma_wait3A_17] : memref<2x10000x128xf32, #tpu.memory_space<hbm>> -> memref<1x10000x128xf32, #tpu.memory_space<hbm>>
        %dma_wait3A_19 = tpu.memref_squeeze %dma_wait3A_18 : memref<1x10000x128xf32, #tpu.memory_space<hbm>> -> memref<10000x128xf32, #tpu.memory_space<hbm>>
        tpu.wait_dma2 semaphore(%run_scoped3A : memref<!tpu.dma_semaphore, #tpu.memory_space<semaphore_mem>>) src(%arg8 : memref<10000x128xf32, #tpu.memory_space<vmem_shared>>) dst(%dma_wait3A_19 : memref<10000x128xf32, #tpu.memory_space<hbm>>)
        tpu.yield
      }) : () -> ()
    } else {
    }
    return
  }
}

#map = affine_map<(d0, d1) -> (0, 0)>
#map1 = affine_map<(d0, d1) -> (0)>
module attributes {stable_mosaic.version = 14 : i64} {
  func.func @k(%arg0: i32, %arg1: i32, %arg2: memref<10000x128xf32, #tpu.memory_space<hbm>>, %arg3: memref<160000xi32, #tpu.memory_space<hbm>>, %arg4: memref<160000xi32, #tpu.memory_space<hbm>>, %arg5: memref<160000x128xf32, #tpu.memory_space<hbm>>, %arg6: memref<160000x128xf32, #tpu.memory_space<hbm>>, %arg7: memref<128xi32, #tpu.memory_space<vmem>>, %arg8: memref<128xi32, #tpu.memory_space<vmem>>, %arg9: memref<128x128xf32, #tpu.memory_space<vmem>>, %arg10: memref<128x128xf32, #tpu.memory_space<vmem>>, %arg11: memref<!tpu.dma_semaphore, #tpu.memory_space<semaphore_mem>>, %arg12: memref<!tpu.dma_semaphore, #tpu.memory_space<semaphore_mem>>) attributes {dimension_semantics = [#tpu.dimension_semantics<core_parallel>, #tpu.dimension_semantics<subcore_parallel>], iteration_bounds = array<i64: 2, 16>, scalar_prefetch = 0 : i64, scratch_operands = 6 : i64, tpu.core_type = #tpu.core_type<sc_vector_subcore>, window_params = [{transform_indices = #map}, {transform_indices = #map1}, {transform_indices = #map1}, {transform_indices = #map}, {transform_indices = #map}]} {
    %mul3A = arith.constant 2 : i32
    %mul3A_0 = arith.muli %arg1, %mul3A : i32
    %add3A = arith.addi %mul3A_0, %arg0 : i32
    %scan3A = arith.constant 0 : i32
    %scan3A_1 = arith.constant 0 : i32
    %scan3A_2 = arith.constant 40 : i32
    %scan3A_3 = arith.addi %scan3A_1, %scan3A_2 : i32
    %scan3A_4 = arith.constant 1 : i32
    scf.for %scan3A_6 = %scan3A_1 to %scan3A_3 step %scan3A_4  : i32 {
      %mul3A_7 = arith.constant 32 : i32
      %mul3A_8 = arith.muli %mul3A_7, %scan3A_6 : i32
      %add3A_9 = arith.addi %add3A, %mul3A_8 : i32
      %lt3A = arith.constant 1250 : i32
      %lt3A_10 = arith.cmpi slt, %add3A_9, %lt3A : i32
      %convert_element_type3A = arith.extui %lt3A_10 : i1 to i32
      %cond3A = arith.constant 0 : i32
      %cond3A_11 = arith.cmpi ne, %convert_element_type3A, %cond3A : i32
      scf.if %cond3A_11 {
        %mul3A_12 = arith.constant 128 : i32
        %mul3A_13 = arith.muli %add3A_9, %mul3A_12 : i32
        "tpu.region"() ({
          %run_scoped3A = tpu.sem_alloc : memref<!tpu.dma_semaphore, #tpu.memory_space<semaphore_mem>>
          %dma_start3A_24 = tpu.memref_slice %arg3[%mul3A_13] : memref<160000xi32, #tpu.memory_space<hbm>> -> memref<128xi32, #tpu.memory_space<hbm>>
          %dma_start3A_25 = tpu.memref_slice %arg3[%mul3A_13] : memref<160000xi32, #tpu.memory_space<hbm>> -> memref<128xi32, #tpu.memory_space<hbm>>
          tpu.enqueue_dma source(%dma_start3A_25 : memref<128xi32, #tpu.memory_space<hbm>>) target(%arg7 : memref<128xi32, #tpu.memory_space<vmem>>) target_semaphore(%run_scoped3A : memref<!tpu.dma_semaphore, #tpu.memory_space<semaphore_mem>>)
          %dma_wait3A_26 = tpu.memref_slice %arg3[%mul3A_13] : memref<160000xi32, #tpu.memory_space<hbm>> -> memref<128xi32, #tpu.memory_space<hbm>>
          %dma_wait3A_27 = tpu.memref_slice %arg3[%mul3A_13] : memref<160000xi32, #tpu.memory_space<hbm>> -> memref<128xi32, #tpu.memory_space<hbm>>
          tpu.wait_dma2 semaphore(%run_scoped3A : memref<!tpu.dma_semaphore, #tpu.memory_space<semaphore_mem>>) src(%dma_wait3A_27 : memref<128xi32, #tpu.memory_space<hbm>>) dst(%arg7 : memref<128xi32, #tpu.memory_space<vmem>>)
          tpu.yield
        }) : () -> ()
        "tpu.region"() ({
          %run_scoped3A = tpu.sem_alloc : memref<!tpu.dma_semaphore, #tpu.memory_space<semaphore_mem>>
          %dma_start3A_24 = tpu.memref_slice %arg4[%mul3A_13] : memref<160000xi32, #tpu.memory_space<hbm>> -> memref<128xi32, #tpu.memory_space<hbm>>
          %dma_start3A_25 = tpu.memref_slice %arg4[%mul3A_13] : memref<160000xi32, #tpu.memory_space<hbm>> -> memref<128xi32, #tpu.memory_space<hbm>>
          tpu.enqueue_dma source(%dma_start3A_25 : memref<128xi32, #tpu.memory_space<hbm>>) target(%arg8 : memref<128xi32, #tpu.memory_space<vmem>>) target_semaphore(%run_scoped3A : memref<!tpu.dma_semaphore, #tpu.memory_space<semaphore_mem>>)
          %dma_wait3A_26 = tpu.memref_slice %arg4[%mul3A_13] : memref<160000xi32, #tpu.memory_space<hbm>> -> memref<128xi32, #tpu.memory_space<hbm>>
          %dma_wait3A_27 = tpu.memref_slice %arg4[%mul3A_13] : memref<160000xi32, #tpu.memory_space<hbm>> -> memref<128xi32, #tpu.memory_space<hbm>>
          tpu.wait_dma2 semaphore(%run_scoped3A : memref<!tpu.dma_semaphore, #tpu.memory_space<semaphore_mem>>) src(%dma_wait3A_27 : memref<128xi32, #tpu.memory_space<hbm>>) dst(%arg8 : memref<128xi32, #tpu.memory_space<vmem>>)
          tpu.yield
        }) : () -> ()
        %dma_start3A = arith.constant 0 : i32
        %dma_start3A_14 = arith.constant 0 : i32
        %dma_start3A_15 = tpu.memref_slice %arg2[%dma_start3A, %dma_start3A_14] : memref<10000x128xf32, #tpu.memory_space<hbm>> -> memref<10000x128xf32, #tpu.memory_space<hbm>>
        tpu.enqueue_indirect_dma source(%dma_start3A_15 : memref<10000x128xf32, #tpu.memory_space<hbm>>) target(%arg9 : memref<128x128xf32, #tpu.memory_space<vmem>>) offsets(%arg7 : memref<128xi32, #tpu.memory_space<vmem>>) semaphore(%arg11 : memref<!tpu.dma_semaphore, #tpu.memory_space<semaphore_mem>>)
        %dma_start3A_16 = arith.constant 0 : i32
        %dma_start3A_17 = arith.constant 0 : i32
        %dma_start3A_18 = tpu.memref_slice %arg2[%dma_start3A_16, %dma_start3A_17] : memref<10000x128xf32, #tpu.memory_space<hbm>> -> memref<10000x128xf32, #tpu.memory_space<hbm>>
        tpu.enqueue_indirect_dma source(%dma_start3A_18 : memref<10000x128xf32, #tpu.memory_space<hbm>>) target(%arg10 : memref<128x128xf32, #tpu.memory_space<vmem>>) offsets(%arg8 : memref<128xi32, #tpu.memory_space<vmem>>) semaphore(%arg12 : memref<!tpu.dma_semaphore, #tpu.memory_space<semaphore_mem>>)
        %dma_wait3A = arith.constant 0 : i32
        %dma_wait3A_19 = arith.constant 0 : i32
        %dma_wait3A_20 = tpu.memref_slice %arg2[%dma_wait3A, %dma_wait3A_19] : memref<10000x128xf32, #tpu.memory_space<hbm>> -> memref<10000x128xf32, #tpu.memory_space<hbm>>
        tpu.wait_indirect_dma semaphore(%arg11 : memref<!tpu.dma_semaphore, #tpu.memory_space<semaphore_mem>>) src(%dma_wait3A_20 : memref<10000x128xf32, #tpu.memory_space<hbm>>) dst(%arg9 : memref<128x128xf32, #tpu.memory_space<vmem>>)
        %dma_wait3A_21 = arith.constant 0 : i32
        %dma_wait3A_22 = arith.constant 0 : i32
        %dma_wait3A_23 = tpu.memref_slice %arg2[%dma_wait3A_21, %dma_wait3A_22] : memref<10000x128xf32, #tpu.memory_space<hbm>> -> memref<10000x128xf32, #tpu.memory_space<hbm>>
        tpu.wait_indirect_dma semaphore(%arg12 : memref<!tpu.dma_semaphore, #tpu.memory_space<semaphore_mem>>) src(%dma_wait3A_23 : memref<10000x128xf32, #tpu.memory_space<hbm>>) dst(%arg10 : memref<128x128xf32, #tpu.memory_space<vmem>>)
        "tpu.region"() ({
          %run_scoped3A = tpu.sem_alloc : memref<!tpu.dma_semaphore, #tpu.memory_space<semaphore_mem>>
          %dma_start3A_24 = arith.constant 0 : i32
          %dma_start3A_25 = tpu.memref_slice %arg5[%mul3A_13, %dma_start3A_24] : memref<160000x128xf32, #tpu.memory_space<hbm>> -> memref<128x128xf32, #tpu.memory_space<hbm>>
          %dma_start3A_26 = arith.constant 0 : i32
          %dma_start3A_27 = tpu.memref_slice %arg5[%mul3A_13, %dma_start3A_26] : memref<160000x128xf32, #tpu.memory_space<hbm>> -> memref<128x128xf32, #tpu.memory_space<hbm>>
          tpu.enqueue_dma source(%arg9 : memref<128x128xf32, #tpu.memory_space<vmem>>) target(%dma_start3A_27 : memref<128x128xf32, #tpu.memory_space<hbm>>) target_semaphore(%run_scoped3A : memref<!tpu.dma_semaphore, #tpu.memory_space<semaphore_mem>>)
          %dma_wait3A_28 = arith.constant 0 : i32
          %dma_wait3A_29 = tpu.memref_slice %arg5[%mul3A_13, %dma_wait3A_28] : memref<160000x128xf32, #tpu.memory_space<hbm>> -> memref<128x128xf32, #tpu.memory_space<hbm>>
          %dma_wait3A_30 = arith.constant 0 : i32
          %dma_wait3A_31 = tpu.memref_slice %arg5[%mul3A_13, %dma_wait3A_30] : memref<160000x128xf32, #tpu.memory_space<hbm>> -> memref<128x128xf32, #tpu.memory_space<hbm>>
          tpu.wait_dma2 semaphore(%run_scoped3A : memref<!tpu.dma_semaphore, #tpu.memory_space<semaphore_mem>>) src(%arg9 : memref<128x128xf32, #tpu.memory_space<vmem>>) dst(%dma_wait3A_31 : memref<128x128xf32, #tpu.memory_space<hbm>>)
          tpu.yield
        }) : () -> ()
        "tpu.region"() ({
          %run_scoped3A = tpu.sem_alloc : memref<!tpu.dma_semaphore, #tpu.memory_space<semaphore_mem>>
          %dma_start3A_24 = arith.constant 0 : i32
          %dma_start3A_25 = tpu.memref_slice %arg6[%mul3A_13, %dma_start3A_24] : memref<160000x128xf32, #tpu.memory_space<hbm>> -> memref<128x128xf32, #tpu.memory_space<hbm>>
          %dma_start3A_26 = arith.constant 0 : i32
          %dma_start3A_27 = tpu.memref_slice %arg6[%mul3A_13, %dma_start3A_26] : memref<160000x128xf32, #tpu.memory_space<hbm>> -> memref<128x128xf32, #tpu.memory_space<hbm>>
          tpu.enqueue_dma source(%arg10 : memref<128x128xf32, #tpu.memory_space<vmem>>) target(%dma_start3A_27 : memref<128x128xf32, #tpu.memory_space<hbm>>) target_semaphore(%run_scoped3A : memref<!tpu.dma_semaphore, #tpu.memory_space<semaphore_mem>>)
          %dma_wait3A_28 = arith.constant 0 : i32
          %dma_wait3A_29 = tpu.memref_slice %arg6[%mul3A_13, %dma_wait3A_28] : memref<160000x128xf32, #tpu.memory_space<hbm>> -> memref<128x128xf32, #tpu.memory_space<hbm>>
          %dma_wait3A_30 = arith.constant 0 : i32
          %dma_wait3A_31 = tpu.memref_slice %arg6[%mul3A_13, %dma_wait3A_30] : memref<160000x128xf32, #tpu.memory_space<hbm>> -> memref<128x128xf32, #tpu.memory_space<hbm>>
          tpu.wait_dma2 semaphore(%run_scoped3A : memref<!tpu.dma_semaphore, #tpu.memory_space<semaphore_mem>>) src(%arg10 : memref<128x128xf32, #tpu.memory_space<vmem>>) dst(%dma_wait3A_31 : memref<128x128xf32, #tpu.memory_space<hbm>>)
          tpu.yield
        }) : () -> ()
      } else {
      }
    }
    %scan3A_5 = arith.constant 40 : i32
    return
  }
}

#map = affine_map<(d0, d1) -> (0, 0)>
#map1 = affine_map<(d0, d1) -> (0)>
#map2 = affine_map<(d0, d1) -> (0, 0, 0)>
module attributes {stable_mosaic.version = 14 : i64} {
  func.func @k(%arg0: i32, %arg1: i32, %arg2: memref<160000x128xf32, #tpu.memory_space<hbm>>, %arg3: memref<160000xi32, #tpu.memory_space<hbm>>, %arg4: memref<10000x128xf32, #tpu.memory_space<hbm>>, %arg5: memref<2x10000x128xf32, #tpu.memory_space<hbm>>, %arg6: memref<128xi32, #tpu.memory_space<vmem>>, %arg7: memref<128x128xf32, #tpu.memory_space<vmem>>, %arg8: memref<10000x128xf32, #tpu.memory_space<vmem_shared>>) attributes {dimension_semantics = [#tpu.dimension_semantics<core_parallel>, #tpu.dimension_semantics<subcore_parallel>], iteration_bounds = array<i64: 2, 16>, scalar_prefetch = 0 : i64, scratch_operands = 3 : i64, tpu.core_type = #tpu.core_type<sc_vector_subcore>, window_params = [{transform_indices = #map}, {transform_indices = #map1}, {transform_indices = #map}, {transform_indices = #map2}]} {
    %mul3A = arith.constant 2 : i32
    %mul3A_0 = arith.muli %arg1, %mul3A : i32
    %add3A = arith.addi %mul3A_0, %arg0 : i32
    %eq3A = arith.constant 0 : i32
    %eq3A_1 = arith.cmpi eq, %arg1, %eq3A : i32
    %convert_element_type3A = arith.extui %eq3A_1 : i1 to i32
    %cond3A = arith.constant 0 : i32
    %cond3A_2 = arith.cmpi ne, %convert_element_type3A, %cond3A : i32
    scf.if %cond3A_2 {
      "tpu.region"() ({
        %run_scoped3A = tpu.sem_alloc : memref<!tpu.dma_semaphore, #tpu.memory_space<semaphore_mem>>
        tpu.enqueue_dma source(%arg4 : memref<10000x128xf32, #tpu.memory_space<hbm>>) target(%arg8 : memref<10000x128xf32, #tpu.memory_space<vmem_shared>>) target_semaphore(%run_scoped3A : memref<!tpu.dma_semaphore, #tpu.memory_space<semaphore_mem>>)
        tpu.wait_dma2 semaphore(%run_scoped3A : memref<!tpu.dma_semaphore, #tpu.memory_space<semaphore_mem>>) src(%arg4 : memref<10000x128xf32, #tpu.memory_space<hbm>>) dst(%arg8 : memref<10000x128xf32, #tpu.memory_space<vmem_shared>>)
        tpu.yield
      }) : () -> ()
    } else {
    }
    %barrier3A = arith.constant 0 : index
    tpu.barrier barrier_id(%barrier3A)
    %scan3A = arith.constant 0 : i32
    %scan3A_3 = arith.constant 0 : i32
    %scan3A_4 = arith.constant 40 : i32
    %scan3A_5 = arith.addi %scan3A_3, %scan3A_4 : i32
    %scan3A_6 = arith.constant 1 : i32
    scf.for %scan3A_14 = %scan3A_3 to %scan3A_5 step %scan3A_6  : i32 {
      %mul3A_15 = arith.constant 32 : i32
      %mul3A_16 = arith.muli %mul3A_15, %scan3A_14 : i32
      %add3A_17 = arith.addi %add3A, %mul3A_16 : i32
      %lt3A = arith.constant 1250 : i32
      %lt3A_18 = arith.cmpi slt, %add3A_17, %lt3A : i32
      %convert_element_type3A_19 = arith.extui %lt3A_18 : i1 to i32
      %cond3A_20 = arith.constant 0 : i32
      %cond3A_21 = arith.cmpi ne, %convert_element_type3A_19, %cond3A_20 : i32
      scf.if %cond3A_21 {
        %mul3A_22 = arith.constant 128 : i32
        %mul3A_23 = arith.muli %add3A_17, %mul3A_22 : i32
        "tpu.region"() ({
          %run_scoped3A = tpu.sem_alloc : memref<!tpu.dma_semaphore, #tpu.memory_space<semaphore_mem>>
          %dma_start3A = tpu.memref_slice %arg3[%mul3A_23] : memref<160000xi32, #tpu.memory_space<hbm>> -> memref<128xi32, #tpu.memory_space<hbm>>
          %dma_start3A_24 = tpu.memref_slice %arg3[%mul3A_23] : memref<160000xi32, #tpu.memory_space<hbm>> -> memref<128xi32, #tpu.memory_space<hbm>>
          tpu.enqueue_dma source(%dma_start3A_24 : memref<128xi32, #tpu.memory_space<hbm>>) target(%arg6 : memref<128xi32, #tpu.memory_space<vmem>>) target_semaphore(%run_scoped3A : memref<!tpu.dma_semaphore, #tpu.memory_space<semaphore_mem>>)
          %dma_wait3A = tpu.memref_slice %arg3[%mul3A_23] : memref<160000xi32, #tpu.memory_space<hbm>> -> memref<128xi32, #tpu.memory_space<hbm>>
          %dma_wait3A_25 = tpu.memref_slice %arg3[%mul3A_23] : memref<160000xi32, #tpu.memory_space<hbm>> -> memref<128xi32, #tpu.memory_space<hbm>>
          tpu.wait_dma2 semaphore(%run_scoped3A : memref<!tpu.dma_semaphore, #tpu.memory_space<semaphore_mem>>) src(%dma_wait3A_25 : memref<128xi32, #tpu.memory_space<hbm>>) dst(%arg6 : memref<128xi32, #tpu.memory_space<vmem>>)
          tpu.yield
        }) : () -> ()
        "tpu.region"() ({
          %run_scoped3A = tpu.sem_alloc : memref<!tpu.dma_semaphore, #tpu.memory_space<semaphore_mem>>
          %dma_start3A = arith.constant 0 : i32
          %dma_start3A_24 = tpu.memref_slice %arg2[%mul3A_23, %dma_start3A] : memref<160000x128xf32, #tpu.memory_space<hbm>> -> memref<128x128xf32, #tpu.memory_space<hbm>>
          %dma_start3A_25 = arith.constant 0 : i32
          %dma_start3A_26 = tpu.memref_slice %arg2[%mul3A_23, %dma_start3A_25] : memref<160000x128xf32, #tpu.memory_space<hbm>> -> memref<128x128xf32, #tpu.memory_space<hbm>>
          tpu.enqueue_dma source(%dma_start3A_26 : memref<128x128xf32, #tpu.memory_space<hbm>>) target(%arg7 : memref<128x128xf32, #tpu.memory_space<vmem>>) target_semaphore(%run_scoped3A : memref<!tpu.dma_semaphore, #tpu.memory_space<semaphore_mem>>)
          %dma_wait3A = arith.constant 0 : i32
          %dma_wait3A_27 = tpu.memref_slice %arg2[%mul3A_23, %dma_wait3A] : memref<160000x128xf32, #tpu.memory_space<hbm>> -> memref<128x128xf32, #tpu.memory_space<hbm>>
          %dma_wait3A_28 = arith.constant 0 : i32
          %dma_wait3A_29 = tpu.memref_slice %arg2[%mul3A_23, %dma_wait3A_28] : memref<160000x128xf32, #tpu.memory_space<hbm>> -> memref<128x128xf32, #tpu.memory_space<hbm>>
          tpu.wait_dma2 semaphore(%run_scoped3A : memref<!tpu.dma_semaphore, #tpu.memory_space<semaphore_mem>>) src(%dma_wait3A_29 : memref<128x128xf32, #tpu.memory_space<hbm>>) dst(%arg7 : memref<128x128xf32, #tpu.memory_space<vmem>>)
          tpu.yield
        }) : () -> ()
        "tpu.region"() ({
          %run_scoped3A = tpu.sem_alloc : memref<!tpu.dma_semaphore, #tpu.memory_space<semaphore_mem>>
          %dma_start3A = arith.constant 0 : i32
          %dma_start3A_24 = arith.constant 0 : i32
          %dma_start3A_25 = tpu.memref_slice %arg8[%dma_start3A, %dma_start3A_24] : memref<10000x128xf32, #tpu.memory_space<vmem_shared>> -> memref<10000x128xf32, #tpu.memory_space<vmem_shared>>
          tpu.enqueue_indirect_dma source(%arg7 : memref<128x128xf32, #tpu.memory_space<vmem>>) target(%dma_start3A_25 : memref<10000x128xf32, #tpu.memory_space<vmem_shared>>) offsets(%arg6 : memref<128xi32, #tpu.memory_space<vmem>>) semaphore(%run_scoped3A : memref<!tpu.dma_semaphore, #tpu.memory_space<semaphore_mem>>) {add = true}
          %dma_wait3A = arith.constant 0 : i32
          %dma_wait3A_26 = arith.constant 0 : i32
          %dma_wait3A_27 = tpu.memref_slice %arg8[%dma_wait3A, %dma_wait3A_26] : memref<10000x128xf32, #tpu.memory_space<vmem_shared>> -> memref<10000x128xf32, #tpu.memory_space<vmem_shared>>
          tpu.wait_indirect_dma semaphore(%run_scoped3A : memref<!tpu.dma_semaphore, #tpu.memory_space<semaphore_mem>>) src(%arg7 : memref<128x128xf32, #tpu.memory_space<vmem>>) dst(%dma_wait3A_27 : memref<10000x128xf32, #tpu.memory_space<vmem_shared>>)
          tpu.yield
        }) : () -> ()
      } else {
      }
    }
    %scan3A_7 = arith.constant 40 : i32
    %barrier3A_8 = arith.constant 0 : index
    tpu.barrier barrier_id(%barrier3A_8)
    %eq3A_9 = arith.constant 0 : i32
    %eq3A_10 = arith.cmpi eq, %arg1, %eq3A_9 : i32
    %convert_element_type3A_11 = arith.extui %eq3A_10 : i1 to i32
    %cond3A_12 = arith.constant 0 : i32
    %cond3A_13 = arith.cmpi ne, %convert_element_type3A_11, %cond3A_12 : i32
    scf.if %cond3A_13 {
      "tpu.region"() ({
        %run_scoped3A = tpu.sem_alloc : memref<!tpu.dma_semaphore, #tpu.memory_space<semaphore_mem>>
        %dma_start3A = arith.constant 0 : i32
        %dma_start3A_14 = arith.constant 0 : i32
        %dma_start3A_15 = tpu.memref_slice %arg5[%arg0, %dma_start3A, %dma_start3A_14] : memref<2x10000x128xf32, #tpu.memory_space<hbm>> -> memref<1x10000x128xf32, #tpu.memory_space<hbm>>
        %dma_start3A_16 = tpu.memref_squeeze %dma_start3A_15 : memref<1x10000x128xf32, #tpu.memory_space<hbm>> -> memref<10000x128xf32, #tpu.memory_space<hbm>>
        tpu.enqueue_dma source(%arg8 : memref<10000x128xf32, #tpu.memory_space<vmem_shared>>) target(%dma_start3A_16 : memref<10000x128xf32, #tpu.memory_space<hbm>>) target_semaphore(%run_scoped3A : memref<!tpu.dma_semaphore, #tpu.memory_space<semaphore_mem>>)
        %dma_wait3A = arith.constant 0 : i32
        %dma_wait3A_17 = arith.constant 0 : i32
        %dma_wait3A_18 = tpu.memref_slice %arg5[%arg0, %dma_wait3A, %dma_wait3A_17] : memref<2x10000x128xf32, #tpu.memory_space<hbm>> -> memref<1x10000x128xf32, #tpu.memory_space<hbm>>
        %dma_wait3A_19 = tpu.memref_squeeze %dma_wait3A_18 : memref<1x10000x128xf32, #tpu.memory_space<hbm>> -> memref<10000x128xf32, #tpu.memory_space<hbm>>
        tpu.wait_dma2 semaphore(%run_scoped3A : memref<!tpu.dma_semaphore, #tpu.memory_space<semaphore_mem>>) src(%arg8 : memref<10000x128xf32, #tpu.memory_space<vmem_shared>>) dst(%dma_wait3A_19 : memref<10000x128xf32, #tpu.memory_space<hbm>>)
        tpu.yield
      }) : () -> ()
    } else {
    }
    return
  }
}

#map = affine_map<(d0, d1) -> (0, 0)>
#map1 = affine_map<(d0, d1) -> (0)>
module attributes {stable_mosaic.version = 14 : i64} {
  func.func @k(%arg0: i32, %arg1: i32, %arg2: memref<10000x128xf32, #tpu.memory_space<hbm>>, %arg3: memref<160000xi32, #tpu.memory_space<hbm>>, %arg4: memref<160000xi32, #tpu.memory_space<hbm>>, %arg5: memref<160000x128xf32, #tpu.memory_space<hbm>>, %arg6: memref<160000x128xf32, #tpu.memory_space<hbm>>, %arg7: memref<128xi32, #tpu.memory_space<vmem>>, %arg8: memref<128xi32, #tpu.memory_space<vmem>>, %arg9: memref<128x128xf32, #tpu.memory_space<vmem>>, %arg10: memref<128x128xf32, #tpu.memory_space<vmem>>, %arg11: memref<!tpu.dma_semaphore, #tpu.memory_space<semaphore_mem>>, %arg12: memref<!tpu.dma_semaphore, #tpu.memory_space<semaphore_mem>>) attributes {dimension_semantics = [#tpu.dimension_semantics<core_parallel>, #tpu.dimension_semantics<subcore_parallel>], iteration_bounds = array<i64: 2, 16>, scalar_prefetch = 0 : i64, scratch_operands = 6 : i64, tpu.core_type = #tpu.core_type<sc_vector_subcore>, window_params = [{transform_indices = #map}, {transform_indices = #map1}, {transform_indices = #map1}, {transform_indices = #map}, {transform_indices = #map}]} {
    %mul3A = arith.constant 2 : i32
    %mul3A_0 = arith.muli %arg1, %mul3A : i32
    %add3A = arith.addi %mul3A_0, %arg0 : i32
    %scan3A = arith.constant 0 : i32
    %scan3A_1 = arith.constant 0 : i32
    %scan3A_2 = arith.constant 40 : i32
    %scan3A_3 = arith.addi %scan3A_1, %scan3A_2 : i32
    %scan3A_4 = arith.constant 1 : i32
    scf.for %scan3A_6 = %scan3A_1 to %scan3A_3 step %scan3A_4  : i32 {
      %mul3A_7 = arith.constant 32 : i32
      %mul3A_8 = arith.muli %mul3A_7, %scan3A_6 : i32
      %add3A_9 = arith.addi %add3A, %mul3A_8 : i32
      %lt3A = arith.constant 1250 : i32
      %lt3A_10 = arith.cmpi slt, %add3A_9, %lt3A : i32
      %convert_element_type3A = arith.extui %lt3A_10 : i1 to i32
      %cond3A = arith.constant 0 : i32
      %cond3A_11 = arith.cmpi ne, %convert_element_type3A, %cond3A : i32
      scf.if %cond3A_11 {
        %mul3A_12 = arith.constant 128 : i32
        %mul3A_13 = arith.muli %add3A_9, %mul3A_12 : i32
        "tpu.region"() ({
          %run_scoped3A = tpu.sem_alloc : memref<!tpu.dma_semaphore, #tpu.memory_space<semaphore_mem>>
          %dma_start3A_24 = tpu.memref_slice %arg3[%mul3A_13] : memref<160000xi32, #tpu.memory_space<hbm>> -> memref<128xi32, #tpu.memory_space<hbm>>
          %dma_start3A_25 = tpu.memref_slice %arg3[%mul3A_13] : memref<160000xi32, #tpu.memory_space<hbm>> -> memref<128xi32, #tpu.memory_space<hbm>>
          tpu.enqueue_dma source(%dma_start3A_25 : memref<128xi32, #tpu.memory_space<hbm>>) target(%arg7 : memref<128xi32, #tpu.memory_space<vmem>>) target_semaphore(%run_scoped3A : memref<!tpu.dma_semaphore, #tpu.memory_space<semaphore_mem>>)
          %dma_wait3A_26 = tpu.memref_slice %arg3[%mul3A_13] : memref<160000xi32, #tpu.memory_space<hbm>> -> memref<128xi32, #tpu.memory_space<hbm>>
          %dma_wait3A_27 = tpu.memref_slice %arg3[%mul3A_13] : memref<160000xi32, #tpu.memory_space<hbm>> -> memref<128xi32, #tpu.memory_space<hbm>>
          tpu.wait_dma2 semaphore(%run_scoped3A : memref<!tpu.dma_semaphore, #tpu.memory_space<semaphore_mem>>) src(%dma_wait3A_27 : memref<128xi32, #tpu.memory_space<hbm>>) dst(%arg7 : memref<128xi32, #tpu.memory_space<vmem>>)
          tpu.yield
        }) : () -> ()
        "tpu.region"() ({
          %run_scoped3A = tpu.sem_alloc : memref<!tpu.dma_semaphore, #tpu.memory_space<semaphore_mem>>
          %dma_start3A_24 = tpu.memref_slice %arg4[%mul3A_13] : memref<160000xi32, #tpu.memory_space<hbm>> -> memref<128xi32, #tpu.memory_space<hbm>>
          %dma_start3A_25 = tpu.memref_slice %arg4[%mul3A_13] : memref<160000xi32, #tpu.memory_space<hbm>> -> memref<128xi32, #tpu.memory_space<hbm>>
          tpu.enqueue_dma source(%dma_start3A_25 : memref<128xi32, #tpu.memory_space<hbm>>) target(%arg8 : memref<128xi32, #tpu.memory_space<vmem>>) target_semaphore(%run_scoped3A : memref<!tpu.dma_semaphore, #tpu.memory_space<semaphore_mem>>)
          %dma_wait3A_26 = tpu.memref_slice %arg4[%mul3A_13] : memref<160000xi32, #tpu.memory_space<hbm>> -> memref<128xi32, #tpu.memory_space<hbm>>
          %dma_wait3A_27 = tpu.memref_slice %arg4[%mul3A_13] : memref<160000xi32, #tpu.memory_space<hbm>> -> memref<128xi32, #tpu.memory_space<hbm>>
          tpu.wait_dma2 semaphore(%run_scoped3A : memref<!tpu.dma_semaphore, #tpu.memory_space<semaphore_mem>>) src(%dma_wait3A_27 : memref<128xi32, #tpu.memory_space<hbm>>) dst(%arg8 : memref<128xi32, #tpu.memory_space<vmem>>)
          tpu.yield
        }) : () -> ()
        %dma_start3A = arith.constant 0 : i32
        %dma_start3A_14 = arith.constant 0 : i32
        %dma_start3A_15 = tpu.memref_slice %arg2[%dma_start3A, %dma_start3A_14] : memref<10000x128xf32, #tpu.memory_space<hbm>> -> memref<10000x128xf32, #tpu.memory_space<hbm>>
        tpu.enqueue_indirect_dma source(%dma_start3A_15 : memref<10000x128xf32, #tpu.memory_space<hbm>>) target(%arg9 : memref<128x128xf32, #tpu.memory_space<vmem>>) offsets(%arg7 : memref<128xi32, #tpu.memory_space<vmem>>) semaphore(%arg11 : memref<!tpu.dma_semaphore, #tpu.memory_space<semaphore_mem>>)
        %dma_start3A_16 = arith.constant 0 : i32
        %dma_start3A_17 = arith.constant 0 : i32
        %dma_start3A_18 = tpu.memref_slice %arg2[%dma_start3A_16, %dma_start3A_17] : memref<10000x128xf32, #tpu.memory_space<hbm>> -> memref<10000x128xf32, #tpu.memory_space<hbm>>
        tpu.enqueue_indirect_dma source(%dma_start3A_18 : memref<10000x128xf32, #tpu.memory_space<hbm>>) target(%arg10 : memref<128x128xf32, #tpu.memory_space<vmem>>) offsets(%arg8 : memref<128xi32, #tpu.memory_space<vmem>>) semaphore(%arg12 : memref<!tpu.dma_semaphore, #tpu.memory_space<semaphore_mem>>)
        %dma_wait3A = arith.constant 0 : i32
        %dma_wait3A_19 = arith.constant 0 : i32
        %dma_wait3A_20 = tpu.memref_slice %arg2[%dma_wait3A, %dma_wait3A_19] : memref<10000x128xf32, #tpu.memory_space<hbm>> -> memref<10000x128xf32, #tpu.memory_space<hbm>>
        tpu.wait_indirect_dma semaphore(%arg11 : memref<!tpu.dma_semaphore, #tpu.memory_space<semaphore_mem>>) src(%dma_wait3A_20 : memref<10000x128xf32, #tpu.memory_space<hbm>>) dst(%arg9 : memref<128x128xf32, #tpu.memory_space<vmem>>)
        %dma_wait3A_21 = arith.constant 0 : i32
        %dma_wait3A_22 = arith.constant 0 : i32
        %dma_wait3A_23 = tpu.memref_slice %arg2[%dma_wait3A_21, %dma_wait3A_22] : memref<10000x128xf32, #tpu.memory_space<hbm>> -> memref<10000x128xf32, #tpu.memory_space<hbm>>
        tpu.wait_indirect_dma semaphore(%arg12 : memref<!tpu.dma_semaphore, #tpu.memory_space<semaphore_mem>>) src(%dma_wait3A_23 : memref<10000x128xf32, #tpu.memory_space<hbm>>) dst(%arg10 : memref<128x128xf32, #tpu.memory_space<vmem>>)
        "tpu.region"() ({
          %run_scoped3A = tpu.sem_alloc : memref<!tpu.dma_semaphore, #tpu.memory_space<semaphore_mem>>
          %dma_start3A_24 = arith.constant 0 : i32
          %dma_start3A_25 = tpu.memref_slice %arg5[%mul3A_13, %dma_start3A_24] : memref<160000x128xf32, #tpu.memory_space<hbm>> -> memref<128x128xf32, #tpu.memory_space<hbm>>
          %dma_start3A_26 = arith.constant 0 : i32
          %dma_start3A_27 = tpu.memref_slice %arg5[%mul3A_13, %dma_start3A_26] : memref<160000x128xf32, #tpu.memory_space<hbm>> -> memref<128x128xf32, #tpu.memory_space<hbm>>
          tpu.enqueue_dma source(%arg9 : memref<128x128xf32, #tpu.memory_space<vmem>>) target(%dma_start3A_27 : memref<128x128xf32, #tpu.memory_space<hbm>>) target_semaphore(%run_scoped3A : memref<!tpu.dma_semaphore, #tpu.memory_space<semaphore_mem>>)
          %dma_wait3A_28 = arith.constant 0 : i32
          %dma_wait3A_29 = tpu.memref_slice %arg5[%mul3A_13, %dma_wait3A_28] : memref<160000x128xf32, #tpu.memory_space<hbm>> -> memref<128x128xf32, #tpu.memory_space<hbm>>
          %dma_wait3A_30 = arith.constant 0 : i32
          %dma_wait3A_31 = tpu.memref_slice %arg5[%mul3A_13, %dma_wait3A_30] : memref<160000x128xf32, #tpu.memory_space<hbm>> -> memref<128x128xf32, #tpu.memory_space<hbm>>
          tpu.wait_dma2 semaphore(%run_scoped3A : memref<!tpu.dma_semaphore, #tpu.memory_space<semaphore_mem>>) src(%arg9 : memref<128x128xf32, #tpu.memory_space<vmem>>) dst(%dma_wait3A_31 : memref<128x128xf32, #tpu.memory_space<hbm>>)
          tpu.yield
        }) : () -> ()
        "tpu.region"() ({
          %run_scoped3A = tpu.sem_alloc : memref<!tpu.dma_semaphore, #tpu.memory_space<semaphore_mem>>
          %dma_start3A_24 = arith.constant 0 : i32
          %dma_start3A_25 = tpu.memref_slice %arg6[%mul3A_13, %dma_start3A_24] : memref<160000x128xf32, #tpu.memory_space<hbm>> -> memref<128x128xf32, #tpu.memory_space<hbm>>
          %dma_start3A_26 = arith.constant 0 : i32
          %dma_start3A_27 = tpu.memref_slice %arg6[%mul3A_13, %dma_start3A_26] : memref<160000x128xf32, #tpu.memory_space<hbm>> -> memref<128x128xf32, #tpu.memory_space<hbm>>
          tpu.enqueue_dma source(%arg10 : memref<128x128xf32, #tpu.memory_space<vmem>>) target(%dma_start3A_27 : memref<128x128xf32, #tpu.memory_space<hbm>>) target_semaphore(%run_scoped3A : memref<!tpu.dma_semaphore, #tpu.memory_space<semaphore_mem>>)
          %dma_wait3A_28 = arith.constant 0 : i32
          %dma_wait3A_29 = tpu.memref_slice %arg6[%mul3A_13, %dma_wait3A_28] : memref<160000x128xf32, #tpu.memory_space<hbm>> -> memref<128x128xf32, #tpu.memory_space<hbm>>
          %dma_wait3A_30 = arith.constant 0 : i32
          %dma_wait3A_31 = tpu.memref_slice %arg6[%mul3A_13, %dma_wait3A_30] : memref<160000x128xf32, #tpu.memory_space<hbm>> -> memref<128x128xf32, #tpu.memory_space<hbm>>
          tpu.wait_dma2 semaphore(%run_scoped3A : memref<!tpu.dma_semaphore, #tpu.memory_space<semaphore_mem>>) src(%arg10 : memref<128x128xf32, #tpu.memory_space<vmem>>) dst(%dma_wait3A_31 : memref<128x128xf32, #tpu.memory_space<hbm>>)
          tpu.yield
        }) : () -> ()
      } else {
      }
    }
    %scan3A_5 = arith.constant 40 : i32
    return
  }
}

#map = affine_map<(d0, d1) -> (0, 0)>
#map1 = affine_map<(d0, d1) -> (0)>
#map2 = affine_map<(d0, d1) -> (0, 0, 0)>
module attributes {stable_mosaic.version = 14 : i64} {
  func.func @k(%arg0: i32, %arg1: i32, %arg2: memref<160000x128xf32, #tpu.memory_space<hbm>>, %arg3: memref<160000xi32, #tpu.memory_space<hbm>>, %arg4: memref<10000x128xf32, #tpu.memory_space<hbm>>, %arg5: memref<2x10000x128xf32, #tpu.memory_space<hbm>>, %arg6: memref<128xi32, #tpu.memory_space<vmem>>, %arg7: memref<128x128xf32, #tpu.memory_space<vmem>>, %arg8: memref<10000x128xf32, #tpu.memory_space<vmem_shared>>) attributes {dimension_semantics = [#tpu.dimension_semantics<core_parallel>, #tpu.dimension_semantics<subcore_parallel>], iteration_bounds = array<i64: 2, 16>, scalar_prefetch = 0 : i64, scratch_operands = 3 : i64, tpu.core_type = #tpu.core_type<sc_vector_subcore>, window_params = [{transform_indices = #map}, {transform_indices = #map1}, {transform_indices = #map}, {transform_indices = #map2}]} {
    %mul3A = arith.constant 2 : i32
    %mul3A_0 = arith.muli %arg1, %mul3A : i32
    %add3A = arith.addi %mul3A_0, %arg0 : i32
    %eq3A = arith.constant 0 : i32
    %eq3A_1 = arith.cmpi eq, %arg1, %eq3A : i32
    %convert_element_type3A = arith.extui %eq3A_1 : i1 to i32
    %cond3A = arith.constant 0 : i32
    %cond3A_2 = arith.cmpi ne, %convert_element_type3A, %cond3A : i32
    scf.if %cond3A_2 {
      "tpu.region"() ({
        %run_scoped3A = tpu.sem_alloc : memref<!tpu.dma_semaphore, #tpu.memory_space<semaphore_mem>>
        tpu.enqueue_dma source(%arg4 : memref<10000x128xf32, #tpu.memory_space<hbm>>) target(%arg8 : memref<10000x128xf32, #tpu.memory_space<vmem_shared>>) target_semaphore(%run_scoped3A : memref<!tpu.dma_semaphore, #tpu.memory_space<semaphore_mem>>)
        tpu.wait_dma2 semaphore(%run_scoped3A : memref<!tpu.dma_semaphore, #tpu.memory_space<semaphore_mem>>) src(%arg4 : memref<10000x128xf32, #tpu.memory_space<hbm>>) dst(%arg8 : memref<10000x128xf32, #tpu.memory_space<vmem_shared>>)
        tpu.yield
      }) : () -> ()
    } else {
    }
    %barrier3A = arith.constant 0 : index
    tpu.barrier barrier_id(%barrier3A)
    %scan3A = arith.constant 0 : i32
    %scan3A_3 = arith.constant 0 : i32
    %scan3A_4 = arith.constant 40 : i32
    %scan3A_5 = arith.addi %scan3A_3, %scan3A_4 : i32
    %scan3A_6 = arith.constant 1 : i32
    scf.for %scan3A_14 = %scan3A_3 to %scan3A_5 step %scan3A_6  : i32 {
      %mul3A_15 = arith.constant 32 : i32
      %mul3A_16 = arith.muli %mul3A_15, %scan3A_14 : i32
      %add3A_17 = arith.addi %add3A, %mul3A_16 : i32
      %lt3A = arith.constant 1250 : i32
      %lt3A_18 = arith.cmpi slt, %add3A_17, %lt3A : i32
      %convert_element_type3A_19 = arith.extui %lt3A_18 : i1 to i32
      %cond3A_20 = arith.constant 0 : i32
      %cond3A_21 = arith.cmpi ne, %convert_element_type3A_19, %cond3A_20 : i32
      scf.if %cond3A_21 {
        %mul3A_22 = arith.constant 128 : i32
        %mul3A_23 = arith.muli %add3A_17, %mul3A_22 : i32
        "tpu.region"() ({
          %run_scoped3A = tpu.sem_alloc : memref<!tpu.dma_semaphore, #tpu.memory_space<semaphore_mem>>
          %dma_start3A = tpu.memref_slice %arg3[%mul3A_23] : memref<160000xi32, #tpu.memory_space<hbm>> -> memref<128xi32, #tpu.memory_space<hbm>>
          %dma_start3A_24 = tpu.memref_slice %arg3[%mul3A_23] : memref<160000xi32, #tpu.memory_space<hbm>> -> memref<128xi32, #tpu.memory_space<hbm>>
          tpu.enqueue_dma source(%dma_start3A_24 : memref<128xi32, #tpu.memory_space<hbm>>) target(%arg6 : memref<128xi32, #tpu.memory_space<vmem>>) target_semaphore(%run_scoped3A : memref<!tpu.dma_semaphore, #tpu.memory_space<semaphore_mem>>)
          %dma_wait3A = tpu.memref_slice %arg3[%mul3A_23] : memref<160000xi32, #tpu.memory_space<hbm>> -> memref<128xi32, #tpu.memory_space<hbm>>
          %dma_wait3A_25 = tpu.memref_slice %arg3[%mul3A_23] : memref<160000xi32, #tpu.memory_space<hbm>> -> memref<128xi32, #tpu.memory_space<hbm>>
          tpu.wait_dma2 semaphore(%run_scoped3A : memref<!tpu.dma_semaphore, #tpu.memory_space<semaphore_mem>>) src(%dma_wait3A_25 : memref<128xi32, #tpu.memory_space<hbm>>) dst(%arg6 : memref<128xi32, #tpu.memory_space<vmem>>)
          tpu.yield
        }) : () -> ()
        "tpu.region"() ({
          %run_scoped3A = tpu.sem_alloc : memref<!tpu.dma_semaphore, #tpu.memory_space<semaphore_mem>>
          %dma_start3A = arith.constant 0 : i32
          %dma_start3A_24 = tpu.memref_slice %arg2[%mul3A_23, %dma_start3A] : memref<160000x128xf32, #tpu.memory_space<hbm>> -> memref<128x128xf32, #tpu.memory_space<hbm>>
          %dma_start3A_25 = arith.constant 0 : i32
          %dma_start3A_26 = tpu.memref_slice %arg2[%mul3A_23, %dma_start3A_25] : memref<160000x128xf32, #tpu.memory_space<hbm>> -> memref<128x128xf32, #tpu.memory_space<hbm>>
          tpu.enqueue_dma source(%dma_start3A_26 : memref<128x128xf32, #tpu.memory_space<hbm>>) target(%arg7 : memref<128x128xf32, #tpu.memory_space<vmem>>) target_semaphore(%run_scoped3A : memref<!tpu.dma_semaphore, #tpu.memory_space<semaphore_mem>>)
          %dma_wait3A = arith.constant 0 : i32
          %dma_wait3A_27 = tpu.memref_slice %arg2[%mul3A_23, %dma_wait3A] : memref<160000x128xf32, #tpu.memory_space<hbm>> -> memref<128x128xf32, #tpu.memory_space<hbm>>
          %dma_wait3A_28 = arith.constant 0 : i32
          %dma_wait3A_29 = tpu.memref_slice %arg2[%mul3A_23, %dma_wait3A_28] : memref<160000x128xf32, #tpu.memory_space<hbm>> -> memref<128x128xf32, #tpu.memory_space<hbm>>
          tpu.wait_dma2 semaphore(%run_scoped3A : memref<!tpu.dma_semaphore, #tpu.memory_space<semaphore_mem>>) src(%dma_wait3A_29 : memref<128x128xf32, #tpu.memory_space<hbm>>) dst(%arg7 : memref<128x128xf32, #tpu.memory_space<vmem>>)
          tpu.yield
        }) : () -> ()
        "tpu.region"() ({
          %run_scoped3A = tpu.sem_alloc : memref<!tpu.dma_semaphore, #tpu.memory_space<semaphore_mem>>
          %dma_start3A = arith.constant 0 : i32
          %dma_start3A_24 = arith.constant 0 : i32
          %dma_start3A_25 = tpu.memref_slice %arg8[%dma_start3A, %dma_start3A_24] : memref<10000x128xf32, #tpu.memory_space<vmem_shared>> -> memref<10000x128xf32, #tpu.memory_space<vmem_shared>>
          tpu.enqueue_indirect_dma source(%arg7 : memref<128x128xf32, #tpu.memory_space<vmem>>) target(%dma_start3A_25 : memref<10000x128xf32, #tpu.memory_space<vmem_shared>>) offsets(%arg6 : memref<128xi32, #tpu.memory_space<vmem>>) semaphore(%run_scoped3A : memref<!tpu.dma_semaphore, #tpu.memory_space<semaphore_mem>>) {add = true}
          %dma_wait3A = arith.constant 0 : i32
          %dma_wait3A_26 = arith.constant 0 : i32
          %dma_wait3A_27 = tpu.memref_slice %arg8[%dma_wait3A, %dma_wait3A_26] : memref<10000x128xf32, #tpu.memory_space<vmem_shared>> -> memref<10000x128xf32, #tpu.memory_space<vmem_shared>>
          tpu.wait_indirect_dma semaphore(%run_scoped3A : memref<!tpu.dma_semaphore, #tpu.memory_space<semaphore_mem>>) src(%arg7 : memref<128x128xf32, #tpu.memory_space<vmem>>) dst(%dma_wait3A_27 : memref<10000x128xf32, #tpu.memory_space<vmem_shared>>)
          tpu.yield
        }) : () -> ()
      } else {
      }
    }
    %scan3A_7 = arith.constant 40 : i32
    %barrier3A_8 = arith.constant 0 : index
    tpu.barrier barrier_id(%barrier3A_8)
    %eq3A_9 = arith.constant 0 : i32
    %eq3A_10 = arith.cmpi eq, %arg1, %eq3A_9 : i32
    %convert_element_type3A_11 = arith.extui %eq3A_10 : i1 to i32
    %cond3A_12 = arith.constant 0 : i32
    %cond3A_13 = arith.cmpi ne, %convert_element_type3A_11, %cond3A_12 : i32
    scf.if %cond3A_13 {
      "tpu.region"() ({
        %run_scoped3A = tpu.sem_alloc : memref<!tpu.dma_semaphore, #tpu.memory_space<semaphore_mem>>
        %dma_start3A = arith.constant 0 : i32
        %dma_start3A_14 = arith.constant 0 : i32
        %dma_start3A_15 = tpu.memref_slice %arg5[%arg0, %dma_start3A, %dma_start3A_14] : memref<2x10000x128xf32, #tpu.memory_space<hbm>> -> memref<1x10000x128xf32, #tpu.memory_space<hbm>>
        %dma_start3A_16 = tpu.memref_squeeze %dma_start3A_15 : memref<1x10000x128xf32, #tpu.memory_space<hbm>> -> memref<10000x128xf32, #tpu.memory_space<hbm>>
        tpu.enqueue_dma source(%arg8 : memref<10000x128xf32, #tpu.memory_space<vmem_shared>>) target(%dma_start3A_16 : memref<10000x128xf32, #tpu.memory_space<hbm>>) target_semaphore(%run_scoped3A : memref<!tpu.dma_semaphore, #tpu.memory_space<semaphore_mem>>)
        %dma_wait3A = arith.constant 0 : i32
        %dma_wait3A_17 = arith.constant 0 : i32
        %dma_wait3A_18 = tpu.memref_slice %arg5[%arg0, %dma_wait3A, %dma_wait3A_17] : memref<2x10000x128xf32, #tpu.memory_space<hbm>> -> memref<1x10000x128xf32, #tpu.memory_space<hbm>>
        %dma_wait3A_19 = tpu.memref_squeeze %dma_wait3A_18 : memref<1x10000x128xf32, #tpu.memory_space<hbm>> -> memref<10000x128xf32, #tpu.memory_space<hbm>>
        tpu.wait_dma2 semaphore(%run_scoped3A : memref<!tpu.dma_semaphore, #tpu.memory_space<semaphore_mem>>) src(%arg8 : memref<10000x128xf32, #tpu.memory_space<vmem_shared>>) dst(%dma_wait3A_19 : memref<10000x128xf32, #tpu.memory_space<hbm>>)
        tpu.yield
      }) : () -> ()
    } else {
    }
    return
  }
}

module attributes {stable_mosaic.version = 14 : i64} {
  func.func @_colsum_kernel(%arg0: i32, %arg1: memref<8000x16xf32, #tpu.memory_space<vmem>>, %arg2: memref<1x16xf32, #tpu.memory_space<vmem>>) attributes {dimension_semantics = [#tpu.dimension_semantics<arbitrary>], iteration_bounds = array<i64: 20>, scalar_prefetch = 0 : i64, scratch_operands = 0 : i64, tpu.core_type = #tpu.core_type<tc>, window_params = [{transform_indices = @transform_0, window_bounds = array<i64: 8000, 16>}, {pipeline_mode = #tpu.pipeline_mode<synchronous>, transform_indices = @transform_1, window_bounds = array<i64: 1, 16>}]} {
    %eq3A = arith.constant 0 : i32
    %eq3A_0 = arith.cmpi eq, %arg0, %eq3A : i32
    %convert_element_type3A = arith.extui %eq3A_0 : i1 to i32
    %cond3A = arith.constant 0 : i32
    %cond3A_1 = arith.cmpi ne, %convert_element_type3A, %cond3A : i32
    scf.if %cond3A_1 {
      %broadcast_in_dim3A_10 = arith.constant 0.000000e+00 : f32
      %broadcast_in_dim3A_11 = vector.broadcast %broadcast_in_dim3A_10 : f32 to vector<1x16xf32>
      %swap3A_12 = arith.constant 0 : index
      %swap3A_13 = arith.constant 0 : index
      %swap3A_14 = vector.load %arg2[%swap3A_12, %swap3A_13] : memref<1x16xf32, #tpu.memory_space<vmem>>, vector<1x16xf32>
      tpu.vector_store %arg2[%swap3A_12, %swap3A_13], %broadcast_in_dim3A_11 {strides = array<i32>} : memref<1x16xf32, #tpu.memory_space<vmem>>, vector<1x16xf32>,
    } else {
    }
    %get3A = arith.constant 0 : index
    %get3A_2 = arith.constant 0 : index
    %get3A_3 = vector.load %arg2[%get3A, %get3A_2] : memref<1x16xf32, #tpu.memory_space<vmem>>, vector<1x16xf32>
    %get3A_4 = arith.constant 0 : index
    %get3A_5 = arith.constant 0 : index
    %get3A_6 = vector.load %arg1[%get3A_4, %get3A_5] : memref<8000x16xf32, #tpu.memory_space<vmem>>, vector<8000x16xf32>
    %reduce_sum3A = arith.constant dense<0.000000e+00> : vector<16xf32>
    %reduce_sum3A_7 = vector.multi_reduction <add>, %get3A_6, %reduce_sum3A [0] : vector<8000x16xf32> to vector<16xf32>
    %broadcast_in_dim3A = vector.shape_cast %reduce_sum3A_7 : vector<16xf32> to vector<1x16xf32>
    %add3A = arith.addf %get3A_3, %broadcast_in_dim3A : vector<1x16xf32>
    %swap3A = arith.constant 0 : index
    %swap3A_8 = arith.constant 0 : index
    %swap3A_9 = vector.load %arg2[%swap3A, %swap3A_8] : memref<1x16xf32, #tpu.memory_space<vmem>>, vector<1x16xf32>
    tpu.vector_store %arg2[%swap3A, %swap3A_8], %add3A {strides = array<i32>} : memref<1x16xf32, #tpu.memory_space<vmem>>, vector<1x16xf32>,
    return
  }
  func.func @transform_0(%arg0: i32) -> (i32, i32) {
    %c0_i32 = arith.constant 0 : i32
    %c0_i32_0 = arith.constant 0 : i32
    return %arg0, %c0_i32 : i32, i32
  }
  func.func @transform_1(%arg0: i32) -> (i32, i32) {
    %c0_i32 = arith.constant 0 : i32
    %c0_i32_0 = arith.constant 0 : i32
    %c0_i32_1 = arith.constant 0 : i32
    return %c0_i32, %c0_i32_0 : i32, i32
  }
}

module attributes {stable_mosaic.version = 14 : i64} {
  func.func @_colvar_kernel(%arg0: i32, %arg1: memref<8000x16xf32, #tpu.memory_space<vmem>>, %arg2: memref<1x16xf32, #tpu.memory_space<vmem>>, %arg3: memref<1x16xf32, #tpu.memory_space<vmem>>) attributes {dimension_semantics = [#tpu.dimension_semantics<arbitrary>], iteration_bounds = array<i64: 20>, scalar_prefetch = 0 : i64, scratch_operands = 0 : i64, tpu.core_type = #tpu.core_type<tc>, window_params = [{transform_indices = @transform_0, window_bounds = array<i64: 8000, 16>}, {pipeline_mode = #tpu.pipeline_mode<synchronous>, transform_indices = @transform_1, window_bounds = array<i64: 1, 16>}, {pipeline_mode = #tpu.pipeline_mode<synchronous>, transform_indices = @transform_2, window_bounds = array<i64: 1, 16>}]} {
    %eq3A = arith.constant 0 : i32
    %eq3A_0 = arith.cmpi eq, %arg0, %eq3A : i32
    %convert_element_type3A = arith.extui %eq3A_0 : i1 to i32
    %cond3A = arith.constant 0 : i32
    %cond3A_1 = arith.cmpi ne, %convert_element_type3A, %cond3A : i32
    scf.if %cond3A_1 {
      %broadcast_in_dim3A_14 = arith.constant 0.000000e+00 : f32
      %broadcast_in_dim3A_15 = vector.broadcast %broadcast_in_dim3A_14 : f32 to vector<1x16xf32>
      %swap3A_16 = arith.constant 0 : index
      %swap3A_17 = arith.constant 0 : index
      %swap3A_18 = vector.load %arg3[%swap3A_16, %swap3A_17] : memref<1x16xf32, #tpu.memory_space<vmem>>, vector<1x16xf32>
      tpu.vector_store %arg3[%swap3A_16, %swap3A_17], %broadcast_in_dim3A_15 {strides = array<i32>} : memref<1x16xf32, #tpu.memory_space<vmem>>, vector<1x16xf32>,
    } else {
    }
    %get3A = arith.constant 0 : index
    %get3A_2 = arith.constant 0 : index
    %get3A_3 = vector.load %arg1[%get3A, %get3A_2] : memref<8000x16xf32, #tpu.memory_space<vmem>>, vector<8000x16xf32>
    %get3A_4 = arith.constant 0 : index
    %get3A_5 = arith.constant 0 : index
    %get3A_6 = vector.load %arg2[%get3A_4, %get3A_5] : memref<1x16xf32, #tpu.memory_space<vmem>>, vector<1x16xf32>
    %sub3A = vector.broadcast %get3A_6 : vector<1x16xf32> to vector<8000x16xf32>
    %sub3A_7 = arith.subf %get3A_3, %sub3A : vector<8000x16xf32>
    %get3A_8 = arith.constant 0 : index
    %get3A_9 = arith.constant 0 : index
    %get3A_10 = vector.load %arg3[%get3A_8, %get3A_9] : memref<1x16xf32, #tpu.memory_space<vmem>>, vector<1x16xf32>
    %mul3A = arith.mulf %sub3A_7, %sub3A_7 : vector<8000x16xf32>
    %reduce_sum3A = arith.constant dense<0.000000e+00> : vector<16xf32>
    %reduce_sum3A_11 = vector.multi_reduction <add>, %mul3A, %reduce_sum3A [0] : vector<8000x16xf32> to vector<16xf32>
    %broadcast_in_dim3A = vector.shape_cast %reduce_sum3A_11 : vector<16xf32> to vector<1x16xf32>
    %add3A = arith.addf %get3A_10, %broadcast_in_dim3A : vector<1x16xf32>
    %swap3A = arith.constant 0 : index
    %swap3A_12 = arith.constant 0 : index
    %swap3A_13 = vector.load %arg3[%swap3A, %swap3A_12] : memref<1x16xf32, #tpu.memory_space<vmem>>, vector<1x16xf32>
    tpu.vector_store %arg3[%swap3A, %swap3A_12], %add3A {strides = array<i32>} : memref<1x16xf32, #tpu.memory_space<vmem>>, vector<1x16xf32>,
    return
  }
  func.func @transform_0(%arg0: i32) -> (i32, i32) {
    %c0_i32 = arith.constant 0 : i32
    %c0_i32_0 = arith.constant 0 : i32
    return %arg0, %c0_i32 : i32, i32
  }
  func.func @transform_1(%arg0: i32) -> (i32, i32) {
    %c0_i32 = arith.constant 0 : i32
    %c0_i32_0 = arith.constant 0 : i32
    %c0_i32_1 = arith.constant 0 : i32
    return %c0_i32, %c0_i32_0 : i32, i32
  }
  func.func @transform_2(%arg0: i32) -> (i32, i32) {
    %c0_i32 = arith.constant 0 : i32
    %c0_i32_0 = arith.constant 0 : i32
    %c0_i32_1 = arith.constant 0 : i32
    return %c0_i32, %c0_i32_0 : i32, i32
  }
}

module attributes {stable_mosaic.version = 14 : i64} {
  func.func @_wstats_kernel(%arg0: memref<10000x128xf32, #tpu.memory_space<vmem>>, %arg1: memref<10000x1xf32, #tpu.memory_space<vmem>>, %arg2: memref<10000x1xf32, #tpu.memory_space<vmem>>, %arg3: memref<4x128xf32, #tpu.memory_space<vmem>>) attributes {dimension_semantics = [], scalar_prefetch = 0 : i64, scratch_operands = 0 : i64, tpu.core_type = #tpu.core_type<tc>} {
    %get3A = arith.constant 0 : index
    %get3A_0 = arith.constant 0 : index
    %get3A_1 = vector.load %arg0[%get3A, %get3A_0] : memref<10000x128xf32, #tpu.memory_space<vmem>>, vector<10000x128xf32>
    %get3A_2 = arith.constant 0 : index
    %get3A_3 = arith.constant 0 : index
    %get3A_4 = vector.load %arg1[%get3A_2, %get3A_3] : memref<10000x1xf32, #tpu.memory_space<vmem>>, vector<10000x1xf32>
    %get3A_5 = arith.constant 0 : index
    %get3A_6 = arith.constant 0 : index
    %get3A_7 = vector.load %arg2[%get3A_5, %get3A_6] : memref<10000x1xf32, #tpu.memory_space<vmem>>, vector<10000x1xf32>
    %mul3A = vector.broadcast %get3A_4 : vector<10000x1xf32> to vector<10000x128xf32>
    %mul3A_8 = arith.mulf %mul3A, %get3A_1 : vector<10000x128xf32>
    %reduce_sum3A = arith.constant dense<0.000000e+00> : vector<128xf32>
    %reduce_sum3A_9 = vector.multi_reduction <add>, %mul3A_8, %reduce_sum3A [0] : vector<10000x128xf32> to vector<128xf32>
    %broadcast_in_dim3A = vector.shape_cast %reduce_sum3A_9 : vector<128xf32> to vector<1x128xf32>
    %mul3A_10 = arith.constant 6.250000e-06 : f32
    %mul3A_11 = vector.broadcast %mul3A_10 : f32 to vector<1x128xf32>
    %mul3A_12 = arith.mulf %broadcast_in_dim3A, %mul3A_11 : vector<1x128xf32>
    %sub3A = vector.broadcast %mul3A_12 : vector<1x128xf32> to vector<10000x128xf32>
    %sub3A_13 = arith.subf %get3A_1, %sub3A : vector<10000x128xf32>
    %mul3A_14 = vector.broadcast %get3A_4 : vector<10000x1xf32> to vector<10000x128xf32>
    %mul3A_15 = arith.mulf %mul3A_14, %sub3A_13 : vector<10000x128xf32>
    %mul3A_16 = arith.mulf %mul3A_15, %sub3A_13 : vector<10000x128xf32>
    %reduce_sum3A_17 = arith.constant dense<0.000000e+00> : vector<128xf32>
    %reduce_sum3A_18 = vector.multi_reduction <add>, %mul3A_16, %reduce_sum3A_17 [0] : vector<10000x128xf32> to vector<128xf32>
    %broadcast_in_dim3A_19 = vector.shape_cast %reduce_sum3A_18 : vector<128xf32> to vector<1x128xf32>
    %mul3A_20 = vector.broadcast %get3A_7 : vector<10000x1xf32> to vector<10000x128xf32>
    %mul3A_21 = arith.mulf %mul3A_20, %get3A_1 : vector<10000x128xf32>
    %reduce_sum3A_22 = arith.constant dense<0.000000e+00> : vector<128xf32>
    %reduce_sum3A_23 = vector.multi_reduction <add>, %mul3A_21, %reduce_sum3A_22 [0] : vector<10000x128xf32> to vector<128xf32>
    %broadcast_in_dim3A_24 = vector.shape_cast %reduce_sum3A_23 : vector<128xf32> to vector<1x128xf32>
    %mul3A_25 = arith.constant 6.250000e-06 : f32
    %mul3A_26 = vector.broadcast %mul3A_25 : f32 to vector<1x128xf32>
    %mul3A_27 = arith.mulf %broadcast_in_dim3A_24, %mul3A_26 : vector<1x128xf32>
    %sub3A_28 = vector.broadcast %mul3A_27 : vector<1x128xf32> to vector<10000x128xf32>
    %sub3A_29 = arith.subf %get3A_1, %sub3A_28 : vector<10000x128xf32>
    %mul3A_30 = vector.broadcast %get3A_7 : vector<10000x1xf32> to vector<10000x128xf32>
    %mul3A_31 = arith.mulf %mul3A_30, %sub3A_29 : vector<10000x128xf32>
    %mul3A_32 = arith.mulf %mul3A_31, %sub3A_29 : vector<10000x128xf32>
    %reduce_sum3A_33 = arith.constant dense<0.000000e+00> : vector<128xf32>
    %reduce_sum3A_34 = vector.multi_reduction <add>, %mul3A_32, %reduce_sum3A_33 [0] : vector<10000x128xf32> to vector<128xf32>
    %broadcast_in_dim3A_35 = vector.shape_cast %reduce_sum3A_34 : vector<128xf32> to vector<1x128xf32>
    %concatenate3A = tpu.concatenate %mul3A_12, %broadcast_in_dim3A_19, %mul3A_27, %broadcast_in_dim3A_35 in 0 : vector<1x128xf32>, vector<1x128xf32>, vector<1x128xf32>, vector<1x128xf32> -> vector<4x128xf32>
    %swap3A = arith.constant 0 : index
    %swap3A_36 = arith.constant 0 : index
    %swap3A_37 = vector.load %arg3[%swap3A, %swap3A_36] : memref<4x128xf32, #tpu.memory_space<vmem>>, vector<4x128xf32>
    tpu.vector_store %arg3[%swap3A, %swap3A_36], %concatenate3A {strides = array<i32>} : memref<4x128xf32, #tpu.memory_space<vmem>>, vector<4x128xf32>,
    return
  }
}

module attributes {stable_mosaic.version = 14 : i64} {
  func.func @_edge_kernel(%arg0: i32, %arg1: memref<2000x16xf32, #tpu.memory_space<vmem>>, %arg2: memref<2000x128xf32, #tpu.memory_space<vmem>>, %arg3: memref<2000x128xf32, #tpu.memory_space<vmem>>, %arg4: memref<1x16xf32, #tpu.memory_space<vmem>>, %arg5: memref<1x128xf32, #tpu.memory_space<vmem>>, %arg6: memref<1x128xf32, #tpu.memory_space<vmem>>, %arg7: memref<1x16xf32, #tpu.memory_space<vmem>>, %arg8: memref<1x128xf32, #tpu.memory_space<vmem>>, %arg9: memref<1x128xf32, #tpu.memory_space<vmem>>, %arg10: memref<1x16xf32, #tpu.memory_space<vmem>>, %arg11: memref<1x128xf32, #tpu.memory_space<vmem>>, %arg12: memref<1x128xf32, #tpu.memory_space<vmem>>, %arg13: memref<1x16xf32, #tpu.memory_space<vmem>>, %arg14: memref<16x256xf32, #tpu.memory_space<vmem>>, %arg15: memref<128x256xf32, #tpu.memory_space<vmem>>, %arg16: memref<128x256xf32, #tpu.memory_space<vmem>>, %arg17: memref<16x256xf32, #tpu.memory_space<vmem>>, %arg18: memref<1x256xf32, #tpu.memory_space<vmem>>, %arg19: memref<256x128xf32, #tpu.memory_space<vmem>>, %arg20: memref<1x128xf32, #tpu.memory_space<vmem>>, %arg21: memref<128x32xf32, #tpu.memory_space<vmem>>, %arg22: memref<1x32xf32, #tpu.memory_space<vmem>>, %arg23: memref<2000x32xf32, #tpu.memory_space<vmem>>, %arg24: memref<2000x128xf32, #tpu.memory_space<vmem>>, %arg25: memref<1x32xf32, #tpu.memory_space<vmem>>, %arg26: memref<1x32xf32, #tpu.memory_space<vmem>>) attributes {dimension_semantics = [#tpu.dimension_semantics<arbitrary>], iteration_bounds = array<i64: 80>, scalar_prefetch = 0 : i64, scratch_operands = 0 : i64, tpu.core_type = #tpu.core_type<tc>, window_params = [{transform_indices = @transform_0, window_bounds = array<i64: 2000, 16>}, {transform_indices = @transform_1, window_bounds = array<i64: 2000, 128>}, {transform_indices = @transform_2, window_bounds = array<i64: 2000, 128>}, {pipeline_mode = #tpu.pipeline_mode<synchronous>, transform_indices = @transform_3, window_bounds = array<i64: 1, 16>}, {pipeline_mode = #tpu.pipeline_mode<synchronous>, transform_indices = @transform_4, window_bounds = array<i64: 1, 128>}, {pipeline_mode = #tpu.pipeline_mode<synchronous>, transform_indices = @transform_5, window_bounds = array<i64: 1, 128>}, {pipeline_mode = #tpu.pipeline_mode<synchronous>, transform_indices = @transform_6, window_bounds = array<i64: 1, 16>}, {pipeline_mode = #tpu.pipeline_mode<synchronous>, transform_indices = @transform_7, window_bounds = array<i64: 1, 128>}, {pipeline_mode = #tpu.pipeline_mode<synchronous>, transform_indices = @transform_8, window_bounds = array<i64: 1, 128>}, {pipeline_mode = #tpu.pipeline_mode<synchronous>, transform_indices = @transform_9, window_bounds = array<i64: 1, 16>}, {pipeline_mode = #tpu.pipeline_mode<synchronous>, transform_indices = @transform_10, window_bounds = array<i64: 1, 128>}, {pipeline_mode = #tpu.pipeline_mode<synchronous>, transform_indices = @transform_11, window_bounds = array<i64: 1, 128>}, {pipeline_mode = #tpu.pipeline_mode<synchronous>, transform_indices = @transform_12, window_bounds = array<i64: 1, 16>}, {pipeline_mode = #tpu.pipeline_mode<synchronous>, transform_indices = @transform_13, window_bounds = array<i64: 16, 256>}, {pipeline_mode = #tpu.pipeline_mode<synchronous>, transform_indices = @transform_14, window_bounds = array<i64: 128, 256>}, {pipeline_mode = #tpu.pipeline_mode<synchronous>, transform_indices = @transform_15, window_bounds = array<i64: 128, 256>}, {pipeline_mode = #tpu.pipeline_mode<synchronous>, transform_indices = @transform_16, window_bounds = array<i64: 16, 256>}, {pipeline_mode = #tpu.pipeline_mode<synchronous>, transform_indices = @transform_17, window_bounds = array<i64: 1, 256>}, {pipeline_mode = #tpu.pipeline_mode<synchronous>, transform_indices = @transform_18, window_bounds = array<i64: 256, 128>}, {pipeline_mode = #tpu.pipeline_mode<synchronous>, transform_indices = @transform_19, window_bounds = array<i64: 1, 128>}, {pipeline_mode = #tpu.pipeline_mode<synchronous>, transform_indices = @transform_20, window_bounds = array<i64: 128, 32>}, {pipeline_mode = #tpu.pipeline_mode<synchronous>, transform_indices = @transform_21, window_bounds = array<i64: 1, 32>}, {transform_indices = @transform_22, window_bounds = array<i64: 2000, 32>}, {transform_indices = @transform_23, window_bounds = array<i64: 2000, 128>}, {pipeline_mode = #tpu.pipeline_mode<synchronous>, transform_indices = @transform_24, window_bounds = array<i64: 1, 32>}, {pipeline_mode = #tpu.pipeline_mode<synchronous>, transform_indices = @transform_25, window_bounds = array<i64: 1, 32>}]} {
    %get3A = arith.constant 0 : index
    %get3A_0 = arith.constant 0 : index
    %get3A_1 = vector.load %arg13[%get3A, %get3A_0] : memref<1x16xf32, #tpu.memory_space<vmem>>, vector<1x16xf32>
    %get3A_2 = arith.constant 0 : index
    %get3A_3 = arith.constant 0 : index
    %get3A_4 = vector.load %arg17[%get3A_2, %get3A_3] : memref<16x256xf32, #tpu.memory_space<vmem>>, vector<16x256xf32>
    %dot_general3A = arith.constant dense<0.000000e+00> : vector<1x256xf32>
    %dot_general3A_5 = tpu.matmul %get3A_1, %get3A_4, %dot_general3A {dimension_numbers = #tpu.dot_dimension_numbers<[1], [0], [0], [1], [0, 0, 1, 1], [], []>, transpose_lhs_hint = false} : vector<1x16xf32>, vector<16x256xf32>, vector<1x256xf32> -> vector<1x256xf32>
    %get3A_6 = arith.constant 0 : index
    %get3A_7 = arith.constant 0 : index
    %get3A_8 = vector.load %arg18[%get3A_6, %get3A_7] : memref<1x256xf32, #tpu.memory_space<vmem>>, vector<1x256xf32>
    %add3A = arith.addf %dot_general3A_5, %get3A_8 : vector<1x256xf32>
    %get3A_9 = arith.constant 0 : index
    %get3A_10 = arith.constant 0 : index
    %get3A_11 = vector.load %arg1[%get3A_9, %get3A_10] : memref<2000x16xf32, #tpu.memory_space<vmem>>, vector<2000x16xf32>
    %get3A_12 = arith.constant 0 : index
    %get3A_13 = arith.constant 0 : index
    %get3A_14 = vector.load %arg2[%get3A_12, %get3A_13] : memref<2000x128xf32, #tpu.memory_space<vmem>>, vector<2000x128xf32>
    %get3A_15 = arith.constant 0 : index
    %get3A_16 = arith.constant 0 : index
    %get3A_17 = vector.load %arg3[%get3A_15, %get3A_16] : memref<2000x128xf32, #tpu.memory_space<vmem>>, vector<2000x128xf32>
    %get3A_18 = arith.constant 0 : index
    %get3A_19 = arith.constant 0 : index
    %get3A_20 = vector.load %arg7[%get3A_18, %get3A_19] : memref<1x16xf32, #tpu.memory_space<vmem>>, vector<1x16xf32>
    %sub3A = vector.broadcast %get3A_20 : vector<1x16xf32> to vector<2000x16xf32>
    %sub3A_21 = arith.subf %get3A_11, %sub3A : vector<2000x16xf32>
    %get3A_22 = arith.constant 0 : index
    %get3A_23 = arith.constant 0 : index
    %get3A_24 = vector.load %arg4[%get3A_22, %get3A_23] : memref<1x16xf32, #tpu.memory_space<vmem>>, vector<1x16xf32>
    %mul3A = vector.broadcast %get3A_24 : vector<1x16xf32> to vector<2000x16xf32>
    %mul3A_25 = arith.mulf %sub3A_21, %mul3A : vector<2000x16xf32>
    %get3A_26 = arith.constant 0 : index
    %get3A_27 = arith.constant 0 : index
    %get3A_28 = vector.load %arg10[%get3A_26, %get3A_27] : memref<1x16xf32, #tpu.memory_space<vmem>>, vector<1x16xf32>
    %add3A_29 = vector.broadcast %get3A_28 : vector<1x16xf32> to vector<2000x16xf32>
    %add3A_30 = arith.addf %mul3A_25, %add3A_29 : vector<2000x16xf32>
    %get3A_31 = arith.constant 0 : index
    %get3A_32 = arith.constant 0 : index
    %get3A_33 = vector.load %arg14[%get3A_31, %get3A_32] : memref<16x256xf32, #tpu.memory_space<vmem>>, vector<16x256xf32>
    %dot_general3A_34 = arith.constant dense<0.000000e+00> : vector<2000x256xf32>
    %dot_general3A_35 = tpu.matmul %add3A_30, %get3A_33, %dot_general3A_34 {dimension_numbers = #tpu.dot_dimension_numbers<[1], [0], [0], [1], [0, 0, 1, 1], [], []>, transpose_lhs_hint = false} : vector<2000x16xf32>, vector<16x256xf32>, vector<2000x256xf32> -> vector<2000x256xf32>
    %get3A_36 = arith.constant 0 : index
    %get3A_37 = arith.constant 0 : index
    %get3A_38 = vector.load %arg8[%get3A_36, %get3A_37] : memref<1x128xf32, #tpu.memory_space<vmem>>, vector<1x128xf32>
    %sub3A_39 = vector.broadcast %get3A_38 : vector<1x128xf32> to vector<2000x128xf32>
    %sub3A_40 = arith.subf %get3A_14, %sub3A_39 : vector<2000x128xf32>
    %get3A_41 = arith.constant 0 : index
    %get3A_42 = arith.constant 0 : index
    %get3A_43 = vector.load %arg5[%get3A_41, %get3A_42] : memref<1x128xf32, #tpu.memory_space<vmem>>, vector<1x128xf32>
    %mul3A_44 = vector.broadcast %get3A_43 : vector<1x128xf32> to vector<2000x128xf32>
    %mul3A_45 = arith.mulf %sub3A_40, %mul3A_44 : vector<2000x128xf32>
    %get3A_46 = arith.constant 0 : index
    %get3A_47 = arith.constant 0 : index
    %get3A_48 = vector.load %arg11[%get3A_46, %get3A_47] : memref<1x128xf32, #tpu.memory_space<vmem>>, vector<1x128xf32>
    %add3A_49 = vector.broadcast %get3A_48 : vector<1x128xf32> to vector<2000x128xf32>
    %add3A_50 = arith.addf %mul3A_45, %add3A_49 : vector<2000x128xf32>
    %get3A_51 = arith.constant 0 : index
    %get3A_52 = arith.constant 0 : index
    %get3A_53 = vector.load %arg15[%get3A_51, %get3A_52] : memref<128x256xf32, #tpu.memory_space<vmem>>, vector<128x256xf32>
    %dot_general3A_54 = arith.constant dense<0.000000e+00> : vector<2000x256xf32>
    %dot_general3A_55 = tpu.matmul %add3A_50, %get3A_53, %dot_general3A_54 {dimension_numbers = #tpu.dot_dimension_numbers<[1], [0], [0], [1], [0, 0, 1, 1], [], []>, transpose_lhs_hint = false} : vector<2000x128xf32>, vector<128x256xf32>, vector<2000x256xf32> -> vector<2000x256xf32>
    %add3A_56 = arith.addf %dot_general3A_35, %dot_general3A_55 : vector<2000x256xf32>
    %get3A_57 = arith.constant 0 : index
    %get3A_58 = arith.constant 0 : index
    %get3A_59 = vector.load %arg9[%get3A_57, %get3A_58] : memref<1x128xf32, #tpu.memory_space<vmem>>, vector<1x128xf32>
    %sub3A_60 = vector.broadcast %get3A_59 : vector<1x128xf32> to vector<2000x128xf32>
    %sub3A_61 = arith.subf %get3A_17, %sub3A_60 : vector<2000x128xf32>
    %get3A_62 = arith.constant 0 : index
    %get3A_63 = arith.constant 0 : index
    %get3A_64 = vector.load %arg6[%get3A_62, %get3A_63] : memref<1x128xf32, #tpu.memory_space<vmem>>, vector<1x128xf32>
    %mul3A_65 = vector.broadcast %get3A_64 : vector<1x128xf32> to vector<2000x128xf32>
    %mul3A_66 = arith.mulf %sub3A_61, %mul3A_65 : vector<2000x128xf32>
    %get3A_67 = arith.constant 0 : index
    %get3A_68 = arith.constant 0 : index
    %get3A_69 = vector.load %arg12[%get3A_67, %get3A_68] : memref<1x128xf32, #tpu.memory_space<vmem>>, vector<1x128xf32>
    %add3A_70 = vector.broadcast %get3A_69 : vector<1x128xf32> to vector<2000x128xf32>
    %add3A_71 = arith.addf %mul3A_66, %add3A_70 : vector<2000x128xf32>
    %get3A_72 = arith.constant 0 : index
    %get3A_73 = arith.constant 0 : index
    %get3A_74 = vector.load %arg16[%get3A_72, %get3A_73] : memref<128x256xf32, #tpu.memory_space<vmem>>, vector<128x256xf32>
    %dot_general3A_75 = arith.constant dense<0.000000e+00> : vector<2000x256xf32>
    %dot_general3A_76 = tpu.matmul %add3A_71, %get3A_74, %dot_general3A_75 {dimension_numbers = #tpu.dot_dimension_numbers<[1], [0], [0], [1], [0, 0, 1, 1], [], []>, transpose_lhs_hint = false} : vector<2000x128xf32>, vector<128x256xf32>, vector<2000x256xf32> -> vector<2000x256xf32>
    %add3A_77 = arith.addf %add3A_56, %dot_general3A_76 : vector<2000x256xf32>
    %add3A_78 = vector.broadcast %add3A : vector<1x256xf32> to vector<2000x256xf32>
    %add3A_79 = arith.addf %add3A_77, %add3A_78 : vector<2000x256xf32>
    %max3A = arith.constant 0.000000e+00 : f32
    %max3A_80 = vector.broadcast %max3A : f32 to vector<2000x256xf32>
    %max3A_81 = arith.maximumf %add3A_79, %max3A_80 : vector<2000x256xf32>
    %get3A_82 = arith.constant 0 : index
    %get3A_83 = arith.constant 0 : index
    %get3A_84 = vector.load %arg19[%get3A_82, %get3A_83] : memref<256x128xf32, #tpu.memory_space<vmem>>, vector<256x128xf32>
    %dot_general3A_85 = arith.constant dense<0.000000e+00> : vector<2000x128xf32>
    %dot_general3A_86 = tpu.matmul %max3A_81, %get3A_84, %dot_general3A_85 {dimension_numbers = #tpu.dot_dimension_numbers<[1], [0], [0], [1], [0, 0, 1, 1], [], []>, transpose_lhs_hint = false} : vector<2000x256xf32>, vector<256x128xf32>, vector<2000x128xf32> -> vector<2000x128xf32>
    %get3A_87 = arith.constant 0 : index
    %get3A_88 = arith.constant 0 : index
    %get3A_89 = vector.load %arg20[%get3A_87, %get3A_88] : memref<1x128xf32, #tpu.memory_space<vmem>>, vector<1x128xf32>
    %add3A_90 = vector.broadcast %get3A_89 : vector<1x128xf32> to vector<2000x128xf32>
    %add3A_91 = arith.addf %dot_general3A_86, %add3A_90 : vector<2000x128xf32>
    %max3A_92 = arith.constant 0.000000e+00 : f32
    %max3A_93 = vector.broadcast %max3A_92 : f32 to vector<2000x128xf32>
    %max3A_94 = arith.maximumf %add3A_91, %max3A_93 : vector<2000x128xf32>
    %get3A_95 = arith.constant 0 : index
    %get3A_96 = arith.constant 0 : index
    %get3A_97 = vector.load %arg21[%get3A_95, %get3A_96] : memref<128x32xf32, #tpu.memory_space<vmem>>, vector<128x32xf32>
    %dot_general3A_98 = arith.constant dense<0.000000e+00> : vector<2000x32xf32>
    %dot_general3A_99 = tpu.matmul %max3A_94, %get3A_97, %dot_general3A_98 {dimension_numbers = #tpu.dot_dimension_numbers<[1], [0], [0], [1], [0, 0, 1, 1], [], []>, transpose_lhs_hint = false} : vector<2000x128xf32>, vector<128x32xf32>, vector<2000x32xf32> -> vector<2000x32xf32>
    %get3A_100 = arith.constant 0 : index
    %get3A_101 = arith.constant 0 : index
    %get3A_102 = vector.load %arg22[%get3A_100, %get3A_101] : memref<1x32xf32, #tpu.memory_space<vmem>>, vector<1x32xf32>
    %add3A_103 = vector.broadcast %get3A_102 : vector<1x32xf32> to vector<2000x32xf32>
    %add3A_104 = arith.addf %dot_general3A_99, %add3A_103 : vector<2000x32xf32>
    %max3A_105 = arith.constant 0.000000e+00 : f32
    %max3A_106 = vector.broadcast %max3A_105 : f32 to vector<2000x32xf32>
    %max3A_107 = arith.maximumf %add3A_104, %max3A_106 : vector<2000x32xf32>
    %jit3A = arith.constant 0 : i32
    %convert_element_type3A = arith.sitofp %jit3A : i32 to f32
    %pad3A = vector.broadcast %convert_element_type3A : f32 to vector<2000x96xf32>
    %pad3A_108 = tpu.concatenate %max3A_107, %pad3A in 1 : vector<2000x32xf32>, vector<2000x96xf32> -> vector<2000x128xf32>
    %swap3A = arith.constant 0 : index
    %swap3A_109 = arith.constant 0 : index
    %swap3A_110 = vector.load %arg24[%swap3A, %swap3A_109] : memref<2000x128xf32, #tpu.memory_space<vmem>>, vector<2000x128xf32>
    tpu.vector_store %arg24[%swap3A, %swap3A_109], %pad3A_108 {strides = array<i32>} : memref<2000x128xf32, #tpu.memory_space<vmem>>, vector<2000x128xf32>,
    %swap3A_111 = arith.constant 0 : index
    %swap3A_112 = arith.constant 0 : index
    %swap3A_113 = vector.load %arg23[%swap3A_111, %swap3A_112] : memref<2000x32xf32, #tpu.memory_space<vmem>>, vector<2000x32xf32>
    tpu.vector_store %arg23[%swap3A_111, %swap3A_112], %max3A_107 {strides = array<i32>} : memref<2000x32xf32, #tpu.memory_space<vmem>>, vector<2000x32xf32>,
    %eq3A = arith.constant 0 : i32
    %eq3A_114 = arith.cmpi eq, %arg0, %eq3A : i32
    %convert_element_type3A_115 = arith.extui %eq3A_114 : i1 to i32
    %cond3A = arith.constant 0 : i32
    %cond3A_116 = arith.cmpi ne, %convert_element_type3A_115, %cond3A : i32
    scf.if %cond3A_116 {
      %broadcast_in_dim3A_138 = arith.constant 0.000000e+00 : f32
      %broadcast_in_dim3A_139 = vector.broadcast %broadcast_in_dim3A_138 : f32 to vector<1x32xf32>
      %swap3A_140 = arith.constant 0 : index
      %swap3A_141 = arith.constant 0 : index
      %swap3A_142 = vector.load %arg25[%swap3A_140, %swap3A_141] : memref<1x32xf32, #tpu.memory_space<vmem>>, vector<1x32xf32>
      tpu.vector_store %arg25[%swap3A_140, %swap3A_141], %broadcast_in_dim3A_139 {strides = array<i32>} : memref<1x32xf32, #tpu.memory_space<vmem>>, vector<1x32xf32>,
      %broadcast_in_dim3A_143 = arith.constant 0.000000e+00 : f32
      %broadcast_in_dim3A_144 = vector.broadcast %broadcast_in_dim3A_143 : f32 to vector<1x32xf32>
      %swap3A_145 = arith.constant 0 : index
      %swap3A_146 = arith.constant 0 : index
      %swap3A_147 = vector.load %arg26[%swap3A_145, %swap3A_146] : memref<1x32xf32, #tpu.memory_space<vmem>>, vector<1x32xf32>
      tpu.vector_store %arg26[%swap3A_145, %swap3A_146], %broadcast_in_dim3A_144 {strides = array<i32>} : memref<1x32xf32, #tpu.memory_space<vmem>>, vector<1x32xf32>,
    } else {
    }
    %get3A_117 = arith.constant 0 : index
    %get3A_118 = arith.constant 0 : index
    %get3A_119 = vector.load %arg25[%get3A_117, %get3A_118] : memref<1x32xf32, #tpu.memory_space<vmem>>, vector<1x32xf32>
    %reduce_sum3A = arith.constant dense<0.000000e+00> : vector<32xf32>
    %reduce_sum3A_120 = vector.multi_reduction <add>, %max3A_107, %reduce_sum3A [0] : vector<2000x32xf32> to vector<32xf32>
    %broadcast_in_dim3A = vector.shape_cast %reduce_sum3A_120 : vector<32xf32> to vector<1x32xf32>
    %add3A_121 = arith.addf %get3A_119, %broadcast_in_dim3A : vector<1x32xf32>
    %swap3A_122 = arith.constant 0 : index
    %swap3A_123 = arith.constant 0 : index
    %swap3A_124 = vector.load %arg25[%swap3A_122, %swap3A_123] : memref<1x32xf32, #tpu.memory_space<vmem>>, vector<1x32xf32>
    tpu.vector_store %arg25[%swap3A_122, %swap3A_123], %add3A_121 {strides = array<i32>} : memref<1x32xf32, #tpu.memory_space<vmem>>, vector<1x32xf32>,
    %get3A_125 = arith.constant 0 : index
    %get3A_126 = arith.constant 0 : index
    %get3A_127 = vector.load %arg26[%get3A_125, %get3A_126] : memref<1x32xf32, #tpu.memory_space<vmem>>, vector<1x32xf32>
    %get3A_128 = arith.constant 0 : index
    %get3A_129 = arith.constant 0 : index
    %get3A_130 = vector.load %arg24[%get3A_128, %get3A_129] : memref<2000x128xf32, #tpu.memory_space<vmem>>, vector<2000x128xf32>
    %slice3A = vector.extract_strided_slice %get3A_130 {offsets = [0, 0], sizes = [2000, 32], strides = [1, 1]} : vector<2000x128xf32> to vector<2000x32xf32>
    %reduce_sum3A_131 = arith.constant dense<0.000000e+00> : vector<32xf32>
    %reduce_sum3A_132 = vector.multi_reduction <add>, %slice3A, %reduce_sum3A_131 [0] : vector<2000x32xf32> to vector<32xf32>
    %broadcast_in_dim3A_133 = vector.shape_cast %reduce_sum3A_132 : vector<32xf32> to vector<1x32xf32>
    %add3A_134 = arith.addf %get3A_127, %broadcast_in_dim3A_133 : vector<1x32xf32>
    %swap3A_135 = arith.constant 0 : index
    %swap3A_136 = arith.constant 0 : index
    %swap3A_137 = vector.load %arg26[%swap3A_135, %swap3A_136] : memref<1x32xf32, #tpu.memory_space<vmem>>, vector<1x32xf32>
    tpu.vector_store %arg26[%swap3A_135, %swap3A_136], %add3A_134 {strides = array<i32>} : memref<1x32xf32, #tpu.memory_space<vmem>>, vector<1x32xf32>,
    return
  }
  func.func @transform_0(%arg0: i32) -> (i32, i32) {
    %c0_i32 = arith.constant 0 : i32
    %c0_i32_0 = arith.constant 0 : i32
    return %arg0, %c0_i32 : i32, i32
  }
  func.func @transform_1(%arg0: i32) -> (i32, i32) {
    %c0_i32 = arith.constant 0 : i32
    %c0_i32_0 = arith.constant 0 : i32
    return %arg0, %c0_i32 : i32, i32
  }
  func.func @transform_2(%arg0: i32) -> (i32, i32) {
    %c0_i32 = arith.constant 0 : i32
    %c0_i32_0 = arith.constant 0 : i32
    return %arg0, %c0_i32 : i32, i32
  }
  func.func @transform_3(%arg0: i32) -> (i32, i32) {
    %c0_i32 = arith.constant 0 : i32
    %c0_i32_0 = arith.constant 0 : i32
    %c0_i32_1 = arith.constant 0 : i32
    return %c0_i32, %c0_i32_0 : i32, i32
  }
  func.func @transform_4(%arg0: i32) -> (i32, i32) {
    %c0_i32 = arith.constant 0 : i32
    %c0_i32_0 = arith.constant 0 : i32
    %c0_i32_1 = arith.constant 0 : i32
    return %c0_i32, %c0_i32_0 : i32, i32
  }
  func.func @transform_5(%arg0: i32) -> (i32, i32) {
    %c0_i32 = arith.constant 0 : i32
    %c0_i32_0 = arith.constant 0 : i32
    %c0_i32_1 = arith.constant 0 : i32
    return %c0_i32, %c0_i32_0 : i32, i32
  }
  func.func @transform_6(%arg0: i32) -> (i32, i32) {
    %c0_i32 = arith.constant 0 : i32
    %c0_i32_0 = arith.constant 0 : i32
    %c0_i32_1 = arith.constant 0 : i32
    return %c0_i32, %c0_i32_0 : i32, i32
  }
  func.func @transform_7(%arg0: i32) -> (i32, i32) {
    %c0_i32 = arith.constant 0 : i32
    %c0_i32_0 = arith.constant 0 : i32
    %c0_i32_1 = arith.constant 0 : i32
    return %c0_i32, %c0_i32_0 : i32, i32
  }
  func.func @transform_8(%arg0: i32) -> (i32, i32) {
    %c0_i32 = arith.constant 0 : i32
    %c0_i32_0 = arith.constant 0 : i32
    %c0_i32_1 = arith.constant 0 : i32
    return %c0_i32, %c0_i32_0 : i32, i32
  }
  func.func @transform_9(%arg0: i32) -> (i32, i32) {
    %c0_i32 = arith.constant 0 : i32
    %c0_i32_0 = arith.constant 0 : i32
    %c0_i32_1 = arith.constant 0 : i32
    return %c0_i32, %c0_i32_0 : i32, i32
  }
  func.func @transform_10(%arg0: i32) -> (i32, i32) {
    %c0_i32 = arith.constant 0 : i32
    %c0_i32_0 = arith.constant 0 : i32
    %c0_i32_1 = arith.constant 0 : i32
    return %c0_i32, %c0_i32_0 : i32, i32
  }
  func.func @transform_11(%arg0: i32) -> (i32, i32) {
    %c0_i32 = arith.constant 0 : i32
    %c0_i32_0 = arith.constant 0 : i32
    %c0_i32_1 = arith.constant 0 : i32
    return %c0_i32, %c0_i32_0 : i32, i32
  }
  func.func @transform_12(%arg0: i32) -> (i32, i32) {
    %c0_i32 = arith.constant 0 : i32
    %c0_i32_0 = arith.constant 0 : i32
    %c0_i32_1 = arith.constant 0 : i32
    return %c0_i32, %c0_i32_0 : i32, i32
  }
  func.func @transform_13(%arg0: i32) -> (i32, i32) {
    %c0_i32 = arith.constant 0 : i32
    %c0_i32_0 = arith.constant 0 : i32
    %c0_i32_1 = arith.constant 0 : i32
    return %c0_i32, %c0_i32_0 : i32, i32
  }
  func.func @transform_14(%arg0: i32) -> (i32, i32) {
    %c0_i32 = arith.constant 0 : i32
    %c0_i32_0 = arith.constant 0 : i32
    %c0_i32_1 = arith.constant 0 : i32
    return %c0_i32, %c0_i32_0 : i32, i32
  }
  func.func @transform_15(%arg0: i32) -> (i32, i32) {
    %c0_i32 = arith.constant 0 : i32
    %c0_i32_0 = arith.constant 0 : i32
    %c0_i32_1 = arith.constant 0 : i32
    return %c0_i32, %c0_i32_0 : i32, i32
  }
  func.func @transform_16(%arg0: i32) -> (i32, i32) {
    %c0_i32 = arith.constant 0 : i32
    %c0_i32_0 = arith.constant 0 : i32
    %c0_i32_1 = arith.constant 0 : i32
    return %c0_i32, %c0_i32_0 : i32, i32
  }
  func.func @transform_17(%arg0: i32) -> (i32, i32) {
    %c0_i32 = arith.constant 0 : i32
    %c0_i32_0 = arith.constant 0 : i32
    %c0_i32_1 = arith.constant 0 : i32
    return %c0_i32, %c0_i32_0 : i32, i32
  }
  func.func @transform_18(%arg0: i32) -> (i32, i32) {
    %c0_i32 = arith.constant 0 : i32
    %c0_i32_0 = arith.constant 0 : i32
    %c0_i32_1 = arith.constant 0 : i32
    return %c0_i32, %c0_i32_0 : i32, i32
  }
  func.func @transform_19(%arg0: i32) -> (i32, i32) {
    %c0_i32 = arith.constant 0 : i32
    %c0_i32_0 = arith.constant 0 : i32
    %c0_i32_1 = arith.constant 0 : i32
    return %c0_i32, %c0_i32_0 : i32, i32
  }
  func.func @transform_20(%arg0: i32) -> (i32, i32) {
    %c0_i32 = arith.constant 0 : i32
    %c0_i32_0 = arith.constant 0 : i32
    %c0_i32_1 = arith.constant 0 : i32
    return %c0_i32, %c0_i32_0 : i32, i32
  }
  func.func @transform_21(%arg0: i32) -> (i32, i32) {
    %c0_i32 = arith.constant 0 : i32
    %c0_i32_0 = arith.constant 0 : i32
    %c0_i32_1 = arith.constant 0 : i32
    return %c0_i32, %c0_i32_0 : i32, i32
  }
  func.func @transform_22(%arg0: i32) -> (i32, i32) {
    %c0_i32 = arith.constant 0 : i32
    %c0_i32_0 = arith.constant 0 : i32
    return %arg0, %c0_i32 : i32, i32
  }
  func.func @transform_23(%arg0: i32) -> (i32, i32) {
    %c0_i32 = arith.constant 0 : i32
    %c0_i32_0 = arith.constant 0 : i32
    return %arg0, %c0_i32 : i32, i32
  }
  func.func @transform_24(%arg0: i32) -> (i32, i32) {
    %c0_i32 = arith.constant 0 : i32
    %c0_i32_0 = arith.constant 0 : i32
    %c0_i32_1 = arith.constant 0 : i32
    return %c0_i32, %c0_i32_0 : i32, i32
  }
  func.func @transform_25(%arg0: i32) -> (i32, i32) {
    %c0_i32 = arith.constant 0 : i32
    %c0_i32_0 = arith.constant 0 : i32
    %c0_i32_1 = arith.constant 0 : i32
    return %c0_i32, %c0_i32_0 : i32, i32
  }
}

module attributes {stable_mosaic.version = 14 : i64} {
  func.func @_nstats_kernel(%arg0: memref<10000x128xf32, #tpu.memory_space<vmem>>, %arg1: memref<10000x32xf32, #tpu.memory_space<vmem>>, %arg2: memref<10000x32xf32, #tpu.memory_space<vmem>>, %arg3: memref<10000x1xf32, #tpu.memory_space<vmem>>, %arg4: memref<2x128xf32, #tpu.memory_space<vmem>>, %arg5: memref<2x32xf32, #tpu.memory_space<vmem>>) attributes {dimension_semantics = [], scalar_prefetch = 0 : i64, scratch_operands = 0 : i64, tpu.core_type = #tpu.core_type<tc>} {
    %get3A = arith.constant 0 : index
    %get3A_0 = arith.constant 0 : index
    %get3A_1 = vector.load %arg0[%get3A, %get3A_0] : memref<10000x128xf32, #tpu.memory_space<vmem>>, vector<10000x128xf32>
    %get3A_2 = arith.constant 0 : index
    %get3A_3 = arith.constant 0 : index
    %get3A_4 = vector.load %arg1[%get3A_2, %get3A_3] : memref<10000x32xf32, #tpu.memory_space<vmem>>, vector<10000x32xf32>
    %get3A_5 = arith.constant 0 : index
    %get3A_6 = arith.constant 0 : index
    %get3A_7 = vector.load %arg2[%get3A_5, %get3A_6] : memref<10000x32xf32, #tpu.memory_space<vmem>>, vector<10000x32xf32>
    %add3A = arith.addf %get3A_4, %get3A_7 : vector<10000x32xf32>
    %get3A_8 = arith.constant 0 : index
    %get3A_9 = arith.constant 0 : index
    %get3A_10 = vector.load %arg3[%get3A_8, %get3A_9] : memref<10000x1xf32, #tpu.memory_space<vmem>>, vector<10000x1xf32>
    %max3A = arith.constant 1.000000e+00 : f32
    %max3A_11 = vector.broadcast %max3A : f32 to vector<10000x1xf32>
    %max3A_12 = arith.maximumf %get3A_10, %max3A_11 : vector<10000x1xf32>
    %div3A = vector.broadcast %max3A_12 : vector<10000x1xf32> to vector<10000x32xf32>
    %div3A_13 = arith.divf %add3A, %div3A : vector<10000x32xf32>
    %reduce_sum3A = arith.constant dense<0.000000e+00> : vector<128xf32>
    %reduce_sum3A_14 = vector.multi_reduction <add>, %get3A_1, %reduce_sum3A [0] : vector<10000x128xf32> to vector<128xf32>
    %broadcast_in_dim3A = vector.shape_cast %reduce_sum3A_14 : vector<128xf32> to vector<1x128xf32>
    %mul3A = arith.constant 9.99999974E-5 : f32
    %mul3A_15 = vector.broadcast %mul3A : f32 to vector<1x128xf32>
    %mul3A_16 = arith.mulf %broadcast_in_dim3A, %mul3A_15 : vector<1x128xf32>
    %sub3A = vector.broadcast %mul3A_16 : vector<1x128xf32> to vector<10000x128xf32>
    %sub3A_17 = arith.subf %get3A_1, %sub3A : vector<10000x128xf32>
    %mul3A_18 = arith.mulf %sub3A_17, %sub3A_17 : vector<10000x128xf32>
    %reduce_sum3A_19 = arith.constant dense<0.000000e+00> : vector<128xf32>
    %reduce_sum3A_20 = vector.multi_reduction <add>, %mul3A_18, %reduce_sum3A_19 [0] : vector<10000x128xf32> to vector<128xf32>
    %broadcast_in_dim3A_21 = vector.shape_cast %reduce_sum3A_20 : vector<128xf32> to vector<1x128xf32>
    %reduce_sum3A_22 = arith.constant dense<0.000000e+00> : vector<32xf32>
    %reduce_sum3A_23 = vector.multi_reduction <add>, %div3A_13, %reduce_sum3A_22 [0] : vector<10000x32xf32> to vector<32xf32>
    %broadcast_in_dim3A_24 = vector.shape_cast %reduce_sum3A_23 : vector<32xf32> to vector<1x32xf32>
    %mul3A_25 = arith.constant 9.99999974E-5 : f32
    %mul3A_26 = vector.broadcast %mul3A_25 : f32 to vector<1x32xf32>
    %mul3A_27 = arith.mulf %broadcast_in_dim3A_24, %mul3A_26 : vector<1x32xf32>
    %sub3A_28 = vector.broadcast %mul3A_27 : vector<1x32xf32> to vector<10000x32xf32>
    %sub3A_29 = arith.subf %div3A_13, %sub3A_28 : vector<10000x32xf32>
    %mul3A_30 = arith.mulf %sub3A_29, %sub3A_29 : vector<10000x32xf32>
    %reduce_sum3A_31 = arith.constant dense<0.000000e+00> : vector<32xf32>
    %reduce_sum3A_32 = vector.multi_reduction <add>, %mul3A_30, %reduce_sum3A_31 [0] : vector<10000x32xf32> to vector<32xf32>
    %broadcast_in_dim3A_33 = vector.shape_cast %reduce_sum3A_32 : vector<32xf32> to vector<1x32xf32>
    %concatenate3A = tpu.concatenate %mul3A_16, %broadcast_in_dim3A_21 in 0 : vector<1x128xf32>, vector<1x128xf32> -> vector<2x128xf32>
    %swap3A = arith.constant 0 : index
    %swap3A_34 = arith.constant 0 : index
    %swap3A_35 = vector.load %arg4[%swap3A, %swap3A_34] : memref<2x128xf32, #tpu.memory_space<vmem>>, vector<2x128xf32>
    tpu.vector_store %arg4[%swap3A, %swap3A_34], %concatenate3A {strides = array<i32>} : memref<2x128xf32, #tpu.memory_space<vmem>>, vector<2x128xf32>,
    %concatenate3A_36 = tpu.concatenate %mul3A_27, %broadcast_in_dim3A_33 in 0 : vector<1x32xf32>, vector<1x32xf32> -> vector<2x32xf32>
    %swap3A_37 = arith.constant 0 : index
    %swap3A_38 = arith.constant 0 : index
    %swap3A_39 = vector.load %arg5[%swap3A_37, %swap3A_38] : memref<2x32xf32, #tpu.memory_space<vmem>>, vector<2x32xf32>
    tpu.vector_store %arg5[%swap3A_37, %swap3A_38], %concatenate3A_36 {strides = array<i32>} : memref<2x32xf32, #tpu.memory_space<vmem>>, vector<2x32xf32>,
    return
  }
}

module attributes {stable_mosaic.version = 14 : i64} {
  func.func @_node_body_kernel(%arg0: i32, %arg1: memref<2000x128xf32, #tpu.memory_space<vmem>>, %arg2: memref<2000x32xf32, #tpu.memory_space<vmem>>, %arg3: memref<2000x32xf32, #tpu.memory_space<vmem>>, %arg4: memref<2000x1xf32, #tpu.memory_space<vmem>>, %arg5: memref<1x128xf32, #tpu.memory_space<vmem>>, %arg6: memref<1x128xf32, #tpu.memory_space<vmem>>, %arg7: memref<1x128xf32, #tpu.memory_space<vmem>>, %arg8: memref<1x32xf32, #tpu.memory_space<vmem>>, %arg9: memref<1x32xf32, #tpu.memory_space<vmem>>, %arg10: memref<1x32xf32, #tpu.memory_space<vmem>>, %arg11: memref<1x16xf32, #tpu.memory_space<vmem>>, %arg12: memref<128x256xf32, #tpu.memory_space<vmem>>, %arg13: memref<32x256xf32, #tpu.memory_space<vmem>>, %arg14: memref<16x256xf32, #tpu.memory_space<vmem>>, %arg15: memref<1x256xf32, #tpu.memory_space<vmem>>, %arg16: memref<256x128xf32, #tpu.memory_space<vmem>>, %arg17: memref<1x128xf32, #tpu.memory_space<vmem>>, %arg18: memref<128x32xf32, #tpu.memory_space<vmem>>, %arg19: memref<1x32xf32, #tpu.memory_space<vmem>>, %arg20: memref<2000x32xf32, #tpu.memory_space<vmem>>, %arg21: memref<1x32xf32, #tpu.memory_space<vmem>>) attributes {dimension_semantics = [#tpu.dimension_semantics<arbitrary>], iteration_bounds = array<i64: 5>, scalar_prefetch = 0 : i64, scratch_operands = 0 : i64, tpu.core_type = #tpu.core_type<tc>, window_params = [{transform_indices = @transform_0, window_bounds = array<i64: 2000, 128>}, {transform_indices = @transform_1, window_bounds = array<i64: 2000, 32>}, {transform_indices = @transform_2, window_bounds = array<i64: 2000, 32>}, {transform_indices = @transform_3, window_bounds = array<i64: 2000, 1>}, {pipeline_mode = #tpu.pipeline_mode<synchronous>, transform_indices = @transform_4, window_bounds = array<i64: 1, 128>}, {pipeline_mode = #tpu.pipeline_mode<synchronous>, transform_indices = @transform_5, window_bounds = array<i64: 1, 128>}, {pipeline_mode = #tpu.pipeline_mode<synchronous>, transform_indices = @transform_6, window_bounds = array<i64: 1, 128>}, {pipeline_mode = #tpu.pipeline_mode<synchronous>, transform_indices = @transform_7, window_bounds = array<i64: 1, 32>}, {pipeline_mode = #tpu.pipeline_mode<synchronous>, transform_indices = @transform_8, window_bounds = array<i64: 1, 32>}, {pipeline_mode = #tpu.pipeline_mode<synchronous>, transform_indices = @transform_9, window_bounds = array<i64: 1, 32>}, {pipeline_mode = #tpu.pipeline_mode<synchronous>, transform_indices = @transform_10, window_bounds = array<i64: 1, 16>}, {pipeline_mode = #tpu.pipeline_mode<synchronous>, transform_indices = @transform_11, window_bounds = array<i64: 128, 256>}, {pipeline_mode = #tpu.pipeline_mode<synchronous>, transform_indices = @transform_12, window_bounds = array<i64: 32, 256>}, {pipeline_mode = #tpu.pipeline_mode<synchronous>, transform_indices = @transform_13, window_bounds = array<i64: 16, 256>}, {pipeline_mode = #tpu.pipeline_mode<synchronous>, transform_indices = @transform_14, window_bounds = array<i64: 1, 256>}, {pipeline_mode = #tpu.pipeline_mode<synchronous>, transform_indices = @transform_15, window_bounds = array<i64: 256, 128>}, {pipeline_mode = #tpu.pipeline_mode<synchronous>, transform_indices = @transform_16, window_bounds = array<i64: 1, 128>}, {pipeline_mode = #tpu.pipeline_mode<synchronous>, transform_indices = @transform_17, window_bounds = array<i64: 128, 32>}, {pipeline_mode = #tpu.pipeline_mode<synchronous>, transform_indices = @transform_18, window_bounds = array<i64: 1, 32>}, {transform_indices = @transform_19, window_bounds = array<i64: 2000, 32>}, {pipeline_mode = #tpu.pipeline_mode<synchronous>, transform_indices = @transform_20, window_bounds = array<i64: 1, 32>}]} {
    %get3A = arith.constant 0 : index
    %get3A_0 = arith.constant 0 : index
    %get3A_1 = vector.load %arg11[%get3A, %get3A_0] : memref<1x16xf32, #tpu.memory_space<vmem>>, vector<1x16xf32>
    %get3A_2 = arith.constant 0 : index
    %get3A_3 = arith.constant 0 : index
    %get3A_4 = vector.load %arg14[%get3A_2, %get3A_3] : memref<16x256xf32, #tpu.memory_space<vmem>>, vector<16x256xf32>
    %dot_general3A = arith.constant dense<0.000000e+00> : vector<1x256xf32>
    %dot_general3A_5 = tpu.matmul %get3A_1, %get3A_4, %dot_general3A {dimension_numbers = #tpu.dot_dimension_numbers<[1], [0], [0], [1], [0, 0, 1, 1], [], []>, transpose_lhs_hint = false} : vector<1x16xf32>, vector<16x256xf32>, vector<1x256xf32> -> vector<1x256xf32>
    %get3A_6 = arith.constant 0 : index
    %get3A_7 = arith.constant 0 : index
    %get3A_8 = vector.load %arg15[%get3A_6, %get3A_7] : memref<1x256xf32, #tpu.memory_space<vmem>>, vector<1x256xf32>
    %add3A = arith.addf %dot_general3A_5, %get3A_8 : vector<1x256xf32>
    %get3A_9 = arith.constant 0 : index
    %get3A_10 = arith.constant 0 : index
    %get3A_11 = vector.load %arg1[%get3A_9, %get3A_10] : memref<2000x128xf32, #tpu.memory_space<vmem>>, vector<2000x128xf32>
    %get3A_12 = arith.constant 0 : index
    %get3A_13 = arith.constant 0 : index
    %get3A_14 = vector.load %arg2[%get3A_12, %get3A_13] : memref<2000x32xf32, #tpu.memory_space<vmem>>, vector<2000x32xf32>
    %get3A_15 = arith.constant 0 : index
    %get3A_16 = arith.constant 0 : index
    %get3A_17 = vector.load %arg3[%get3A_15, %get3A_16] : memref<2000x32xf32, #tpu.memory_space<vmem>>, vector<2000x32xf32>
    %add3A_18 = arith.addf %get3A_14, %get3A_17 : vector<2000x32xf32>
    %get3A_19 = arith.constant 0 : index
    %get3A_20 = arith.constant 0 : index
    %get3A_21 = vector.load %arg4[%get3A_19, %get3A_20] : memref<2000x1xf32, #tpu.memory_space<vmem>>, vector<2000x1xf32>
    %max3A = arith.constant 1.000000e+00 : f32
    %max3A_22 = vector.broadcast %max3A : f32 to vector<2000x1xf32>
    %max3A_23 = arith.maximumf %get3A_21, %max3A_22 : vector<2000x1xf32>
    %div3A = vector.broadcast %max3A_23 : vector<2000x1xf32> to vector<2000x32xf32>
    %div3A_24 = arith.divf %add3A_18, %div3A : vector<2000x32xf32>
    %get3A_25 = arith.constant 0 : index
    %get3A_26 = arith.constant 0 : index
    %get3A_27 = vector.load %arg6[%get3A_25, %get3A_26] : memref<1x128xf32, #tpu.memory_space<vmem>>, vector<1x128xf32>
    %sub3A = vector.broadcast %get3A_27 : vector<1x128xf32> to vector<2000x128xf32>
    %sub3A_28 = arith.subf %get3A_11, %sub3A : vector<2000x128xf32>
    %get3A_29 = arith.constant 0 : index
    %get3A_30 = arith.constant 0 : index
    %get3A_31 = vector.load %arg5[%get3A_29, %get3A_30] : memref<1x128xf32, #tpu.memory_space<vmem>>, vector<1x128xf32>
    %mul3A = vector.broadcast %get3A_31 : vector<1x128xf32> to vector<2000x128xf32>
    %mul3A_32 = arith.mulf %sub3A_28, %mul3A : vector<2000x128xf32>
    %get3A_33 = arith.constant 0 : index
    %get3A_34 = arith.constant 0 : index
    %get3A_35 = vector.load %arg7[%get3A_33, %get3A_34] : memref<1x128xf32, #tpu.memory_space<vmem>>, vector<1x128xf32>
    %add3A_36 = vector.broadcast %get3A_35 : vector<1x128xf32> to vector<2000x128xf32>
    %add3A_37 = arith.addf %mul3A_32, %add3A_36 : vector<2000x128xf32>
    %get3A_38 = arith.constant 0 : index
    %get3A_39 = arith.constant 0 : index
    %get3A_40 = vector.load %arg12[%get3A_38, %get3A_39] : memref<128x256xf32, #tpu.memory_space<vmem>>, vector<128x256xf32>
    %dot_general3A_41 = arith.constant dense<0.000000e+00> : vector<2000x256xf32>
    %dot_general3A_42 = tpu.matmul %add3A_37, %get3A_40, %dot_general3A_41 {dimension_numbers = #tpu.dot_dimension_numbers<[1], [0], [0], [1], [0, 0, 1, 1], [], []>, transpose_lhs_hint = false} : vector<2000x128xf32>, vector<128x256xf32>, vector<2000x256xf32> -> vector<2000x256xf32>
    %get3A_43 = arith.constant 0 : index
    %get3A_44 = arith.constant 0 : index
    %get3A_45 = vector.load %arg9[%get3A_43, %get3A_44] : memref<1x32xf32, #tpu.memory_space<vmem>>, vector<1x32xf32>
    %sub3A_46 = vector.broadcast %get3A_45 : vector<1x32xf32> to vector<2000x32xf32>
    %sub3A_47 = arith.subf %div3A_24, %sub3A_46 : vector<2000x32xf32>
    %get3A_48 = arith.constant 0 : index
    %get3A_49 = arith.constant 0 : index
    %get3A_50 = vector.load %arg8[%get3A_48, %get3A_49] : memref<1x32xf32, #tpu.memory_space<vmem>>, vector<1x32xf32>
    %mul3A_51 = vector.broadcast %get3A_50 : vector<1x32xf32> to vector<2000x32xf32>
    %mul3A_52 = arith.mulf %sub3A_47, %mul3A_51 : vector<2000x32xf32>
    %get3A_53 = arith.constant 0 : index
    %get3A_54 = arith.constant 0 : index
    %get3A_55 = vector.load %arg10[%get3A_53, %get3A_54] : memref<1x32xf32, #tpu.memory_space<vmem>>, vector<1x32xf32>
    %add3A_56 = vector.broadcast %get3A_55 : vector<1x32xf32> to vector<2000x32xf32>
    %add3A_57 = arith.addf %mul3A_52, %add3A_56 : vector<2000x32xf32>
    %get3A_58 = arith.constant 0 : index
    %get3A_59 = arith.constant 0 : index
    %get3A_60 = vector.load %arg13[%get3A_58, %get3A_59] : memref<32x256xf32, #tpu.memory_space<vmem>>, vector<32x256xf32>
    %dot_general3A_61 = arith.constant dense<0.000000e+00> : vector<2000x256xf32>
    %dot_general3A_62 = tpu.matmul %add3A_57, %get3A_60, %dot_general3A_61 {dimension_numbers = #tpu.dot_dimension_numbers<[1], [0], [0], [1], [0, 0, 1, 1], [], []>, transpose_lhs_hint = false} : vector<2000x32xf32>, vector<32x256xf32>, vector<2000x256xf32> -> vector<2000x256xf32>
    %add3A_63 = arith.addf %dot_general3A_42, %dot_general3A_62 : vector<2000x256xf32>
    %add3A_64 = vector.broadcast %add3A : vector<1x256xf32> to vector<2000x256xf32>
    %add3A_65 = arith.addf %add3A_63, %add3A_64 : vector<2000x256xf32>
    %max3A_66 = arith.constant 0.000000e+00 : f32
    %max3A_67 = vector.broadcast %max3A_66 : f32 to vector<2000x256xf32>
    %max3A_68 = arith.maximumf %add3A_65, %max3A_67 : vector<2000x256xf32>
    %get3A_69 = arith.constant 0 : index
    %get3A_70 = arith.constant 0 : index
    %get3A_71 = vector.load %arg16[%get3A_69, %get3A_70] : memref<256x128xf32, #tpu.memory_space<vmem>>, vector<256x128xf32>
    %dot_general3A_72 = arith.constant dense<0.000000e+00> : vector<2000x128xf32>
    %dot_general3A_73 = tpu.matmul %max3A_68, %get3A_71, %dot_general3A_72 {dimension_numbers = #tpu.dot_dimension_numbers<[1], [0], [0], [1], [0, 0, 1, 1], [], []>, transpose_lhs_hint = false} : vector<2000x256xf32>, vector<256x128xf32>, vector<2000x128xf32> -> vector<2000x128xf32>
    %get3A_74 = arith.constant 0 : index
    %get3A_75 = arith.constant 0 : index
    %get3A_76 = vector.load %arg17[%get3A_74, %get3A_75] : memref<1x128xf32, #tpu.memory_space<vmem>>, vector<1x128xf32>
    %add3A_77 = vector.broadcast %get3A_76 : vector<1x128xf32> to vector<2000x128xf32>
    %add3A_78 = arith.addf %dot_general3A_73, %add3A_77 : vector<2000x128xf32>
    %max3A_79 = arith.constant 0.000000e+00 : f32
    %max3A_80 = vector.broadcast %max3A_79 : f32 to vector<2000x128xf32>
    %max3A_81 = arith.maximumf %add3A_78, %max3A_80 : vector<2000x128xf32>
    %get3A_82 = arith.constant 0 : index
    %get3A_83 = arith.constant 0 : index
    %get3A_84 = vector.load %arg18[%get3A_82, %get3A_83] : memref<128x32xf32, #tpu.memory_space<vmem>>, vector<128x32xf32>
    %dot_general3A_85 = arith.constant dense<0.000000e+00> : vector<2000x32xf32>
    %dot_general3A_86 = tpu.matmul %max3A_81, %get3A_84, %dot_general3A_85 {dimension_numbers = #tpu.dot_dimension_numbers<[1], [0], [0], [1], [0, 0, 1, 1], [], []>, transpose_lhs_hint = false} : vector<2000x128xf32>, vector<128x32xf32>, vector<2000x32xf32> -> vector<2000x32xf32>
    %get3A_87 = arith.constant 0 : index
    %get3A_88 = arith.constant 0 : index
    %get3A_89 = vector.load %arg19[%get3A_87, %get3A_88] : memref<1x32xf32, #tpu.memory_space<vmem>>, vector<1x32xf32>
    %add3A_90 = vector.broadcast %get3A_89 : vector<1x32xf32> to vector<2000x32xf32>
    %add3A_91 = arith.addf %dot_general3A_86, %add3A_90 : vector<2000x32xf32>
    %max3A_92 = arith.constant 0.000000e+00 : f32
    %max3A_93 = vector.broadcast %max3A_92 : f32 to vector<2000x32xf32>
    %max3A_94 = arith.maximumf %add3A_91, %max3A_93 : vector<2000x32xf32>
    %eq3A = arith.constant 0 : i32
    %eq3A_95 = arith.cmpi eq, %arg0, %eq3A : i32
    %convert_element_type3A = arith.extui %eq3A_95 : i1 to i32
    %cond3A = arith.constant 0 : i32
    %cond3A_96 = arith.cmpi ne, %convert_element_type3A, %cond3A : i32
    scf.if %cond3A_96 {
      %broadcast_in_dim3A_110 = arith.constant 0.000000e+00 : f32
      %broadcast_in_dim3A_111 = vector.broadcast %broadcast_in_dim3A_110 : f32 to vector<1x32xf32>
      %swap3A_112 = arith.constant 0 : index
      %swap3A_113 = arith.constant 0 : index
      %swap3A_114 = vector.load %arg21[%swap3A_112, %swap3A_113] : memref<1x32xf32, #tpu.memory_space<vmem>>, vector<1x32xf32>
      tpu.vector_store %arg21[%swap3A_112, %swap3A_113], %broadcast_in_dim3A_111 {strides = array<i32>} : memref<1x32xf32, #tpu.memory_space<vmem>>, vector<1x32xf32>,
    } else {
    }
    %get3A_97 = arith.constant 0 : index
    %get3A_98 = arith.constant 0 : index
    %get3A_99 = vector.load %arg21[%get3A_97, %get3A_98] : memref<1x32xf32, #tpu.memory_space<vmem>>, vector<1x32xf32>
    %reduce_sum3A = arith.constant dense<0.000000e+00> : vector<32xf32>
    %reduce_sum3A_100 = vector.multi_reduction <add>, %max3A_94, %reduce_sum3A [0] : vector<2000x32xf32> to vector<32xf32>
    %broadcast_in_dim3A = vector.shape_cast %reduce_sum3A_100 : vector<32xf32> to vector<1x32xf32>
    %mul3A_101 = arith.constant 9.99999974E-5 : f32
    %mul3A_102 = vector.broadcast %mul3A_101 : f32 to vector<1x32xf32>
    %mul3A_103 = arith.mulf %broadcast_in_dim3A, %mul3A_102 : vector<1x32xf32>
    %add3A_104 = arith.addf %get3A_99, %mul3A_103 : vector<1x32xf32>
    %swap3A = arith.constant 0 : index
    %swap3A_105 = arith.constant 0 : index
    %swap3A_106 = vector.load %arg21[%swap3A, %swap3A_105] : memref<1x32xf32, #tpu.memory_space<vmem>>, vector<1x32xf32>
    tpu.vector_store %arg21[%swap3A, %swap3A_105], %add3A_104 {strides = array<i32>} : memref<1x32xf32, #tpu.memory_space<vmem>>, vector<1x32xf32>,
    %swap3A_107 = arith.constant 0 : index
    %swap3A_108 = arith.constant 0 : index
    %swap3A_109 = vector.load %arg20[%swap3A_107, %swap3A_108] : memref<2000x32xf32, #tpu.memory_space<vmem>>, vector<2000x32xf32>
    tpu.vector_store %arg20[%swap3A_107, %swap3A_108], %max3A_94 {strides = array<i32>} : memref<2000x32xf32, #tpu.memory_space<vmem>>, vector<2000x32xf32>,
    return
  }
  func.func @transform_0(%arg0: i32) -> (i32, i32) {
    %c0_i32 = arith.constant 0 : i32
    %c0_i32_0 = arith.constant 0 : i32
    return %arg0, %c0_i32 : i32, i32
  }
  func.func @transform_1(%arg0: i32) -> (i32, i32) {
    %c0_i32 = arith.constant 0 : i32
    %c0_i32_0 = arith.constant 0 : i32
    return %arg0, %c0_i32 : i32, i32
  }
  func.func @transform_2(%arg0: i32) -> (i32, i32) {
    %c0_i32 = arith.constant 0 : i32
    %c0_i32_0 = arith.constant 0 : i32
    return %arg0, %c0_i32 : i32, i32
  }
  func.func @transform_3(%arg0: i32) -> (i32, i32) {
    %c0_i32 = arith.constant 0 : i32
    %c0_i32_0 = arith.constant 0 : i32
    return %arg0, %c0_i32 : i32, i32
  }
  func.func @transform_4(%arg0: i32) -> (i32, i32) {
    %c0_i32 = arith.constant 0 : i32
    %c0_i32_0 = arith.constant 0 : i32
    %c0_i32_1 = arith.constant 0 : i32
    return %c0_i32, %c0_i32_0 : i32, i32
  }
  func.func @transform_5(%arg0: i32) -> (i32, i32) {
    %c0_i32 = arith.constant 0 : i32
    %c0_i32_0 = arith.constant 0 : i32
    %c0_i32_1 = arith.constant 0 : i32
    return %c0_i32, %c0_i32_0 : i32, i32
  }
  func.func @transform_6(%arg0: i32) -> (i32, i32) {
    %c0_i32 = arith.constant 0 : i32
    %c0_i32_0 = arith.constant 0 : i32
    %c0_i32_1 = arith.constant 0 : i32
    return %c0_i32, %c0_i32_0 : i32, i32
  }
  func.func @transform_7(%arg0: i32) -> (i32, i32) {
    %c0_i32 = arith.constant 0 : i32
    %c0_i32_0 = arith.constant 0 : i32
    %c0_i32_1 = arith.constant 0 : i32
    return %c0_i32, %c0_i32_0 : i32, i32
  }
  func.func @transform_8(%arg0: i32) -> (i32, i32) {
    %c0_i32 = arith.constant 0 : i32
    %c0_i32_0 = arith.constant 0 : i32
    %c0_i32_1 = arith.constant 0 : i32
    return %c0_i32, %c0_i32_0 : i32, i32
  }
  func.func @transform_9(%arg0: i32) -> (i32, i32) {
    %c0_i32 = arith.constant 0 : i32
    %c0_i32_0 = arith.constant 0 : i32
    %c0_i32_1 = arith.constant 0 : i32
    return %c0_i32, %c0_i32_0 : i32, i32
  }
  func.func @transform_10(%arg0: i32) -> (i32, i32) {
    %c0_i32 = arith.constant 0 : i32
    %c0_i32_0 = arith.constant 0 : i32
    %c0_i32_1 = arith.constant 0 : i32
    return %c0_i32, %c0_i32_0 : i32, i32
  }
  func.func @transform_11(%arg0: i32) -> (i32, i32) {
    %c0_i32 = arith.constant 0 : i32
    %c0_i32_0 = arith.constant 0 : i32
    %c0_i32_1 = arith.constant 0 : i32
    return %c0_i32, %c0_i32_0 : i32, i32
  }
  func.func @transform_12(%arg0: i32) -> (i32, i32) {
    %c0_i32 = arith.constant 0 : i32
    %c0_i32_0 = arith.constant 0 : i32
    %c0_i32_1 = arith.constant 0 : i32
    return %c0_i32, %c0_i32_0 : i32, i32
  }
  func.func @transform_13(%arg0: i32) -> (i32, i32) {
    %c0_i32 = arith.constant 0 : i32
    %c0_i32_0 = arith.constant 0 : i32
    %c0_i32_1 = arith.constant 0 : i32
    return %c0_i32, %c0_i32_0 : i32, i32
  }
  func.func @transform_14(%arg0: i32) -> (i32, i32) {
    %c0_i32 = arith.constant 0 : i32
    %c0_i32_0 = arith.constant 0 : i32
    %c0_i32_1 = arith.constant 0 : i32
    return %c0_i32, %c0_i32_0 : i32, i32
  }
  func.func @transform_15(%arg0: i32) -> (i32, i32) {
    %c0_i32 = arith.constant 0 : i32
    %c0_i32_0 = arith.constant 0 : i32
    %c0_i32_1 = arith.constant 0 : i32
    return %c0_i32, %c0_i32_0 : i32, i32
  }
  func.func @transform_16(%arg0: i32) -> (i32, i32) {
    %c0_i32 = arith.constant 0 : i32
    %c0_i32_0 = arith.constant 0 : i32
    %c0_i32_1 = arith.constant 0 : i32
    return %c0_i32, %c0_i32_0 : i32, i32
  }
  func.func @transform_17(%arg0: i32) -> (i32, i32) {
    %c0_i32 = arith.constant 0 : i32
    %c0_i32_0 = arith.constant 0 : i32
    %c0_i32_1 = arith.constant 0 : i32
    return %c0_i32, %c0_i32_0 : i32, i32
  }
  func.func @transform_18(%arg0: i32) -> (i32, i32) {
    %c0_i32 = arith.constant 0 : i32
    %c0_i32_0 = arith.constant 0 : i32
    %c0_i32_1 = arith.constant 0 : i32
    return %c0_i32, %c0_i32_0 : i32, i32
  }
  func.func @transform_19(%arg0: i32) -> (i32, i32) {
    %c0_i32 = arith.constant 0 : i32
    %c0_i32_0 = arith.constant 0 : i32
    return %arg0, %c0_i32 : i32, i32
  }
  func.func @transform_20(%arg0: i32) -> (i32, i32) {
    %c0_i32 = arith.constant 0 : i32
    %c0_i32_0 = arith.constant 0 : i32
    %c0_i32_1 = arith.constant 0 : i32
    return %c0_i32, %c0_i32_0 : i32, i32
  }
}

module attributes {stable_mosaic.version = 14 : i64} {
  func.func @_colvar_kernel(%arg0: i32, %arg1: memref<8000x32xf32, #tpu.memory_space<vmem>>, %arg2: memref<1x32xf32, #tpu.memory_space<vmem>>, %arg3: memref<1x32xf32, #tpu.memory_space<vmem>>) attributes {dimension_semantics = [#tpu.dimension_semantics<arbitrary>], iteration_bounds = array<i64: 20>, scalar_prefetch = 0 : i64, scratch_operands = 0 : i64, tpu.core_type = #tpu.core_type<tc>, window_params = [{transform_indices = @transform_0, window_bounds = array<i64: 8000, 32>}, {pipeline_mode = #tpu.pipeline_mode<synchronous>, transform_indices = @transform_1, window_bounds = array<i64: 1, 32>}, {pipeline_mode = #tpu.pipeline_mode<synchronous>, transform_indices = @transform_2, window_bounds = array<i64: 1, 32>}]} {
    %eq3A = arith.constant 0 : i32
    %eq3A_0 = arith.cmpi eq, %arg0, %eq3A : i32
    %convert_element_type3A = arith.extui %eq3A_0 : i1 to i32
    %cond3A = arith.constant 0 : i32
    %cond3A_1 = arith.cmpi ne, %convert_element_type3A, %cond3A : i32
    scf.if %cond3A_1 {
      %broadcast_in_dim3A_14 = arith.constant 0.000000e+00 : f32
      %broadcast_in_dim3A_15 = vector.broadcast %broadcast_in_dim3A_14 : f32 to vector<1x32xf32>
      %swap3A_16 = arith.constant 0 : index
      %swap3A_17 = arith.constant 0 : index
      %swap3A_18 = vector.load %arg3[%swap3A_16, %swap3A_17] : memref<1x32xf32, #tpu.memory_space<vmem>>, vector<1x32xf32>
      tpu.vector_store %arg3[%swap3A_16, %swap3A_17], %broadcast_in_dim3A_15 {strides = array<i32>} : memref<1x32xf32, #tpu.memory_space<vmem>>, vector<1x32xf32>,
    } else {
    }
    %get3A = arith.constant 0 : index
    %get3A_2 = arith.constant 0 : index
    %get3A_3 = vector.load %arg1[%get3A, %get3A_2] : memref<8000x32xf32, #tpu.memory_space<vmem>>, vector<8000x32xf32>
    %get3A_4 = arith.constant 0 : index
    %get3A_5 = arith.constant 0 : index
    %get3A_6 = vector.load %arg2[%get3A_4, %get3A_5] : memref<1x32xf32, #tpu.memory_space<vmem>>, vector<1x32xf32>
    %sub3A = vector.broadcast %get3A_6 : vector<1x32xf32> to vector<8000x32xf32>
    %sub3A_7 = arith.subf %get3A_3, %sub3A : vector<8000x32xf32>
    %get3A_8 = arith.constant 0 : index
    %get3A_9 = arith.constant 0 : index
    %get3A_10 = vector.load %arg3[%get3A_8, %get3A_9] : memref<1x32xf32, #tpu.memory_space<vmem>>, vector<1x32xf32>
    %mul3A = arith.mulf %sub3A_7, %sub3A_7 : vector<8000x32xf32>
    %reduce_sum3A = arith.constant dense<0.000000e+00> : vector<32xf32>
    %reduce_sum3A_11 = vector.multi_reduction <add>, %mul3A, %reduce_sum3A [0] : vector<8000x32xf32> to vector<32xf32>
    %broadcast_in_dim3A = vector.shape_cast %reduce_sum3A_11 : vector<32xf32> to vector<1x32xf32>
    %add3A = arith.addf %get3A_10, %broadcast_in_dim3A : vector<1x32xf32>
    %swap3A = arith.constant 0 : index
    %swap3A_12 = arith.constant 0 : index
    %swap3A_13 = vector.load %arg3[%swap3A, %swap3A_12] : memref<1x32xf32, #tpu.memory_space<vmem>>, vector<1x32xf32>
    tpu.vector_store %arg3[%swap3A, %swap3A_12], %add3A {strides = array<i32>} : memref<1x32xf32, #tpu.memory_space<vmem>>, vector<1x32xf32>,
    return
  }
  func.func @transform_0(%arg0: i32) -> (i32, i32) {
    %c0_i32 = arith.constant 0 : i32
    %c0_i32_0 = arith.constant 0 : i32
    return %arg0, %c0_i32 : i32, i32
  }
  func.func @transform_1(%arg0: i32) -> (i32, i32) {
    %c0_i32 = arith.constant 0 : i32
    %c0_i32_0 = arith.constant 0 : i32
    %c0_i32_1 = arith.constant 0 : i32
    return %c0_i32, %c0_i32_0 : i32, i32
  }
  func.func @transform_2(%arg0: i32) -> (i32, i32) {
    %c0_i32 = arith.constant 0 : i32
    %c0_i32_0 = arith.constant 0 : i32
    %c0_i32_1 = arith.constant 0 : i32
    return %c0_i32, %c0_i32_0 : i32, i32
  }
}

module attributes {stable_mosaic.version = 14 : i64} {
  func.func @_wstats_kernel(%arg0: memref<10000x32xf32, #tpu.memory_space<vmem>>, %arg1: memref<10000x1xf32, #tpu.memory_space<vmem>>, %arg2: memref<10000x1xf32, #tpu.memory_space<vmem>>, %arg3: memref<4x32xf32, #tpu.memory_space<vmem>>) attributes {dimension_semantics = [], scalar_prefetch = 0 : i64, scratch_operands = 0 : i64, tpu.core_type = #tpu.core_type<tc>} {
    %get3A = arith.constant 0 : index
    %get3A_0 = arith.constant 0 : index
    %get3A_1 = vector.load %arg0[%get3A, %get3A_0] : memref<10000x32xf32, #tpu.memory_space<vmem>>, vector<10000x32xf32>
    %get3A_2 = arith.constant 0 : index
    %get3A_3 = arith.constant 0 : index
    %get3A_4 = vector.load %arg1[%get3A_2, %get3A_3] : memref<10000x1xf32, #tpu.memory_space<vmem>>, vector<10000x1xf32>
    %get3A_5 = arith.constant 0 : index
    %get3A_6 = arith.constant 0 : index
    %get3A_7 = vector.load %arg2[%get3A_5, %get3A_6] : memref<10000x1xf32, #tpu.memory_space<vmem>>, vector<10000x1xf32>
    %mul3A = vector.broadcast %get3A_4 : vector<10000x1xf32> to vector<10000x32xf32>
    %mul3A_8 = arith.mulf %mul3A, %get3A_1 : vector<10000x32xf32>
    %reduce_sum3A = arith.constant dense<0.000000e+00> : vector<32xf32>
    %reduce_sum3A_9 = vector.multi_reduction <add>, %mul3A_8, %reduce_sum3A [0] : vector<10000x32xf32> to vector<32xf32>
    %broadcast_in_dim3A = vector.shape_cast %reduce_sum3A_9 : vector<32xf32> to vector<1x32xf32>
    %mul3A_10 = arith.constant 6.250000e-06 : f32
    %mul3A_11 = vector.broadcast %mul3A_10 : f32 to vector<1x32xf32>
    %mul3A_12 = arith.mulf %broadcast_in_dim3A, %mul3A_11 : vector<1x32xf32>
    %sub3A = vector.broadcast %mul3A_12 : vector<1x32xf32> to vector<10000x32xf32>
    %sub3A_13 = arith.subf %get3A_1, %sub3A : vector<10000x32xf32>
    %mul3A_14 = vector.broadcast %get3A_4 : vector<10000x1xf32> to vector<10000x32xf32>
    %mul3A_15 = arith.mulf %mul3A_14, %sub3A_13 : vector<10000x32xf32>
    %mul3A_16 = arith.mulf %mul3A_15, %sub3A_13 : vector<10000x32xf32>
    %reduce_sum3A_17 = arith.constant dense<0.000000e+00> : vector<32xf32>
    %reduce_sum3A_18 = vector.multi_reduction <add>, %mul3A_16, %reduce_sum3A_17 [0] : vector<10000x32xf32> to vector<32xf32>
    %broadcast_in_dim3A_19 = vector.shape_cast %reduce_sum3A_18 : vector<32xf32> to vector<1x32xf32>
    %mul3A_20 = vector.broadcast %get3A_7 : vector<10000x1xf32> to vector<10000x32xf32>
    %mul3A_21 = arith.mulf %mul3A_20, %get3A_1 : vector<10000x32xf32>
    %reduce_sum3A_22 = arith.constant dense<0.000000e+00> : vector<32xf32>
    %reduce_sum3A_23 = vector.multi_reduction <add>, %mul3A_21, %reduce_sum3A_22 [0] : vector<10000x32xf32> to vector<32xf32>
    %broadcast_in_dim3A_24 = vector.shape_cast %reduce_sum3A_23 : vector<32xf32> to vector<1x32xf32>
    %mul3A_25 = arith.constant 6.250000e-06 : f32
    %mul3A_26 = vector.broadcast %mul3A_25 : f32 to vector<1x32xf32>
    %mul3A_27 = arith.mulf %broadcast_in_dim3A_24, %mul3A_26 : vector<1x32xf32>
    %sub3A_28 = vector.broadcast %mul3A_27 : vector<1x32xf32> to vector<10000x32xf32>
    %sub3A_29 = arith.subf %get3A_1, %sub3A_28 : vector<10000x32xf32>
    %mul3A_30 = vector.broadcast %get3A_7 : vector<10000x1xf32> to vector<10000x32xf32>
    %mul3A_31 = arith.mulf %mul3A_30, %sub3A_29 : vector<10000x32xf32>
    %mul3A_32 = arith.mulf %mul3A_31, %sub3A_29 : vector<10000x32xf32>
    %reduce_sum3A_33 = arith.constant dense<0.000000e+00> : vector<32xf32>
    %reduce_sum3A_34 = vector.multi_reduction <add>, %mul3A_32, %reduce_sum3A_33 [0] : vector<10000x32xf32> to vector<32xf32>
    %broadcast_in_dim3A_35 = vector.shape_cast %reduce_sum3A_34 : vector<32xf32> to vector<1x32xf32>
    %concatenate3A = tpu.concatenate %mul3A_12, %broadcast_in_dim3A_19, %mul3A_27, %broadcast_in_dim3A_35 in 0 : vector<1x32xf32>, vector<1x32xf32>, vector<1x32xf32>, vector<1x32xf32> -> vector<4x32xf32>
    %swap3A = arith.constant 0 : index
    %swap3A_36 = arith.constant 0 : index
    %swap3A_37 = vector.load %arg3[%swap3A, %swap3A_36] : memref<4x32xf32, #tpu.memory_space<vmem>>, vector<4x32xf32>
    tpu.vector_store %arg3[%swap3A, %swap3A_36], %concatenate3A {strides = array<i32>} : memref<4x32xf32, #tpu.memory_space<vmem>>, vector<4x32xf32>,
    return
  }
}

module attributes {stable_mosaic.version = 14 : i64} {
  func.func @_glob_kernel(%arg0: memref<1x16xf32, #tpu.memory_space<vmem>>, %arg1: memref<1x32xf32, #tpu.memory_space<vmem>>, %arg2: memref<1x32xf32, #tpu.memory_space<vmem>>, %arg3: memref<16x256xf32, #tpu.memory_space<vmem>>, %arg4: memref<32x256xf32, #tpu.memory_space<vmem>>, %arg5: memref<32x256xf32, #tpu.memory_space<vmem>>, %arg6: memref<1x256xf32, #tpu.memory_space<vmem>>, %arg7: memref<256x128xf32, #tpu.memory_space<vmem>>, %arg8: memref<1x128xf32, #tpu.memory_space<vmem>>, %arg9: memref<128x32xf32, #tpu.memory_space<vmem>>, %arg10: memref<1x32xf32, #tpu.memory_space<vmem>>, %arg11: memref<1x32xf32, #tpu.memory_space<vmem>>) attributes {dimension_semantics = [], scalar_prefetch = 0 : i64, scratch_operands = 0 : i64, tpu.core_type = #tpu.core_type<tc>} {
    %get3A = arith.constant 0 : index
    %get3A_0 = arith.constant 0 : index
    %get3A_1 = vector.load %arg0[%get3A, %get3A_0] : memref<1x16xf32, #tpu.memory_space<vmem>>, vector<1x16xf32>
    %get3A_2 = arith.constant 0 : index
    %get3A_3 = arith.constant 0 : index
    %get3A_4 = vector.load %arg3[%get3A_2, %get3A_3] : memref<16x256xf32, #tpu.memory_space<vmem>>, vector<16x256xf32>
    %dot_general3A = arith.constant dense<0.000000e+00> : vector<1x256xf32>
    %dot_general3A_5 = tpu.matmul %get3A_1, %get3A_4, %dot_general3A {dimension_numbers = #tpu.dot_dimension_numbers<[1], [0], [0], [1], [0, 0, 1, 1], [], []>, transpose_lhs_hint = false} : vector<1x16xf32>, vector<16x256xf32>, vector<1x256xf32> -> vector<1x256xf32>
    %get3A_6 = arith.constant 0 : index
    %get3A_7 = arith.constant 0 : index
    %get3A_8 = vector.load %arg1[%get3A_6, %get3A_7] : memref<1x32xf32, #tpu.memory_space<vmem>>, vector<1x32xf32>
    %get3A_9 = arith.constant 0 : index
    %get3A_10 = arith.constant 0 : index
    %get3A_11 = vector.load %arg4[%get3A_9, %get3A_10] : memref<32x256xf32, #tpu.memory_space<vmem>>, vector<32x256xf32>
    %dot_general3A_12 = arith.constant dense<0.000000e+00> : vector<1x256xf32>
    %dot_general3A_13 = tpu.matmul %get3A_8, %get3A_11, %dot_general3A_12 {dimension_numbers = #tpu.dot_dimension_numbers<[1], [0], [0], [1], [0, 0, 1, 1], [], []>, transpose_lhs_hint = false} : vector<1x32xf32>, vector<32x256xf32>, vector<1x256xf32> -> vector<1x256xf32>
    %add3A = arith.addf %dot_general3A_5, %dot_general3A_13 : vector<1x256xf32>
    %get3A_14 = arith.constant 0 : index
    %get3A_15 = arith.constant 0 : index
    %get3A_16 = vector.load %arg2[%get3A_14, %get3A_15] : memref<1x32xf32, #tpu.memory_space<vmem>>, vector<1x32xf32>
    %get3A_17 = arith.constant 0 : index
    %get3A_18 = arith.constant 0 : index
    %get3A_19 = vector.load %arg5[%get3A_17, %get3A_18] : memref<32x256xf32, #tpu.memory_space<vmem>>, vector<32x256xf32>
    %dot_general3A_20 = arith.constant dense<0.000000e+00> : vector<1x256xf32>
    %dot_general3A_21 = tpu.matmul %get3A_16, %get3A_19, %dot_general3A_20 {dimension_numbers = #tpu.dot_dimension_numbers<[1], [0], [0], [1], [0, 0, 1, 1], [], []>, transpose_lhs_hint = false} : vector<1x32xf32>, vector<32x256xf32>, vector<1x256xf32> -> vector<1x256xf32>
    %add3A_22 = arith.addf %add3A, %dot_general3A_21 : vector<1x256xf32>
    %get3A_23 = arith.constant 0 : index
    %get3A_24 = arith.constant 0 : index
    %get3A_25 = vector.load %arg6[%get3A_23, %get3A_24] : memref<1x256xf32, #tpu.memory_space<vmem>>, vector<1x256xf32>
    %add3A_26 = arith.addf %add3A_22, %get3A_25 : vector<1x256xf32>
    %max3A = arith.constant 0.000000e+00 : f32
    %max3A_27 = vector.broadcast %max3A : f32 to vector<1x256xf32>
    %max3A_28 = arith.maximumf %add3A_26, %max3A_27 : vector<1x256xf32>
    %get3A_29 = arith.constant 0 : index
    %get3A_30 = arith.constant 0 : index
    %get3A_31 = vector.load %arg7[%get3A_29, %get3A_30] : memref<256x128xf32, #tpu.memory_space<vmem>>, vector<256x128xf32>
    %dot_general3A_32 = arith.constant dense<0.000000e+00> : vector<1x128xf32>
    %dot_general3A_33 = tpu.matmul %max3A_28, %get3A_31, %dot_general3A_32 {dimension_numbers = #tpu.dot_dimension_numbers<[1], [0], [0], [1], [0, 0, 1, 1], [], []>, transpose_lhs_hint = false} : vector<1x256xf32>, vector<256x128xf32>, vector<1x128xf32> -> vector<1x128xf32>
    %get3A_34 = arith.constant 0 : index
    %get3A_35 = arith.constant 0 : index
    %get3A_36 = vector.load %arg8[%get3A_34, %get3A_35] : memref<1x128xf32, #tpu.memory_space<vmem>>, vector<1x128xf32>
    %add3A_37 = arith.addf %dot_general3A_33, %get3A_36 : vector<1x128xf32>
    %max3A_38 = arith.constant 0.000000e+00 : f32
    %max3A_39 = vector.broadcast %max3A_38 : f32 to vector<1x128xf32>
    %max3A_40 = arith.maximumf %add3A_37, %max3A_39 : vector<1x128xf32>
    %get3A_41 = arith.constant 0 : index
    %get3A_42 = arith.constant 0 : index
    %get3A_43 = vector.load %arg9[%get3A_41, %get3A_42] : memref<128x32xf32, #tpu.memory_space<vmem>>, vector<128x32xf32>
    %dot_general3A_44 = arith.constant dense<0.000000e+00> : vector<1x32xf32>
    %dot_general3A_45 = tpu.matmul %max3A_40, %get3A_43, %dot_general3A_44 {dimension_numbers = #tpu.dot_dimension_numbers<[1], [0], [0], [1], [0, 0, 1, 1], [], []>, transpose_lhs_hint = false} : vector<1x128xf32>, vector<128x32xf32>, vector<1x32xf32> -> vector<1x32xf32>
    %get3A_46 = arith.constant 0 : index
    %get3A_47 = arith.constant 0 : index
    %get3A_48 = vector.load %arg10[%get3A_46, %get3A_47] : memref<1x32xf32, #tpu.memory_space<vmem>>, vector<1x32xf32>
    %add3A_49 = arith.addf %dot_general3A_45, %get3A_48 : vector<1x32xf32>
    %max3A_50 = arith.constant 0.000000e+00 : f32
    %max3A_51 = vector.broadcast %max3A_50 : f32 to vector<1x32xf32>
    %max3A_52 = arith.maximumf %add3A_49, %max3A_51 : vector<1x32xf32>
    %swap3A = arith.constant 0 : index
    %swap3A_53 = arith.constant 0 : index
    %swap3A_54 = vector.load %arg11[%swap3A, %swap3A_53] : memref<1x32xf32, #tpu.memory_space<vmem>>, vector<1x32xf32>
    tpu.vector_store %arg11[%swap3A, %swap3A_53], %max3A_52 {strides = array<i32>} : memref<1x32xf32, #tpu.memory_space<vmem>>, vector<1x32xf32>,
    return
  }
}

module attributes {stable_mosaic.version = 14 : i64} {
  func.func @_edge_kernel(%arg0: i32, %arg1: memref<2000x32xf32, #tpu.memory_space<vmem>>, %arg2: memref<2000x128xf32, #tpu.memory_space<vmem>>, %arg3: memref<2000x128xf32, #tpu.memory_space<vmem>>, %arg4: memref<1x32xf32, #tpu.memory_space<vmem>>, %arg5: memref<1x32xf32, #tpu.memory_space<vmem>>, %arg6: memref<1x32xf32, #tpu.memory_space<vmem>>, %arg7: memref<1x32xf32, #tpu.memory_space<vmem>>, %arg8: memref<1x32xf32, #tpu.memory_space<vmem>>, %arg9: memref<1x32xf32, #tpu.memory_space<vmem>>, %arg10: memref<1x32xf32, #tpu.memory_space<vmem>>, %arg11: memref<1x32xf32, #tpu.memory_space<vmem>>, %arg12: memref<1x32xf32, #tpu.memory_space<vmem>>, %arg13: memref<1x32xf32, #tpu.memory_space<vmem>>, %arg14: memref<32x256xf32, #tpu.memory_space<vmem>>, %arg15: memref<32x256xf32, #tpu.memory_space<vmem>>, %arg16: memref<32x256xf32, #tpu.memory_space<vmem>>, %arg17: memref<32x256xf32, #tpu.memory_space<vmem>>, %arg18: memref<1x256xf32, #tpu.memory_space<vmem>>, %arg19: memref<256x128xf32, #tpu.memory_space<vmem>>, %arg20: memref<1x128xf32, #tpu.memory_space<vmem>>, %arg21: memref<128x32xf32, #tpu.memory_space<vmem>>, %arg22: memref<1x32xf32, #tpu.memory_space<vmem>>, %arg23: memref<2000x32xf32, #tpu.memory_space<vmem>>, %arg24: memref<2000x128xf32, #tpu.memory_space<vmem>>, %arg25: memref<1x32xf32, #tpu.memory_space<vmem>>, %arg26: memref<1x32xf32, #tpu.memory_space<vmem>>) attributes {dimension_semantics = [#tpu.dimension_semantics<arbitrary>], iteration_bounds = array<i64: 80>, scalar_prefetch = 0 : i64, scratch_operands = 0 : i64, tpu.core_type = #tpu.core_type<tc>, window_params = [{transform_indices = @transform_0, window_bounds = array<i64: 2000, 32>}, {transform_indices = @transform_1, window_bounds = array<i64: 2000, 128>}, {transform_indices = @transform_2, window_bounds = array<i64: 2000, 128>}, {pipeline_mode = #tpu.pipeline_mode<synchronous>, transform_indices = @transform_3, window_bounds = array<i64: 1, 32>}, {pipeline_mode = #tpu.pipeline_mode<synchronous>, transform_indices = @transform_4, window_bounds = array<i64: 1, 32>}, {pipeline_mode = #tpu.pipeline_mode<synchronous>, transform_indices = @transform_5, window_bounds = array<i64: 1, 32>}, {pipeline_mode = #tpu.pipeline_mode<synchronous>, transform_indices = @transform_6, window_bounds = array<i64: 1, 32>}, {pipeline_mode = #tpu.pipeline_mode<synchronous>, transform_indices = @transform_7, window_bounds = array<i64: 1, 32>}, {pipeline_mode = #tpu.pipeline_mode<synchronous>, transform_indices = @transform_8, window_bounds = array<i64: 1, 32>}, {pipeline_mode = #tpu.pipeline_mode<synchronous>, transform_indices = @transform_9, window_bounds = array<i64: 1, 32>}, {pipeline_mode = #tpu.pipeline_mode<synchronous>, transform_indices = @transform_10, window_bounds = array<i64: 1, 32>}, {pipeline_mode = #tpu.pipeline_mode<synchronous>, transform_indices = @transform_11, window_bounds = array<i64: 1, 32>}, {pipeline_mode = #tpu.pipeline_mode<synchronous>, transform_indices = @transform_12, window_bounds = array<i64: 1, 32>}, {pipeline_mode = #tpu.pipeline_mode<synchronous>, transform_indices = @transform_13, window_bounds = array<i64: 32, 256>}, {pipeline_mode = #tpu.pipeline_mode<synchronous>, transform_indices = @transform_14, window_bounds = array<i64: 32, 256>}, {pipeline_mode = #tpu.pipeline_mode<synchronous>, transform_indices = @transform_15, window_bounds = array<i64: 32, 256>}, {pipeline_mode = #tpu.pipeline_mode<synchronous>, transform_indices = @transform_16, window_bounds = array<i64: 32, 256>}, {pipeline_mode = #tpu.pipeline_mode<synchronous>, transform_indices = @transform_17, window_bounds = array<i64: 1, 256>}, {pipeline_mode = #tpu.pipeline_mode<synchronous>, transform_indices = @transform_18, window_bounds = array<i64: 256, 128>}, {pipeline_mode = #tpu.pipeline_mode<synchronous>, transform_indices = @transform_19, window_bounds = array<i64: 1, 128>}, {pipeline_mode = #tpu.pipeline_mode<synchronous>, transform_indices = @transform_20, window_bounds = array<i64: 128, 32>}, {pipeline_mode = #tpu.pipeline_mode<synchronous>, transform_indices = @transform_21, window_bounds = array<i64: 1, 32>}, {transform_indices = @transform_22, window_bounds = array<i64: 2000, 32>}, {transform_indices = @transform_23, window_bounds = array<i64: 2000, 128>}, {pipeline_mode = #tpu.pipeline_mode<synchronous>, transform_indices = @transform_24, window_bounds = array<i64: 1, 32>}, {pipeline_mode = #tpu.pipeline_mode<synchronous>, transform_indices = @transform_25, window_bounds = array<i64: 1, 32>}]} {
    %get3A = arith.constant 0 : index
    %get3A_0 = arith.constant 0 : index
    %get3A_1 = vector.load %arg13[%get3A, %get3A_0] : memref<1x32xf32, #tpu.memory_space<vmem>>, vector<1x32xf32>
    %get3A_2 = arith.constant 0 : index
    %get3A_3 = arith.constant 0 : index
    %get3A_4 = vector.load %arg17[%get3A_2, %get3A_3] : memref<32x256xf32, #tpu.memory_space<vmem>>, vector<32x256xf32>
    %dot_general3A = arith.constant dense<0.000000e+00> : vector<1x256xf32>
    %dot_general3A_5 = tpu.matmul %get3A_1, %get3A_4, %dot_general3A {dimension_numbers = #tpu.dot_dimension_numbers<[1], [0], [0], [1], [0, 0, 1, 1], [], []>, transpose_lhs_hint = false} : vector<1x32xf32>, vector<32x256xf32>, vector<1x256xf32> -> vector<1x256xf32>
    %get3A_6 = arith.constant 0 : index
    %get3A_7 = arith.constant 0 : index
    %get3A_8 = vector.load %arg18[%get3A_6, %get3A_7] : memref<1x256xf32, #tpu.memory_space<vmem>>, vector<1x256xf32>
    %add3A = arith.addf %dot_general3A_5, %get3A_8 : vector<1x256xf32>
    %get3A_9 = arith.constant 0 : index
    %get3A_10 = arith.constant 0 : index
    %get3A_11 = vector.load %arg1[%get3A_9, %get3A_10] : memref<2000x32xf32, #tpu.memory_space<vmem>>, vector<2000x32xf32>
    %get3A_12 = arith.constant 0 : index
    %get3A_13 = arith.constant 0 : index
    %get3A_14 = vector.load %arg2[%get3A_12, %get3A_13] : memref<2000x128xf32, #tpu.memory_space<vmem>>, vector<2000x128xf32>
    %slice3A = vector.extract_strided_slice %get3A_14 {offsets = [0, 0], sizes = [2000, 32], strides = [1, 1]} : vector<2000x128xf32> to vector<2000x32xf32>
    %get3A_15 = arith.constant 0 : index
    %get3A_16 = arith.constant 0 : index
    %get3A_17 = vector.load %arg3[%get3A_15, %get3A_16] : memref<2000x128xf32, #tpu.memory_space<vmem>>, vector<2000x128xf32>
    %slice3A_18 = vector.extract_strided_slice %get3A_17 {offsets = [0, 0], sizes = [2000, 32], strides = [1, 1]} : vector<2000x128xf32> to vector<2000x32xf32>
    %get3A_19 = arith.constant 0 : index
    %get3A_20 = arith.constant 0 : index
    %get3A_21 = vector.load %arg7[%get3A_19, %get3A_20] : memref<1x32xf32, #tpu.memory_space<vmem>>, vector<1x32xf32>
    %sub3A = vector.broadcast %get3A_21 : vector<1x32xf32> to vector<2000x32xf32>
    %sub3A_22 = arith.subf %get3A_11, %sub3A : vector<2000x32xf32>
    %get3A_23 = arith.constant 0 : index
    %get3A_24 = arith.constant 0 : index
    %get3A_25 = vector.load %arg4[%get3A_23, %get3A_24] : memref<1x32xf32, #tpu.memory_space<vmem>>, vector<1x32xf32>
    %mul3A = vector.broadcast %get3A_25 : vector<1x32xf32> to vector<2000x32xf32>
    %mul3A_26 = arith.mulf %sub3A_22, %mul3A : vector<2000x32xf32>
    %get3A_27 = arith.constant 0 : index
    %get3A_28 = arith.constant 0 : index
    %get3A_29 = vector.load %arg10[%get3A_27, %get3A_28] : memref<1x32xf32, #tpu.memory_space<vmem>>, vector<1x32xf32>
    %add3A_30 = vector.broadcast %get3A_29 : vector<1x32xf32> to vector<2000x32xf32>
    %add3A_31 = arith.addf %mul3A_26, %add3A_30 : vector<2000x32xf32>
    %get3A_32 = arith.constant 0 : index
    %get3A_33 = arith.constant 0 : index
    %get3A_34 = vector.load %arg14[%get3A_32, %get3A_33] : memref<32x256xf32, #tpu.memory_space<vmem>>, vector<32x256xf32>
    %dot_general3A_35 = arith.constant dense<0.000000e+00> : vector<2000x256xf32>
    %dot_general3A_36 = tpu.matmul %add3A_31, %get3A_34, %dot_general3A_35 {dimension_numbers = #tpu.dot_dimension_numbers<[1], [0], [0], [1], [0, 0, 1, 1], [], []>, transpose_lhs_hint = false} : vector<2000x32xf32>, vector<32x256xf32>, vector<2000x256xf32> -> vector<2000x256xf32>
    %get3A_37 = arith.constant 0 : index
    %get3A_38 = arith.constant 0 : index
    %get3A_39 = vector.load %arg8[%get3A_37, %get3A_38] : memref<1x32xf32, #tpu.memory_space<vmem>>, vector<1x32xf32>
    %sub3A_40 = vector.broadcast %get3A_39 : vector<1x32xf32> to vector<2000x32xf32>
    %sub3A_41 = arith.subf %slice3A, %sub3A_40 : vector<2000x32xf32>
    %get3A_42 = arith.constant 0 : index
    %get3A_43 = arith.constant 0 : index
    %get3A_44 = vector.load %arg5[%get3A_42, %get3A_43] : memref<1x32xf32, #tpu.memory_space<vmem>>, vector<1x32xf32>
    %mul3A_45 = vector.broadcast %get3A_44 : vector<1x32xf32> to vector<2000x32xf32>
    %mul3A_46 = arith.mulf %sub3A_41, %mul3A_45 : vector<2000x32xf32>
    %get3A_47 = arith.constant 0 : index
    %get3A_48 = arith.constant 0 : index
    %get3A_49 = vector.load %arg11[%get3A_47, %get3A_48] : memref<1x32xf32, #tpu.memory_space<vmem>>, vector<1x32xf32>
    %add3A_50 = vector.broadcast %get3A_49 : vector<1x32xf32> to vector<2000x32xf32>
    %add3A_51 = arith.addf %mul3A_46, %add3A_50 : vector<2000x32xf32>
    %get3A_52 = arith.constant 0 : index
    %get3A_53 = arith.constant 0 : index
    %get3A_54 = vector.load %arg15[%get3A_52, %get3A_53] : memref<32x256xf32, #tpu.memory_space<vmem>>, vector<32x256xf32>
    %dot_general3A_55 = arith.constant dense<0.000000e+00> : vector<2000x256xf32>
    %dot_general3A_56 = tpu.matmul %add3A_51, %get3A_54, %dot_general3A_55 {dimension_numbers = #tpu.dot_dimension_numbers<[1], [0], [0], [1], [0, 0, 1, 1], [], []>, transpose_lhs_hint = false} : vector<2000x32xf32>, vector<32x256xf32>, vector<2000x256xf32> -> vector<2000x256xf32>
    %add3A_57 = arith.addf %dot_general3A_36, %dot_general3A_56 : vector<2000x256xf32>
    %get3A_58 = arith.constant 0 : index
    %get3A_59 = arith.constant 0 : index
    %get3A_60 = vector.load %arg9[%get3A_58, %get3A_59] : memref<1x32xf32, #tpu.memory_space<vmem>>, vector<1x32xf32>
    %sub3A_61 = vector.broadcast %get3A_60 : vector<1x32xf32> to vector<2000x32xf32>
    %sub3A_62 = arith.subf %slice3A_18, %sub3A_61 : vector<2000x32xf32>
    %get3A_63 = arith.constant 0 : index
    %get3A_64 = arith.constant 0 : index
    %get3A_65 = vector.load %arg6[%get3A_63, %get3A_64] : memref<1x32xf32, #tpu.memory_space<vmem>>, vector<1x32xf32>
    %mul3A_66 = vector.broadcast %get3A_65 : vector<1x32xf32> to vector<2000x32xf32>
    %mul3A_67 = arith.mulf %sub3A_62, %mul3A_66 : vector<2000x32xf32>
    %get3A_68 = arith.constant 0 : index
    %get3A_69 = arith.constant 0 : index
    %get3A_70 = vector.load %arg12[%get3A_68, %get3A_69] : memref<1x32xf32, #tpu.memory_space<vmem>>, vector<1x32xf32>
    %add3A_71 = vector.broadcast %get3A_70 : vector<1x32xf32> to vector<2000x32xf32>
    %add3A_72 = arith.addf %mul3A_67, %add3A_71 : vector<2000x32xf32>
    %get3A_73 = arith.constant 0 : index
    %get3A_74 = arith.constant 0 : index
    %get3A_75 = vector.load %arg16[%get3A_73, %get3A_74] : memref<32x256xf32, #tpu.memory_space<vmem>>, vector<32x256xf32>
    %dot_general3A_76 = arith.constant dense<0.000000e+00> : vector<2000x256xf32>
    %dot_general3A_77 = tpu.matmul %add3A_72, %get3A_75, %dot_general3A_76 {dimension_numbers = #tpu.dot_dimension_numbers<[1], [0], [0], [1], [0, 0, 1, 1], [], []>, transpose_lhs_hint = false} : vector<2000x32xf32>, vector<32x256xf32>, vector<2000x256xf32> -> vector<2000x256xf32>
    %add3A_78 = arith.addf %add3A_57, %dot_general3A_77 : vector<2000x256xf32>
    %add3A_79 = vector.broadcast %add3A : vector<1x256xf32> to vector<2000x256xf32>
    %add3A_80 = arith.addf %add3A_78, %add3A_79 : vector<2000x256xf32>
    %max3A = arith.constant 0.000000e+00 : f32
    %max3A_81 = vector.broadcast %max3A : f32 to vector<2000x256xf32>
    %max3A_82 = arith.maximumf %add3A_80, %max3A_81 : vector<2000x256xf32>
    %get3A_83 = arith.constant 0 : index
    %get3A_84 = arith.constant 0 : index
    %get3A_85 = vector.load %arg19[%get3A_83, %get3A_84] : memref<256x128xf32, #tpu.memory_space<vmem>>, vector<256x128xf32>
    %dot_general3A_86 = arith.constant dense<0.000000e+00> : vector<2000x128xf32>
    %dot_general3A_87 = tpu.matmul %max3A_82, %get3A_85, %dot_general3A_86 {dimension_numbers = #tpu.dot_dimension_numbers<[1], [0], [0], [1], [0, 0, 1, 1], [], []>, transpose_lhs_hint = false} : vector<2000x256xf32>, vector<256x128xf32>, vector<2000x128xf32> -> vector<2000x128xf32>
    %get3A_88 = arith.constant 0 : index
    %get3A_89 = arith.constant 0 : index
    %get3A_90 = vector.load %arg20[%get3A_88, %get3A_89] : memref<1x128xf32, #tpu.memory_space<vmem>>, vector<1x128xf32>
    %add3A_91 = vector.broadcast %get3A_90 : vector<1x128xf32> to vector<2000x128xf32>
    %add3A_92 = arith.addf %dot_general3A_87, %add3A_91 : vector<2000x128xf32>
    %max3A_93 = arith.constant 0.000000e+00 : f32
    %max3A_94 = vector.broadcast %max3A_93 : f32 to vector<2000x128xf32>
    %max3A_95 = arith.maximumf %add3A_92, %max3A_94 : vector<2000x128xf32>
    %get3A_96 = arith.constant 0 : index
    %get3A_97 = arith.constant 0 : index
    %get3A_98 = vector.load %arg21[%get3A_96, %get3A_97] : memref<128x32xf32, #tpu.memory_space<vmem>>, vector<128x32xf32>
    %dot_general3A_99 = arith.constant dense<0.000000e+00> : vector<2000x32xf32>
    %dot_general3A_100 = tpu.matmul %max3A_95, %get3A_98, %dot_general3A_99 {dimension_numbers = #tpu.dot_dimension_numbers<[1], [0], [0], [1], [0, 0, 1, 1], [], []>, transpose_lhs_hint = false} : vector<2000x128xf32>, vector<128x32xf32>, vector<2000x32xf32> -> vector<2000x32xf32>
    %get3A_101 = arith.constant 0 : index
    %get3A_102 = arith.constant 0 : index
    %get3A_103 = vector.load %arg22[%get3A_101, %get3A_102] : memref<1x32xf32, #tpu.memory_space<vmem>>, vector<1x32xf32>
    %add3A_104 = vector.broadcast %get3A_103 : vector<1x32xf32> to vector<2000x32xf32>
    %add3A_105 = arith.addf %dot_general3A_100, %add3A_104 : vector<2000x32xf32>
    %max3A_106 = arith.constant 0.000000e+00 : f32
    %max3A_107 = vector.broadcast %max3A_106 : f32 to vector<2000x32xf32>
    %max3A_108 = arith.maximumf %add3A_105, %max3A_107 : vector<2000x32xf32>
    %jit3A = arith.constant 0 : i32
    %convert_element_type3A = arith.sitofp %jit3A : i32 to f32
    %pad3A = vector.broadcast %convert_element_type3A : f32 to vector<2000x96xf32>
    %pad3A_109 = tpu.concatenate %max3A_108, %pad3A in 1 : vector<2000x32xf32>, vector<2000x96xf32> -> vector<2000x128xf32>
    %swap3A = arith.constant 0 : index
    %swap3A_110 = arith.constant 0 : index
    %swap3A_111 = vector.load %arg24[%swap3A, %swap3A_110] : memref<2000x128xf32, #tpu.memory_space<vmem>>, vector<2000x128xf32>
    tpu.vector_store %arg24[%swap3A, %swap3A_110], %pad3A_109 {strides = array<i32>} : memref<2000x128xf32, #tpu.memory_space<vmem>>, vector<2000x128xf32>,
    %add3A_112 = arith.addf %max3A_108, %get3A_11 : vector<2000x32xf32>
    %swap3A_113 = arith.constant 0 : index
    %swap3A_114 = arith.constant 0 : index
    %swap3A_115 = vector.load %arg23[%swap3A_113, %swap3A_114] : memref<2000x32xf32, #tpu.memory_space<vmem>>, vector<2000x32xf32>
    tpu.vector_store %arg23[%swap3A_113, %swap3A_114], %add3A_112 {strides = array<i32>} : memref<2000x32xf32, #tpu.memory_space<vmem>>, vector<2000x32xf32>,
    %eq3A = arith.constant 0 : i32
    %eq3A_116 = arith.cmpi eq, %arg0, %eq3A : i32
    %convert_element_type3A_117 = arith.extui %eq3A_116 : i1 to i32
    %cond3A = arith.constant 0 : i32
    %cond3A_118 = arith.cmpi ne, %convert_element_type3A_117, %cond3A : i32
    scf.if %cond3A_118 {
      %broadcast_in_dim3A_141 = arith.constant 0.000000e+00 : f32
      %broadcast_in_dim3A_142 = vector.broadcast %broadcast_in_dim3A_141 : f32 to vector<1x32xf32>
      %swap3A_143 = arith.constant 0 : index
      %swap3A_144 = arith.constant 0 : index
      %swap3A_145 = vector.load %arg25[%swap3A_143, %swap3A_144] : memref<1x32xf32, #tpu.memory_space<vmem>>, vector<1x32xf32>
      tpu.vector_store %arg25[%swap3A_143, %swap3A_144], %broadcast_in_dim3A_142 {strides = array<i32>} : memref<1x32xf32, #tpu.memory_space<vmem>>, vector<1x32xf32>,
      %broadcast_in_dim3A_146 = arith.constant 0.000000e+00 : f32
      %broadcast_in_dim3A_147 = vector.broadcast %broadcast_in_dim3A_146 : f32 to vector<1x32xf32>
      %swap3A_148 = arith.constant 0 : index
      %swap3A_149 = arith.constant 0 : index
      %swap3A_150 = vector.load %arg26[%swap3A_148, %swap3A_149] : memref<1x32xf32, #tpu.memory_space<vmem>>, vector<1x32xf32>
      tpu.vector_store %arg26[%swap3A_148, %swap3A_149], %broadcast_in_dim3A_147 {strides = array<i32>} : memref<1x32xf32, #tpu.memory_space<vmem>>, vector<1x32xf32>,
    } else {
    }
    %get3A_119 = arith.constant 0 : index
    %get3A_120 = arith.constant 0 : index
    %get3A_121 = vector.load %arg25[%get3A_119, %get3A_120] : memref<1x32xf32, #tpu.memory_space<vmem>>, vector<1x32xf32>
    %reduce_sum3A = arith.constant dense<0.000000e+00> : vector<32xf32>
    %reduce_sum3A_122 = vector.multi_reduction <add>, %add3A_112, %reduce_sum3A [0] : vector<2000x32xf32> to vector<32xf32>
    %broadcast_in_dim3A = vector.shape_cast %reduce_sum3A_122 : vector<32xf32> to vector<1x32xf32>
    %add3A_123 = arith.addf %get3A_121, %broadcast_in_dim3A : vector<1x32xf32>
    %swap3A_124 = arith.constant 0 : index
    %swap3A_125 = arith.constant 0 : index
    %swap3A_126 = vector.load %arg25[%swap3A_124, %swap3A_125] : memref<1x32xf32, #tpu.memory_space<vmem>>, vector<1x32xf32>
    tpu.vector_store %arg25[%swap3A_124, %swap3A_125], %add3A_123 {strides = array<i32>} : memref<1x32xf32, #tpu.memory_space<vmem>>, vector<1x32xf32>,
    %get3A_127 = arith.constant 0 : index
    %get3A_128 = arith.constant 0 : index
    %get3A_129 = vector.load %arg26[%get3A_127, %get3A_128] : memref<1x32xf32, #tpu.memory_space<vmem>>, vector<1x32xf32>
    %get3A_130 = arith.constant 0 : index
    %get3A_131 = arith.constant 0 : index
    %get3A_132 = vector.load %arg24[%get3A_130, %get3A_131] : memref<2000x128xf32, #tpu.memory_space<vmem>>, vector<2000x128xf32>
    %slice3A_133 = vector.extract_strided_slice %get3A_132 {offsets = [0, 0], sizes = [2000, 32], strides = [1, 1]} : vector<2000x128xf32> to vector<2000x32xf32>
    %reduce_sum3A_134 = arith.constant dense<0.000000e+00> : vector<32xf32>
    %reduce_sum3A_135 = vector.multi_reduction <add>, %slice3A_133, %reduce_sum3A_134 [0] : vector<2000x32xf32> to vector<32xf32>
    %broadcast_in_dim3A_136 = vector.shape_cast %reduce_sum3A_135 : vector<32xf32> to vector<1x32xf32>
    %add3A_137 = arith.addf %get3A_129, %broadcast_in_dim3A_136 : vector<1x32xf32>
    %swap3A_138 = arith.constant 0 : index
    %swap3A_139 = arith.constant 0 : index
    %swap3A_140 = vector.load %arg26[%swap3A_138, %swap3A_139] : memref<1x32xf32, #tpu.memory_space<vmem>>, vector<1x32xf32>
    tpu.vector_store %arg26[%swap3A_138, %swap3A_139], %add3A_137 {strides = array<i32>} : memref<1x32xf32, #tpu.memory_space<vmem>>, vector<1x32xf32>,
    return
  }
  func.func @transform_0(%arg0: i32) -> (i32, i32) {
    %c0_i32 = arith.constant 0 : i32
    %c0_i32_0 = arith.constant 0 : i32
    return %arg0, %c0_i32 : i32, i32
  }
  func.func @transform_1(%arg0: i32) -> (i32, i32) {
    %c0_i32 = arith.constant 0 : i32
    %c0_i32_0 = arith.constant 0 : i32
    return %arg0, %c0_i32 : i32, i32
  }
  func.func @transform_2(%arg0: i32) -> (i32, i32) {
    %c0_i32 = arith.constant 0 : i32
    %c0_i32_0 = arith.constant 0 : i32
    return %arg0, %c0_i32 : i32, i32
  }
  func.func @transform_3(%arg0: i32) -> (i32, i32) {
    %c0_i32 = arith.constant 0 : i32
    %c0_i32_0 = arith.constant 0 : i32
    %c0_i32_1 = arith.constant 0 : i32
    return %c0_i32, %c0_i32_0 : i32, i32
  }
  func.func @transform_4(%arg0: i32) -> (i32, i32) {
    %c0_i32 = arith.constant 0 : i32
    %c0_i32_0 = arith.constant 0 : i32
    %c0_i32_1 = arith.constant 0 : i32
    return %c0_i32, %c0_i32_0 : i32, i32
  }
  func.func @transform_5(%arg0: i32) -> (i32, i32) {
    %c0_i32 = arith.constant 0 : i32
    %c0_i32_0 = arith.constant 0 : i32
    %c0_i32_1 = arith.constant 0 : i32
    return %c0_i32, %c0_i32_0 : i32, i32
  }
  func.func @transform_6(%arg0: i32) -> (i32, i32) {
    %c0_i32 = arith.constant 0 : i32
    %c0_i32_0 = arith.constant 0 : i32
    %c0_i32_1 = arith.constant 0 : i32
    return %c0_i32, %c0_i32_0 : i32, i32
  }
  func.func @transform_7(%arg0: i32) -> (i32, i32) {
    %c0_i32 = arith.constant 0 : i32
    %c0_i32_0 = arith.constant 0 : i32
    %c0_i32_1 = arith.constant 0 : i32
    return %c0_i32, %c0_i32_0 : i32, i32
  }
  func.func @transform_8(%arg0: i32) -> (i32, i32) {
    %c0_i32 = arith.constant 0 : i32
    %c0_i32_0 = arith.constant 0 : i32
    %c0_i32_1 = arith.constant 0 : i32
    return %c0_i32, %c0_i32_0 : i32, i32
  }
  func.func @transform_9(%arg0: i32) -> (i32, i32) {
    %c0_i32 = arith.constant 0 : i32
    %c0_i32_0 = arith.constant 0 : i32
    %c0_i32_1 = arith.constant 0 : i32
    return %c0_i32, %c0_i32_0 : i32, i32
  }
  func.func @transform_10(%arg0: i32) -> (i32, i32) {
    %c0_i32 = arith.constant 0 : i32
    %c0_i32_0 = arith.constant 0 : i32
    %c0_i32_1 = arith.constant 0 : i32
    return %c0_i32, %c0_i32_0 : i32, i32
  }
  func.func @transform_11(%arg0: i32) -> (i32, i32) {
    %c0_i32 = arith.constant 0 : i32
    %c0_i32_0 = arith.constant 0 : i32
    %c0_i32_1 = arith.constant 0 : i32
    return %c0_i32, %c0_i32_0 : i32, i32
  }
  func.func @transform_12(%arg0: i32) -> (i32, i32) {
    %c0_i32 = arith.constant 0 : i32
    %c0_i32_0 = arith.constant 0 : i32
    %c0_i32_1 = arith.constant 0 : i32
    return %c0_i32, %c0_i32_0 : i32, i32
  }
  func.func @transform_13(%arg0: i32) -> (i32, i32) {
    %c0_i32 = arith.constant 0 : i32
    %c0_i32_0 = arith.constant 0 : i32
    %c0_i32_1 = arith.constant 0 : i32
    return %c0_i32, %c0_i32_0 : i32, i32
  }
  func.func @transform_14(%arg0: i32) -> (i32, i32) {
    %c0_i32 = arith.constant 0 : i32
    %c0_i32_0 = arith.constant 0 : i32
    %c0_i32_1 = arith.constant 0 : i32
    return %c0_i32, %c0_i32_0 : i32, i32
  }
  func.func @transform_15(%arg0: i32) -> (i32, i32) {
    %c0_i32 = arith.constant 0 : i32
    %c0_i32_0 = arith.constant 0 : i32
    %c0_i32_1 = arith.constant 0 : i32
    return %c0_i32, %c0_i32_0 : i32, i32
  }
  func.func @transform_16(%arg0: i32) -> (i32, i32) {
    %c0_i32 = arith.constant 0 : i32
    %c0_i32_0 = arith.constant 0 : i32
    %c0_i32_1 = arith.constant 0 : i32
    return %c0_i32, %c0_i32_0 : i32, i32
  }
  func.func @transform_17(%arg0: i32) -> (i32, i32) {
    %c0_i32 = arith.constant 0 : i32
    %c0_i32_0 = arith.constant 0 : i32
    %c0_i32_1 = arith.constant 0 : i32
    return %c0_i32, %c0_i32_0 : i32, i32
  }
  func.func @transform_18(%arg0: i32) -> (i32, i32) {
    %c0_i32 = arith.constant 0 : i32
    %c0_i32_0 = arith.constant 0 : i32
    %c0_i32_1 = arith.constant 0 : i32
    return %c0_i32, %c0_i32_0 : i32, i32
  }
  func.func @transform_19(%arg0: i32) -> (i32, i32) {
    %c0_i32 = arith.constant 0 : i32
    %c0_i32_0 = arith.constant 0 : i32
    %c0_i32_1 = arith.constant 0 : i32
    return %c0_i32, %c0_i32_0 : i32, i32
  }
  func.func @transform_20(%arg0: i32) -> (i32, i32) {
    %c0_i32 = arith.constant 0 : i32
    %c0_i32_0 = arith.constant 0 : i32
    %c0_i32_1 = arith.constant 0 : i32
    return %c0_i32, %c0_i32_0 : i32, i32
  }
  func.func @transform_21(%arg0: i32) -> (i32, i32) {
    %c0_i32 = arith.constant 0 : i32
    %c0_i32_0 = arith.constant 0 : i32
    %c0_i32_1 = arith.constant 0 : i32
    return %c0_i32, %c0_i32_0 : i32, i32
  }
  func.func @transform_22(%arg0: i32) -> (i32, i32) {
    %c0_i32 = arith.constant 0 : i32
    %c0_i32_0 = arith.constant 0 : i32
    return %arg0, %c0_i32 : i32, i32
  }
  func.func @transform_23(%arg0: i32) -> (i32, i32) {
    %c0_i32 = arith.constant 0 : i32
    %c0_i32_0 = arith.constant 0 : i32
    return %arg0, %c0_i32 : i32, i32
  }
  func.func @transform_24(%arg0: i32) -> (i32, i32) {
    %c0_i32 = arith.constant 0 : i32
    %c0_i32_0 = arith.constant 0 : i32
    %c0_i32_1 = arith.constant 0 : i32
    return %c0_i32, %c0_i32_0 : i32, i32
  }
  func.func @transform_25(%arg0: i32) -> (i32, i32) {
    %c0_i32 = arith.constant 0 : i32
    %c0_i32_0 = arith.constant 0 : i32
    %c0_i32_1 = arith.constant 0 : i32
    return %c0_i32, %c0_i32_0 : i32, i32
  }
}

module attributes {stable_mosaic.version = 14 : i64} {
  func.func @_nstats_kernel(%arg0: memref<10000x32xf32, #tpu.memory_space<vmem>>, %arg1: memref<10000x32xf32, #tpu.memory_space<vmem>>, %arg2: memref<10000x32xf32, #tpu.memory_space<vmem>>, %arg3: memref<10000x1xf32, #tpu.memory_space<vmem>>, %arg4: memref<2x32xf32, #tpu.memory_space<vmem>>, %arg5: memref<2x32xf32, #tpu.memory_space<vmem>>) attributes {dimension_semantics = [], scalar_prefetch = 0 : i64, scratch_operands = 0 : i64, tpu.core_type = #tpu.core_type<tc>} {
    %get3A = arith.constant 0 : index
    %get3A_0 = arith.constant 0 : index
    %get3A_1 = vector.load %arg0[%get3A, %get3A_0] : memref<10000x32xf32, #tpu.memory_space<vmem>>, vector<10000x32xf32>
    %get3A_2 = arith.constant 0 : index
    %get3A_3 = arith.constant 0 : index
    %get3A_4 = vector.load %arg1[%get3A_2, %get3A_3] : memref<10000x32xf32, #tpu.memory_space<vmem>>, vector<10000x32xf32>
    %get3A_5 = arith.constant 0 : index
    %get3A_6 = arith.constant 0 : index
    %get3A_7 = vector.load %arg2[%get3A_5, %get3A_6] : memref<10000x32xf32, #tpu.memory_space<vmem>>, vector<10000x32xf32>
    %add3A = arith.addf %get3A_4, %get3A_7 : vector<10000x32xf32>
    %get3A_8 = arith.constant 0 : index
    %get3A_9 = arith.constant 0 : index
    %get3A_10 = vector.load %arg3[%get3A_8, %get3A_9] : memref<10000x1xf32, #tpu.memory_space<vmem>>, vector<10000x1xf32>
    %max3A = arith.constant 1.000000e+00 : f32
    %max3A_11 = vector.broadcast %max3A : f32 to vector<10000x1xf32>
    %max3A_12 = arith.maximumf %get3A_10, %max3A_11 : vector<10000x1xf32>
    %div3A = vector.broadcast %max3A_12 : vector<10000x1xf32> to vector<10000x32xf32>
    %div3A_13 = arith.divf %add3A, %div3A : vector<10000x32xf32>
    %reduce_sum3A = arith.constant dense<0.000000e+00> : vector<32xf32>
    %reduce_sum3A_14 = vector.multi_reduction <add>, %get3A_1, %reduce_sum3A [0] : vector<10000x32xf32> to vector<32xf32>
    %broadcast_in_dim3A = vector.shape_cast %reduce_sum3A_14 : vector<32xf32> to vector<1x32xf32>
    %mul3A = arith.constant 9.99999974E-5 : f32
    %mul3A_15 = vector.broadcast %mul3A : f32 to vector<1x32xf32>
    %mul3A_16 = arith.mulf %broadcast_in_dim3A, %mul3A_15 : vector<1x32xf32>
    %sub3A = vector.broadcast %mul3A_16 : vector<1x32xf32> to vector<10000x32xf32>
    %sub3A_17 = arith.subf %get3A_1, %sub3A : vector<10000x32xf32>
    %mul3A_18 = arith.mulf %sub3A_17, %sub3A_17 : vector<10000x32xf32>
    %reduce_sum3A_19 = arith.constant dense<0.000000e+00> : vector<32xf32>
    %reduce_sum3A_20 = vector.multi_reduction <add>, %mul3A_18, %reduce_sum3A_19 [0] : vector<10000x32xf32> to vector<32xf32>
    %broadcast_in_dim3A_21 = vector.shape_cast %reduce_sum3A_20 : vector<32xf32> to vector<1x32xf32>
    %reduce_sum3A_22 = arith.constant dense<0.000000e+00> : vector<32xf32>
    %reduce_sum3A_23 = vector.multi_reduction <add>, %div3A_13, %reduce_sum3A_22 [0] : vector<10000x32xf32> to vector<32xf32>
    %broadcast_in_dim3A_24 = vector.shape_cast %reduce_sum3A_23 : vector<32xf32> to vector<1x32xf32>
    %mul3A_25 = arith.constant 9.99999974E-5 : f32
    %mul3A_26 = vector.broadcast %mul3A_25 : f32 to vector<1x32xf32>
    %mul3A_27 = arith.mulf %broadcast_in_dim3A_24, %mul3A_26 : vector<1x32xf32>
    %sub3A_28 = vector.broadcast %mul3A_27 : vector<1x32xf32> to vector<10000x32xf32>
    %sub3A_29 = arith.subf %div3A_13, %sub3A_28 : vector<10000x32xf32>
    %mul3A_30 = arith.mulf %sub3A_29, %sub3A_29 : vector<10000x32xf32>
    %reduce_sum3A_31 = arith.constant dense<0.000000e+00> : vector<32xf32>
    %reduce_sum3A_32 = vector.multi_reduction <add>, %mul3A_30, %reduce_sum3A_31 [0] : vector<10000x32xf32> to vector<32xf32>
    %broadcast_in_dim3A_33 = vector.shape_cast %reduce_sum3A_32 : vector<32xf32> to vector<1x32xf32>
    %concatenate3A = tpu.concatenate %mul3A_16, %broadcast_in_dim3A_21 in 0 : vector<1x32xf32>, vector<1x32xf32> -> vector<2x32xf32>
    %swap3A = arith.constant 0 : index
    %swap3A_34 = arith.constant 0 : index
    %swap3A_35 = vector.load %arg4[%swap3A, %swap3A_34] : memref<2x32xf32, #tpu.memory_space<vmem>>, vector<2x32xf32>
    tpu.vector_store %arg4[%swap3A, %swap3A_34], %concatenate3A {strides = array<i32>} : memref<2x32xf32, #tpu.memory_space<vmem>>, vector<2x32xf32>,
    %concatenate3A_36 = tpu.concatenate %mul3A_27, %broadcast_in_dim3A_33 in 0 : vector<1x32xf32>, vector<1x32xf32> -> vector<2x32xf32>
    %swap3A_37 = arith.constant 0 : index
    %swap3A_38 = arith.constant 0 : index
    %swap3A_39 = vector.load %arg5[%swap3A_37, %swap3A_38] : memref<2x32xf32, #tpu.memory_space<vmem>>, vector<2x32xf32>
    tpu.vector_store %arg5[%swap3A_37, %swap3A_38], %concatenate3A_36 {strides = array<i32>} : memref<2x32xf32, #tpu.memory_space<vmem>>, vector<2x32xf32>,
    return
  }
}

module attributes {stable_mosaic.version = 14 : i64} {
  func.func @_node_body_kernel(%arg0: i32, %arg1: memref<2000x32xf32, #tpu.memory_space<vmem>>, %arg2: memref<2000x32xf32, #tpu.memory_space<vmem>>, %arg3: memref<2000x32xf32, #tpu.memory_space<vmem>>, %arg4: memref<2000x1xf32, #tpu.memory_space<vmem>>, %arg5: memref<1x32xf32, #tpu.memory_space<vmem>>, %arg6: memref<1x32xf32, #tpu.memory_space<vmem>>, %arg7: memref<1x32xf32, #tpu.memory_space<vmem>>, %arg8: memref<1x32xf32, #tpu.memory_space<vmem>>, %arg9: memref<1x32xf32, #tpu.memory_space<vmem>>, %arg10: memref<1x32xf32, #tpu.memory_space<vmem>>, %arg11: memref<1x32xf32, #tpu.memory_space<vmem>>, %arg12: memref<32x256xf32, #tpu.memory_space<vmem>>, %arg13: memref<32x256xf32, #tpu.memory_space<vmem>>, %arg14: memref<32x256xf32, #tpu.memory_space<vmem>>, %arg15: memref<1x256xf32, #tpu.memory_space<vmem>>, %arg16: memref<256x128xf32, #tpu.memory_space<vmem>>, %arg17: memref<1x128xf32, #tpu.memory_space<vmem>>, %arg18: memref<128x32xf32, #tpu.memory_space<vmem>>, %arg19: memref<1x32xf32, #tpu.memory_space<vmem>>, %arg20: memref<2000x32xf32, #tpu.memory_space<vmem>>, %arg21: memref<1x32xf32, #tpu.memory_space<vmem>>) attributes {dimension_semantics = [#tpu.dimension_semantics<arbitrary>], iteration_bounds = array<i64: 5>, scalar_prefetch = 0 : i64, scratch_operands = 0 : i64, tpu.core_type = #tpu.core_type<tc>, window_params = [{transform_indices = @transform_0, window_bounds = array<i64: 2000, 32>}, {transform_indices = @transform_1, window_bounds = array<i64: 2000, 32>}, {transform_indices = @transform_2, window_bounds = array<i64: 2000, 32>}, {transform_indices = @transform_3, window_bounds = array<i64: 2000, 1>}, {pipeline_mode = #tpu.pipeline_mode<synchronous>, transform_indices = @transform_4, window_bounds = array<i64: 1, 32>}, {pipeline_mode = #tpu.pipeline_mode<synchronous>, transform_indices = @transform_5, window_bounds = array<i64: 1, 32>}, {pipeline_mode = #tpu.pipeline_mode<synchronous>, transform_indices = @transform_6, window_bounds = array<i64: 1, 32>}, {pipeline_mode = #tpu.pipeline_mode<synchronous>, transform_indices = @transform_7, window_bounds = array<i64: 1, 32>}, {pipeline_mode = #tpu.pipeline_mode<synchronous>, transform_indices = @transform_8, window_bounds = array<i64: 1, 32>}, {pipeline_mode = #tpu.pipeline_mode<synchronous>, transform_indices = @transform_9, window_bounds = array<i64: 1, 32>}, {pipeline_mode = #tpu.pipeline_mode<synchronous>, transform_indices = @transform_10, window_bounds = array<i64: 1, 32>}, {pipeline_mode = #tpu.pipeline_mode<synchronous>, transform_indices = @transform_11, window_bounds = array<i64: 32, 256>}, {pipeline_mode = #tpu.pipeline_mode<synchronous>, transform_indices = @transform_12, window_bounds = array<i64: 32, 256>}, {pipeline_mode = #tpu.pipeline_mode<synchronous>, transform_indices = @transform_13, window_bounds = array<i64: 32, 256>}, {pipeline_mode = #tpu.pipeline_mode<synchronous>, transform_indices = @transform_14, window_bounds = array<i64: 1, 256>}, {pipeline_mode = #tpu.pipeline_mode<synchronous>, transform_indices = @transform_15, window_bounds = array<i64: 256, 128>}, {pipeline_mode = #tpu.pipeline_mode<synchronous>, transform_indices = @transform_16, window_bounds = array<i64: 1, 128>}, {pipeline_mode = #tpu.pipeline_mode<synchronous>, transform_indices = @transform_17, window_bounds = array<i64: 128, 32>}, {pipeline_mode = #tpu.pipeline_mode<synchronous>, transform_indices = @transform_18, window_bounds = array<i64: 1, 32>}, {transform_indices = @transform_19, window_bounds = array<i64: 2000, 32>}, {pipeline_mode = #tpu.pipeline_mode<synchronous>, transform_indices = @transform_20, window_bounds = array<i64: 1, 32>}]} {
    %get3A = arith.constant 0 : index
    %get3A_0 = arith.constant 0 : index
    %get3A_1 = vector.load %arg11[%get3A, %get3A_0] : memref<1x32xf32, #tpu.memory_space<vmem>>, vector<1x32xf32>
    %get3A_2 = arith.constant 0 : index
    %get3A_3 = arith.constant 0 : index
    %get3A_4 = vector.load %arg14[%get3A_2, %get3A_3] : memref<32x256xf32, #tpu.memory_space<vmem>>, vector<32x256xf32>
    %dot_general3A = arith.constant dense<0.000000e+00> : vector<1x256xf32>
    %dot_general3A_5 = tpu.matmul %get3A_1, %get3A_4, %dot_general3A {dimension_numbers = #tpu.dot_dimension_numbers<[1], [0], [0], [1], [0, 0, 1, 1], [], []>, transpose_lhs_hint = false} : vector<1x32xf32>, vector<32x256xf32>, vector<1x256xf32> -> vector<1x256xf32>
    %get3A_6 = arith.constant 0 : index
    %get3A_7 = arith.constant 0 : index
    %get3A_8 = vector.load %arg15[%get3A_6, %get3A_7] : memref<1x256xf32, #tpu.memory_space<vmem>>, vector<1x256xf32>
    %add3A = arith.addf %dot_general3A_5, %get3A_8 : vector<1x256xf32>
    %get3A_9 = arith.constant 0 : index
    %get3A_10 = arith.constant 0 : index
    %get3A_11 = vector.load %arg1[%get3A_9, %get3A_10] : memref<2000x32xf32, #tpu.memory_space<vmem>>, vector<2000x32xf32>
    %get3A_12 = arith.constant 0 : index
    %get3A_13 = arith.constant 0 : index
    %get3A_14 = vector.load %arg2[%get3A_12, %get3A_13] : memref<2000x32xf32, #tpu.memory_space<vmem>>, vector<2000x32xf32>
    %get3A_15 = arith.constant 0 : index
    %get3A_16 = arith.constant 0 : index
    %get3A_17 = vector.load %arg3[%get3A_15, %get3A_16] : memref<2000x32xf32, #tpu.memory_space<vmem>>, vector<2000x32xf32>
    %add3A_18 = arith.addf %get3A_14, %get3A_17 : vector<2000x32xf32>
    %get3A_19 = arith.constant 0 : index
    %get3A_20 = arith.constant 0 : index
    %get3A_21 = vector.load %arg4[%get3A_19, %get3A_20] : memref<2000x1xf32, #tpu.memory_space<vmem>>, vector<2000x1xf32>
    %max3A = arith.constant 1.000000e+00 : f32
    %max3A_22 = vector.broadcast %max3A : f32 to vector<2000x1xf32>
    %max3A_23 = arith.maximumf %get3A_21, %max3A_22 : vector<2000x1xf32>
    %div3A = vector.broadcast %max3A_23 : vector<2000x1xf32> to vector<2000x32xf32>
    %div3A_24 = arith.divf %add3A_18, %div3A : vector<2000x32xf32>
    %get3A_25 = arith.constant 0 : index
    %get3A_26 = arith.constant 0 : index
    %get3A_27 = vector.load %arg6[%get3A_25, %get3A_26] : memref<1x32xf32, #tpu.memory_space<vmem>>, vector<1x32xf32>
    %sub3A = vector.broadcast %get3A_27 : vector<1x32xf32> to vector<2000x32xf32>
    %sub3A_28 = arith.subf %get3A_11, %sub3A : vector<2000x32xf32>
    %get3A_29 = arith.constant 0 : index
    %get3A_30 = arith.constant 0 : index
    %get3A_31 = vector.load %arg5[%get3A_29, %get3A_30] : memref<1x32xf32, #tpu.memory_space<vmem>>, vector<1x32xf32>
    %mul3A = vector.broadcast %get3A_31 : vector<1x32xf32> to vector<2000x32xf32>
    %mul3A_32 = arith.mulf %sub3A_28, %mul3A : vector<2000x32xf32>
    %get3A_33 = arith.constant 0 : index
    %get3A_34 = arith.constant 0 : index
    %get3A_35 = vector.load %arg7[%get3A_33, %get3A_34] : memref<1x32xf32, #tpu.memory_space<vmem>>, vector<1x32xf32>
    %add3A_36 = vector.broadcast %get3A_35 : vector<1x32xf32> to vector<2000x32xf32>
    %add3A_37 = arith.addf %mul3A_32, %add3A_36 : vector<2000x32xf32>
    %get3A_38 = arith.constant 0 : index
    %get3A_39 = arith.constant 0 : index
    %get3A_40 = vector.load %arg12[%get3A_38, %get3A_39] : memref<32x256xf32, #tpu.memory_space<vmem>>, vector<32x256xf32>
    %dot_general3A_41 = arith.constant dense<0.000000e+00> : vector<2000x256xf32>
    %dot_general3A_42 = tpu.matmul %add3A_37, %get3A_40, %dot_general3A_41 {dimension_numbers = #tpu.dot_dimension_numbers<[1], [0], [0], [1], [0, 0, 1, 1], [], []>, transpose_lhs_hint = false} : vector<2000x32xf32>, vector<32x256xf32>, vector<2000x256xf32> -> vector<2000x256xf32>
    %get3A_43 = arith.constant 0 : index
    %get3A_44 = arith.constant 0 : index
    %get3A_45 = vector.load %arg9[%get3A_43, %get3A_44] : memref<1x32xf32, #tpu.memory_space<vmem>>, vector<1x32xf32>
    %sub3A_46 = vector.broadcast %get3A_45 : vector<1x32xf32> to vector<2000x32xf32>
    %sub3A_47 = arith.subf %div3A_24, %sub3A_46 : vector<2000x32xf32>
    %get3A_48 = arith.constant 0 : index
    %get3A_49 = arith.constant 0 : index
    %get3A_50 = vector.load %arg8[%get3A_48, %get3A_49] : memref<1x32xf32, #tpu.memory_space<vmem>>, vector<1x32xf32>
    %mul3A_51 = vector.broadcast %get3A_50 : vector<1x32xf32> to vector<2000x32xf32>
    %mul3A_52 = arith.mulf %sub3A_47, %mul3A_51 : vector<2000x32xf32>
    %get3A_53 = arith.constant 0 : index
    %get3A_54 = arith.constant 0 : index
    %get3A_55 = vector.load %arg10[%get3A_53, %get3A_54] : memref<1x32xf32, #tpu.memory_space<vmem>>, vector<1x32xf32>
    %add3A_56 = vector.broadcast %get3A_55 : vector<1x32xf32> to vector<2000x32xf32>
    %add3A_57 = arith.addf %mul3A_52, %add3A_56 : vector<2000x32xf32>
    %get3A_58 = arith.constant 0 : index
    %get3A_59 = arith.constant 0 : index
    %get3A_60 = vector.load %arg13[%get3A_58, %get3A_59] : memref<32x256xf32, #tpu.memory_space<vmem>>, vector<32x256xf32>
    %dot_general3A_61 = arith.constant dense<0.000000e+00> : vector<2000x256xf32>
    %dot_general3A_62 = tpu.matmul %add3A_57, %get3A_60, %dot_general3A_61 {dimension_numbers = #tpu.dot_dimension_numbers<[1], [0], [0], [1], [0, 0, 1, 1], [], []>, transpose_lhs_hint = false} : vector<2000x32xf32>, vector<32x256xf32>, vector<2000x256xf32> -> vector<2000x256xf32>
    %add3A_63 = arith.addf %dot_general3A_42, %dot_general3A_62 : vector<2000x256xf32>
    %add3A_64 = vector.broadcast %add3A : vector<1x256xf32> to vector<2000x256xf32>
    %add3A_65 = arith.addf %add3A_63, %add3A_64 : vector<2000x256xf32>
    %max3A_66 = arith.constant 0.000000e+00 : f32
    %max3A_67 = vector.broadcast %max3A_66 : f32 to vector<2000x256xf32>
    %max3A_68 = arith.maximumf %add3A_65, %max3A_67 : vector<2000x256xf32>
    %get3A_69 = arith.constant 0 : index
    %get3A_70 = arith.constant 0 : index
    %get3A_71 = vector.load %arg16[%get3A_69, %get3A_70] : memref<256x128xf32, #tpu.memory_space<vmem>>, vector<256x128xf32>
    %dot_general3A_72 = arith.constant dense<0.000000e+00> : vector<2000x128xf32>
    %dot_general3A_73 = tpu.matmul %max3A_68, %get3A_71, %dot_general3A_72 {dimension_numbers = #tpu.dot_dimension_numbers<[1], [0], [0], [1], [0, 0, 1, 1], [], []>, transpose_lhs_hint = false} : vector<2000x256xf32>, vector<256x128xf32>, vector<2000x128xf32> -> vector<2000x128xf32>
    %get3A_74 = arith.constant 0 : index
    %get3A_75 = arith.constant 0 : index
    %get3A_76 = vector.load %arg17[%get3A_74, %get3A_75] : memref<1x128xf32, #tpu.memory_space<vmem>>, vector<1x128xf32>
    %add3A_77 = vector.broadcast %get3A_76 : vector<1x128xf32> to vector<2000x128xf32>
    %add3A_78 = arith.addf %dot_general3A_73, %add3A_77 : vector<2000x128xf32>
    %max3A_79 = arith.constant 0.000000e+00 : f32
    %max3A_80 = vector.broadcast %max3A_79 : f32 to vector<2000x128xf32>
    %max3A_81 = arith.maximumf %add3A_78, %max3A_80 : vector<2000x128xf32>
    %get3A_82 = arith.constant 0 : index
    %get3A_83 = arith.constant 0 : index
    %get3A_84 = vector.load %arg18[%get3A_82, %get3A_83] : memref<128x32xf32, #tpu.memory_space<vmem>>, vector<128x32xf32>
    %dot_general3A_85 = arith.constant dense<0.000000e+00> : vector<2000x32xf32>
    %dot_general3A_86 = tpu.matmul %max3A_81, %get3A_84, %dot_general3A_85 {dimension_numbers = #tpu.dot_dimension_numbers<[1], [0], [0], [1], [0, 0, 1, 1], [], []>, transpose_lhs_hint = false} : vector<2000x128xf32>, vector<128x32xf32>, vector<2000x32xf32> -> vector<2000x32xf32>
    %get3A_87 = arith.constant 0 : index
    %get3A_88 = arith.constant 0 : index
    %get3A_89 = vector.load %arg19[%get3A_87, %get3A_88] : memref<1x32xf32, #tpu.memory_space<vmem>>, vector<1x32xf32>
    %add3A_90 = vector.broadcast %get3A_89 : vector<1x32xf32> to vector<2000x32xf32>
    %add3A_91 = arith.addf %dot_general3A_86, %add3A_90 : vector<2000x32xf32>
    %max3A_92 = arith.constant 0.000000e+00 : f32
    %max3A_93 = vector.broadcast %max3A_92 : f32 to vector<2000x32xf32>
    %max3A_94 = arith.maximumf %add3A_91, %max3A_93 : vector<2000x32xf32>
    %eq3A = arith.constant 0 : i32
    %eq3A_95 = arith.cmpi eq, %arg0, %eq3A : i32
    %convert_element_type3A = arith.extui %eq3A_95 : i1 to i32
    %cond3A = arith.constant 0 : i32
    %cond3A_96 = arith.cmpi ne, %convert_element_type3A, %cond3A : i32
    scf.if %cond3A_96 {
      %broadcast_in_dim3A_111 = arith.constant 0.000000e+00 : f32
      %broadcast_in_dim3A_112 = vector.broadcast %broadcast_in_dim3A_111 : f32 to vector<1x32xf32>
      %swap3A_113 = arith.constant 0 : index
      %swap3A_114 = arith.constant 0 : index
      %swap3A_115 = vector.load %arg21[%swap3A_113, %swap3A_114] : memref<1x32xf32, #tpu.memory_space<vmem>>, vector<1x32xf32>
      tpu.vector_store %arg21[%swap3A_113, %swap3A_114], %broadcast_in_dim3A_112 {strides = array<i32>} : memref<1x32xf32, #tpu.memory_space<vmem>>, vector<1x32xf32>,
    } else {
    }
    %get3A_97 = arith.constant 0 : index
    %get3A_98 = arith.constant 0 : index
    %get3A_99 = vector.load %arg21[%get3A_97, %get3A_98] : memref<1x32xf32, #tpu.memory_space<vmem>>, vector<1x32xf32>
    %reduce_sum3A = arith.constant dense<0.000000e+00> : vector<32xf32>
    %reduce_sum3A_100 = vector.multi_reduction <add>, %max3A_94, %reduce_sum3A [0] : vector<2000x32xf32> to vector<32xf32>
    %broadcast_in_dim3A = vector.shape_cast %reduce_sum3A_100 : vector<32xf32> to vector<1x32xf32>
    %mul3A_101 = arith.constant 9.99999974E-5 : f32
    %mul3A_102 = vector.broadcast %mul3A_101 : f32 to vector<1x32xf32>
    %mul3A_103 = arith.mulf %broadcast_in_dim3A, %mul3A_102 : vector<1x32xf32>
    %add3A_104 = arith.addf %get3A_99, %mul3A_103 : vector<1x32xf32>
    %swap3A = arith.constant 0 : index
    %swap3A_105 = arith.constant 0 : index
    %swap3A_106 = vector.load %arg21[%swap3A, %swap3A_105] : memref<1x32xf32, #tpu.memory_space<vmem>>, vector<1x32xf32>
    tpu.vector_store %arg21[%swap3A, %swap3A_105], %add3A_104 {strides = array<i32>} : memref<1x32xf32, #tpu.memory_space<vmem>>, vector<1x32xf32>,
    %add3A_107 = arith.addf %max3A_94, %get3A_11 : vector<2000x32xf32>
    %swap3A_108 = arith.constant 0 : index
    %swap3A_109 = arith.constant 0 : index
    %swap3A_110 = vector.load %arg20[%swap3A_108, %swap3A_109] : memref<2000x32xf32, #tpu.memory_space<vmem>>, vector<2000x32xf32>
    tpu.vector_store %arg20[%swap3A_108, %swap3A_109], %add3A_107 {strides = array<i32>} : memref<2000x32xf32, #tpu.memory_space<vmem>>, vector<2000x32xf32>,
    return
  }
  func.func @transform_0(%arg0: i32) -> (i32, i32) {
    %c0_i32 = arith.constant 0 : i32
    %c0_i32_0 = arith.constant 0 : i32
    return %arg0, %c0_i32 : i32, i32
  }
  func.func @transform_1(%arg0: i32) -> (i32, i32) {
    %c0_i32 = arith.constant 0 : i32
    %c0_i32_0 = arith.constant 0 : i32
    return %arg0, %c0_i32 : i32, i32
  }
  func.func @transform_2(%arg0: i32) -> (i32, i32) {
    %c0_i32 = arith.constant 0 : i32
    %c0_i32_0 = arith.constant 0 : i32
    return %arg0, %c0_i32 : i32, i32
  }
  func.func @transform_3(%arg0: i32) -> (i32, i32) {
    %c0_i32 = arith.constant 0 : i32
    %c0_i32_0 = arith.constant 0 : i32
    return %arg0, %c0_i32 : i32, i32
  }
  func.func @transform_4(%arg0: i32) -> (i32, i32) {
    %c0_i32 = arith.constant 0 : i32
    %c0_i32_0 = arith.constant 0 : i32
    %c0_i32_1 = arith.constant 0 : i32
    return %c0_i32, %c0_i32_0 : i32, i32
  }
  func.func @transform_5(%arg0: i32) -> (i32, i32) {
    %c0_i32 = arith.constant 0 : i32
    %c0_i32_0 = arith.constant 0 : i32
    %c0_i32_1 = arith.constant 0 : i32
    return %c0_i32, %c0_i32_0 : i32, i32
  }
  func.func @transform_6(%arg0: i32) -> (i32, i32) {
    %c0_i32 = arith.constant 0 : i32
    %c0_i32_0 = arith.constant 0 : i32
    %c0_i32_1 = arith.constant 0 : i32
    return %c0_i32, %c0_i32_0 : i32, i32
  }
  func.func @transform_7(%arg0: i32) -> (i32, i32) {
    %c0_i32 = arith.constant 0 : i32
    %c0_i32_0 = arith.constant 0 : i32
    %c0_i32_1 = arith.constant 0 : i32
    return %c0_i32, %c0_i32_0 : i32, i32
  }
  func.func @transform_8(%arg0: i32) -> (i32, i32) {
    %c0_i32 = arith.constant 0 : i32
    %c0_i32_0 = arith.constant 0 : i32
    %c0_i32_1 = arith.constant 0 : i32
    return %c0_i32, %c0_i32_0 : i32, i32
  }
  func.func @transform_9(%arg0: i32) -> (i32, i32) {
    %c0_i32 = arith.constant 0 : i32
    %c0_i32_0 = arith.constant 0 : i32
    %c0_i32_1 = arith.constant 0 : i32
    return %c0_i32, %c0_i32_0 : i32, i32
  }
  func.func @transform_10(%arg0: i32) -> (i32, i32) {
    %c0_i32 = arith.constant 0 : i32
    %c0_i32_0 = arith.constant 0 : i32
    %c0_i32_1 = arith.constant 0 : i32
    return %c0_i32, %c0_i32_0 : i32, i32
  }
  func.func @transform_11(%arg0: i32) -> (i32, i32) {
    %c0_i32 = arith.constant 0 : i32
    %c0_i32_0 = arith.constant 0 : i32
    %c0_i32_1 = arith.constant 0 : i32
    return %c0_i32, %c0_i32_0 : i32, i32
  }
  func.func @transform_12(%arg0: i32) -> (i32, i32) {
    %c0_i32 = arith.constant 0 : i32
    %c0_i32_0 = arith.constant 0 : i32
    %c0_i32_1 = arith.constant 0 : i32
    return %c0_i32, %c0_i32_0 : i32, i32
  }
  func.func @transform_13(%arg0: i32) -> (i32, i32) {
    %c0_i32 = arith.constant 0 : i32
    %c0_i32_0 = arith.constant 0 : i32
    %c0_i32_1 = arith.constant 0 : i32
    return %c0_i32, %c0_i32_0 : i32, i32
  }
  func.func @transform_14(%arg0: i32) -> (i32, i32) {
    %c0_i32 = arith.constant 0 : i32
    %c0_i32_0 = arith.constant 0 : i32
    %c0_i32_1 = arith.constant 0 : i32
    return %c0_i32, %c0_i32_0 : i32, i32
  }
  func.func @transform_15(%arg0: i32) -> (i32, i32) {
    %c0_i32 = arith.constant 0 : i32
    %c0_i32_0 = arith.constant 0 : i32
    %c0_i32_1 = arith.constant 0 : i32
    return %c0_i32, %c0_i32_0 : i32, i32
  }
  func.func @transform_16(%arg0: i32) -> (i32, i32) {
    %c0_i32 = arith.constant 0 : i32
    %c0_i32_0 = arith.constant 0 : i32
    %c0_i32_1 = arith.constant 0 : i32
    return %c0_i32, %c0_i32_0 : i32, i32
  }
  func.func @transform_17(%arg0: i32) -> (i32, i32) {
    %c0_i32 = arith.constant 0 : i32
    %c0_i32_0 = arith.constant 0 : i32
    %c0_i32_1 = arith.constant 0 : i32
    return %c0_i32, %c0_i32_0 : i32, i32
  }
  func.func @transform_18(%arg0: i32) -> (i32, i32) {
    %c0_i32 = arith.constant 0 : i32
    %c0_i32_0 = arith.constant 0 : i32
    %c0_i32_1 = arith.constant 0 : i32
    return %c0_i32, %c0_i32_0 : i32, i32
  }
  func.func @transform_19(%arg0: i32) -> (i32, i32) {
    %c0_i32 = arith.constant 0 : i32
    %c0_i32_0 = arith.constant 0 : i32
    return %arg0, %c0_i32 : i32, i32
  }
  func.func @transform_20(%arg0: i32) -> (i32, i32) {
    %c0_i32 = arith.constant 0 : i32
    %c0_i32_0 = arith.constant 0 : i32
    %c0_i32_1 = arith.constant 0 : i32
    return %c0_i32, %c0_i32_0 : i32, i32
  }
}

module attributes {stable_mosaic.version = 14 : i64} {
  func.func @_glob_kernel(%arg0: memref<1x32xf32, #tpu.memory_space<vmem>>, %arg1: memref<1x32xf32, #tpu.memory_space<vmem>>, %arg2: memref<1x32xf32, #tpu.memory_space<vmem>>, %arg3: memref<32x256xf32, #tpu.memory_space<vmem>>, %arg4: memref<32x256xf32, #tpu.memory_space<vmem>>, %arg5: memref<32x256xf32, #tpu.memory_space<vmem>>, %arg6: memref<1x256xf32, #tpu.memory_space<vmem>>, %arg7: memref<256x128xf32, #tpu.memory_space<vmem>>, %arg8: memref<1x128xf32, #tpu.memory_space<vmem>>, %arg9: memref<128x32xf32, #tpu.memory_space<vmem>>, %arg10: memref<1x32xf32, #tpu.memory_space<vmem>>, %arg11: memref<1x32xf32, #tpu.memory_space<vmem>>) attributes {dimension_semantics = [], scalar_prefetch = 0 : i64, scratch_operands = 0 : i64, tpu.core_type = #tpu.core_type<tc>} {
    %get3A = arith.constant 0 : index
    %get3A_0 = arith.constant 0 : index
    %get3A_1 = vector.load %arg0[%get3A, %get3A_0] : memref<1x32xf32, #tpu.memory_space<vmem>>, vector<1x32xf32>
    %get3A_2 = arith.constant 0 : index
    %get3A_3 = arith.constant 0 : index
    %get3A_4 = vector.load %arg3[%get3A_2, %get3A_3] : memref<32x256xf32, #tpu.memory_space<vmem>>, vector<32x256xf32>
    %dot_general3A = arith.constant dense<0.000000e+00> : vector<1x256xf32>
    %dot_general3A_5 = tpu.matmul %get3A_1, %get3A_4, %dot_general3A {dimension_numbers = #tpu.dot_dimension_numbers<[1], [0], [0], [1], [0, 0, 1, 1], [], []>, transpose_lhs_hint = false} : vector<1x32xf32>, vector<32x256xf32>, vector<1x256xf32> -> vector<1x256xf32>
    %get3A_6 = arith.constant 0 : index
    %get3A_7 = arith.constant 0 : index
    %get3A_8 = vector.load %arg1[%get3A_6, %get3A_7] : memref<1x32xf32, #tpu.memory_space<vmem>>, vector<1x32xf32>
    %get3A_9 = arith.constant 0 : index
    %get3A_10 = arith.constant 0 : index
    %get3A_11 = vector.load %arg4[%get3A_9, %get3A_10] : memref<32x256xf32, #tpu.memory_space<vmem>>, vector<32x256xf32>
    %dot_general3A_12 = arith.constant dense<0.000000e+00> : vector<1x256xf32>
    %dot_general3A_13 = tpu.matmul %get3A_8, %get3A_11, %dot_general3A_12 {dimension_numbers = #tpu.dot_dimension_numbers<[1], [0], [0], [1], [0, 0, 1, 1], [], []>, transpose_lhs_hint = false} : vector<1x32xf32>, vector<32x256xf32>, vector<1x256xf32> -> vector<1x256xf32>
    %add3A = arith.addf %dot_general3A_5, %dot_general3A_13 : vector<1x256xf32>
    %get3A_14 = arith.constant 0 : index
    %get3A_15 = arith.constant 0 : index
    %get3A_16 = vector.load %arg2[%get3A_14, %get3A_15] : memref<1x32xf32, #tpu.memory_space<vmem>>, vector<1x32xf32>
    %get3A_17 = arith.constant 0 : index
    %get3A_18 = arith.constant 0 : index
    %get3A_19 = vector.load %arg5[%get3A_17, %get3A_18] : memref<32x256xf32, #tpu.memory_space<vmem>>, vector<32x256xf32>
    %dot_general3A_20 = arith.constant dense<0.000000e+00> : vector<1x256xf32>
    %dot_general3A_21 = tpu.matmul %get3A_16, %get3A_19, %dot_general3A_20 {dimension_numbers = #tpu.dot_dimension_numbers<[1], [0], [0], [1], [0, 0, 1, 1], [], []>, transpose_lhs_hint = false} : vector<1x32xf32>, vector<32x256xf32>, vector<1x256xf32> -> vector<1x256xf32>
    %add3A_22 = arith.addf %add3A, %dot_general3A_21 : vector<1x256xf32>
    %get3A_23 = arith.constant 0 : index
    %get3A_24 = arith.constant 0 : index
    %get3A_25 = vector.load %arg6[%get3A_23, %get3A_24] : memref<1x256xf32, #tpu.memory_space<vmem>>, vector<1x256xf32>
    %add3A_26 = arith.addf %add3A_22, %get3A_25 : vector<1x256xf32>
    %max3A = arith.constant 0.000000e+00 : f32
    %max3A_27 = vector.broadcast %max3A : f32 to vector<1x256xf32>
    %max3A_28 = arith.maximumf %add3A_26, %max3A_27 : vector<1x256xf32>
    %get3A_29 = arith.constant 0 : index
    %get3A_30 = arith.constant 0 : index
    %get3A_31 = vector.load %arg7[%get3A_29, %get3A_30] : memref<256x128xf32, #tpu.memory_space<vmem>>, vector<256x128xf32>
    %dot_general3A_32 = arith.constant dense<0.000000e+00> : vector<1x128xf32>
    %dot_general3A_33 = tpu.matmul %max3A_28, %get3A_31, %dot_general3A_32 {dimension_numbers = #tpu.dot_dimension_numbers<[1], [0], [0], [1], [0, 0, 1, 1], [], []>, transpose_lhs_hint = false} : vector<1x256xf32>, vector<256x128xf32>, vector<1x128xf32> -> vector<1x128xf32>
    %get3A_34 = arith.constant 0 : index
    %get3A_35 = arith.constant 0 : index
    %get3A_36 = vector.load %arg8[%get3A_34, %get3A_35] : memref<1x128xf32, #tpu.memory_space<vmem>>, vector<1x128xf32>
    %add3A_37 = arith.addf %dot_general3A_33, %get3A_36 : vector<1x128xf32>
    %max3A_38 = arith.constant 0.000000e+00 : f32
    %max3A_39 = vector.broadcast %max3A_38 : f32 to vector<1x128xf32>
    %max3A_40 = arith.maximumf %add3A_37, %max3A_39 : vector<1x128xf32>
    %get3A_41 = arith.constant 0 : index
    %get3A_42 = arith.constant 0 : index
    %get3A_43 = vector.load %arg9[%get3A_41, %get3A_42] : memref<128x32xf32, #tpu.memory_space<vmem>>, vector<128x32xf32>
    %dot_general3A_44 = arith.constant dense<0.000000e+00> : vector<1x32xf32>
    %dot_general3A_45 = tpu.matmul %max3A_40, %get3A_43, %dot_general3A_44 {dimension_numbers = #tpu.dot_dimension_numbers<[1], [0], [0], [1], [0, 0, 1, 1], [], []>, transpose_lhs_hint = false} : vector<1x128xf32>, vector<128x32xf32>, vector<1x32xf32> -> vector<1x32xf32>
    %get3A_46 = arith.constant 0 : index
    %get3A_47 = arith.constant 0 : index
    %get3A_48 = vector.load %arg10[%get3A_46, %get3A_47] : memref<1x32xf32, #tpu.memory_space<vmem>>, vector<1x32xf32>
    %add3A_49 = arith.addf %dot_general3A_45, %get3A_48 : vector<1x32xf32>
    %max3A_50 = arith.constant 0.000000e+00 : f32
    %max3A_51 = vector.broadcast %max3A_50 : f32 to vector<1x32xf32>
    %max3A_52 = arith.maximumf %add3A_49, %max3A_51 : vector<1x32xf32>
    %add3A_53 = arith.addf %max3A_52, %get3A_1 : vector<1x32xf32>
    %swap3A = arith.constant 0 : index
    %swap3A_54 = arith.constant 0 : index
    %swap3A_55 = vector.load %arg11[%swap3A, %swap3A_54] : memref<1x32xf32, #tpu.memory_space<vmem>>, vector<1x32xf32>
    tpu.vector_store %arg11[%swap3A, %swap3A_54], %add3A_53 {strides = array<i32>} : memref<1x32xf32, #tpu.memory_space<vmem>>, vector<1x32xf32>,
    return
  }
}

module attributes {stable_mosaic.version = 14 : i64} {
  func.func @_edge_kernel(%arg0: i32, %arg1: memref<2000x32xf32, #tpu.memory_space<vmem>>, %arg2: memref<2000x128xf32, #tpu.memory_space<vmem>>, %arg3: memref<2000x128xf32, #tpu.memory_space<vmem>>, %arg4: memref<1x32xf32, #tpu.memory_space<vmem>>, %arg5: memref<1x32xf32, #tpu.memory_space<vmem>>, %arg6: memref<1x32xf32, #tpu.memory_space<vmem>>, %arg7: memref<1x32xf32, #tpu.memory_space<vmem>>, %arg8: memref<1x32xf32, #tpu.memory_space<vmem>>, %arg9: memref<1x32xf32, #tpu.memory_space<vmem>>, %arg10: memref<1x32xf32, #tpu.memory_space<vmem>>, %arg11: memref<1x32xf32, #tpu.memory_space<vmem>>, %arg12: memref<1x32xf32, #tpu.memory_space<vmem>>, %arg13: memref<1x32xf32, #tpu.memory_space<vmem>>, %arg14: memref<32x256xf32, #tpu.memory_space<vmem>>, %arg15: memref<32x256xf32, #tpu.memory_space<vmem>>, %arg16: memref<32x256xf32, #tpu.memory_space<vmem>>, %arg17: memref<32x256xf32, #tpu.memory_space<vmem>>, %arg18: memref<1x256xf32, #tpu.memory_space<vmem>>, %arg19: memref<256x128xf32, #tpu.memory_space<vmem>>, %arg20: memref<1x128xf32, #tpu.memory_space<vmem>>, %arg21: memref<128x32xf32, #tpu.memory_space<vmem>>, %arg22: memref<1x32xf32, #tpu.memory_space<vmem>>, %arg23: memref<2000x32xf32, #tpu.memory_space<vmem>>, %arg24: memref<2000x128xf32, #tpu.memory_space<vmem>>, %arg25: memref<1x32xf32, #tpu.memory_space<vmem>>, %arg26: memref<1x32xf32, #tpu.memory_space<vmem>>) attributes {dimension_semantics = [#tpu.dimension_semantics<arbitrary>], iteration_bounds = array<i64: 80>, scalar_prefetch = 0 : i64, scratch_operands = 0 : i64, tpu.core_type = #tpu.core_type<tc>, window_params = [{transform_indices = @transform_0, window_bounds = array<i64: 2000, 32>}, {transform_indices = @transform_1, window_bounds = array<i64: 2000, 128>}, {transform_indices = @transform_2, window_bounds = array<i64: 2000, 128>}, {pipeline_mode = #tpu.pipeline_mode<synchronous>, transform_indices = @transform_3, window_bounds = array<i64: 1, 32>}, {pipeline_mode = #tpu.pipeline_mode<synchronous>, transform_indices = @transform_4, window_bounds = array<i64: 1, 32>}, {pipeline_mode = #tpu.pipeline_mode<synchronous>, transform_indices = @transform_5, window_bounds = array<i64: 1, 32>}, {pipeline_mode = #tpu.pipeline_mode<synchronous>, transform_indices = @transform_6, window_bounds = array<i64: 1, 32>}, {pipeline_mode = #tpu.pipeline_mode<synchronous>, transform_indices = @transform_7, window_bounds = array<i64: 1, 32>}, {pipeline_mode = #tpu.pipeline_mode<synchronous>, transform_indices = @transform_8, window_bounds = array<i64: 1, 32>}, {pipeline_mode = #tpu.pipeline_mode<synchronous>, transform_indices = @transform_9, window_bounds = array<i64: 1, 32>}, {pipeline_mode = #tpu.pipeline_mode<synchronous>, transform_indices = @transform_10, window_bounds = array<i64: 1, 32>}, {pipeline_mode = #tpu.pipeline_mode<synchronous>, transform_indices = @transform_11, window_bounds = array<i64: 1, 32>}, {pipeline_mode = #tpu.pipeline_mode<synchronous>, transform_indices = @transform_12, window_bounds = array<i64: 1, 32>}, {pipeline_mode = #tpu.pipeline_mode<synchronous>, transform_indices = @transform_13, window_bounds = array<i64: 32, 256>}, {pipeline_mode = #tpu.pipeline_mode<synchronous>, transform_indices = @transform_14, window_bounds = array<i64: 32, 256>}, {pipeline_mode = #tpu.pipeline_mode<synchronous>, transform_indices = @transform_15, window_bounds = array<i64: 32, 256>}, {pipeline_mode = #tpu.pipeline_mode<synchronous>, transform_indices = @transform_16, window_bounds = array<i64: 32, 256>}, {pipeline_mode = #tpu.pipeline_mode<synchronous>, transform_indices = @transform_17, window_bounds = array<i64: 1, 256>}, {pipeline_mode = #tpu.pipeline_mode<synchronous>, transform_indices = @transform_18, window_bounds = array<i64: 256, 128>}, {pipeline_mode = #tpu.pipeline_mode<synchronous>, transform_indices = @transform_19, window_bounds = array<i64: 1, 128>}, {pipeline_mode = #tpu.pipeline_mode<synchronous>, transform_indices = @transform_20, window_bounds = array<i64: 128, 32>}, {pipeline_mode = #tpu.pipeline_mode<synchronous>, transform_indices = @transform_21, window_bounds = array<i64: 1, 32>}, {transform_indices = @transform_22, window_bounds = array<i64: 2000, 32>}, {transform_indices = @transform_23, window_bounds = array<i64: 2000, 128>}, {pipeline_mode = #tpu.pipeline_mode<synchronous>, transform_indices = @transform_24, window_bounds = array<i64: 1, 32>}, {pipeline_mode = #tpu.pipeline_mode<synchronous>, transform_indices = @transform_25, window_bounds = array<i64: 1, 32>}]} {
    %get3A = arith.constant 0 : index
    %get3A_0 = arith.constant 0 : index
    %get3A_1 = vector.load %arg13[%get3A, %get3A_0] : memref<1x32xf32, #tpu.memory_space<vmem>>, vector<1x32xf32>
    %get3A_2 = arith.constant 0 : index
    %get3A_3 = arith.constant 0 : index
    %get3A_4 = vector.load %arg17[%get3A_2, %get3A_3] : memref<32x256xf32, #tpu.memory_space<vmem>>, vector<32x256xf32>
    %dot_general3A = arith.constant dense<0.000000e+00> : vector<1x256xf32>
    %dot_general3A_5 = tpu.matmul %get3A_1, %get3A_4, %dot_general3A {dimension_numbers = #tpu.dot_dimension_numbers<[1], [0], [0], [1], [0, 0, 1, 1], [], []>, transpose_lhs_hint = false} : vector<1x32xf32>, vector<32x256xf32>, vector<1x256xf32> -> vector<1x256xf32>
    %get3A_6 = arith.constant 0 : index
    %get3A_7 = arith.constant 0 : index
    %get3A_8 = vector.load %arg18[%get3A_6, %get3A_7] : memref<1x256xf32, #tpu.memory_space<vmem>>, vector<1x256xf32>
    %add3A = arith.addf %dot_general3A_5, %get3A_8 : vector<1x256xf32>
    %get3A_9 = arith.constant 0 : index
    %get3A_10 = arith.constant 0 : index
    %get3A_11 = vector.load %arg1[%get3A_9, %get3A_10] : memref<2000x32xf32, #tpu.memory_space<vmem>>, vector<2000x32xf32>
    %get3A_12 = arith.constant 0 : index
    %get3A_13 = arith.constant 0 : index
    %get3A_14 = vector.load %arg2[%get3A_12, %get3A_13] : memref<2000x128xf32, #tpu.memory_space<vmem>>, vector<2000x128xf32>
    %slice3A = vector.extract_strided_slice %get3A_14 {offsets = [0, 0], sizes = [2000, 32], strides = [1, 1]} : vector<2000x128xf32> to vector<2000x32xf32>
    %get3A_15 = arith.constant 0 : index
    %get3A_16 = arith.constant 0 : index
    %get3A_17 = vector.load %arg3[%get3A_15, %get3A_16] : memref<2000x128xf32, #tpu.memory_space<vmem>>, vector<2000x128xf32>
    %slice3A_18 = vector.extract_strided_slice %get3A_17 {offsets = [0, 0], sizes = [2000, 32], strides = [1, 1]} : vector<2000x128xf32> to vector<2000x32xf32>
    %get3A_19 = arith.constant 0 : index
    %get3A_20 = arith.constant 0 : index
    %get3A_21 = vector.load %arg7[%get3A_19, %get3A_20] : memref<1x32xf32, #tpu.memory_space<vmem>>, vector<1x32xf32>
    %sub3A = vector.broadcast %get3A_21 : vector<1x32xf32> to vector<2000x32xf32>
    %sub3A_22 = arith.subf %get3A_11, %sub3A : vector<2000x32xf32>
    %get3A_23 = arith.constant 0 : index
    %get3A_24 = arith.constant 0 : index
    %get3A_25 = vector.load %arg4[%get3A_23, %get3A_24] : memref<1x32xf32, #tpu.memory_space<vmem>>, vector<1x32xf32>
    %mul3A = vector.broadcast %get3A_25 : vector<1x32xf32> to vector<2000x32xf32>
    %mul3A_26 = arith.mulf %sub3A_22, %mul3A : vector<2000x32xf32>
    %get3A_27 = arith.constant 0 : index
    %get3A_28 = arith.constant 0 : index
    %get3A_29 = vector.load %arg10[%get3A_27, %get3A_28] : memref<1x32xf32, #tpu.memory_space<vmem>>, vector<1x32xf32>
    %add3A_30 = vector.broadcast %get3A_29 : vector<1x32xf32> to vector<2000x32xf32>
    %add3A_31 = arith.addf %mul3A_26, %add3A_30 : vector<2000x32xf32>
    %get3A_32 = arith.constant 0 : index
    %get3A_33 = arith.constant 0 : index
    %get3A_34 = vector.load %arg14[%get3A_32, %get3A_33] : memref<32x256xf32, #tpu.memory_space<vmem>>, vector<32x256xf32>
    %dot_general3A_35 = arith.constant dense<0.000000e+00> : vector<2000x256xf32>
    %dot_general3A_36 = tpu.matmul %add3A_31, %get3A_34, %dot_general3A_35 {dimension_numbers = #tpu.dot_dimension_numbers<[1], [0], [0], [1], [0, 0, 1, 1], [], []>, transpose_lhs_hint = false} : vector<2000x32xf32>, vector<32x256xf32>, vector<2000x256xf32> -> vector<2000x256xf32>
    %get3A_37 = arith.constant 0 : index
    %get3A_38 = arith.constant 0 : index
    %get3A_39 = vector.load %arg8[%get3A_37, %get3A_38] : memref<1x32xf32, #tpu.memory_space<vmem>>, vector<1x32xf32>
    %sub3A_40 = vector.broadcast %get3A_39 : vector<1x32xf32> to vector<2000x32xf32>
    %sub3A_41 = arith.subf %slice3A, %sub3A_40 : vector<2000x32xf32>
    %get3A_42 = arith.constant 0 : index
    %get3A_43 = arith.constant 0 : index
    %get3A_44 = vector.load %arg5[%get3A_42, %get3A_43] : memref<1x32xf32, #tpu.memory_space<vmem>>, vector<1x32xf32>
    %mul3A_45 = vector.broadcast %get3A_44 : vector<1x32xf32> to vector<2000x32xf32>
    %mul3A_46 = arith.mulf %sub3A_41, %mul3A_45 : vector<2000x32xf32>
    %get3A_47 = arith.constant 0 : index
    %get3A_48 = arith.constant 0 : index
    %get3A_49 = vector.load %arg11[%get3A_47, %get3A_48] : memref<1x32xf32, #tpu.memory_space<vmem>>, vector<1x32xf32>
    %add3A_50 = vector.broadcast %get3A_49 : vector<1x32xf32> to vector<2000x32xf32>
    %add3A_51 = arith.addf %mul3A_46, %add3A_50 : vector<2000x32xf32>
    %get3A_52 = arith.constant 0 : index
    %get3A_53 = arith.constant 0 : index
    %get3A_54 = vector.load %arg15[%get3A_52, %get3A_53] : memref<32x256xf32, #tpu.memory_space<vmem>>, vector<32x256xf32>
    %dot_general3A_55 = arith.constant dense<0.000000e+00> : vector<2000x256xf32>
    %dot_general3A_56 = tpu.matmul %add3A_51, %get3A_54, %dot_general3A_55 {dimension_numbers = #tpu.dot_dimension_numbers<[1], [0], [0], [1], [0, 0, 1, 1], [], []>, transpose_lhs_hint = false} : vector<2000x32xf32>, vector<32x256xf32>, vector<2000x256xf32> -> vector<2000x256xf32>
    %add3A_57 = arith.addf %dot_general3A_36, %dot_general3A_56 : vector<2000x256xf32>
    %get3A_58 = arith.constant 0 : index
    %get3A_59 = arith.constant 0 : index
    %get3A_60 = vector.load %arg9[%get3A_58, %get3A_59] : memref<1x32xf32, #tpu.memory_space<vmem>>, vector<1x32xf32>
    %sub3A_61 = vector.broadcast %get3A_60 : vector<1x32xf32> to vector<2000x32xf32>
    %sub3A_62 = arith.subf %slice3A_18, %sub3A_61 : vector<2000x32xf32>
    %get3A_63 = arith.constant 0 : index
    %get3A_64 = arith.constant 0 : index
    %get3A_65 = vector.load %arg6[%get3A_63, %get3A_64] : memref<1x32xf32, #tpu.memory_space<vmem>>, vector<1x32xf32>
    %mul3A_66 = vector.broadcast %get3A_65 : vector<1x32xf32> to vector<2000x32xf32>
    %mul3A_67 = arith.mulf %sub3A_62, %mul3A_66 : vector<2000x32xf32>
    %get3A_68 = arith.constant 0 : index
    %get3A_69 = arith.constant 0 : index
    %get3A_70 = vector.load %arg12[%get3A_68, %get3A_69] : memref<1x32xf32, #tpu.memory_space<vmem>>, vector<1x32xf32>
    %add3A_71 = vector.broadcast %get3A_70 : vector<1x32xf32> to vector<2000x32xf32>
    %add3A_72 = arith.addf %mul3A_67, %add3A_71 : vector<2000x32xf32>
    %get3A_73 = arith.constant 0 : index
    %get3A_74 = arith.constant 0 : index
    %get3A_75 = vector.load %arg16[%get3A_73, %get3A_74] : memref<32x256xf32, #tpu.memory_space<vmem>>, vector<32x256xf32>
    %dot_general3A_76 = arith.constant dense<0.000000e+00> : vector<2000x256xf32>
    %dot_general3A_77 = tpu.matmul %add3A_72, %get3A_75, %dot_general3A_76 {dimension_numbers = #tpu.dot_dimension_numbers<[1], [0], [0], [1], [0, 0, 1, 1], [], []>, transpose_lhs_hint = false} : vector<2000x32xf32>, vector<32x256xf32>, vector<2000x256xf32> -> vector<2000x256xf32>
    %add3A_78 = arith.addf %add3A_57, %dot_general3A_77 : vector<2000x256xf32>
    %add3A_79 = vector.broadcast %add3A : vector<1x256xf32> to vector<2000x256xf32>
    %add3A_80 = arith.addf %add3A_78, %add3A_79 : vector<2000x256xf32>
    %max3A = arith.constant 0.000000e+00 : f32
    %max3A_81 = vector.broadcast %max3A : f32 to vector<2000x256xf32>
    %max3A_82 = arith.maximumf %add3A_80, %max3A_81 : vector<2000x256xf32>
    %get3A_83 = arith.constant 0 : index
    %get3A_84 = arith.constant 0 : index
    %get3A_85 = vector.load %arg19[%get3A_83, %get3A_84] : memref<256x128xf32, #tpu.memory_space<vmem>>, vector<256x128xf32>
    %dot_general3A_86 = arith.constant dense<0.000000e+00> : vector<2000x128xf32>
    %dot_general3A_87 = tpu.matmul %max3A_82, %get3A_85, %dot_general3A_86 {dimension_numbers = #tpu.dot_dimension_numbers<[1], [0], [0], [1], [0, 0, 1, 1], [], []>, transpose_lhs_hint = false} : vector<2000x256xf32>, vector<256x128xf32>, vector<2000x128xf32> -> vector<2000x128xf32>
    %get3A_88 = arith.constant 0 : index
    %get3A_89 = arith.constant 0 : index
    %get3A_90 = vector.load %arg20[%get3A_88, %get3A_89] : memref<1x128xf32, #tpu.memory_space<vmem>>, vector<1x128xf32>
    %add3A_91 = vector.broadcast %get3A_90 : vector<1x128xf32> to vector<2000x128xf32>
    %add3A_92 = arith.addf %dot_general3A_87, %add3A_91 : vector<2000x128xf32>
    %max3A_93 = arith.constant 0.000000e+00 : f32
    %max3A_94 = vector.broadcast %max3A_93 : f32 to vector<2000x128xf32>
    %max3A_95 = arith.maximumf %add3A_92, %max3A_94 : vector<2000x128xf32>
    %get3A_96 = arith.constant 0 : index
    %get3A_97 = arith.constant 0 : index
    %get3A_98 = vector.load %arg21[%get3A_96, %get3A_97] : memref<128x32xf32, #tpu.memory_space<vmem>>, vector<128x32xf32>
    %dot_general3A_99 = arith.constant dense<0.000000e+00> : vector<2000x32xf32>
    %dot_general3A_100 = tpu.matmul %max3A_95, %get3A_98, %dot_general3A_99 {dimension_numbers = #tpu.dot_dimension_numbers<[1], [0], [0], [1], [0, 0, 1, 1], [], []>, transpose_lhs_hint = false} : vector<2000x128xf32>, vector<128x32xf32>, vector<2000x32xf32> -> vector<2000x32xf32>
    %get3A_101 = arith.constant 0 : index
    %get3A_102 = arith.constant 0 : index
    %get3A_103 = vector.load %arg22[%get3A_101, %get3A_102] : memref<1x32xf32, #tpu.memory_space<vmem>>, vector<1x32xf32>
    %add3A_104 = vector.broadcast %get3A_103 : vector<1x32xf32> to vector<2000x32xf32>
    %add3A_105 = arith.addf %dot_general3A_100, %add3A_104 : vector<2000x32xf32>
    %max3A_106 = arith.constant 0.000000e+00 : f32
    %max3A_107 = vector.broadcast %max3A_106 : f32 to vector<2000x32xf32>
    %max3A_108 = arith.maximumf %add3A_105, %max3A_107 : vector<2000x32xf32>
    %jit3A = arith.constant 0 : i32
    %convert_element_type3A = arith.sitofp %jit3A : i32 to f32
    %pad3A = vector.broadcast %convert_element_type3A : f32 to vector<2000x96xf32>
    %pad3A_109 = tpu.concatenate %max3A_108, %pad3A in 1 : vector<2000x32xf32>, vector<2000x96xf32> -> vector<2000x128xf32>
    %swap3A = arith.constant 0 : index
    %swap3A_110 = arith.constant 0 : index
    %swap3A_111 = vector.load %arg24[%swap3A, %swap3A_110] : memref<2000x128xf32, #tpu.memory_space<vmem>>, vector<2000x128xf32>
    tpu.vector_store %arg24[%swap3A, %swap3A_110], %pad3A_109 {strides = array<i32>} : memref<2000x128xf32, #tpu.memory_space<vmem>>, vector<2000x128xf32>,
    %add3A_112 = arith.addf %max3A_108, %get3A_11 : vector<2000x32xf32>
    %swap3A_113 = arith.constant 0 : index
    %swap3A_114 = arith.constant 0 : index
    %swap3A_115 = vector.load %arg23[%swap3A_113, %swap3A_114] : memref<2000x32xf32, #tpu.memory_space<vmem>>, vector<2000x32xf32>
    tpu.vector_store %arg23[%swap3A_113, %swap3A_114], %add3A_112 {strides = array<i32>} : memref<2000x32xf32, #tpu.memory_space<vmem>>, vector<2000x32xf32>,
    %eq3A = arith.constant 0 : i32
    %eq3A_116 = arith.cmpi eq, %arg0, %eq3A : i32
    %convert_element_type3A_117 = arith.extui %eq3A_116 : i1 to i32
    %cond3A = arith.constant 0 : i32
    %cond3A_118 = arith.cmpi ne, %convert_element_type3A_117, %cond3A : i32
    scf.if %cond3A_118 {
      %broadcast_in_dim3A_141 = arith.constant 0.000000e+00 : f32
      %broadcast_in_dim3A_142 = vector.broadcast %broadcast_in_dim3A_141 : f32 to vector<1x32xf32>
      %swap3A_143 = arith.constant 0 : index
      %swap3A_144 = arith.constant 0 : index
      %swap3A_145 = vector.load %arg25[%swap3A_143, %swap3A_144] : memref<1x32xf32, #tpu.memory_space<vmem>>, vector<1x32xf32>
      tpu.vector_store %arg25[%swap3A_143, %swap3A_144], %broadcast_in_dim3A_142 {strides = array<i32>} : memref<1x32xf32, #tpu.memory_space<vmem>>, vector<1x32xf32>,
      %broadcast_in_dim3A_146 = arith.constant 0.000000e+00 : f32
      %broadcast_in_dim3A_147 = vector.broadcast %broadcast_in_dim3A_146 : f32 to vector<1x32xf32>
      %swap3A_148 = arith.constant 0 : index
      %swap3A_149 = arith.constant 0 : index
      %swap3A_150 = vector.load %arg26[%swap3A_148, %swap3A_149] : memref<1x32xf32, #tpu.memory_space<vmem>>, vector<1x32xf32>
      tpu.vector_store %arg26[%swap3A_148, %swap3A_149], %broadcast_in_dim3A_147 {strides = array<i32>} : memref<1x32xf32, #tpu.memory_space<vmem>>, vector<1x32xf32>,
    } else {
    }
    %get3A_119 = arith.constant 0 : index
    %get3A_120 = arith.constant 0 : index
    %get3A_121 = vector.load %arg25[%get3A_119, %get3A_120] : memref<1x32xf32, #tpu.memory_space<vmem>>, vector<1x32xf32>
    %reduce_sum3A = arith.constant dense<0.000000e+00> : vector<32xf32>
    %reduce_sum3A_122 = vector.multi_reduction <add>, %add3A_112, %reduce_sum3A [0] : vector<2000x32xf32> to vector<32xf32>
    %broadcast_in_dim3A = vector.shape_cast %reduce_sum3A_122 : vector<32xf32> to vector<1x32xf32>
    %add3A_123 = arith.addf %get3A_121, %broadcast_in_dim3A : vector<1x32xf32>
    %swap3A_124 = arith.constant 0 : index
    %swap3A_125 = arith.constant 0 : index
    %swap3A_126 = vector.load %arg25[%swap3A_124, %swap3A_125] : memref<1x32xf32, #tpu.memory_space<vmem>>, vector<1x32xf32>
    tpu.vector_store %arg25[%swap3A_124, %swap3A_125], %add3A_123 {strides = array<i32>} : memref<1x32xf32, #tpu.memory_space<vmem>>, vector<1x32xf32>,
    %get3A_127 = arith.constant 0 : index
    %get3A_128 = arith.constant 0 : index
    %get3A_129 = vector.load %arg26[%get3A_127, %get3A_128] : memref<1x32xf32, #tpu.memory_space<vmem>>, vector<1x32xf32>
    %get3A_130 = arith.constant 0 : index
    %get3A_131 = arith.constant 0 : index
    %get3A_132 = vector.load %arg24[%get3A_130, %get3A_131] : memref<2000x128xf32, #tpu.memory_space<vmem>>, vector<2000x128xf32>
    %slice3A_133 = vector.extract_strided_slice %get3A_132 {offsets = [0, 0], sizes = [2000, 32], strides = [1, 1]} : vector<2000x128xf32> to vector<2000x32xf32>
    %reduce_sum3A_134 = arith.constant dense<0.000000e+00> : vector<32xf32>
    %reduce_sum3A_135 = vector.multi_reduction <add>, %slice3A_133, %reduce_sum3A_134 [0] : vector<2000x32xf32> to vector<32xf32>
    %broadcast_in_dim3A_136 = vector.shape_cast %reduce_sum3A_135 : vector<32xf32> to vector<1x32xf32>
    %add3A_137 = arith.addf %get3A_129, %broadcast_in_dim3A_136 : vector<1x32xf32>
    %swap3A_138 = arith.constant 0 : index
    %swap3A_139 = arith.constant 0 : index
    %swap3A_140 = vector.load %arg26[%swap3A_138, %swap3A_139] : memref<1x32xf32, #tpu.memory_space<vmem>>, vector<1x32xf32>
    tpu.vector_store %arg26[%swap3A_138, %swap3A_139], %add3A_137 {strides = array<i32>} : memref<1x32xf32, #tpu.memory_space<vmem>>, vector<1x32xf32>,
    return
  }
  func.func @transform_0(%arg0: i32) -> (i32, i32) {
    %c0_i32 = arith.constant 0 : i32
    %c0_i32_0 = arith.constant 0 : i32
    return %arg0, %c0_i32 : i32, i32
  }
  func.func @transform_1(%arg0: i32) -> (i32, i32) {
    %c0_i32 = arith.constant 0 : i32
    %c0_i32_0 = arith.constant 0 : i32
    return %arg0, %c0_i32 : i32, i32
  }
  func.func @transform_2(%arg0: i32) -> (i32, i32) {
    %c0_i32 = arith.constant 0 : i32
    %c0_i32_0 = arith.constant 0 : i32
    return %arg0, %c0_i32 : i32, i32
  }
  func.func @transform_3(%arg0: i32) -> (i32, i32) {
    %c0_i32 = arith.constant 0 : i32
    %c0_i32_0 = arith.constant 0 : i32
    %c0_i32_1 = arith.constant 0 : i32
    return %c0_i32, %c0_i32_0 : i32, i32
  }
  func.func @transform_4(%arg0: i32) -> (i32, i32) {
    %c0_i32 = arith.constant 0 : i32
    %c0_i32_0 = arith.constant 0 : i32
    %c0_i32_1 = arith.constant 0 : i32
    return %c0_i32, %c0_i32_0 : i32, i32
  }
  func.func @transform_5(%arg0: i32) -> (i32, i32) {
    %c0_i32 = arith.constant 0 : i32
    %c0_i32_0 = arith.constant 0 : i32
    %c0_i32_1 = arith.constant 0 : i32
    return %c0_i32, %c0_i32_0 : i32, i32
  }
  func.func @transform_6(%arg0: i32) -> (i32, i32) {
    %c0_i32 = arith.constant 0 : i32
    %c0_i32_0 = arith.constant 0 : i32
    %c0_i32_1 = arith.constant 0 : i32
    return %c0_i32, %c0_i32_0 : i32, i32
  }
  func.func @transform_7(%arg0: i32) -> (i32, i32) {
    %c0_i32 = arith.constant 0 : i32
    %c0_i32_0 = arith.constant 0 : i32
    %c0_i32_1 = arith.constant 0 : i32
    return %c0_i32, %c0_i32_0 : i32, i32
  }
  func.func @transform_8(%arg0: i32) -> (i32, i32) {
    %c0_i32 = arith.constant 0 : i32
    %c0_i32_0 = arith.constant 0 : i32
    %c0_i32_1 = arith.constant 0 : i32
    return %c0_i32, %c0_i32_0 : i32, i32
  }
  func.func @transform_9(%arg0: i32) -> (i32, i32) {
    %c0_i32 = arith.constant 0 : i32
    %c0_i32_0 = arith.constant 0 : i32
    %c0_i32_1 = arith.constant 0 : i32
    return %c0_i32, %c0_i32_0 : i32, i32
  }
  func.func @transform_10(%arg0: i32) -> (i32, i32) {
    %c0_i32 = arith.constant 0 : i32
    %c0_i32_0 = arith.constant 0 : i32
    %c0_i32_1 = arith.constant 0 : i32
    return %c0_i32, %c0_i32_0 : i32, i32
  }
  func.func @transform_11(%arg0: i32) -> (i32, i32) {
    %c0_i32 = arith.constant 0 : i32
    %c0_i32_0 = arith.constant 0 : i32
    %c0_i32_1 = arith.constant 0 : i32
    return %c0_i32, %c0_i32_0 : i32, i32
  }
  func.func @transform_12(%arg0: i32) -> (i32, i32) {
    %c0_i32 = arith.constant 0 : i32
    %c0_i32_0 = arith.constant 0 : i32
    %c0_i32_1 = arith.constant 0 : i32
    return %c0_i32, %c0_i32_0 : i32, i32
  }
  func.func @transform_13(%arg0: i32) -> (i32, i32) {
    %c0_i32 = arith.constant 0 : i32
    %c0_i32_0 = arith.constant 0 : i32
    %c0_i32_1 = arith.constant 0 : i32
    return %c0_i32, %c0_i32_0 : i32, i32
  }
  func.func @transform_14(%arg0: i32) -> (i32, i32) {
    %c0_i32 = arith.constant 0 : i32
    %c0_i32_0 = arith.constant 0 : i32
    %c0_i32_1 = arith.constant 0 : i32
    return %c0_i32, %c0_i32_0 : i32, i32
  }
  func.func @transform_15(%arg0: i32) -> (i32, i32) {
    %c0_i32 = arith.constant 0 : i32
    %c0_i32_0 = arith.constant 0 : i32
    %c0_i32_1 = arith.constant 0 : i32
    return %c0_i32, %c0_i32_0 : i32, i32
  }
  func.func @transform_16(%arg0: i32) -> (i32, i32) {
    %c0_i32 = arith.constant 0 : i32
    %c0_i32_0 = arith.constant 0 : i32
    %c0_i32_1 = arith.constant 0 : i32
    return %c0_i32, %c0_i32_0 : i32, i32
  }
  func.func @transform_17(%arg0: i32) -> (i32, i32) {
    %c0_i32 = arith.constant 0 : i32
    %c0_i32_0 = arith.constant 0 : i32
    %c0_i32_1 = arith.constant 0 : i32
    return %c0_i32, %c0_i32_0 : i32, i32
  }
  func.func @transform_18(%arg0: i32) -> (i32, i32) {
    %c0_i32 = arith.constant 0 : i32
    %c0_i32_0 = arith.constant 0 : i32
    %c0_i32_1 = arith.constant 0 : i32
    return %c0_i32, %c0_i32_0 : i32, i32
  }
  func.func @transform_19(%arg0: i32) -> (i32, i32) {
    %c0_i32 = arith.constant 0 : i32
    %c0_i32_0 = arith.constant 0 : i32
    %c0_i32_1 = arith.constant 0 : i32
    return %c0_i32, %c0_i32_0 : i32, i32
  }
  func.func @transform_20(%arg0: i32) -> (i32, i32) {
    %c0_i32 = arith.constant 0 : i32
    %c0_i32_0 = arith.constant 0 : i32
    %c0_i32_1 = arith.constant 0 : i32
    return %c0_i32, %c0_i32_0 : i32, i32
  }
  func.func @transform_21(%arg0: i32) -> (i32, i32) {
    %c0_i32 = arith.constant 0 : i32
    %c0_i32_0 = arith.constant 0 : i32
    %c0_i32_1 = arith.constant 0 : i32
    return %c0_i32, %c0_i32_0 : i32, i32
  }
  func.func @transform_22(%arg0: i32) -> (i32, i32) {
    %c0_i32 = arith.constant 0 : i32
    %c0_i32_0 = arith.constant 0 : i32
    return %arg0, %c0_i32 : i32, i32
  }
  func.func @transform_23(%arg0: i32) -> (i32, i32) {
    %c0_i32 = arith.constant 0 : i32
    %c0_i32_0 = arith.constant 0 : i32
    return %arg0, %c0_i32 : i32, i32
  }
  func.func @transform_24(%arg0: i32) -> (i32, i32) {
    %c0_i32 = arith.constant 0 : i32
    %c0_i32_0 = arith.constant 0 : i32
    %c0_i32_1 = arith.constant 0 : i32
    return %c0_i32, %c0_i32_0 : i32, i32
  }
  func.func @transform_25(%arg0: i32) -> (i32, i32) {
    %c0_i32 = arith.constant 0 : i32
    %c0_i32_0 = arith.constant 0 : i32
    %c0_i32_1 = arith.constant 0 : i32
    return %c0_i32, %c0_i32_0 : i32, i32
  }
}

module attributes {stable_mosaic.version = 14 : i64} {
  func.func @_node_body_kernel(%arg0: i32, %arg1: memref<2000x32xf32, #tpu.memory_space<vmem>>, %arg2: memref<2000x32xf32, #tpu.memory_space<vmem>>, %arg3: memref<2000x32xf32, #tpu.memory_space<vmem>>, %arg4: memref<2000x1xf32, #tpu.memory_space<vmem>>, %arg5: memref<1x32xf32, #tpu.memory_space<vmem>>, %arg6: memref<1x32xf32, #tpu.memory_space<vmem>>, %arg7: memref<1x32xf32, #tpu.memory_space<vmem>>, %arg8: memref<1x32xf32, #tpu.memory_space<vmem>>, %arg9: memref<1x32xf32, #tpu.memory_space<vmem>>, %arg10: memref<1x32xf32, #tpu.memory_space<vmem>>, %arg11: memref<1x32xf32, #tpu.memory_space<vmem>>, %arg12: memref<32x256xf32, #tpu.memory_space<vmem>>, %arg13: memref<32x256xf32, #tpu.memory_space<vmem>>, %arg14: memref<32x256xf32, #tpu.memory_space<vmem>>, %arg15: memref<1x256xf32, #tpu.memory_space<vmem>>, %arg16: memref<256x128xf32, #tpu.memory_space<vmem>>, %arg17: memref<1x128xf32, #tpu.memory_space<vmem>>, %arg18: memref<128x32xf32, #tpu.memory_space<vmem>>, %arg19: memref<1x32xf32, #tpu.memory_space<vmem>>, %arg20: memref<2000x32xf32, #tpu.memory_space<vmem>>, %arg21: memref<1x32xf32, #tpu.memory_space<vmem>>) attributes {dimension_semantics = [#tpu.dimension_semantics<arbitrary>], iteration_bounds = array<i64: 5>, scalar_prefetch = 0 : i64, scratch_operands = 0 : i64, tpu.core_type = #tpu.core_type<tc>, window_params = [{transform_indices = @transform_0, window_bounds = array<i64: 2000, 32>}, {transform_indices = @transform_1, window_bounds = array<i64: 2000, 32>}, {transform_indices = @transform_2, window_bounds = array<i64: 2000, 32>}, {transform_indices = @transform_3, window_bounds = array<i64: 2000, 1>}, {pipeline_mode = #tpu.pipeline_mode<synchronous>, transform_indices = @transform_4, window_bounds = array<i64: 1, 32>}, {pipeline_mode = #tpu.pipeline_mode<synchronous>, transform_indices = @transform_5, window_bounds = array<i64: 1, 32>}, {pipeline_mode = #tpu.pipeline_mode<synchronous>, transform_indices = @transform_6, window_bounds = array<i64: 1, 32>}, {pipeline_mode = #tpu.pipeline_mode<synchronous>, transform_indices = @transform_7, window_bounds = array<i64: 1, 32>}, {pipeline_mode = #tpu.pipeline_mode<synchronous>, transform_indices = @transform_8, window_bounds = array<i64: 1, 32>}, {pipeline_mode = #tpu.pipeline_mode<synchronous>, transform_indices = @transform_9, window_bounds = array<i64: 1, 32>}, {pipeline_mode = #tpu.pipeline_mode<synchronous>, transform_indices = @transform_10, window_bounds = array<i64: 1, 32>}, {pipeline_mode = #tpu.pipeline_mode<synchronous>, transform_indices = @transform_11, window_bounds = array<i64: 32, 256>}, {pipeline_mode = #tpu.pipeline_mode<synchronous>, transform_indices = @transform_12, window_bounds = array<i64: 32, 256>}, {pipeline_mode = #tpu.pipeline_mode<synchronous>, transform_indices = @transform_13, window_bounds = array<i64: 32, 256>}, {pipeline_mode = #tpu.pipeline_mode<synchronous>, transform_indices = @transform_14, window_bounds = array<i64: 1, 256>}, {pipeline_mode = #tpu.pipeline_mode<synchronous>, transform_indices = @transform_15, window_bounds = array<i64: 256, 128>}, {pipeline_mode = #tpu.pipeline_mode<synchronous>, transform_indices = @transform_16, window_bounds = array<i64: 1, 128>}, {pipeline_mode = #tpu.pipeline_mode<synchronous>, transform_indices = @transform_17, window_bounds = array<i64: 128, 32>}, {pipeline_mode = #tpu.pipeline_mode<synchronous>, transform_indices = @transform_18, window_bounds = array<i64: 1, 32>}, {transform_indices = @transform_19, window_bounds = array<i64: 2000, 32>}, {pipeline_mode = #tpu.pipeline_mode<synchronous>, transform_indices = @transform_20, window_bounds = array<i64: 1, 32>}]} {
    %get3A = arith.constant 0 : index
    %get3A_0 = arith.constant 0 : index
    %get3A_1 = vector.load %arg11[%get3A, %get3A_0] : memref<1x32xf32, #tpu.memory_space<vmem>>, vector<1x32xf32>
    %get3A_2 = arith.constant 0 : index
    %get3A_3 = arith.constant 0 : index
    %get3A_4 = vector.load %arg14[%get3A_2, %get3A_3] : memref<32x256xf32, #tpu.memory_space<vmem>>, vector<32x256xf32>
    %dot_general3A = arith.constant dense<0.000000e+00> : vector<1x256xf32>
    %dot_general3A_5 = tpu.matmul %get3A_1, %get3A_4, %dot_general3A {dimension_numbers = #tpu.dot_dimension_numbers<[1], [0], [0], [1], [0, 0, 1, 1], [], []>, transpose_lhs_hint = false} : vector<1x32xf32>, vector<32x256xf32>, vector<1x256xf32> -> vector<1x256xf32>
    %get3A_6 = arith.constant 0 : index
    %get3A_7 = arith.constant 0 : index
    %get3A_8 = vector.load %arg15[%get3A_6, %get3A_7] : memref<1x256xf32, #tpu.memory_space<vmem>>, vector<1x256xf32>
    %add3A = arith.addf %dot_general3A_5, %get3A_8 : vector<1x256xf32>
    %get3A_9 = arith.constant 0 : index
    %get3A_10 = arith.constant 0 : index
    %get3A_11 = vector.load %arg1[%get3A_9, %get3A_10] : memref<2000x32xf32, #tpu.memory_space<vmem>>, vector<2000x32xf32>
    %get3A_12 = arith.constant 0 : index
    %get3A_13 = arith.constant 0 : index
    %get3A_14 = vector.load %arg2[%get3A_12, %get3A_13] : memref<2000x32xf32, #tpu.memory_space<vmem>>, vector<2000x32xf32>
    %get3A_15 = arith.constant 0 : index
    %get3A_16 = arith.constant 0 : index
    %get3A_17 = vector.load %arg3[%get3A_15, %get3A_16] : memref<2000x32xf32, #tpu.memory_space<vmem>>, vector<2000x32xf32>
    %add3A_18 = arith.addf %get3A_14, %get3A_17 : vector<2000x32xf32>
    %get3A_19 = arith.constant 0 : index
    %get3A_20 = arith.constant 0 : index
    %get3A_21 = vector.load %arg4[%get3A_19, %get3A_20] : memref<2000x1xf32, #tpu.memory_space<vmem>>, vector<2000x1xf32>
    %max3A = arith.constant 1.000000e+00 : f32
    %max3A_22 = vector.broadcast %max3A : f32 to vector<2000x1xf32>
    %max3A_23 = arith.maximumf %get3A_21, %max3A_22 : vector<2000x1xf32>
    %div3A = vector.broadcast %max3A_23 : vector<2000x1xf32> to vector<2000x32xf32>
    %div3A_24 = arith.divf %add3A_18, %div3A : vector<2000x32xf32>
    %get3A_25 = arith.constant 0 : index
    %get3A_26 = arith.constant 0 : index
    %get3A_27 = vector.load %arg6[%get3A_25, %get3A_26] : memref<1x32xf32, #tpu.memory_space<vmem>>, vector<1x32xf32>
    %sub3A = vector.broadcast %get3A_27 : vector<1x32xf32> to vector<2000x32xf32>
    %sub3A_28 = arith.subf %get3A_11, %sub3A : vector<2000x32xf32>
    %get3A_29 = arith.constant 0 : index
    %get3A_30 = arith.constant 0 : index
    %get3A_31 = vector.load %arg5[%get3A_29, %get3A_30] : memref<1x32xf32, #tpu.memory_space<vmem>>, vector<1x32xf32>
    %mul3A = vector.broadcast %get3A_31 : vector<1x32xf32> to vector<2000x32xf32>
    %mul3A_32 = arith.mulf %sub3A_28, %mul3A : vector<2000x32xf32>
    %get3A_33 = arith.constant 0 : index
    %get3A_34 = arith.constant 0 : index
    %get3A_35 = vector.load %arg7[%get3A_33, %get3A_34] : memref<1x32xf32, #tpu.memory_space<vmem>>, vector<1x32xf32>
    %add3A_36 = vector.broadcast %get3A_35 : vector<1x32xf32> to vector<2000x32xf32>
    %add3A_37 = arith.addf %mul3A_32, %add3A_36 : vector<2000x32xf32>
    %get3A_38 = arith.constant 0 : index
    %get3A_39 = arith.constant 0 : index
    %get3A_40 = vector.load %arg12[%get3A_38, %get3A_39] : memref<32x256xf32, #tpu.memory_space<vmem>>, vector<32x256xf32>
    %dot_general3A_41 = arith.constant dense<0.000000e+00> : vector<2000x256xf32>
    %dot_general3A_42 = tpu.matmul %add3A_37, %get3A_40, %dot_general3A_41 {dimension_numbers = #tpu.dot_dimension_numbers<[1], [0], [0], [1], [0, 0, 1, 1], [], []>, transpose_lhs_hint = false} : vector<2000x32xf32>, vector<32x256xf32>, vector<2000x256xf32> -> vector<2000x256xf32>
    %get3A_43 = arith.constant 0 : index
    %get3A_44 = arith.constant 0 : index
    %get3A_45 = vector.load %arg9[%get3A_43, %get3A_44] : memref<1x32xf32, #tpu.memory_space<vmem>>, vector<1x32xf32>
    %sub3A_46 = vector.broadcast %get3A_45 : vector<1x32xf32> to vector<2000x32xf32>
    %sub3A_47 = arith.subf %div3A_24, %sub3A_46 : vector<2000x32xf32>
    %get3A_48 = arith.constant 0 : index
    %get3A_49 = arith.constant 0 : index
    %get3A_50 = vector.load %arg8[%get3A_48, %get3A_49] : memref<1x32xf32, #tpu.memory_space<vmem>>, vector<1x32xf32>
    %mul3A_51 = vector.broadcast %get3A_50 : vector<1x32xf32> to vector<2000x32xf32>
    %mul3A_52 = arith.mulf %sub3A_47, %mul3A_51 : vector<2000x32xf32>
    %get3A_53 = arith.constant 0 : index
    %get3A_54 = arith.constant 0 : index
    %get3A_55 = vector.load %arg10[%get3A_53, %get3A_54] : memref<1x32xf32, #tpu.memory_space<vmem>>, vector<1x32xf32>
    %add3A_56 = vector.broadcast %get3A_55 : vector<1x32xf32> to vector<2000x32xf32>
    %add3A_57 = arith.addf %mul3A_52, %add3A_56 : vector<2000x32xf32>
    %get3A_58 = arith.constant 0 : index
    %get3A_59 = arith.constant 0 : index
    %get3A_60 = vector.load %arg13[%get3A_58, %get3A_59] : memref<32x256xf32, #tpu.memory_space<vmem>>, vector<32x256xf32>
    %dot_general3A_61 = arith.constant dense<0.000000e+00> : vector<2000x256xf32>
    %dot_general3A_62 = tpu.matmul %add3A_57, %get3A_60, %dot_general3A_61 {dimension_numbers = #tpu.dot_dimension_numbers<[1], [0], [0], [1], [0, 0, 1, 1], [], []>, transpose_lhs_hint = false} : vector<2000x32xf32>, vector<32x256xf32>, vector<2000x256xf32> -> vector<2000x256xf32>
    %add3A_63 = arith.addf %dot_general3A_42, %dot_general3A_62 : vector<2000x256xf32>
    %add3A_64 = vector.broadcast %add3A : vector<1x256xf32> to vector<2000x256xf32>
    %add3A_65 = arith.addf %add3A_63, %add3A_64 : vector<2000x256xf32>
    %max3A_66 = arith.constant 0.000000e+00 : f32
    %max3A_67 = vector.broadcast %max3A_66 : f32 to vector<2000x256xf32>
    %max3A_68 = arith.maximumf %add3A_65, %max3A_67 : vector<2000x256xf32>
    %get3A_69 = arith.constant 0 : index
    %get3A_70 = arith.constant 0 : index
    %get3A_71 = vector.load %arg16[%get3A_69, %get3A_70] : memref<256x128xf32, #tpu.memory_space<vmem>>, vector<256x128xf32>
    %dot_general3A_72 = arith.constant dense<0.000000e+00> : vector<2000x128xf32>
    %dot_general3A_73 = tpu.matmul %max3A_68, %get3A_71, %dot_general3A_72 {dimension_numbers = #tpu.dot_dimension_numbers<[1], [0], [0], [1], [0, 0, 1, 1], [], []>, transpose_lhs_hint = false} : vector<2000x256xf32>, vector<256x128xf32>, vector<2000x128xf32> -> vector<2000x128xf32>
    %get3A_74 = arith.constant 0 : index
    %get3A_75 = arith.constant 0 : index
    %get3A_76 = vector.load %arg17[%get3A_74, %get3A_75] : memref<1x128xf32, #tpu.memory_space<vmem>>, vector<1x128xf32>
    %add3A_77 = vector.broadcast %get3A_76 : vector<1x128xf32> to vector<2000x128xf32>
    %add3A_78 = arith.addf %dot_general3A_73, %add3A_77 : vector<2000x128xf32>
    %max3A_79 = arith.constant 0.000000e+00 : f32
    %max3A_80 = vector.broadcast %max3A_79 : f32 to vector<2000x128xf32>
    %max3A_81 = arith.maximumf %add3A_78, %max3A_80 : vector<2000x128xf32>
    %get3A_82 = arith.constant 0 : index
    %get3A_83 = arith.constant 0 : index
    %get3A_84 = vector.load %arg18[%get3A_82, %get3A_83] : memref<128x32xf32, #tpu.memory_space<vmem>>, vector<128x32xf32>
    %dot_general3A_85 = arith.constant dense<0.000000e+00> : vector<2000x32xf32>
    %dot_general3A_86 = tpu.matmul %max3A_81, %get3A_84, %dot_general3A_85 {dimension_numbers = #tpu.dot_dimension_numbers<[1], [0], [0], [1], [0, 0, 1, 1], [], []>, transpose_lhs_hint = false} : vector<2000x128xf32>, vector<128x32xf32>, vector<2000x32xf32> -> vector<2000x32xf32>
    %get3A_87 = arith.constant 0 : index
    %get3A_88 = arith.constant 0 : index
    %get3A_89 = vector.load %arg19[%get3A_87, %get3A_88] : memref<1x32xf32, #tpu.memory_space<vmem>>, vector<1x32xf32>
    %add3A_90 = vector.broadcast %get3A_89 : vector<1x32xf32> to vector<2000x32xf32>
    %add3A_91 = arith.addf %dot_general3A_86, %add3A_90 : vector<2000x32xf32>
    %max3A_92 = arith.constant 0.000000e+00 : f32
    %max3A_93 = vector.broadcast %max3A_92 : f32 to vector<2000x32xf32>
    %max3A_94 = arith.maximumf %add3A_91, %max3A_93 : vector<2000x32xf32>
    %eq3A = arith.constant 0 : i32
    %eq3A_95 = arith.cmpi eq, %arg0, %eq3A : i32
    %convert_element_type3A = arith.extui %eq3A_95 : i1 to i32
    %cond3A = arith.constant 0 : i32
    %cond3A_96 = arith.cmpi ne, %convert_element_type3A, %cond3A : i32
    scf.if %cond3A_96 {
      %broadcast_in_dim3A_111 = arith.constant 0.000000e+00 : f32
      %broadcast_in_dim3A_112 = vector.broadcast %broadcast_in_dim3A_111 : f32 to vector<1x32xf32>
      %swap3A_113 = arith.constant 0 : index
      %swap3A_114 = arith.constant 0 : index
      %swap3A_115 = vector.load %arg21[%swap3A_113, %swap3A_114] : memref<1x32xf32, #tpu.memory_space<vmem>>, vector<1x32xf32>
      tpu.vector_store %arg21[%swap3A_113, %swap3A_114], %broadcast_in_dim3A_112 {strides = array<i32>} : memref<1x32xf32, #tpu.memory_space<vmem>>, vector<1x32xf32>,
    } else {
    }
    %get3A_97 = arith.constant 0 : index
    %get3A_98 = arith.constant 0 : index
    %get3A_99 = vector.load %arg21[%get3A_97, %get3A_98] : memref<1x32xf32, #tpu.memory_space<vmem>>, vector<1x32xf32>
    %reduce_sum3A = arith.constant dense<0.000000e+00> : vector<32xf32>
    %reduce_sum3A_100 = vector.multi_reduction <add>, %max3A_94, %reduce_sum3A [0] : vector<2000x32xf32> to vector<32xf32>
    %broadcast_in_dim3A = vector.shape_cast %reduce_sum3A_100 : vector<32xf32> to vector<1x32xf32>
    %mul3A_101 = arith.constant 9.99999974E-5 : f32
    %mul3A_102 = vector.broadcast %mul3A_101 : f32 to vector<1x32xf32>
    %mul3A_103 = arith.mulf %broadcast_in_dim3A, %mul3A_102 : vector<1x32xf32>
    %add3A_104 = arith.addf %get3A_99, %mul3A_103 : vector<1x32xf32>
    %swap3A = arith.constant 0 : index
    %swap3A_105 = arith.constant 0 : index
    %swap3A_106 = vector.load %arg21[%swap3A, %swap3A_105] : memref<1x32xf32, #tpu.memory_space<vmem>>, vector<1x32xf32>
    tpu.vector_store %arg21[%swap3A, %swap3A_105], %add3A_104 {strides = array<i32>} : memref<1x32xf32, #tpu.memory_space<vmem>>, vector<1x32xf32>,
    %add3A_107 = arith.addf %max3A_94, %get3A_11 : vector<2000x32xf32>
    %swap3A_108 = arith.constant 0 : index
    %swap3A_109 = arith.constant 0 : index
    %swap3A_110 = vector.load %arg20[%swap3A_108, %swap3A_109] : memref<2000x32xf32, #tpu.memory_space<vmem>>, vector<2000x32xf32>
    tpu.vector_store %arg20[%swap3A_108, %swap3A_109], %add3A_107 {strides = array<i32>} : memref<2000x32xf32, #tpu.memory_space<vmem>>, vector<2000x32xf32>,
    return
  }
  func.func @transform_0(%arg0: i32) -> (i32, i32) {
    %c0_i32 = arith.constant 0 : i32
    %c0_i32_0 = arith.constant 0 : i32
    return %arg0, %c0_i32 : i32, i32
  }
  func.func @transform_1(%arg0: i32) -> (i32, i32) {
    %c0_i32 = arith.constant 0 : i32
    %c0_i32_0 = arith.constant 0 : i32
    return %arg0, %c0_i32 : i32, i32
  }
  func.func @transform_2(%arg0: i32) -> (i32, i32) {
    %c0_i32 = arith.constant 0 : i32
    %c0_i32_0 = arith.constant 0 : i32
    return %arg0, %c0_i32 : i32, i32
  }
  func.func @transform_3(%arg0: i32) -> (i32, i32) {
    %c0_i32 = arith.constant 0 : i32
    %c0_i32_0 = arith.constant 0 : i32
    return %arg0, %c0_i32 : i32, i32
  }
  func.func @transform_4(%arg0: i32) -> (i32, i32) {
    %c0_i32 = arith.constant 0 : i32
    %c0_i32_0 = arith.constant 0 : i32
    %c0_i32_1 = arith.constant 0 : i32
    return %c0_i32, %c0_i32_0 : i32, i32
  }
  func.func @transform_5(%arg0: i32) -> (i32, i32) {
    %c0_i32 = arith.constant 0 : i32
    %c0_i32_0 = arith.constant 0 : i32
    %c0_i32_1 = arith.constant 0 : i32
    return %c0_i32, %c0_i32_0 : i32, i32
  }
  func.func @transform_6(%arg0: i32) -> (i32, i32) {
    %c0_i32 = arith.constant 0 : i32
    %c0_i32_0 = arith.constant 0 : i32
    %c0_i32_1 = arith.constant 0 : i32
    return %c0_i32, %c0_i32_0 : i32, i32
  }
  func.func @transform_7(%arg0: i32) -> (i32, i32) {
    %c0_i32 = arith.constant 0 : i32
    %c0_i32_0 = arith.constant 0 : i32
    %c0_i32_1 = arith.constant 0 : i32
    return %c0_i32, %c0_i32_0 : i32, i32
  }
  func.func @transform_8(%arg0: i32) -> (i32, i32) {
    %c0_i32 = arith.constant 0 : i32
    %c0_i32_0 = arith.constant 0 : i32
    %c0_i32_1 = arith.constant 0 : i32
    return %c0_i32, %c0_i32_0 : i32, i32
  }
  func.func @transform_9(%arg0: i32) -> (i32, i32) {
    %c0_i32 = arith.constant 0 : i32
    %c0_i32_0 = arith.constant 0 : i32
    %c0_i32_1 = arith.constant 0 : i32
    return %c0_i32, %c0_i32_0 : i32, i32
  }
  func.func @transform_10(%arg0: i32) -> (i32, i32) {
    %c0_i32 = arith.constant 0 : i32
    %c0_i32_0 = arith.constant 0 : i32
    %c0_i32_1 = arith.constant 0 : i32
    return %c0_i32, %c0_i32_0 : i32, i32
  }
  func.func @transform_11(%arg0: i32) -> (i32, i32) {
    %c0_i32 = arith.constant 0 : i32
    %c0_i32_0 = arith.constant 0 : i32
    %c0_i32_1 = arith.constant 0 : i32
    return %c0_i32, %c0_i32_0 : i32, i32
  }
  func.func @transform_12(%arg0: i32) -> (i32, i32) {
    %c0_i32 = arith.constant 0 : i32
    %c0_i32_0 = arith.constant 0 : i32
    %c0_i32_1 = arith.constant 0 : i32
    return %c0_i32, %c0_i32_0 : i32, i32
  }
  func.func @transform_13(%arg0: i32) -> (i32, i32) {
    %c0_i32 = arith.constant 0 : i32
    %c0_i32_0 = arith.constant 0 : i32
    %c0_i32_1 = arith.constant 0 : i32
    return %c0_i32, %c0_i32_0 : i32, i32
  }
  func.func @transform_14(%arg0: i32) -> (i32, i32) {
    %c0_i32 = arith.constant 0 : i32
    %c0_i32_0 = arith.constant 0 : i32
    %c0_i32_1 = arith.constant 0 : i32
    return %c0_i32, %c0_i32_0 : i32, i32
  }
  func.func @transform_15(%arg0: i32) -> (i32, i32) {
    %c0_i32 = arith.constant 0 : i32
    %c0_i32_0 = arith.constant 0 : i32
    %c0_i32_1 = arith.constant 0 : i32
    return %c0_i32, %c0_i32_0 : i32, i32
  }
  func.func @transform_16(%arg0: i32) -> (i32, i32) {
    %c0_i32 = arith.constant 0 : i32
    %c0_i32_0 = arith.constant 0 : i32
    %c0_i32_1 = arith.constant 0 : i32
    return %c0_i32, %c0_i32_0 : i32, i32
  }
  func.func @transform_17(%arg0: i32) -> (i32, i32) {
    %c0_i32 = arith.constant 0 : i32
    %c0_i32_0 = arith.constant 0 : i32
    %c0_i32_1 = arith.constant 0 : i32
    return %c0_i32, %c0_i32_0 : i32, i32
  }
  func.func @transform_18(%arg0: i32) -> (i32, i32) {
    %c0_i32 = arith.constant 0 : i32
    %c0_i32_0 = arith.constant 0 : i32
    %c0_i32_1 = arith.constant 0 : i32
    return %c0_i32, %c0_i32_0 : i32, i32
  }
  func.func @transform_19(%arg0: i32) -> (i32, i32) {
    %c0_i32 = arith.constant 0 : i32
    %c0_i32_0 = arith.constant 0 : i32
    return %arg0, %c0_i32 : i32, i32
  }
  func.func @transform_20(%arg0: i32) -> (i32, i32) {
    %c0_i32 = arith.constant 0 : i32
    %c0_i32_0 = arith.constant 0 : i32
    %c0_i32_1 = arith.constant 0 : i32
    return %c0_i32, %c0_i32_0 : i32, i32
  }
}

module attributes {stable_mosaic.version = 14 : i64} {
  func.func @_reg_kernel(%arg0: i32, %arg1: memref<2000x32xf32, #tpu.memory_space<vmem>>, %arg2: memref<32x256xf32, #tpu.memory_space<vmem>>, %arg3: memref<1x256xf32, #tpu.memory_space<vmem>>, %arg4: memref<256x128xf32, #tpu.memory_space<vmem>>, %arg5: memref<1x128xf32, #tpu.memory_space<vmem>>, %arg6: memref<128x1xf32, #tpu.memory_space<vmem>>, %arg7: memref<1x1xf32, #tpu.memory_space<vmem>>, %arg8: memref<2000x1xf32, #tpu.memory_space<vmem>>) attributes {dimension_semantics = [#tpu.dimension_semantics<arbitrary>], iteration_bounds = array<i64: 5>, scalar_prefetch = 0 : i64, scratch_operands = 0 : i64, tpu.core_type = #tpu.core_type<tc>, window_params = [{transform_indices = @transform_0, window_bounds = array<i64: 2000, 32>}, {pipeline_mode = #tpu.pipeline_mode<synchronous>, transform_indices = @transform_1, window_bounds = array<i64: 32, 256>}, {pipeline_mode = #tpu.pipeline_mode<synchronous>, transform_indices = @transform_2, window_bounds = array<i64: 1, 256>}, {pipeline_mode = #tpu.pipeline_mode<synchronous>, transform_indices = @transform_3, window_bounds = array<i64: 256, 128>}, {pipeline_mode = #tpu.pipeline_mode<synchronous>, transform_indices = @transform_4, window_bounds = array<i64: 1, 128>}, {pipeline_mode = #tpu.pipeline_mode<synchronous>, transform_indices = @transform_5, window_bounds = array<i64: 128, 1>}, {pipeline_mode = #tpu.pipeline_mode<synchronous>, transform_indices = @transform_6, window_bounds = array<i64: 1, 1>}, {transform_indices = @transform_7, window_bounds = array<i64: 2000, 1>}]} {
    %get3A = arith.constant 0 : index
    %get3A_0 = arith.constant 0 : index
    %get3A_1 = vector.load %arg1[%get3A, %get3A_0] : memref<2000x32xf32, #tpu.memory_space<vmem>>, vector<2000x32xf32>
    %get3A_2 = arith.constant 0 : index
    %get3A_3 = arith.constant 0 : index
    %get3A_4 = vector.load %arg2[%get3A_2, %get3A_3] : memref<32x256xf32, #tpu.memory_space<vmem>>, vector<32x256xf32>
    %dot_general3A = arith.constant dense<0.000000e+00> : vector<2000x256xf32>
    %dot_general3A_5 = tpu.matmul %get3A_1, %get3A_4, %dot_general3A {dimension_numbers = #tpu.dot_dimension_numbers<[1], [0], [0], [1], [0, 0, 1, 1], [], []>, transpose_lhs_hint = false} : vector<2000x32xf32>, vector<32x256xf32>, vector<2000x256xf32> -> vector<2000x256xf32>
    %get3A_6 = arith.constant 0 : index
    %get3A_7 = arith.constant 0 : index
    %get3A_8 = vector.load %arg3[%get3A_6, %get3A_7] : memref<1x256xf32, #tpu.memory_space<vmem>>, vector<1x256xf32>
    %add3A = vector.broadcast %get3A_8 : vector<1x256xf32> to vector<2000x256xf32>
    %add3A_9 = arith.addf %dot_general3A_5, %add3A : vector<2000x256xf32>
    %max3A = arith.constant 0.000000e+00 : f32
    %max3A_10 = vector.broadcast %max3A : f32 to vector<2000x256xf32>
    %max3A_11 = arith.maximumf %add3A_9, %max3A_10 : vector<2000x256xf32>
    %get3A_12 = arith.constant 0 : index
    %get3A_13 = arith.constant 0 : index
    %get3A_14 = vector.load %arg4[%get3A_12, %get3A_13] : memref<256x128xf32, #tpu.memory_space<vmem>>, vector<256x128xf32>
    %dot_general3A_15 = arith.constant dense<0.000000e+00> : vector<2000x128xf32>
    %dot_general3A_16 = tpu.matmul %max3A_11, %get3A_14, %dot_general3A_15 {dimension_numbers = #tpu.dot_dimension_numbers<[1], [0], [0], [1], [0, 0, 1, 1], [], []>, transpose_lhs_hint = false} : vector<2000x256xf32>, vector<256x128xf32>, vector<2000x128xf32> -> vector<2000x128xf32>
    %get3A_17 = arith.constant 0 : index
    %get3A_18 = arith.constant 0 : index
    %get3A_19 = vector.load %arg5[%get3A_17, %get3A_18] : memref<1x128xf32, #tpu.memory_space<vmem>>, vector<1x128xf32>
    %add3A_20 = vector.broadcast %get3A_19 : vector<1x128xf32> to vector<2000x128xf32>
    %add3A_21 = arith.addf %dot_general3A_16, %add3A_20 : vector<2000x128xf32>
    %max3A_22 = arith.constant 0.000000e+00 : f32
    %max3A_23 = vector.broadcast %max3A_22 : f32 to vector<2000x128xf32>
    %max3A_24 = arith.maximumf %add3A_21, %max3A_23 : vector<2000x128xf32>
    %get3A_25 = arith.constant 0 : index
    %get3A_26 = arith.constant 0 : index
    %get3A_27 = vector.load %arg6[%get3A_25, %get3A_26] : memref<128x1xf32, #tpu.memory_space<vmem>>, vector<128x1xf32>
    %dot_general3A_28 = arith.constant dense<0.000000e+00> : vector<2000x1xf32>
    %dot_general3A_29 = tpu.matmul %max3A_24, %get3A_27, %dot_general3A_28 {dimension_numbers = #tpu.dot_dimension_numbers<[1], [0], [0], [1], [0, 0, 1, 1], [], []>, transpose_lhs_hint = false} : vector<2000x128xf32>, vector<128x1xf32>, vector<2000x1xf32> -> vector<2000x1xf32>
    %get3A_30 = arith.constant 0 : index
    %get3A_31 = arith.constant 0 : index
    %get3A_32 = vector.load %arg7[%get3A_30, %get3A_31] : memref<1x1xf32, #tpu.memory_space<vmem>>, vector<1x1xf32>
    %add3A_33 = vector.broadcast %get3A_32 : vector<1x1xf32> to vector<2000x1xf32>
    %add3A_34 = arith.addf %dot_general3A_29, %add3A_33 : vector<2000x1xf32>
    %jit3A = arith.constant 0.000000e+00 : f32
    %jit3A_35 = arith.constant 1.000000e+00 : f32
    %max3A_36 = vector.broadcast %jit3A : f32 to vector<2000x1xf32>
    %max3A_37 = arith.maximumf %max3A_36, %add3A_34 : vector<2000x1xf32>
    %min3A = vector.broadcast %jit3A_35 : f32 to vector<2000x1xf32>
    %min3A_38 = arith.minimumf %min3A, %max3A_37 : vector<2000x1xf32>
    %swap3A = arith.constant 0 : index
    %swap3A_39 = arith.constant 0 : index
    %swap3A_40 = vector.load %arg8[%swap3A, %swap3A_39] : memref<2000x1xf32, #tpu.memory_space<vmem>>, vector<2000x1xf32>
    tpu.vector_store %arg8[%swap3A, %swap3A_39], %min3A_38 {strides = array<i32>} : memref<2000x1xf32, #tpu.memory_space<vmem>>, vector<2000x1xf32>,
    return
  }
  func.func @transform_0(%arg0: i32) -> (i32, i32) {
    %c0_i32 = arith.constant 0 : i32
    %c0_i32_0 = arith.constant 0 : i32
    return %arg0, %c0_i32 : i32, i32
  }
  func.func @transform_1(%arg0: i32) -> (i32, i32) {
    %c0_i32 = arith.constant 0 : i32
    %c0_i32_0 = arith.constant 0 : i32
    %c0_i32_1 = arith.constant 0 : i32
    return %c0_i32, %c0_i32_0 : i32, i32
  }
  func.func @transform_2(%arg0: i32) -> (i32, i32) {
    %c0_i32 = arith.constant 0 : i32
    %c0_i32_0 = arith.constant 0 : i32
    %c0_i32_1 = arith.constant 0 : i32
    return %c0_i32, %c0_i32_0 : i32, i32
  }
  func.func @transform_3(%arg0: i32) -> (i32, i32) {
    %c0_i32 = arith.constant 0 : i32
    %c0_i32_0 = arith.constant 0 : i32
    %c0_i32_1 = arith.constant 0 : i32
    return %c0_i32, %c0_i32_0 : i32, i32
  }
  func.func @transform_4(%arg0: i32) -> (i32, i32) {
    %c0_i32 = arith.constant 0 : i32
    %c0_i32_0 = arith.constant 0 : i32
    %c0_i32_1 = arith.constant 0 : i32
    return %c0_i32, %c0_i32_0 : i32, i32
  }
  func.func @transform_5(%arg0: i32) -> (i32, i32) {
    %c0_i32 = arith.constant 0 : i32
    %c0_i32_0 = arith.constant 0 : i32
    %c0_i32_1 = arith.constant 0 : i32
    return %c0_i32, %c0_i32_0 : i32, i32
  }
  func.func @transform_6(%arg0: i32) -> (i32, i32) {
    %c0_i32 = arith.constant 0 : i32
    %c0_i32_0 = arith.constant 0 : i32
    %c0_i32_1 = arith.constant 0 : i32
    return %c0_i32, %c0_i32_0 : i32, i32
  }
  func.func @transform_7(%arg0: i32) -> (i32, i32) {
    %c0_i32 = arith.constant 0 : i32
    %c0_i32_0 = arith.constant 0 : i32
    return %arg0, %c0_i32 : i32, i32
  }
}

</mosaic_0001>

<sc_bundles>
// kernel: kernel.37.cloned.1.call-start
scs
__scs_entry_jumppad:
0x0: {  	(pc) =	sbr.rel $0x88, $3  }
0x1: {  	(tag) =	ssettag $0x0;
	lr =	simm.s32 $0x1  }
0x2: {  	[smem:$0x3F3F] =	sst lr;
	_ =	strace $0xD0000000  }
0x3: {  	_ = 	snop  }
0x4: {  	_ = 	snop  }
0x5: {  	_ = 	snop  }
0x6: {  	_ = 	snop  }
0x7: {  	_ = 	snop  }
__scs_overlays_trampoline_lowered:
0x8: {  	[smem:$0x3F4E] =	sst s0  }
0x9: {  	[smem:$0x3F4F] =	sst s1  }
0xa: {  	[smem:$0x3F50] =	sst s2  }
0xb: {  	[smem:$0x3F51] =	sst s3  }
0xc: {  	[smem:$0x3F52] =	sst s4  }
0xd: {  	[smem:$0x3F53] =	sst s5  }
0xe: {  	[smem:$0x3F54] =	sst s6  }
0xf: {  	[smem:$0x3F55] =	sst s7  }
0x10: {  	[smem:$0x3F56] =	sst s8  }
0x11: {  	[smem:$0x3F57] =	sst s9;
	s0 =	simm.s32 @!p0 $0x0  }
0x12: {  	s1 =	sld [smem:$0x3F3D];
	s0 =	simm.s32 @p0 $0x1  }
0x13: {  	[smem:$0x3F58] =	sst s0;
	s0 =	simm.s32 @!p1 $0x0  }
0x14: {  	s2 =	sld [smem:$0x3F3C];
	s0 =	simm.s32 @p1 $0x1  }
0x15: {  	[smem:$0x3F59] =	sst s0;
	s0 =	simm.s32 @!p2 $0x0  }
0x16: {  	s3 =	sld [smem:$0x3FDB];
	s0 =	simm.s32 @p2 $0x1  }
0x17: {  	s4 =	simm.s32 $0x1BF5;
	[smem:$0x3F5B] =	sst s0  }
0x18: {  	s0 =	sld [smem:$0x3F3E];
	_ =	swait.ge [sflag:s4], $0x0  }
0x19: {  	s7 =	sld [smem:$0x3F3F]  }
0x1a: {  	s8 =	sadd.s32 $0xFFFFE003, lr  }
0x1b: {  	s9 =	sadd.s32 $0xFFFFFEF7, lr;
	s5 =	simm.s32 $0xFFFFFFFF;
	p2 =	slt.u32 s8, $0xFFFFF086  }
0x1c: {  	p1 =	slt.u32 s9, $0xF7A;
	s5 =	simm.s32 @!p2 $0x0  }
0x1d: {  	s5 =	simm.s32 @p1 $0x1;
	p0 =	seq.s32 s7, s2  }
0x1e: {  	s7 =	smul.u32 @!p0 $0xF7A, s2;
	p2 =	seq.s32 @!p0 s5, $0x0  }
0x1f: {  	s9 =	smul.u32 $0xF7A, s1;
	s8 =	simm.s32 @!p0 $0x1BF5;
	p2 =	por !p2, p0  }
0x20: {  	[sflag:s8] =	ssyncset.s32 @!p0 $0xFFFFF086;
	s6 =	sadd.s32 @!p0 s3, s7;
	s7 =	simm.s32 @!p0 $0x108  }
0x21: {  	s3 =	sadd.s32 s3, s9;
	s6 =	sadd.s32 @!p0 $0x88, s6;
	s7 =	simm.s32 @p2 $0x1082  }
0x22: {  	[simem:s7], [sflag:s8] =	dma.local @!p0 [hbm:s6], $0xF7A  }
0x23: {  	s9 =	sor.u32 $0xD0000000, s2;
	s6 =	simm.s32 $0x108;
	_ =	swait.ge @!p0 [sflag:s8], $0x0  }
0x24: {  	s3 =	sadd.s32 $0x88, s3;
	s6 =	simm.s32 @!p1 $0x1082;
	[sflag:s4] =	ssyncset.s32 $0xFFFFF086  }
0x25: {  	[simem:s6], [sflag:s4] =	dma.local [hbm:s3], $0xF7A  }
0x26: {  	[smem:$0x3F3F] =	sst s1;
	(tag) =	ssettag s2;
	_ =	strace s9  }
0x27: {  	s1 =	sld [smem:$0x3F4F]  }
0x28: {  	s2 =	sld [smem:$0x3F50]  }
0x29: {  	s4 =	sld [smem:$0x3F52]  }
0x2a: {  	p0 =	seq.s32 s5, $0x0;
	s5 =	sld [smem:$0x3F53]  }
0x2b: {  	s6 =	sld [smem:$0x3F54]  }
0x2c: {  	s7 =	sld [smem:$0x3F55]  }
0x2d: {  	s3 =	simm.s32 $0x108;
	s8 =	sld [smem:$0x3F56]  }
0x2e: {  	s3 =	simm.s32 @!p0 $0x1082;
	s9 =	sld [smem:$0x3F57]  }
0x2f: {  	lr =	sadd.s32 s0, s3;
	s0 =	sld [smem:$0x3F4E]  }
0x30: {  	s3 =	sld [smem:$0x3F51]  }
0x31: {  	[smem:$0x3F5A] =	sst s10  }
0x32: {  	s10 =	sld [smem:$0x3F58];
	_ =	sdelay $0x3  }
0x33: {  	p0 =	seq.s32 s10, $0x1;
	s10 =	sld [smem:$0x3F5A];
	_ =	sdelay $0x3  }
0x34: {  	[smem:$0x3F5A] =	sst s10  }
0x35: {  	s10 =	sld [smem:$0x3F59];
	_ =	sdelay $0x3  }
0x36: {  	p1 =	seq.s32 s10, $0x1;
	s10 =	sld [smem:$0x3F5A];
	_ =	sdelay $0x3  }
0x37: {  	[smem:$0x3F5A] =	sst s10  }
0x38: {  	s10 =	sld [smem:$0x3F5B]  }
0x39: {  	_ = 	snop;
	(pc) =	sbr.ind lr, $3  }
0x3a: {  	_ = 	snop  }
0x3b: {  	_ = 	snop  }
0x3c: {  	p2 =	seq.s32 s10, $0x1;
	s10 =	sld [smem:$0x3F5A]  }
0x3d: {  	_ =	shalt  }
0x3e: {  	_ =	shalt  }
0x3f: {  	_ =	shalt  }
0x40: {  	_ =	shalt  }
0x41: {  	_ =	shalt  }
0x42: {  	_ =	shalt  }
0x43: {  	_ =	shalt  }
0x44: {  	_ =	shalt  }
0x45: {  	_ =	shalt  }
0x46: {  	_ =	shalt  }
0x47: {  	_ =	shalt  }
0x48: {  	_ =	shalt  }
0x49: {  	_ =	shalt  }
0x4a: {  	_ =	shalt  }
0x4b: {  	_ =	shalt  }
0x4c: {  	_ =	shalt  }
0x4d: {  	_ =	shalt  }
0x4e: {  	_ =	shalt  }
0x4f: {  	_ =	shalt  }
0x50: {  	_ =	shalt  }
0x51: {  	_ =	shalt  }
0x52: {  	_ =	shalt  }
0x53: {  	_ =	shalt  }
0x54: {  	_ =	shalt  }
0x55: {  	_ =	shalt  }
0x56: {  	_ =	shalt  }
0x57: {  	_ =	shalt  }
0x58: {  	_ =	shalt  }
0x59: {  	_ =	shalt  }
0x5a: {  	_ =	shalt  }
0x5b: {  	_ =	shalt  }
0x5c: {  	_ =	shalt  }
0x5d: {  	_ =	shalt  }
0x5e: {  	_ =	shalt  }
0x5f: {  	_ =	shalt  }
0x60: {  	_ =	shalt  }
0x61: {  	_ =	shalt  }
0x62: {  	_ =	shalt  }
0x63: {  	_ =	shalt  }
0x64: {  	_ =	shalt  }
0x65: {  	_ =	shalt  }
0x66: {  	_ =	shalt  }
0x67: {  	_ =	shalt  }
0x68: {  	_ =	shalt  }
0x69: {  	_ =	shalt  }
0x6a: {  	_ =	shalt  }
0x6b: {  	_ =	shalt  }
0x6c: {  	_ =	shalt  }
0x6d: {  	_ =	shalt  }
0x6e: {  	_ =	shalt  }
0x6f: {  	_ =	shalt  }
0x70: {  	_ =	shalt  }
0x71: {  	_ =	shalt  }
0x72: {  	_ =	shalt  }
0x73: {  	_ =	shalt  }
0x74: {  	_ =	shalt  }
0x75: {  	_ =	shalt  }
0x76: {  	_ =	shalt  }
0x77: {  	_ =	shalt  }
0x78: {  	_ =	shalt  }
0x79: {  	_ =	shalt  }
0x7a: {  	_ =	shalt  }
0x7b: {  	_ =	shalt  }
0x7c: {  	_ =	shalt  }
0x7d: {  	_ =	shalt  }
0x7e: {  	_ =	shalt  }
0x7f: {  	_ =	shalt  }
0x80: {  	_ =	shalt  }
0x81: {  	_ =	shalt  }
0x82: {  	_ =	shalt  }
0x83: {  	_ =	shalt  }
0x84: {  	_ =	shalt  }
0x85: {  	_ =	shalt  }
0x86: {  	_ =	shalt  }
0x87: {  	_ =	shalt  }
.Lfunc_end0:
.L_simem_size_0:
called_computation_lowered:
.L_overlay_start_0:
0x88: {  	s2 =	sld [smem:$0x3FD9]  }
0x89: {  	s3 =	sld [smem:$0x3FFE];
	_ =	sdelay $0x1  }
0x8a: {  	s1 =	srdreg.scid  }
0x8b: {  	s0 =	sand.u32 $0x1, s1  }
0x8c: {  	s17 =	sshll.u32 s0, $0xA;
	s2 =	sadd.s32 s3, s2  }
0x8d: {  	s2 =	sadd.s32 s2, s17  }
0x8e: {  	[smem:$0x3F66] =	sst s2  }
0x8f: {  	_ = 	snop  }
0x90: {  	(tm) =	ssettm $0x1  }
0x91: {  	s18 =	sld [smem:$0x3FFB];
	_ =	sdelay $0x3  }
0x92: {  	_ =	strace s18  }
0x93: {  	s2 =	sld [smem:$0x3FFC];
	_ =	sdelay $0x3  }
0x94: {  	_ =	strace s2  }
0x95: {  	s2 =	sld [smem:$0x3FFD];
	_ =	sdelay $0x3  }
0x96: {  	_ =	strace s2  }
0x97: {  	_ =	strace $0x8FFFFFFF  }
0x98: {  	s19 =	sld [smem:$0x3FDB];
	_ =	sdelay $0x1  }
0x99: {  	s20 =	simm.s32 $_scs_section_size  }
0x9a: {  	s4 =	simm.s32 $_size__tile_overlayer_lowered;
	s5 =	simm.s32 $_tile_overlayer_lowered  }
0x9b: {  	s6 =	simm.s32 $0x1BFF;
	s21 =	sshll.u32 s5, $0x1;
	s3 =	sadd.s32 s20, s19  }
0x9c: {  	s22 =	simm.s32 $0x0;
	s4 =	sshll.u32 s4, $0x1;
	s5 =	sadd.s32 s21, s3  }
0x9d: {  	[timem:s22], [sflag:s6] =	dma.local [hbm:s5], s4  }
0x9e: {  	_ =	swait.ge [sflag:s6], s4  }
0x9f: {  	s4 =	ssub.s32 $0x0, s4;
	[sflag:s6] =	ssyncset.done $0x0  }
0xa0: {  	[sflag:s6] =	ssyncadd.s32 s4;
	_ =	sdelay $0x1  }
0xa1: {  	s23 =	simm.s32 $0x1B8B  }
0xa2: {  	_ =	swait.ge [sflag:s23], $0x1  }
0xa3: {  	[sflag:s23] =	ssyncset.done $0x0  }
0xa4: {  	[sflag:s23] =	ssyncadd.s32 $0xFFFFFFFF  }
0xa5: {  	s4 =	sld [smem:$0x0]  }
0xa6: {  	s5 =	sand.u32 $0xFFFFFFFE, s1  }
0xa7: {  	p0 =	sne.s32 s1, s5  }
0xa8: {  	s5 =	sshll.u32 @p0 s5, $0xE  }
0xa9: {  	s5 =	sadd.s32 @p0 $0x11B8D, s5;
	s6 =	sshll.u32 @p0 s4, $0x11  }
0xaa: {  	s5 =	sor.u32 @p0 s6, s5  }
0xab: {  	[sflag:s5] =	ssyncadd.remote.s32 @p0 $0x1;
	_ =	sdelay $0x1  }
0xac: {  	s5 =	simm.s32 @p0 $0x1B8D  }
0xad: {  	_ =	swait.eq @p0 [sflag:s5], $0x1  }
0xae: {  	[sflag:s5] =	ssyncadd.s32 @p0 $0xFFFFFFFF  }
0xaf: {  	s6 =	sshll.u32 @!p0 s1, $0xE  }
0xb0: {  	s6 =	sor.u32 @!p0 $0x4000, s6;
	s5 =	simm.s32 @!p0 $0x1B8D  }
0xb1: {  	s4 =	sshll.u32 @!p0 s4, $0x11;
	s6 =	sadd.s32 @!p0 $0x11B8D, s6;
	_ =	swait.eq @!p0 [sflag:s5], $0x1  }
0xb2: {  	s4 =	sor.u32 @!p0 s4, s6;
	[sflag:s5] =	ssyncadd.s32 @!p0 $0xFFFFFFFF  }
0xb3: {  	s25 =	simm.s32 $0x1B8E;
	s24 =	sld [smem:$0x3FFE];
	[sflag:s4] =	ssyncadd.remote.s32 @!p0 $0x1  }
0xb4: {  	s26 =	simm.s32 $execute0_lowered;
	[smem:$0x3FD2] =	sst s25  }
0xb5: {  	s5 =	sshll.u32 s26, $0x1;
	_ =	strace $0x80000049;
	[dreg:$0x1] =	wrdreg $0xFFFFFFFF  }
0xb6: {  	s28 =	simm.s32 $_size_execute0_lowered;
	s3 =	sadd.s32 s3, s5;
	[dreg:$0x0] =	wrdreg $0x0  }
0xb7: {  	s5 =	sshll.u32 s28, $0x1;
	[dreg:$0x2] =	wrdreg s3  }
0xb8: {  	[dreg:$0x3] =	wrdreg s5  }
0xb9: {  	[dreg:$0x4] =	wrdreg $0xC0  }
0xba: {  	_ =	task [dreg:s22], $0x5FFFF  }
0xbb: {  	[dreg:$0x1] =	wrdreg $0xFFFFFFFF  }
0xbc: {  	[dreg:$0x0] =	wrdreg $0x60  }
0xbd: {  	[dreg:$0x2] =	wrdreg s24  }
0xbe: {  	[dreg:$0x3] =	wrdreg $0x40800  }
0xbf: {  	[dreg:$0x4] =	wrdreg $0x9  }
0xc0: {  	_ =	task.clear_ibuf [dreg:s22], $0x5FFFF;
	_ =	strace $0x90000049  }
0xc1: {  	s29 =	simm.s32 $0x9;
	_ =	strace $0x8000004B  }
0xc2: {  	_ =	swait.ge [sflag:s29], $0x1  }
0xc3: {  	[sflag:s29] =	ssyncadd.s32 $0xFFFFFFFF  }
0xc4: {  	_ =	strace $0x9000004B  }
0xc5: {  	_ =	sfence  }
0xc6: {  	s30 =	sld [smem:$0x0];
	_ =	sdelay $0x2  }
0xc7: {  	s31 =	sshll.u32 s1, $0xD;
	s1 =	sshrl.u32 s1, $0x2  }
0xc8: {  	s4 =	sand.u32 $0x4000, s31;
	s1 =	sadd.s32 s1, s30  }
0xc9: {  	s0 =	sor.u32 s4, s0;
	s1 =	sshll.u32 s1, $0x11  }
0xca: {  	s0 =	sor.u32 s1, s0  }
0xcb: {  	s0 =	sadd.s32 $0x8F2B, s0  }
0xcc: {  	[sflag:s0] =	ssyncadd.remote.s32 $0x1  }
0xcd: {  	_ =	sfence.sel $0xFFFF  }
0xce: {  	[dreg:$0x0] =	wrdreg $0xFFFFFFFF;
	(pc) =	sbr.abs _section_cstart, $3  }
0xcf: {  	[dreg:$0x1] =	wrdreg $0xFFFFFFFF  }
0xd0: {  	_ =	task.clear_ibuf [dreg:s22], $0x2FFFF;
	_ =	strace $0x9FFFFFFF  }
0xd1: {  	(tm) =	ssettm $0x7FFFFFFF  }
tec
execute0_lowered:
.L_overlay_start_1:
0x0: {  	(tag) =	ssettag $0x1  }
0x1: {  	s4 =	rddreg [dreg:$0x0]  }
0x2: {  	s1 =	rddreg [dreg:$0x1]  }
0x3: {  	s0 =	rddreg [dreg:$0x2]  }
0x4: {  	s2 =	simm.s32 $0x0;
	s3 =	srdreg.scid;
	s7 =	stileid.u32  }
0x5: {  	[smem:$0x7FF] =	sst s2;
	s8 =	sand.u32 $0x1, s3;
	s28 =	sshll.u32 s7, $0xC  }
0x6: {  	s5 =	sshll.u32 s7, $0x5;
	s3 =	sadd.s32 $0x24600, s4;
	p0 =	sne.s32 s7, $0x0  }
0x7: {  	_ =	strace $0x8000004A;
	s6 =	smul.u32 $0x27100, s8;
	s9 =	sadd.s32 s28, s4  }
0x8: {  	s10 =	sadd.s32 s5, s4;
	s29 =	ssub.s32 $0x2, s8;
	s31 =	sshll.u32 s8, $0xB  }
0x9: {  	s8 =	sshll.u32 s8, $0x4;
	s30 =	sshrl.u32 s29, $0x1;
	s9 =	sadd.s32 s31, s9  }
0xa: {  	s8 =	sadd.s32 s8, s10;
	s6 =	sadd.s32 s6, s4;
	s11 =	ssub.s32 s29, s30  }
0xb: {  	s4 =	sshll.u32 s7, $0x1;
	s7 =	sadd.s32 $0x4B800, s9;
	s8 =	sadd.s32 $0x1A600, s8  }
0xc: {  	s9 =	sshrl.u32 @!p0 s1, $0x3;
	s5 =	sadd.s32 $0x30AA00, s6;
	s6 =	smax.u32 s11, $0x1  }
.LBB2_1:
0xd: {  	s10 =	simm.s32 @!p0 $0x1C01  }
0xe: {  	[spmem:s9], [sflag:s10] =	dma.local @!p0 [hbm:s3], $0x27100  }
0xf: {  	s10 =	simm.s32 @!p0 $0x1  }
0x10: {  	_ =	swait.ge @!p0 [sflag:s10], $0x27100  }
0x11: {  	s11 =	sadd.s32 $0x0, s4;
	[sflag:s10] =	ssyncset.done @!p0 $0x0  }
0x12: {  	p1 =	sgt.u32 s11, $0x4E1;
	[sflag:s10] =	ssyncadd.s32 @!p0 $0xFFFD8F00  }
0x13: {  	s12 =	simm.s32 @!p1 $0x2;
	s10 =	simm.s32 @!p1 $0x0;
	[bflag:$0x0] =	sbarrier.arrive $0xFFFF  }
0x14: {  	[tilespmem:s10], [sflag:$0x2] =	stream.linear.gather @!p1 [hbm4b:s8+s10], $0x80, $0x38;
	[tilespmem:$0x17900] =	vst v63  }
0x15: {  	_ =	swait.ge @!p1 [sflag:s12], $0x80  }
0x16: {  	[sflag:s12] =	ssyncset.done @!p1 $0x0;
	p1 =	por p1, p1  }
0x17: {  	[sflag:s12] =	ssyncadd.s32 @!p1 $0xFFFFFF80;
	s14 =	simm.s32 @!p1 $0x80  }
0x18: {  	[tilespmem:s14], [sflag:$0x2] =	stream.linear.gather @!p1 [hbm4b:s7+s10], $0x4000, $0x38;
	[tilespmem:$0x17900] =	vst v63  }
0x19: {  	_ =	swait.ge @!p1 [sflag:s12], $0x4000  }
0x1a: {  	[sflag:s12] =	ssyncset.done @!p1 $0x0  }
0x1b: {  	s31 =	sadd.s32 $0x20, s4;
	s13 =	simm.s32 @!p1 $0x1;
	[sflag:s12] =	ssyncadd.s32 @!p1 $0xFFFFC000  }
0x1c: {  	[spmem:s1] =	stream.indirect.scatter.add.f32 @!p1 [tilespmem:s14], [sflag:$0x1], $0x80, s10, s14, $0xb8;
	[tilespmem:$0x17900] =	vst v63  }
0x1d: {  	s11 =	simm.s32 $0x40;
	p2 =	sgt.u32 s31, $0x4E1;
	_ =	swait.ge @!p1 [sflag:s13], $0x4000  }
0x1e: {  	s12 =	sadd.s32 $0x200, s8;
	s10 =	sadd.s32 $0x10000, s7;
	[sflag:s13] =	ssyncset.done @!p1 $0x0  }
.LBB2_2:
0x1f: {  	s14 =	simm.s32 @!p2 $0x0;
	s15 =	simm.s32 @!p2 $0x2;
	[sflag:s13] =	ssyncadd.s32 @!p1 $0xFFFFC000  }
0x20: {  	[tilespmem:s14], [sflag:$0x2] =	stream.linear.gather @!p2 [hbm4b:s12+s14], $0x80, $0x38;
	[tilespmem:$0x17900] =	vst v63  }
0x21: {  	s16 =	smov.u32 s11;
	s11 =	sadd.s32 $0x20, s11;
	_ =	swait.ge @!p2 [sflag:s15], $0x80  }
0x22: {  	p1 =	por p2, p2;
	p3 =	sne.s32 s11, $0x500;
	[sflag:s15] =	ssyncset.done @!p2 $0x0  }
0x23: {  	s17 =	simm.s32 @!p1 $0x80;
	[sflag:s15] =	ssyncadd.s32 @!p1 $0xFFFFFF80  }
0x24: {  	[tilespmem:s17], [sflag:$0x2] =	stream.linear.gather @!p1 [hbm4b:s10+s14], $0x4000, $0x38;
	[tilespmem:$0x17900] =	vst v63  }
0x25: {  	_ =	swait.ge @!p1 [sflag:s15], $0x4000  }
.Ltmp0:
0x26: {  	[sflag:s15] =	ssyncset.done @!p1 $0x0;
	(pc) =	sbr.rel @p3 .LBB2_2-.Ltmp0, $4  }
0x27: {  	s13 =	simm.s32 @!p1 $0x1;
	[sflag:s15] =	ssyncadd.s32 @!p1 $0xFFFFC000  }
0x28: {  	[spmem:s1] =	stream.indirect.scatter.add.f32 @!p1 [tilespmem:s17], [sflag:$0x1], $0x80, s14, s17, $0xb8;
	[tilespmem:$0x17900] =	vst v63  }
0x29: {  	s12 =	sadd.s32 $0x200, s12;
	s14 =	sadd.s32 s16, s4;
	_ =	swait.ge @!p1 [sflag:s13], $0x4000  }
0x2a: {  	s10 =	sadd.s32 $0x10000, s10;
	p2 =	sgt.u32 s14, $0x4E1;
	[sflag:s13] =	ssyncset.done @!p1 $0x0  }
0x2b: {  	s11 =	simm.s32 @!p2 $0x0;
	s14 =	simm.s32 @!p2 $0x2;
	[sflag:s13] =	ssyncadd.s32 @!p1 $0xFFFFC000  }
0x2c: {  	[tilespmem:s11], [sflag:$0x2] =	stream.linear.gather @!p2 [hbm4b:s12+s11], $0x80, $0x38;
	[tilespmem:$0x17900] =	vst v63  }
0x2d: {  	_ =	swait.ge @!p2 [sflag:s14], $0x80  }
0x2e: {  	p1 =	por p2, p2;
	[sflag:s14] =	ssyncset.done @!p2 $0x0  }
0x2f: {  	s12 =	simm.s32 @!p1 $0x80;
	[sflag:s14] =	ssyncadd.s32 @!p1 $0xFFFFFF80  }
0x30: {  	[tilespmem:s12], [sflag:$0x2] =	stream.linear.gather @!p1 [hbm4b:s10+s11], $0x4000, $0x38;
	[tilespmem:$0x17900] =	vst v63  }
0x31: {  	_ =	swait.ge @!p1 [sflag:s14], $0x4000  }
0x32: {  	[sflag:s14] =	ssyncset.done @!p1 $0x0  }
0x33: {  	s10 =	simm.s32 @!p1 $0x1;
	[sflag:s14] =	ssyncadd.s32 @!p1 $0xFFFFC000  }
0x34: {  	[spmem:s1] =	stream.indirect.scatter.add.f32 @!p1 [tilespmem:s12], [sflag:$0x1], $0x80, s11, s12, $0xb8;
	[tilespmem:$0x17900] =	vst v63  }
0x35: {  	_ =	swait.ge @!p1 [sflag:s10], $0x4000  }
0x36: {  	[sflag:s10] =	ssyncset.done @!p1 $0x0  }
0x37: {  	s2 =	sadd.s32 $0x1, s2;
	[sflag:s10] =	ssyncadd.s32 @!p1 $0xFFFFC000  }
0x38: {  	s10 =	simm.s32 @!p0 $0x1C01;
	p1 =	sne.s32 s2, s6;
	[bflag:$0x0] =	sbarrier.arrive $0xFFFF  }
0x39: {  	[hbm:s5], [sflag:s10] =	dma.local @!p0 [spmem:s9], $0x27100  }
.Ltmp1:
0x3a: {  	_ = 	snop;
	(pc) =	sbr.rel @p1 .LBB2_1-.Ltmp1, $4  }
0x3b: {  	s10 =	simm.s32 @!p0 $0x1  }
0x3c: {  	_ =	swait.ge @!p0 [sflag:s10], $0x27100  }
0x3d: {  	[sflag:s10] =	ssyncset.done @!p0 $0x0  }
0x3e: {  	[sflag:s10] =	ssyncadd.s32 @!p0 $0xFFFD8F00  }
0x3f: {  	_ =	sfence.sel $0x180000  }
0x40: {  	[bflag:$0x0] =	sbarrier.arrive $0xFFFF  }
0x41: {  	_ =	strace $0x9000004A  }
0x42: {  	s0 =	sadd.s32 @!p0 $0x100000, s0;
	[bflag:$0x2] =	sbarrier.arrive $0xFFFF  }
0x43: {  	[sflag:s0] =	ssyncadd.tile.s32 @!p0 $0x1;
	_ =	shalt  }
.Lfunc_end2:
_tile_overlayer_lowered:
.L_overlay_start_2:
0x44: {  	(tag) =	ssettag $0x2  }
0x45: {  	s0 =	rddreg [dreg:$0x0];
	s2 =	stileid.u32  }
0x46: {  	s1 =	rddreg [dreg:$0x1];
	p0 =	sne.s32 s2, $0x0  }
0x47: {  	s3 =	rddreg [dreg:$0x2];
	[bflag:$0x3] =	sbarrier.arrive $0xFFFF;
	s2 =	simm.s32 @!p0 $0x1C01  }
0x48: {  	[timem:s3], [sflag:s2] =	dma.local @!p0 [hbm:s0], s1  }
0x49: {  	s0 =	simm.s32 @!p0 $0x1  }
0x4a: {  	_ =	swait.ge @!p0 [sflag:s0], s1  }
0x4b: {  	s1 =	ssub.s32 @!p0 $0x0, s1;
	[sflag:s0] =	ssyncset.done @!p0 $0x0  }
0x4c: {  	[sflag:s0] =	ssyncadd.s32 @!p0 s1  }
0x4d: {  	[bflag:$0x3] =	sbarrier.arrive $0xFFFF  }
0x4e: {  	_ =	shalt  }

// kernel: kernel.40.cloned.1.call-start
scs
__scs_entry_jumppad:
0x0: {  	(pc) =	sbr.rel $0x88, $3  }
0x1: {  	(tag) =	ssettag $0x0;
	lr =	simm.s32 $0x1  }
0x2: {  	[smem:$0x3F3F] =	sst lr;
	_ =	strace $0xD0000000  }
0x3: {  	_ = 	snop  }
0x4: {  	_ = 	snop  }
0x5: {  	_ = 	snop  }
0x6: {  	_ = 	snop  }
0x7: {  	_ = 	snop  }
__scs_overlays_trampoline_lowered:
0x8: {  	[smem:$0x3F4E] =	sst s0  }
0x9: {  	[smem:$0x3F4F] =	sst s1  }
0xa: {  	[smem:$0x3F50] =	sst s2  }
0xb: {  	[smem:$0x3F51] =	sst s3  }
0xc: {  	[smem:$0x3F52] =	sst s4  }
0xd: {  	[smem:$0x3F53] =	sst s5  }
0xe: {  	[smem:$0x3F54] =	sst s6  }
0xf: {  	[smem:$0x3F55] =	sst s7  }
0x10: {  	[smem:$0x3F56] =	sst s8  }
0x11: {  	[smem:$0x3F57] =	sst s9;
	s0 =	simm.s32 @!p0 $0x0  }
0x12: {  	s1 =	sld [smem:$0x3F3D];
	s0 =	simm.s32 @p0 $0x1  }
0x13: {  	[smem:$0x3F58] =	sst s0;
	s0 =	simm.s32 @!p1 $0x0  }
0x14: {  	s2 =	sld [smem:$0x3F3C];
	s0 =	simm.s32 @p1 $0x1  }
0x15: {  	[smem:$0x3F59] =	sst s0;
	s0 =	simm.s32 @!p2 $0x0  }
0x16: {  	s3 =	sld [smem:$0x3FDB];
	s0 =	simm.s32 @p2 $0x1  }
0x17: {  	s4 =	simm.s32 $0x1BF5;
	[smem:$0x3F5B] =	sst s0  }
0x18: {  	s0 =	sld [smem:$0x3F3E];
	_ =	swait.ge [sflag:s4], $0x0  }
0x19: {  	s7 =	sld [smem:$0x3F3F]  }
0x1a: {  	s8 =	sadd.s32 $0xFFFFE003, lr  }
0x1b: {  	s9 =	sadd.s32 $0xFFFFFEF7, lr;
	s5 =	simm.s32 $0xFFFFFFFF;
	p2 =	slt.u32 s8, $0xFFFFF086  }
0x1c: {  	p1 =	slt.u32 s9, $0xF7A;
	s5 =	simm.s32 @!p2 $0x0  }
0x1d: {  	s5 =	simm.s32 @p1 $0x1;
	p0 =	seq.s32 s7, s2  }
0x1e: {  	s7 =	smul.u32 @!p0 $0xF7A, s2;
	p2 =	seq.s32 @!p0 s5, $0x0  }
0x1f: {  	s9 =	smul.u32 $0xF7A, s1;
	s8 =	simm.s32 @!p0 $0x1BF5;
	p2 =	por !p2, p0  }
0x20: {  	[sflag:s8] =	ssyncset.s32 @!p0 $0xFFFFF086;
	s6 =	sadd.s32 @!p0 s3, s7;
	s7 =	simm.s32 @!p0 $0x108  }
0x21: {  	s3 =	sadd.s32 s3, s9;
	s6 =	sadd.s32 @!p0 $0x88, s6;
	s7 =	simm.s32 @p2 $0x1082  }
0x22: {  	[simem:s7], [sflag:s8] =	dma.local @!p0 [hbm:s6], $0xF7A  }
0x23: {  	s9 =	sor.u32 $0xD0000000, s2;
	s6 =	simm.s32 $0x108;
	_ =	swait.ge @!p0 [sflag:s8], $0x0  }
0x24: {  	s3 =	sadd.s32 $0x88, s3;
	s6 =	simm.s32 @!p1 $0x1082;
	[sflag:s4] =	ssyncset.s32 $0xFFFFF086  }
0x25: {  	[simem:s6], [sflag:s4] =	dma.local [hbm:s3], $0xF7A  }
0x26: {  	[smem:$0x3F3F] =	sst s1;
	(tag) =	ssettag s2;
	_ =	strace s9  }
0x27: {  	s1 =	sld [smem:$0x3F4F]  }
0x28: {  	s2 =	sld [smem:$0x3F50]  }
0x29: {  	s4 =	sld [smem:$0x3F52]  }
0x2a: {  	p0 =	seq.s32 s5, $0x0;
	s5 =	sld [smem:$0x3F53]  }
0x2b: {  	s6 =	sld [smem:$0x3F54]  }
0x2c: {  	s7 =	sld [smem:$0x3F55]  }
0x2d: {  	s3 =	simm.s32 $0x108;
	s8 =	sld [smem:$0x3F56]  }
0x2e: {  	s3 =	simm.s32 @!p0 $0x1082;
	s9 =	sld [smem:$0x3F57]  }
0x2f: {  	lr =	sadd.s32 s0, s3;
	s0 =	sld [smem:$0x3F4E]  }
0x30: {  	s3 =	sld [smem:$0x3F51]  }
0x31: {  	[smem:$0x3F5A] =	sst s10  }
0x32: {  	s10 =	sld [smem:$0x3F58];
	_ =	sdelay $0x3  }
0x33: {  	p0 =	seq.s32 s10, $0x1;
	s10 =	sld [smem:$0x3F5A];
	_ =	sdelay $0x3  }
0x34: {  	[smem:$0x3F5A] =	sst s10  }
0x35: {  	s10 =	sld [smem:$0x3F59];
	_ =	sdelay $0x3  }
0x36: {  	p1 =	seq.s32 s10, $0x1;
	s10 =	sld [smem:$0x3F5A];
	_ =	sdelay $0x3  }
0x37: {  	[smem:$0x3F5A] =	sst s10  }
0x38: {  	s10 =	sld [smem:$0x3F5B]  }
0x39: {  	_ = 	snop;
	(pc) =	sbr.ind lr, $3  }
0x3a: {  	_ = 	snop  }
0x3b: {  	_ = 	snop  }
0x3c: {  	p2 =	seq.s32 s10, $0x1;
	s10 =	sld [smem:$0x3F5A]  }
0x3d: {  	_ =	shalt  }
0x3e: {  	_ =	shalt  }
0x3f: {  	_ =	shalt  }
0x40: {  	_ =	shalt  }
0x41: {  	_ =	shalt  }
0x42: {  	_ =	shalt  }
0x43: {  	_ =	shalt  }
0x44: {  	_ =	shalt  }
0x45: {  	_ =	shalt  }
0x46: {  	_ =	shalt  }
0x47: {  	_ =	shalt  }
0x48: {  	_ =	shalt  }
0x49: {  	_ =	shalt  }
0x4a: {  	_ =	shalt  }
0x4b: {  	_ =	shalt  }
0x4c: {  	_ =	shalt  }
0x4d: {  	_ =	shalt  }
0x4e: {  	_ =	shalt  }
0x4f: {  	_ =	shalt  }
0x50: {  	_ =	shalt  }
0x51: {  	_ =	shalt  }
0x52: {  	_ =	shalt  }
0x53: {  	_ =	shalt  }
0x54: {  	_ =	shalt  }
0x55: {  	_ =	shalt  }
0x56: {  	_ =	shalt  }
0x57: {  	_ =	shalt  }
0x58: {  	_ =	shalt  }
0x59: {  	_ =	shalt  }
0x5a: {  	_ =	shalt  }
0x5b: {  	_ =	shalt  }
0x5c: {  	_ =	shalt  }
0x5d: {  	_ =	shalt  }
0x5e: {  	_ =	shalt  }
0x5f: {  	_ =	shalt  }
0x60: {  	_ =	shalt  }
0x61: {  	_ =	shalt  }
0x62: {  	_ =	shalt  }
0x63: {  	_ =	shalt  }
0x64: {  	_ =	shalt  }
0x65: {  	_ =	shalt  }
0x66: {  	_ =	shalt  }
0x67: {  	_ =	shalt  }
0x68: {  	_ =	shalt  }
0x69: {  	_ =	shalt  }
0x6a: {  	_ =	shalt  }
0x6b: {  	_ =	shalt  }
0x6c: {  	_ =	shalt  }
0x6d: {  	_ =	shalt  }
0x6e: {  	_ =	shalt  }
0x6f: {  	_ =	shalt  }
0x70: {  	_ =	shalt  }
0x71: {  	_ =	shalt  }
0x72: {  	_ =	shalt  }
0x73: {  	_ =	shalt  }
0x74: {  	_ =	shalt  }
0x75: {  	_ =	shalt  }
0x76: {  	_ =	shalt  }
0x77: {  	_ =	shalt  }
0x78: {  	_ =	shalt  }
0x79: {  	_ =	shalt  }
0x7a: {  	_ =	shalt  }
0x7b: {  	_ =	shalt  }
0x7c: {  	_ =	shalt  }
0x7d: {  	_ =	shalt  }
0x7e: {  	_ =	shalt  }
0x7f: {  	_ =	shalt  }
0x80: {  	_ =	shalt  }
0x81: {  	_ =	shalt  }
0x82: {  	_ =	shalt  }
0x83: {  	_ =	shalt  }
0x84: {  	_ =	shalt  }
0x85: {  	_ =	shalt  }
0x86: {  	_ =	shalt  }
0x87: {  	_ =	shalt  }
.Lfunc_end0:
.L_simem_size_0:
called_computation.1_lowered:
.L_overlay_start_0:
0x88: {  	s2 =	sld [smem:$0x3FD9]  }
0x89: {  	s3 =	sld [smem:$0x3FFE];
	_ =	sdelay $0x1  }
0x8a: {  	s1 =	srdreg.scid  }
0x8b: {  	s0 =	sand.u32 $0x1, s1  }
0x8c: {  	s16 =	sshll.u32 s0, $0xA;
	s2 =	sadd.s32 s3, s2  }
0x8d: {  	s2 =	sadd.s32 s2, s16  }
0x8e: {  	[smem:$0x3F66] =	sst s2  }
0x8f: {  	_ = 	snop  }
0x90: {  	(tm) =	ssettm $0x1  }
0x91: {  	s17 =	sld [smem:$0x3FFB];
	_ =	sdelay $0x3  }
0x92: {  	_ =	strace s17  }
0x93: {  	s2 =	sld [smem:$0x3FFC];
	_ =	sdelay $0x3  }
0x94: {  	_ =	strace s2  }
0x95: {  	s2 =	sld [smem:$0x3FFD];
	_ =	sdelay $0x3  }
0x96: {  	_ =	strace s2  }
0x97: {  	_ =	strace $0x8FFFFFFF  }
0x98: {  	s18 =	sld [smem:$0x3FDB];
	_ =	sdelay $0x1  }
0x99: {  	s19 =	simm.s32 $_scs_section_size  }
0x9a: {  	s4 =	simm.s32 $_size__tile_overlayer_lowered;
	s5 =	simm.s32 $_tile_overlayer_lowered  }
0x9b: {  	s22 =	simm.s32 $0x1BFF;
	s21 =	sshll.u32 s5, $0x1;
	s2 =	sadd.s32 s19, s18  }
0x9c: {  	s6 =	simm.s32 $0x0;
	s20 =	sshll.u32 s4, $0x1;
	s4 =	sadd.s32 s21, s2  }
0x9d: {  	[timem:s6], [sflag:s22] =	dma.local [hbm:s4], s20  }
0x9e: {  	_ =	swait.ge [sflag:s22], s20  }
0x9f: {  	s3 =	ssub.s32 $0x0, s20;
	[sflag:s22] =	ssyncset.done $0x0  }
0xa0: {  	[sflag:s22] =	ssyncadd.s32 s3;
	_ =	sdelay $0x1  }
0xa1: {  	s23 =	simm.s32 $0x1B8B  }
0xa2: {  	_ =	swait.ge [sflag:s23], $0x1  }
0xa3: {  	[sflag:s23] =	ssyncset.done $0x0  }
0xa4: {  	s25 =	simm.s32 $0x1B8E;
	s24 =	sld [smem:$0x3FFE];
	[sflag:s23] =	ssyncadd.s32 $0xFFFFFFFF  }
0xa5: {  	s26 =	simm.s32 $execute0_lowered;
	[smem:$0x3FD2] =	sst s25  }
0xa6: {  	s4 =	sshll.u32 s26, $0x1;
	_ =	strace $0x80000046;
	[dreg:$0x1] =	wrdreg $0xFFFFFFFF  }
0xa7: {  	s28 =	simm.s32 $_size_execute0_lowered;
	s2 =	sadd.s32 s2, s4;
	[dreg:$0x0] =	wrdreg $0x0  }
0xa8: {  	s4 =	sshll.u32 s28, $0x1;
	[dreg:$0x2] =	wrdreg s2  }
0xa9: {  	[dreg:$0x3] =	wrdreg s4  }
0xaa: {  	[dreg:$0x4] =	wrdreg $0xC0  }
0xab: {  	_ =	task [dreg:s6], $0x5FFFF  }
0xac: {  	[dreg:$0x1] =	wrdreg $0xFFFFFFFF  }
0xad: {  	[dreg:$0x0] =	wrdreg $0x60  }
0xae: {  	[dreg:$0x2] =	wrdreg s24  }
0xaf: {  	[dreg:$0x3] =	wrdreg $0x40800  }
0xb0: {  	[dreg:$0x4] =	wrdreg $0xA  }
0xb1: {  	_ =	task.clear_ibuf [dreg:s6], $0x5FFFF;
	_ =	strace $0x90000046  }
0xb2: {  	s29 =	simm.s32 $0xA;
	_ =	strace $0x80000048  }
0xb3: {  	_ =	swait.ge [sflag:s29], $0x1  }
0xb4: {  	[sflag:s29] =	ssyncadd.s32 $0xFFFFFFFF  }
0xb5: {  	_ =	strace $0x90000048  }
0xb6: {  	_ =	sfence  }
0xb7: {  	s30 =	sld [smem:$0x0];
	_ =	sdelay $0x2  }
0xb8: {  	s31 =	sshll.u32 s1, $0xD;
	s1 =	sshrl.u32 s1, $0x2  }
0xb9: {  	s3 =	sand.u32 $0x4000, s31;
	s1 =	sadd.s32 s1, s30  }
0xba: {  	s0 =	sor.u32 s3, s0;
	s1 =	sshll.u32 s1, $0x11  }
0xbb: {  	s0 =	sor.u32 s1, s0  }
0xbc: {  	s0 =	sadd.s32 $0x8F2B, s0  }
0xbd: {  	[sflag:s0] =	ssyncadd.remote.s32 $0x1  }
0xbe: {  	_ =	sfence.sel $0xFFFF  }
0xbf: {  	[dreg:$0x0] =	wrdreg $0xFFFFFFFF;
	(pc) =	sbr.abs _section_cstart, $3  }
0xc0: {  	[dreg:$0x1] =	wrdreg $0xFFFFFFFF  }
0xc1: {  	_ =	task.clear_ibuf [dreg:s6], $0x2FFFF;
	_ =	strace $0x9FFFFFFF  }
0xc2: {  	(tm) =	ssettm $0x7FFFFFFF  }
0xc3: {  	_ =	shalt  }
tec
execute0_lowered:
.L_overlay_start_1:
0x0: {  	(tag) =	ssettag $0x1  }
0x1: {  	s4 =	rddreg [dreg:$0x0]  }
0x2: {  	s1 =	rddreg [dreg:$0x1]  }
0x3: {  	s0 =	rddreg [dreg:$0x2]  }
0x4: {  	s2 =	simm.s32 $0x0;
	s3 =	srdreg.scid;
	s7 =	stileid.u32  }
0x5: {  	[smem:$0x7FF] =	sst s2;
	s8 =	sand.u32 $0x1, s3;
	s28 =	sshll.u32 s7, $0xC  }
0x6: {  	s5 =	sshll.u32 s7, $0x5;
	s3 =	sadd.s32 $0x24600, s4;
	p0 =	sne.s32 s7, $0x0  }
0x7: {  	_ =	strace $0x80000047;
	s6 =	smul.u32 $0x27100, s8;
	s9 =	sadd.s32 s28, s4  }
0x8: {  	s10 =	sadd.s32 s5, s4;
	s29 =	ssub.s32 $0x2, s8;
	s31 =	sshll.u32 s8, $0xB  }
0x9: {  	s8 =	sshll.u32 s8, $0x4;
	s30 =	sshrl.u32 s29, $0x1;
	s9 =	sadd.s32 s31, s9  }
0xa: {  	s8 =	sadd.s32 s8, s10;
	s6 =	sadd.s32 s6, s4;
	s11 =	ssub.s32 s29, s30  }
0xb: {  	s4 =	sshll.u32 s7, $0x1;
	s7 =	sadd.s32 $0x4B800, s9;
	s8 =	sadd.s32 $0x1F600, s8  }
0xc: {  	s9 =	sshrl.u32 @!p0 s1, $0x3;
	s5 =	sadd.s32 $0x2BC800, s6;
	s6 =	smax.u32 s11, $0x1  }
.LBB2_1:
0xd: {  	s10 =	simm.s32 @!p0 $0x1C01  }
0xe: {  	[spmem:s9], [sflag:s10] =	dma.local @!p0 [hbm:s3], $0x27100  }
0xf: {  	s10 =	simm.s32 @!p0 $0x1  }
0x10: {  	_ =	swait.ge @!p0 [sflag:s10], $0x27100  }
0x11: {  	s11 =	sadd.s32 $0x0, s4;
	[sflag:s10] =	ssyncset.done @!p0 $0x0  }
0x12: {  	p1 =	sgt.u32 s11, $0x4E1;
	[sflag:s10] =	ssyncadd.s32 @!p0 $0xFFFD8F00  }
0x13: {  	s12 =	simm.s32 @!p1 $0x2;
	s10 =	simm.s32 @!p1 $0x0;
	[bflag:$0x0] =	sbarrier.arrive $0xFFFF  }
0x14: {  	[tilespmem:s10], [sflag:$0x2] =	stream.linear.gather @!p1 [hbm4b:s8+s10], $0x80, $0x38;
	[tilespmem:$0x17900] =	vst v63  }
0x15: {  	_ =	swait.ge @!p1 [sflag:s12], $0x80  }
0x16: {  	[sflag:s12] =	ssyncset.done @!p1 $0x0;
	p1 =	por p1, p1  }
0x17: {  	[sflag:s12] =	ssyncadd.s32 @!p1 $0xFFFFFF80;
	s14 =	simm.s32 @!p1 $0x80  }
0x18: {  	[tilespmem:s14], [sflag:$0x2] =	stream.linear.gather @!p1 [hbm4b:s7+s10], $0x4000, $0x38;
	[tilespmem:$0x17900] =	vst v63  }
0x19: {  	_ =	swait.ge @!p1 [sflag:s12], $0x4000  }
0x1a: {  	[sflag:s12] =	ssyncset.done @!p1 $0x0  }
0x1b: {  	s31 =	sadd.s32 $0x20, s4;
	s13 =	simm.s32 @!p1 $0x1;
	[sflag:s12] =	ssyncadd.s32 @!p1 $0xFFFFC000  }
0x1c: {  	[spmem:s1] =	stream.indirect.scatter.add.f32 @!p1 [tilespmem:s14], [sflag:$0x1], $0x80, s10, s14, $0xb8;
	[tilespmem:$0x17900] =	vst v63  }
0x1d: {  	s11 =	simm.s32 $0x40;
	p2 =	sgt.u32 s31, $0x4E1;
	_ =	swait.ge @!p1 [sflag:s13], $0x4000  }
0x1e: {  	s12 =	sadd.s32 $0x200, s8;
	s10 =	sadd.s32 $0x10000, s7;
	[sflag:s13] =	ssyncset.done @!p1 $0x0  }
.LBB2_2:
0x1f: {  	s14 =	simm.s32 @!p2 $0x0;
	s15 =	simm.s32 @!p2 $0x2;
	[sflag:s13] =	ssyncadd.s32 @!p1 $0xFFFFC000  }
0x20: {  	[tilespmem:s14], [sflag:$0x2] =	stream.linear.gather @!p2 [hbm4b:s12+s14], $0x80, $0x38;
	[tilespmem:$0x17900] =	vst v63  }
0x21: {  	s16 =	smov.u32 s11;
	s11 =	sadd.s32 $0x20, s11;
	_ =	swait.ge @!p2 [sflag:s15], $0x80  }
0x22: {  	p1 =	por p2, p2;
	p3 =	sne.s32 s11, $0x500;
	[sflag:s15] =	ssyncset.done @!p2 $0x0  }
0x23: {  	s17 =	simm.s32 @!p1 $0x80;
	[sflag:s15] =	ssyncadd.s32 @!p1 $0xFFFFFF80  }
0x24: {  	[tilespmem:s17], [sflag:$0x2] =	stream.linear.gather @!p1 [hbm4b:s10+s14], $0x4000, $0x38;
	[tilespmem:$0x17900] =	vst v63  }
0x25: {  	_ =	swait.ge @!p1 [sflag:s15], $0x4000  }
.Ltmp0:
0x26: {  	[sflag:s15] =	ssyncset.done @!p1 $0x0;
	(pc) =	sbr.rel @p3 .LBB2_2-.Ltmp0, $4  }
0x27: {  	s13 =	simm.s32 @!p1 $0x1;
	[sflag:s15] =	ssyncadd.s32 @!p1 $0xFFFFC000  }
0x28: {  	[spmem:s1] =	stream.indirect.scatter.add.f32 @!p1 [tilespmem:s17], [sflag:$0x1], $0x80, s14, s17, $0xb8;
	[tilespmem:$0x17900] =	vst v63  }
0x29: {  	s12 =	sadd.s32 $0x200, s12;
	s14 =	sadd.s32 s16, s4;
	_ =	swait.ge @!p1 [sflag:s13], $0x4000  }
0x2a: {  	s10 =	sadd.s32 $0x10000, s10;
	p2 =	sgt.u32 s14, $0x4E1;
	[sflag:s13] =	ssyncset.done @!p1 $0x0  }
0x2b: {  	s11 =	simm.s32 @!p2 $0x0;
	s14 =	simm.s32 @!p2 $0x2;
	[sflag:s13] =	ssyncadd.s32 @!p1 $0xFFFFC000  }
0x2c: {  	[tilespmem:s11], [sflag:$0x2] =	stream.linear.gather @!p2 [hbm4b:s12+s11], $0x80, $0x38;
	[tilespmem:$0x17900] =	vst v63  }
0x2d: {  	_ =	swait.ge @!p2 [sflag:s14], $0x80  }
0x2e: {  	p1 =	por p2, p2;
	[sflag:s14] =	ssyncset.done @!p2 $0x0  }
0x2f: {  	s12 =	simm.s32 @!p1 $0x80;
	[sflag:s14] =	ssyncadd.s32 @!p1 $0xFFFFFF80  }
0x30: {  	[tilespmem:s12], [sflag:$0x2] =	stream.linear.gather @!p1 [hbm4b:s10+s11], $0x4000, $0x38;
	[tilespmem:$0x17900] =	vst v63  }
0x31: {  	_ =	swait.ge @!p1 [sflag:s14], $0x4000  }
0x32: {  	[sflag:s14] =	ssyncset.done @!p1 $0x0  }
0x33: {  	s10 =	simm.s32 @!p1 $0x1;
	[sflag:s14] =	ssyncadd.s32 @!p1 $0xFFFFC000  }
0x34: {  	[spmem:s1] =	stream.indirect.scatter.add.f32 @!p1 [tilespmem:s12], [sflag:$0x1], $0x80, s11, s12, $0xb8;
	[tilespmem:$0x17900] =	vst v63  }
0x35: {  	_ =	swait.ge @!p1 [sflag:s10], $0x4000  }
0x36: {  	[sflag:s10] =	ssyncset.done @!p1 $0x0  }
0x37: {  	s2 =	sadd.s32 $0x1, s2;
	[sflag:s10] =	ssyncadd.s32 @!p1 $0xFFFFC000  }
0x38: {  	s10 =	simm.s32 @!p0 $0x1C01;
	p1 =	sne.s32 s2, s6;
	[bflag:$0x0] =	sbarrier.arrive $0xFFFF  }
0x39: {  	[hbm:s5], [sflag:s10] =	dma.local @!p0 [spmem:s9], $0x27100  }
.Ltmp1:
0x3a: {  	_ = 	snop;
	(pc) =	sbr.rel @p1 .LBB2_1-.Ltmp1, $4  }
0x3b: {  	s10 =	simm.s32 @!p0 $0x1  }
0x3c: {  	_ =	swait.ge @!p0 [sflag:s10], $0x27100  }
0x3d: {  	[sflag:s10] =	ssyncset.done @!p0 $0x0  }
0x3e: {  	[sflag:s10] =	ssyncadd.s32 @!p0 $0xFFFD8F00  }
0x3f: {  	_ =	sfence.sel $0x180000  }
0x40: {  	[bflag:$0x0] =	sbarrier.arrive $0xFFFF  }
0x41: {  	_ =	strace $0x90000047  }
0x42: {  	s0 =	sadd.s32 @!p0 $0x100000, s0;
	[bflag:$0x2] =	sbarrier.arrive $0xFFFF  }
0x43: {  	[sflag:s0] =	ssyncadd.tile.s32 @!p0 $0x1;
	_ =	shalt  }
.Lfunc_end2:
_tile_overlayer_lowered:
.L_overlay_start_2:
0x44: {  	(tag) =	ssettag $0x2  }
0x45: {  	s0 =	rddreg [dreg:$0x0];
	s2 =	stileid.u32  }
0x46: {  	s1 =	rddreg [dreg:$0x1];
	p0 =	sne.s32 s2, $0x0  }
0x47: {  	s3 =	rddreg [dreg:$0x2];
	[bflag:$0x3] =	sbarrier.arrive $0xFFFF;
	s2 =	simm.s32 @!p0 $0x1C01  }
0x48: {  	[timem:s3], [sflag:s2] =	dma.local @!p0 [hbm:s0], s1  }
0x49: {  	s0 =	simm.s32 @!p0 $0x1  }
0x4a: {  	_ =	swait.ge @!p0 [sflag:s0], s1  }
0x4b: {  	s1 =	ssub.s32 @!p0 $0x0, s1;
	[sflag:s0] =	ssyncset.done @!p0 $0x0  }
0x4c: {  	[sflag:s0] =	ssyncadd.s32 @!p0 s1  }
0x4d: {  	[bflag:$0x3] =	sbarrier.arrive $0xFFFF  }
0x4e: {  	_ =	shalt  }

// kernel: kernel.43.cloned.1.call-start
scs
__scs_entry_jumppad:
0x0: {  	(pc) =	sbr.rel $0x88, $3  }
0x1: {  	(tag) =	ssettag $0x0;
	lr =	simm.s32 $0x1  }
0x2: {  	[smem:$0x3F3F] =	sst lr;
	_ =	strace $0xD0000000  }
0x3: {  	_ = 	snop  }
0x4: {  	_ = 	snop  }
0x5: {  	_ = 	snop  }
0x6: {  	_ = 	snop  }
0x7: {  	_ = 	snop  }
__scs_overlays_trampoline_lowered:
0x8: {  	[smem:$0x3F4E] =	sst s0  }
0x9: {  	[smem:$0x3F4F] =	sst s1  }
0xa: {  	[smem:$0x3F50] =	sst s2  }
0xb: {  	[smem:$0x3F51] =	sst s3  }
0xc: {  	[smem:$0x3F52] =	sst s4  }
0xd: {  	[smem:$0x3F53] =	sst s5  }
0xe: {  	[smem:$0x3F54] =	sst s6  }
0xf: {  	[smem:$0x3F55] =	sst s7  }
0x10: {  	[smem:$0x3F56] =	sst s8  }
0x11: {  	[smem:$0x3F57] =	sst s9;
	s0 =	simm.s32 @!p0 $0x0  }
0x12: {  	s1 =	sld [smem:$0x3F3D];
	s0 =	simm.s32 @p0 $0x1  }
0x13: {  	[smem:$0x3F58] =	sst s0;
	s0 =	simm.s32 @!p1 $0x0  }
0x14: {  	s2 =	sld [smem:$0x3F3C];
	s0 =	simm.s32 @p1 $0x1  }
0x15: {  	[smem:$0x3F59] =	sst s0;
	s0 =	simm.s32 @!p2 $0x0  }
0x16: {  	s3 =	sld [smem:$0x3FDB];
	s0 =	simm.s32 @p2 $0x1  }
0x17: {  	s4 =	simm.s32 $0x1BF5;
	[smem:$0x3F5B] =	sst s0  }
0x18: {  	s0 =	sld [smem:$0x3F3E];
	_ =	swait.ge [sflag:s4], $0x0  }
0x19: {  	s7 =	sld [smem:$0x3F3F]  }
0x1a: {  	s8 =	sadd.s32 $0xFFFFE003, lr  }
0x1b: {  	s9 =	sadd.s32 $0xFFFFFEF7, lr;
	s5 =	simm.s32 $0xFFFFFFFF;
	p2 =	slt.u32 s8, $0xFFFFF086  }
0x1c: {  	p1 =	slt.u32 s9, $0xF7A;
	s5 =	simm.s32 @!p2 $0x0  }
0x1d: {  	s5 =	simm.s32 @p1 $0x1;
	p0 =	seq.s32 s7, s2  }
0x1e: {  	s7 =	smul.u32 @!p0 $0xF7A, s2;
	p2 =	seq.s32 @!p0 s5, $0x0  }
0x1f: {  	s9 =	smul.u32 $0xF7A, s1;
	s8 =	simm.s32 @!p0 $0x1BF5;
	p2 =	por !p2, p0  }
0x20: {  	[sflag:s8] =	ssyncset.s32 @!p0 $0xFFFFF086;
	s6 =	sadd.s32 @!p0 s3, s7;
	s7 =	simm.s32 @!p0 $0x108  }
0x21: {  	s3 =	sadd.s32 s3, s9;
	s6 =	sadd.s32 @!p0 $0x88, s6;
	s7 =	simm.s32 @p2 $0x1082  }
0x22: {  	[simem:s7], [sflag:s8] =	dma.local @!p0 [hbm:s6], $0xF7A  }
0x23: {  	s9 =	sor.u32 $0xD0000000, s2;
	s6 =	simm.s32 $0x108;
	_ =	swait.ge @!p0 [sflag:s8], $0x0  }
0x24: {  	s3 =	sadd.s32 $0x88, s3;
	s6 =	simm.s32 @!p1 $0x1082;
	[sflag:s4] =	ssyncset.s32 $0xFFFFF086  }
0x25: {  	[simem:s6], [sflag:s4] =	dma.local [hbm:s3], $0xF7A  }
0x26: {  	[smem:$0x3F3F] =	sst s1;
	(tag) =	ssettag s2;
	_ =	strace s9  }
0x27: {  	s1 =	sld [smem:$0x3F4F]  }
0x28: {  	s2 =	sld [smem:$0x3F50]  }
0x29: {  	s4 =	sld [smem:$0x3F52]  }
0x2a: {  	p0 =	seq.s32 s5, $0x0;
	s5 =	sld [smem:$0x3F53]  }
0x2b: {  	s6 =	sld [smem:$0x3F54]  }
0x2c: {  	s7 =	sld [smem:$0x3F55]  }
0x2d: {  	s3 =	simm.s32 $0x108;
	s8 =	sld [smem:$0x3F56]  }
0x2e: {  	s3 =	simm.s32 @!p0 $0x1082;
	s9 =	sld [smem:$0x3F57]  }
0x2f: {  	lr =	sadd.s32 s0, s3;
	s0 =	sld [smem:$0x3F4E]  }
0x30: {  	s3 =	sld [smem:$0x3F51]  }
0x31: {  	[smem:$0x3F5A] =	sst s10  }
0x32: {  	s10 =	sld [smem:$0x3F58];
	_ =	sdelay $0x3  }
0x33: {  	p0 =	seq.s32 s10, $0x1;
	s10 =	sld [smem:$0x3F5A];
	_ =	sdelay $0x3  }
0x34: {  	[smem:$0x3F5A] =	sst s10  }
0x35: {  	s10 =	sld [smem:$0x3F59];
	_ =	sdelay $0x3  }
0x36: {  	p1 =	seq.s32 s10, $0x1;
	s10 =	sld [smem:$0x3F5A];
	_ =	sdelay $0x3  }
0x37: {  	[smem:$0x3F5A] =	sst s10  }
0x38: {  	s10 =	sld [smem:$0x3F5B]  }
0x39: {  	_ = 	snop;
	(pc) =	sbr.ind lr, $3  }
0x3a: {  	_ = 	snop  }
0x3b: {  	_ = 	snop  }
0x3c: {  	p2 =	seq.s32 s10, $0x1;
	s10 =	sld [smem:$0x3F5A]  }
0x3d: {  	_ =	shalt  }
0x3e: {  	_ =	shalt  }
0x3f: {  	_ =	shalt  }
0x40: {  	_ =	shalt  }
0x41: {  	_ =	shalt  }
0x42: {  	_ =	shalt  }
0x43: {  	_ =	shalt  }
0x44: {  	_ =	shalt  }
0x45: {  	_ =	shalt  }
0x46: {  	_ =	shalt  }
0x47: {  	_ =	shalt  }
0x48: {  	_ =	shalt  }
0x49: {  	_ =	shalt  }
0x4a: {  	_ =	shalt  }
0x4b: {  	_ =	shalt  }
0x4c: {  	_ =	shalt  }
0x4d: {  	_ =	shalt  }
0x4e: {  	_ =	shalt  }
0x4f: {  	_ =	shalt  }
0x50: {  	_ =	shalt  }
0x51: {  	_ =	shalt  }
0x52: {  	_ =	shalt  }
0x53: {  	_ =	shalt  }
0x54: {  	_ =	shalt  }
0x55: {  	_ =	shalt  }
0x56: {  	_ =	shalt  }
0x57: {  	_ =	shalt  }
0x58: {  	_ =	shalt  }
0x59: {  	_ =	shalt  }
0x5a: {  	_ =	shalt  }
0x5b: {  	_ =	shalt  }
0x5c: {  	_ =	shalt  }
0x5d: {  	_ =	shalt  }
0x5e: {  	_ =	shalt  }
0x5f: {  	_ =	shalt  }
0x60: {  	_ =	shalt  }
0x61: {  	_ =	shalt  }
0x62: {  	_ =	shalt  }
0x63: {  	_ =	shalt  }
0x64: {  	_ =	shalt  }
0x65: {  	_ =	shalt  }
0x66: {  	_ =	shalt  }
0x67: {  	_ =	shalt  }
0x68: {  	_ =	shalt  }
0x69: {  	_ =	shalt  }
0x6a: {  	_ =	shalt  }
0x6b: {  	_ =	shalt  }
0x6c: {  	_ =	shalt  }
0x6d: {  	_ =	shalt  }
0x6e: {  	_ =	shalt  }
0x6f: {  	_ =	shalt  }
0x70: {  	_ =	shalt  }
0x71: {  	_ =	shalt  }
0x72: {  	_ =	shalt  }
0x73: {  	_ =	shalt  }
0x74: {  	_ =	shalt  }
0x75: {  	_ =	shalt  }
0x76: {  	_ =	shalt  }
0x77: {  	_ =	shalt  }
0x78: {  	_ =	shalt  }
0x79: {  	_ =	shalt  }
0x7a: {  	_ =	shalt  }
0x7b: {  	_ =	shalt  }
0x7c: {  	_ =	shalt  }
0x7d: {  	_ =	shalt  }
0x7e: {  	_ =	shalt  }
0x7f: {  	_ =	shalt  }
0x80: {  	_ =	shalt  }
0x81: {  	_ =	shalt  }
0x82: {  	_ =	shalt  }
0x83: {  	_ =	shalt  }
0x84: {  	_ =	shalt  }
0x85: {  	_ =	shalt  }
0x86: {  	_ =	shalt  }
0x87: {  	_ =	shalt  }
.Lfunc_end0:
.L_simem_size_0:
called_computation.2_lowered:
.L_overlay_start_0:
0x88: {  	s2 =	sld [smem:$0x3FD9]  }
0x89: {  	s3 =	sld [smem:$0x3FFE];
	_ =	sdelay $0x1  }
0x8a: {  	s1 =	srdreg.scid  }
0x8b: {  	s0 =	sand.u32 $0x1, s1  }
0x8c: {  	s17 =	sshll.u32 s0, $0xA;
	s2 =	sadd.s32 s3, s2  }
0x8d: {  	s2 =	sadd.s32 s2, s17  }
0x8e: {  	[smem:$0x3F66] =	sst s2  }
0x8f: {  	_ = 	snop  }
0x90: {  	s18 =	sld [smem:$0x3FC9];
	(tm) =	ssettm $0x1  }
0x91: {  	s19 =	sld [smem:$0x3FFB];
	_ =	sdelay $0x3  }
0x92: {  	_ =	strace s19  }
0x93: {  	s2 =	sld [smem:$0x3FFC];
	_ =	sdelay $0x3  }
0x94: {  	_ =	strace s2  }
0x95: {  	s2 =	sld [smem:$0x3FFD];
	_ =	sdelay $0x3  }
0x96: {  	_ =	strace s2  }
0x97: {  	_ =	strace $0x8FFFFFFF  }
0x98: {  	s20 =	sld [smem:$0x3FDB];
	_ =	sdelay $0x1  }
0x99: {  	s4 =	simm.s32 $_scs_section_size  }
0x9a: {  	s5 =	simm.s32 $_size__tile_overlayer_lowered;
	s6 =	simm.s32 $_tile_overlayer_lowered  }
0x9b: {  	s7 =	simm.s32 $0x1BFF;
	s21 =	sshll.u32 s6, $0x1;
	s4 =	sadd.s32 s4, s20  }
0x9c: {  	s22 =	simm.s32 $0x0;
	s5 =	sshll.u32 s5, $0x1;
	s6 =	sadd.s32 s21, s4  }
0x9d: {  	[timem:s22], [sflag:s7] =	dma.local [hbm:s6], s5  }
0x9e: {  	_ =	swait.ge [sflag:s7], s5  }
0x9f: {  	s5 =	ssub.s32 $0x0, s5;
	[sflag:s7] =	ssyncset.done $0x0  }
0xa0: {  	[sflag:s7] =	ssyncadd.s32 s5;
	_ =	sdelay $0x1  }
0xa1: {  	s23 =	simm.s32 $0x1B8B  }
0xa2: {  	_ =	swait.ge [sflag:s23], $0x1  }
0xa3: {  	[sflag:s23] =	ssyncset.done $0x0  }
0xa4: {  	[sflag:s23] =	ssyncadd.s32 $0xFFFFFFFF  }
0xa5: {  	s5 =	sld [smem:$0x0]  }
0xa6: {  	s6 =	sand.u32 $0xFFFFFFFE, s1  }
0xa7: {  	p0 =	sne.s32 s1, s6  }
0xa8: {  	s6 =	sshll.u32 @p0 s6, $0xE  }
0xa9: {  	s6 =	sadd.s32 @p0 $0x11B8D, s6;
	s7 =	sshll.u32 @p0 s5, $0x11  }
0xaa: {  	s6 =	sor.u32 @p0 s7, s6  }
0xab: {  	[sflag:s6] =	ssyncadd.remote.s32 @p0 $0x1;
	_ =	sdelay $0x1  }
0xac: {  	s6 =	simm.s32 @p0 $0x1B8D  }
0xad: {  	_ =	swait.eq @p0 [sflag:s6], $0x1  }
0xae: {  	[sflag:s6] =	ssyncadd.s32 @p0 $0xFFFFFFFF  }
0xaf: {  	s7 =	sshll.u32 @!p0 s1, $0xE  }
0xb0: {  	s7 =	sor.u32 @!p0 $0x4000, s7;
	s6 =	simm.s32 @!p0 $0x1B8D  }
0xb1: {  	s5 =	sshll.u32 @!p0 s5, $0x11;
	s7 =	sadd.s32 @!p0 $0x11B8D, s7;
	_ =	swait.eq @!p0 [sflag:s6], $0x1  }
0xb2: {  	s5 =	sor.u32 @!p0 s5, s7;
	[sflag:s6] =	ssyncadd.s32 @!p0 $0xFFFFFFFF  }
0xb3: {  	s25 =	simm.s32 $0x1B8E;
	s24 =	sld [smem:$0x3FFE];
	[sflag:s5] =	ssyncadd.remote.s32 @!p0 $0x1  }
0xb4: {  	s26 =	simm.s32 $execute0_lowered;
	[smem:$0x3FD2] =	sst s25  }
0xb5: {  	s6 =	sshll.u32 s26, $0x1;
	_ =	strace $0x8000004C;
	[dreg:$0x1] =	wrdreg $0xFFFFFFFF  }
0xb6: {  	s28 =	simm.s32 $_size_execute0_lowered;
	s4 =	sadd.s32 s4, s6;
	[dreg:$0x0] =	wrdreg $0x0  }
0xb7: {  	s6 =	sshll.u32 s28, $0x1;
	[dreg:$0x2] =	wrdreg s4  }
0xb8: {  	[dreg:$0x3] =	wrdreg s6  }
0xb9: {  	[dreg:$0x4] =	wrdreg $0xC0  }
0xba: {  	_ =	task [dreg:s22], $0x5FFFF  }
0xbb: {  	[dreg:$0x1] =	wrdreg $0xFFFFFFFF  }
0xbc: {  	[dreg:$0x0] =	wrdreg $0x60  }
0xbd: {  	[dreg:$0x2] =	wrdreg s18  }
0xbe: {  	[dreg:$0x3] =	wrdreg s24  }
0xbf: {  	[dreg:$0x4] =	wrdreg $0xB  }
0xc0: {  	_ =	task.clear_ibuf [dreg:s22], $0x5FFFF;
	_ =	strace $0x9000004C  }
0xc1: {  	s29 =	simm.s32 $0xB;
	_ =	strace $0x8000004E  }
0xc2: {  	_ =	swait.ge [sflag:s29], $0x1  }
0xc3: {  	[sflag:s29] =	ssyncadd.s32 $0xFFFFFFFF  }
0xc4: {  	_ =	strace $0x9000004E  }
0xc5: {  	_ =	sfence  }
0xc6: {  	s30 =	sld [smem:$0x0];
	_ =	sdelay $0x2  }
0xc7: {  	s31 =	sshll.u32 s1, $0xD;
	s1 =	sshrl.u32 s1, $0x2  }
0xc8: {  	s4 =	sand.u32 $0x4000, s31;
	s1 =	sadd.s32 s1, s30  }
0xc9: {  	s0 =	sor.u32 s4, s0;
	s1 =	sshll.u32 s1, $0x11  }
0xca: {  	s0 =	sor.u32 s1, s0  }
0xcb: {  	s0 =	sadd.s32 $0x8F2B, s0  }
0xcc: {  	[sflag:s0] =	ssyncadd.remote.s32 $0x1  }
0xcd: {  	_ =	sfence.sel $0xFFFF  }
0xce: {  	[dreg:$0x0] =	wrdreg $0xFFFFFFFF;
	(pc) =	sbr.abs _section_cstart, $3  }
0xcf: {  	[dreg:$0x1] =	wrdreg $0xFFFFFFFF  }
0xd0: {  	_ =	task.clear_ibuf [dreg:s22], $0x2FFFF;
	_ =	strace $0x9FFFFFFF  }
0xd1: {  	(tm) =	ssettm $0x7FFFFFFF  }
tec
execute0_lowered:
.L_overlay_start_1:
0x0: {  	(tag) =	ssettag $0x1  }
0x1: {  	s1 =	rddreg [dreg:$0x0]  }
0x2: {  	s4 =	rddreg [dreg:$0x1]  }
0x3: {  	s0 =	rddreg [dreg:$0x2];
	s3 =	simm.s32 $0x0;
	s5 =	srdreg.scid  }
0x4: {  	s2 =	stileid.u32;
	[smem:$0x7FF] =	sst s3;
	s5 =	sand.u32 $0x1, s5  }
0x5: {  	s6 =	sshll.u32 s2, $0x5;
	s8 =	sshll.u32 s2, $0xC;
	_ =	strace $0x8000004D  }
0x6: {  	s7 =	ssub.s32 $0x2, s5;
	s6 =	sadd.s32 s6, s4;
	s8 =	sadd.s32 s8, s4  }
0x7: {  	s30 =	sshll.u32 s5, $0x4;
	s4 =	sshll.u32 s2, $0x1;
	s9 =	sshrl.u32 s7, $0x1  }
0x8: {  	s31 =	sshll.u32 s5, $0xB;
	s6 =	sadd.s32 s30, s6;
	s7 =	ssub.s32 s7, s9  }
0x9: {  	s5 =	sadd.s32 $0x1F600, s6;
	s6 =	sadd.s32 $0x1A600, s6;
	s9 =	sadd.s32 s31, s8  }
0xa: {  	s7 =	smax.u32 s7, $0x1;
	s8 =	sadd.s32 $0x5C9C00, s9;
	s9 =	sadd.s32 $0x358C00, s9  }
.LBB2_1:
0xb: {  	p0 =	sgt.u32 s4, $0x4E1  }
0xc: {  	s10 =	sadd.s32 @!p0 $0x0, s6;
	s11 =	simm.s32 @!p0 $0x0;
	s14 =	simm.s32 @!p0 $0x4  }
0xd: {  	[tilespmem:s11], [sflag:$0x4] =	stream.linear.gather @!p0 [hbm4b:s10+s11], $0x80, $0x38;
	[tilespmem:$0x8100] =	vst v63  }
0xe: {  	_ =	swait.ge @!p0 [sflag:s14], $0x80;
	p0 =	por p0, p0  }
0xf: {  	[sflag:s14] =	ssyncset.done @!p0 $0x0  }
0x10: {  	s10 =	sadd.s32 @!p0 $0x0, s5;
	s12 =	simm.s32 @!p0 $0x80;
	[sflag:s14] =	ssyncadd.s32 @!p0 $0xFFFFFF80  }
0x11: {  	[tilespmem:s12], [sflag:$0x4] =	stream.linear.gather @!p0 [hbm4b:s10+s11], $0x80, $0x38;
	[tilespmem:$0x8100] =	vst v63  }
0x12: {  	_ =	swait.ge @!p0 [sflag:s14], $0x80  }
0x13: {  	[sflag:s14] =	ssyncset.done @!p0 $0x0  }
0x14: {  	s10 =	simm.s32 @!p0 $0x100;
	[sflag:s14] =	ssyncadd.s32 @!p0 $0xFFFFFF80  }
0x15: {  	[tilespmem:s10], [sflag:$0x1] =	stream.indirect.gather @!p0 [hbm4b:s1+s12], $0x80, s11, s12, $0xb8;
	[tilespmem:$0x8100] =	vst v63  }
0x16: {  	s15 =	simm.s32 @!p0 $0x4100;
	s13 =	simm.s32 @!p0 $0x1  }
0x17: {  	[tilespmem:s15], [sflag:$0x2] =	stream.indirect.gather @!p0 [hbm4b:s1+s12], $0x80, s12, s12, $0xb8;
	[tilespmem:$0x8100] =	vst v63  }
0x18: {  	_ =	swait.ge @!p0 [sflag:s13], $0x4000  }
0x19: {  	[sflag:s13] =	ssyncset.done @!p0 $0x0  }
0x1a: {  	s12 =	simm.s32 @!p0 $0x2;
	[sflag:s13] =	ssyncadd.s32 @!p0 $0xFFFFC000  }
0x1b: {  	_ =	swait.ge @!p0 [sflag:s12], $0x4000  }
0x1c: {  	[sflag:s12] =	ssyncset.done @!p0 $0x0  }
0x1d: {  	[sflag:s12] =	ssyncadd.s32 @!p0 $0xFFFFC000  }
0x1e: {  	[hbm4b:s9+s11] =	stream.linear.scatter @!p0 [tilespmem:s10], [sflag:$0x4], $0x4000, $0x38;
	[tilespmem:$0x8100] =	vst v63  }
0x1f: {  	_ =	swait.ge @!p0 [sflag:s14], $0x4000  }
0x20: {  	[sflag:s14] =	ssyncset.done @!p0 $0x0  }
0x21: {  	s13 =	simm.s32 $0x400;
	s12 =	simm.s32 $0x200;
	[sflag:s14] =	ssyncadd.s32 @!p0 $0xFFFFC000  }
0x22: {  	[hbm4b:s8+s11] =	stream.linear.scatter @!p0 [tilespmem:s15], [sflag:$0x3], $0x4000, $0x38;
	[tilespmem:$0x8100] =	vst v63  }
0x23: {  	s10 =	sadd.s32 $0x10000, s9;
	s14 =	sadd.s32 $0x20, s4;
	s15 =	simm.s32 @!p0 $0x3  }
0x24: {  	p2 =	sgt.u32 s14, $0x4E1;
	s11 =	sadd.s32 $0x10000, s8;
	_ =	swait.ge @!p0 [sflag:s15], $0x4000  }
.LBB2_2:
0x25: {  	s16 =	sadd.s32 @!p2 s12, s6  }
0x26: {  	s17 =	simm.s32 @!p2 $0x0;
	[sflag:s15] =	ssyncset.done @!p0 $0x0;
	s18 =	smov.u32 s13  }
0x27: {  	s13 =	sadd.s32 $0x200, s13;
	s19 =	simm.s32 @!p2 $0x4;
	[sflag:s15] =	ssyncadd.s32 @!p0 $0xFFFFC000  }
0x28: {  	[tilespmem:s17], [sflag:$0x4] =	stream.linear.gather @!p2 [hbm4b:s16+s17], $0x80, $0x38;
	[tilespmem:$0x8100] =	vst v63  }
0x29: {  	p1 =	sne.s32 s13, $0x5000;
	p0 =	por p2, p2;
	_ =	swait.ge @!p2 [sflag:s19], $0x80  }
0x2a: {  	[sflag:s19] =	ssyncset.done @!p0 $0x0  }
0x2b: {  	s12 =	sadd.s32 @!p0 s12, s5;
	s15 =	simm.s32 @!p0 $0x80;
	[sflag:s19] =	ssyncadd.s32 @!p0 $0xFFFFFF80  }
0x2c: {  	[tilespmem:s15], [sflag:$0x4] =	stream.linear.gather @!p0 [hbm4b:s12+s17], $0x80, $0x38;
	[tilespmem:$0x8100] =	vst v63  }
0x2d: {  	s12 =	smov.u32 s18;
	_ =	swait.ge @!p0 [sflag:s19], $0x80  }
0x2e: {  	[sflag:s19] =	ssyncset.done @!p0 $0x0  }
0x2f: {  	s16 =	simm.s32 @!p0 $0x100;
	[sflag:s19] =	ssyncadd.s32 @!p0 $0xFFFFFF80  }
0x30: {  	[tilespmem:s16], [sflag:$0x1] =	stream.indirect.gather @!p0 [hbm4b:s1+s15], $0x80, s17, s15, $0xb8;
	[tilespmem:$0x8100] =	vst v63  }
0x31: {  	s20 =	simm.s32 @!p0 $0x1;
	s18 =	simm.s32 @!p0 $0x4100  }
0x32: {  	[tilespmem:s18], [sflag:$0x2] =	stream.indirect.gather @!p0 [hbm4b:s1+s15], $0x80, s15, s15, $0xb8;
	[tilespmem:$0x8100] =	vst v63  }
0x33: {  	_ =	swait.ge @!p0 [sflag:s20], $0x4000  }
0x34: {  	[sflag:s20] =	ssyncset.done @!p0 $0x0  }
0x35: {  	s15 =	simm.s32 @!p0 $0x2;
	[sflag:s20] =	ssyncadd.s32 @!p0 $0xFFFFC000  }
0x36: {  	_ =	swait.ge @!p0 [sflag:s15], $0x4000  }
0x37: {  	[sflag:s15] =	ssyncset.done @!p0 $0x0  }
0x38: {  	[sflag:s15] =	ssyncadd.s32 @!p0 $0xFFFFC000  }
0x39: {  	[hbm4b:s10+s17] =	stream.linear.scatter @!p0 [tilespmem:s16], [sflag:$0x4], $0x4000, $0x38;
	[tilespmem:$0x8100] =	vst v63  }
.Ltmp0:
0x3a: {  	_ =	swait.ge @!p0 [sflag:s19], $0x4000;
	(pc) =	sbr.rel @p1 .LBB2_2-.Ltmp0, $4  }
0x3b: {  	s10 =	sadd.s32 $0x10000, s10;
	[sflag:s19] =	ssyncset.done @!p0 $0x0  }
0x3c: {  	s14 =	sadd.s32 $0x20, s14;
	s15 =	simm.s32 @!p0 $0x3;
	[sflag:s19] =	ssyncadd.s32 @!p0 $0xFFFFC000  }
0x3d: {  	[hbm4b:s11+s17] =	stream.linear.scatter @!p0 [tilespmem:s18], [sflag:$0x3], $0x4000, $0x38;
	[tilespmem:$0x8100] =	vst v63  }
0x3e: {  	p2 =	sgt.u32 s14, $0x4E1;
	s11 =	sadd.s32 $0x10000, s11;
	_ =	swait.ge @!p0 [sflag:s15], $0x4000  }
0x3f: {  	s13 =	sadd.s32 @!p2 s12, s6;
	[sflag:s15] =	ssyncset.done @!p0 $0x0  }
0x40: {  	s14 =	simm.s32 @!p2 $0x0;
	s16 =	simm.s32 @!p2 $0x4;
	[sflag:s15] =	ssyncadd.s32 @!p0 $0xFFFFC000  }
0x41: {  	[tilespmem:s14], [sflag:$0x4] =	stream.linear.gather @!p2 [hbm4b:s13+s14], $0x80, $0x38;
	[tilespmem:$0x8100] =	vst v63  }
0x42: {  	p0 =	por p2, p2;
	_ =	swait.ge @!p2 [sflag:s16], $0x80  }
0x43: {  	[sflag:s16] =	ssyncset.done @!p0 $0x0  }
0x44: {  	s12 =	sadd.s32 @!p0 s12, s5;
	s13 =	simm.s32 @!p0 $0x80;
	[sflag:s16] =	ssyncadd.s32 @!p0 $0xFFFFFF80  }
0x45: {  	[tilespmem:s13], [sflag:$0x4] =	stream.linear.gather @!p0 [hbm4b:s12+s14], $0x80, $0x38;
	[tilespmem:$0x8100] =	vst v63  }
0x46: {  	_ =	swait.ge @!p0 [sflag:s16], $0x80  }
0x47: {  	[sflag:s16] =	ssyncset.done @!p0 $0x0  }
0x48: {  	s12 =	simm.s32 @!p0 $0x100;
	[sflag:s16] =	ssyncadd.s32 @!p0 $0xFFFFFF80  }
0x49: {  	[tilespmem:s12], [sflag:$0x1] =	stream.indirect.gather @!p0 [hbm4b:s1+s13], $0x80, s14, s13, $0xb8;
	[tilespmem:$0x8100] =	vst v63  }
0x4a: {  	s15 =	simm.s32 @!p0 $0x4100;
	s17 =	simm.s32 @!p0 $0x1  }
0x4b: {  	[tilespmem:s15], [sflag:$0x2] =	stream.indirect.gather @!p0 [hbm4b:s1+s13], $0x80, s13, s13, $0xb8;
	[tilespmem:$0x8100] =	vst v63  }
0x4c: {  	_ =	swait.ge @!p0 [sflag:s17], $0x4000  }
0x4d: {  	[sflag:s17] =	ssyncset.done @!p0 $0x0  }
0x4e: {  	s13 =	simm.s32 @!p0 $0x2;
	[sflag:s17] =	ssyncadd.s32 @!p0 $0xFFFFC000  }
0x4f: {  	_ =	swait.ge @!p0 [sflag:s13], $0x4000  }
0x50: {  	[sflag:s13] =	ssyncset.done @!p0 $0x0  }
0x51: {  	[sflag:s13] =	ssyncadd.s32 @!p0 $0xFFFFC000  }
0x52: {  	[hbm4b:s10+s14] =	stream.linear.scatter @!p0 [tilespmem:s12], [sflag:$0x4], $0x4000, $0x38;
	[tilespmem:$0x8100] =	vst v63  }
0x53: {  	s3 =	sadd.s32 $0x1, s3;
	_ =	swait.ge @!p0 [sflag:s16], $0x4000  }
0x54: {  	p1 =	sne.s32 s3, s7;
	[sflag:s16] =	ssyncset.done @!p0 $0x0  }
.Ltmp1:
0x55: {  	s10 =	simm.s32 @!p0 $0x3;
	[sflag:s16] =	ssyncadd.s32 @!p0 $0xFFFFC000;
	(pc) =	sbr.rel @p1 .LBB2_1-.Ltmp1, $4  }
0x56: {  	[hbm4b:s11+s14] =	stream.linear.scatter @!p0 [tilespmem:s15], [sflag:$0x3], $0x4000, $0x38;
	[tilespmem:$0x8100] =	vst v63  }
0x57: {  	_ =	swait.ge @!p0 [sflag:s10], $0x4000  }
0x58: {  	[sflag:s10] =	ssyncset.done @!p0 $0x0  }
0x59: {  	[sflag:s10] =	ssyncadd.s32 @!p0 $0xFFFFC000  }
0x5a: {  	_ =	sfence.sel $0x180000  }
0x5b: {  	[bflag:$0x0] =	sbarrier.arrive $0xFFFF  }
0x5c: {  	p0 =	sne.s32 s2, $0x0;
	_ =	strace $0x9000004D  }
0x5d: {  	s0 =	sadd.s32 @!p0 $0x100000, s0;
	[bflag:$0x2] =	sbarrier.arrive $0xFFFF  }
0x5e: {  	[sflag:s0] =	ssyncadd.tile.s32 @!p0 $0x1;
	_ =	shalt  }
.Lfunc_end2:
_tile_overlayer_lowered:
.L_overlay_start_2:
0x5f: {  	(tag) =	ssettag $0x2  }
0x60: {  	s0 =	rddreg [dreg:$0x0];
	s2 =	stileid.u32  }
0x61: {  	s1 =	rddreg [dreg:$0x1];
	p0 =	sne.s32 s2, $0x0  }
0x62: {  	s3 =	rddreg [dreg:$0x2];
	[bflag:$0x3] =	sbarrier.arrive $0xFFFF;
	s2 =	simm.s32 @!p0 $0x1C03  }
0x63: {  	[timem:s3], [sflag:s2] =	dma.local @!p0 [hbm:s0], s1  }
0x64: {  	s0 =	simm.s32 @!p0 $0x3  }
0x65: {  	_ =	swait.ge @!p0 [sflag:s0], s1  }
0x66: {  	s1 =	ssub.s32 @!p0 $0x0, s1;
	[sflag:s0] =	ssyncset.done @!p0 $0x0  }
0x67: {  	[sflag:s0] =	ssyncadd.s32 @!p0 s1  }
0x68: {  	[bflag:$0x3] =	sbarrier.arrive $0xFFFF  }
0x69: {  	_ =	shalt  }

// kernel: kernel.46.cloned.1.call-start
scs
__scs_entry_jumppad:
0x0: {  	(pc) =	sbr.rel $0x88, $3  }
0x1: {  	(tag) =	ssettag $0x0;
	lr =	simm.s32 $0x1  }
0x2: {  	[smem:$0x3F3F] =	sst lr;
	_ =	strace $0xD0000000  }
0x3: {  	_ = 	snop  }
0x4: {  	_ = 	snop  }
0x5: {  	_ = 	snop  }
0x6: {  	_ = 	snop  }
0x7: {  	_ = 	snop  }
__scs_overlays_trampoline_lowered:
0x8: {  	[smem:$0x3F4E] =	sst s0  }
0x9: {  	[smem:$0x3F4F] =	sst s1  }
0xa: {  	[smem:$0x3F50] =	sst s2  }
0xb: {  	[smem:$0x3F51] =	sst s3  }
0xc: {  	[smem:$0x3F52] =	sst s4  }
0xd: {  	[smem:$0x3F53] =	sst s5  }
0xe: {  	[smem:$0x3F54] =	sst s6  }
0xf: {  	[smem:$0x3F55] =	sst s7  }
0x10: {  	[smem:$0x3F56] =	sst s8  }
0x11: {  	[smem:$0x3F57] =	sst s9;
	s0 =	simm.s32 @!p0 $0x0  }
0x12: {  	s1 =	sld [smem:$0x3F3D];
	s0 =	simm.s32 @p0 $0x1  }
0x13: {  	[smem:$0x3F58] =	sst s0;
	s0 =	simm.s32 @!p1 $0x0  }
0x14: {  	s2 =	sld [smem:$0x3F3C];
	s0 =	simm.s32 @p1 $0x1  }
0x15: {  	[smem:$0x3F59] =	sst s0;
	s0 =	simm.s32 @!p2 $0x0  }
0x16: {  	s3 =	sld [smem:$0x3FDB];
	s0 =	simm.s32 @p2 $0x1  }
0x17: {  	s4 =	simm.s32 $0x1BF5;
	[smem:$0x3F5B] =	sst s0  }
0x18: {  	s0 =	sld [smem:$0x3F3E];
	_ =	swait.ge [sflag:s4], $0x0  }
0x19: {  	s7 =	sld [smem:$0x3F3F]  }
0x1a: {  	s8 =	sadd.s32 $0xFFFFE003, lr  }
0x1b: {  	s9 =	sadd.s32 $0xFFFFFEF7, lr;
	s5 =	simm.s32 $0xFFFFFFFF;
	p2 =	slt.u32 s8, $0xFFFFF086  }
0x1c: {  	p1 =	slt.u32 s9, $0xF7A;
	s5 =	simm.s32 @!p2 $0x0  }
0x1d: {  	s5 =	simm.s32 @p1 $0x1;
	p0 =	seq.s32 s7, s2  }
0x1e: {  	s7 =	smul.u32 @!p0 $0xF7A, s2;
	p2 =	seq.s32 @!p0 s5, $0x0  }
0x1f: {  	s9 =	smul.u32 $0xF7A, s1;
	s8 =	simm.s32 @!p0 $0x1BF5;
	p2 =	por !p2, p0  }
0x20: {  	[sflag:s8] =	ssyncset.s32 @!p0 $0xFFFFF086;
	s6 =	sadd.s32 @!p0 s3, s7;
	s7 =	simm.s32 @!p0 $0x108  }
0x21: {  	s3 =	sadd.s32 s3, s9;
	s6 =	sadd.s32 @!p0 $0x88, s6;
	s7 =	simm.s32 @p2 $0x1082  }
0x22: {  	[simem:s7], [sflag:s8] =	dma.local @!p0 [hbm:s6], $0xF7A  }
0x23: {  	s9 =	sor.u32 $0xD0000000, s2;
	s6 =	simm.s32 $0x108;
	_ =	swait.ge @!p0 [sflag:s8], $0x0  }
0x24: {  	s3 =	sadd.s32 $0x88, s3;
	s6 =	simm.s32 @!p1 $0x1082;
	[sflag:s4] =	ssyncset.s32 $0xFFFFF086  }
0x25: {  	[simem:s6], [sflag:s4] =	dma.local [hbm:s3], $0xF7A  }
0x26: {  	[smem:$0x3F3F] =	sst s1;
	(tag) =	ssettag s2;
	_ =	strace s9  }
0x27: {  	s1 =	sld [smem:$0x3F4F]  }
0x28: {  	s2 =	sld [smem:$0x3F50]  }
0x29: {  	s4 =	sld [smem:$0x3F52]  }
0x2a: {  	p0 =	seq.s32 s5, $0x0;
	s5 =	sld [smem:$0x3F53]  }
0x2b: {  	s6 =	sld [smem:$0x3F54]  }
0x2c: {  	s7 =	sld [smem:$0x3F55]  }
0x2d: {  	s3 =	simm.s32 $0x108;
	s8 =	sld [smem:$0x3F56]  }
0x2e: {  	s3 =	simm.s32 @!p0 $0x1082;
	s9 =	sld [smem:$0x3F57]  }
0x2f: {  	lr =	sadd.s32 s0, s3;
	s0 =	sld [smem:$0x3F4E]  }
0x30: {  	s3 =	sld [smem:$0x3F51]  }
0x31: {  	[smem:$0x3F5A] =	sst s10  }
0x32: {  	s10 =	sld [smem:$0x3F58];
	_ =	sdelay $0x3  }
0x33: {  	p0 =	seq.s32 s10, $0x1;
	s10 =	sld [smem:$0x3F5A];
	_ =	sdelay $0x3  }
0x34: {  	[smem:$0x3F5A] =	sst s10  }
0x35: {  	s10 =	sld [smem:$0x3F59];
	_ =	sdelay $0x3  }
0x36: {  	p1 =	seq.s32 s10, $0x1;
	s10 =	sld [smem:$0x3F5A];
	_ =	sdelay $0x3  }
0x37: {  	[smem:$0x3F5A] =	sst s10  }
0x38: {  	s10 =	sld [smem:$0x3F5B]  }
0x39: {  	_ = 	snop;
	(pc) =	sbr.ind lr, $3  }
0x3a: {  	_ = 	snop  }
0x3b: {  	_ = 	snop  }
0x3c: {  	p2 =	seq.s32 s10, $0x1;
	s10 =	sld [smem:$0x3F5A]  }
0x3d: {  	_ =	shalt  }
0x3e: {  	_ =	shalt  }
0x3f: {  	_ =	shalt  }
0x40: {  	_ =	shalt  }
0x41: {  	_ =	shalt  }
0x42: {  	_ =	shalt  }
0x43: {  	_ =	shalt  }
0x44: {  	_ =	shalt  }
0x45: {  	_ =	shalt  }
0x46: {  	_ =	shalt  }
0x47: {  	_ =	shalt  }
0x48: {  	_ =	shalt  }
0x49: {  	_ =	shalt  }
0x4a: {  	_ =	shalt  }
0x4b: {  	_ =	shalt  }
0x4c: {  	_ =	shalt  }
0x4d: {  	_ =	shalt  }
0x4e: {  	_ =	shalt  }
0x4f: {  	_ =	shalt  }
0x50: {  	_ =	shalt  }
0x51: {  	_ =	shalt  }
0x52: {  	_ =	shalt  }
0x53: {  	_ =	shalt  }
0x54: {  	_ =	shalt  }
0x55: {  	_ =	shalt  }
0x56: {  	_ =	shalt  }
0x57: {  	_ =	shalt  }
0x58: {  	_ =	shalt  }
0x59: {  	_ =	shalt  }
0x5a: {  	_ =	shalt  }
0x5b: {  	_ =	shalt  }
0x5c: {  	_ =	shalt  }
0x5d: {  	_ =	shalt  }
0x5e: {  	_ =	shalt  }
0x5f: {  	_ =	shalt  }
0x60: {  	_ =	shalt  }
0x61: {  	_ =	shalt  }
0x62: {  	_ =	shalt  }
0x63: {  	_ =	shalt  }
0x64: {  	_ =	shalt  }
0x65: {  	_ =	shalt  }
0x66: {  	_ =	shalt  }
0x67: {  	_ =	shalt  }
0x68: {  	_ =	shalt  }
0x69: {  	_ =	shalt  }
0x6a: {  	_ =	shalt  }
0x6b: {  	_ =	shalt  }
0x6c: {  	_ =	shalt  }
0x6d: {  	_ =	shalt  }
0x6e: {  	_ =	shalt  }
0x6f: {  	_ =	shalt  }
0x70: {  	_ =	shalt  }
0x71: {  	_ =	shalt  }
0x72: {  	_ =	shalt  }
0x73: {  	_ =	shalt  }
0x74: {  	_ =	shalt  }
0x75: {  	_ =	shalt  }
0x76: {  	_ =	shalt  }
0x77: {  	_ =	shalt  }
0x78: {  	_ =	shalt  }
0x79: {  	_ =	shalt  }
0x7a: {  	_ =	shalt  }
0x7b: {  	_ =	shalt  }
0x7c: {  	_ =	shalt  }
0x7d: {  	_ =	shalt  }
0x7e: {  	_ =	shalt  }
0x7f: {  	_ =	shalt  }
0x80: {  	_ =	shalt  }
0x81: {  	_ =	shalt  }
0x82: {  	_ =	shalt  }
0x83: {  	_ =	shalt  }
0x84: {  	_ =	shalt  }
0x85: {  	_ =	shalt  }
0x86: {  	_ =	shalt  }
0x87: {  	_ =	shalt  }
.Lfunc_end0:
.L_simem_size_0:
called_computation.3_lowered:
.L_overlay_start_0:
0x88: {  	s2 =	sld [smem:$0x3FD9]  }
0x89: {  	s3 =	sld [smem:$0x3FFE];
	_ =	sdelay $0x1  }
0x8a: {  	s1 =	srdreg.scid  }
0x8b: {  	s0 =	sand.u32 $0x1, s1  }
0x8c: {  	s16 =	sshll.u32 s0, $0xA;
	s2 =	sadd.s32 s3, s2  }
0x8d: {  	s2 =	sadd.s32 s2, s16  }
0x8e: {  	[smem:$0x3F66] =	sst s2  }
0x8f: {  	_ = 	snop  }
0x90: {  	(tm) =	ssettm $0x1  }
0x91: {  	s17 =	sld [smem:$0x3FFB];
	_ =	sdelay $0x3  }
0x92: {  	_ =	strace s17  }
0x93: {  	s2 =	sld [smem:$0x3FFC];
	_ =	sdelay $0x3  }
0x94: {  	_ =	strace s2  }
0x95: {  	s2 =	sld [smem:$0x3FFD];
	_ =	sdelay $0x3  }
0x96: {  	_ =	strace s2  }
0x97: {  	_ =	strace $0x8FFFFFFF  }
0x98: {  	s18 =	sld [smem:$0x3FDB];
	_ =	sdelay $0x1  }
0x99: {  	s19 =	simm.s32 $_scs_section_size  }
0x9a: {  	s4 =	simm.s32 $_size__tile_overlayer_lowered;
	s5 =	simm.s32 $_tile_overlayer_lowered  }
0x9b: {  	s22 =	simm.s32 $0x1BFF;
	s21 =	sshll.u32 s5, $0x1;
	s2 =	sadd.s32 s19, s18  }
0x9c: {  	s6 =	simm.s32 $0x0;
	s20 =	sshll.u32 s4, $0x1;
	s4 =	sadd.s32 s21, s2  }
0x9d: {  	[timem:s6], [sflag:s22] =	dma.local [hbm:s4], s20  }
0x9e: {  	_ =	swait.ge [sflag:s22], s20  }
0x9f: {  	s3 =	ssub.s32 $0x0, s20;
	[sflag:s22] =	ssyncset.done $0x0  }
0xa0: {  	[sflag:s22] =	ssyncadd.s32 s3;
	_ =	sdelay $0x1  }
0xa1: {  	s23 =	simm.s32 $0x1B8B  }
0xa2: {  	_ =	swait.ge [sflag:s23], $0x1  }
0xa3: {  	[sflag:s23] =	ssyncset.done $0x0  }
0xa4: {  	s25 =	simm.s32 $0x1B8E;
	s24 =	sld [smem:$0x3FFE];
	[sflag:s23] =	ssyncadd.s32 $0xFFFFFFFF  }
0xa5: {  	s26 =	simm.s32 $execute0_lowered;
	[smem:$0x3FD2] =	sst s25  }
0xa6: {  	s4 =	sshll.u32 s26, $0x1;
	_ =	strace $0x8000004F;
	[dreg:$0x1] =	wrdreg $0xFFFFFFFF  }
0xa7: {  	s28 =	simm.s32 $_size_execute0_lowered;
	s2 =	sadd.s32 s2, s4;
	[dreg:$0x0] =	wrdreg $0x0  }
0xa8: {  	s4 =	sshll.u32 s28, $0x1;
	[dreg:$0x2] =	wrdreg s2  }
0xa9: {  	[dreg:$0x3] =	wrdreg s4  }
0xaa: {  	[dreg:$0x4] =	wrdreg $0xC0  }
0xab: {  	_ =	task [dreg:s6], $0x5FFFF  }
0xac: {  	[dreg:$0x1] =	wrdreg $0xFFFFFFFF  }
0xad: {  	[dreg:$0x0] =	wrdreg $0x60  }
0xae: {  	[dreg:$0x2] =	wrdreg s24  }
0xaf: {  	[dreg:$0x3] =	wrdreg $0x40800  }
0xb0: {  	[dreg:$0x4] =	wrdreg $0x9  }
0xb1: {  	_ =	task.clear_ibuf [dreg:s6], $0x5FFFF;
	_ =	strace $0x9000004F  }
0xb2: {  	s29 =	simm.s32 $0x9;
	_ =	strace $0x80000051  }
0xb3: {  	_ =	swait.ge [sflag:s29], $0x1  }
0xb4: {  	[sflag:s29] =	ssyncadd.s32 $0xFFFFFFFF  }
0xb5: {  	_ =	strace $0x90000051  }
0xb6: {  	_ =	sfence  }
0xb7: {  	s30 =	sld [smem:$0x0];
	_ =	sdelay $0x2  }
0xb8: {  	s31 =	sshll.u32 s1, $0xD;
	s1 =	sshrl.u32 s1, $0x2  }
0xb9: {  	s3 =	sand.u32 $0x4000, s31;
	s1 =	sadd.s32 s1, s30  }
0xba: {  	s0 =	sor.u32 s3, s0;
	s1 =	sshll.u32 s1, $0x11  }
0xbb: {  	s0 =	sor.u32 s1, s0  }
0xbc: {  	s0 =	sadd.s32 $0x8F2B, s0  }
0xbd: {  	[sflag:s0] =	ssyncadd.remote.s32 $0x1  }
0xbe: {  	_ =	sfence.sel $0xFFFF  }
0xbf: {  	[dreg:$0x0] =	wrdreg $0xFFFFFFFF;
	(pc) =	sbr.abs _section_cstart, $3  }
0xc0: {  	[dreg:$0x1] =	wrdreg $0xFFFFFFFF  }
0xc1: {  	_ =	task.clear_ibuf [dreg:s6], $0x2FFFF;
	_ =	strace $0x9FFFFFFF  }
0xc2: {  	(tm) =	ssettm $0x7FFFFFFF  }
0xc3: {  	_ =	shalt  }
tec
execute0_lowered:
.L_overlay_start_1:
0x0: {  	(tag) =	ssettag $0x1  }
0x1: {  	s4 =	rddreg [dreg:$0x0]  }
0x2: {  	s1 =	rddreg [dreg:$0x1]  }
0x3: {  	s0 =	rddreg [dreg:$0x2]  }
0x4: {  	s2 =	simm.s32 $0x0;
	s3 =	srdreg.scid;
	s7 =	stileid.u32  }
0x5: {  	[smem:$0x7FF] =	sst s2;
	s8 =	sand.u32 $0x1, s3;
	s28 =	sshll.u32 s7, $0xC  }
0x6: {  	s5 =	sshll.u32 s7, $0x5;
	s3 =	sadd.s32 $0x24600, s4;
	p0 =	sne.s32 s7, $0x0  }
0x7: {  	_ =	strace $0x80000050;
	s6 =	smul.u32 $0x27100, s8;
	s9 =	sadd.s32 s28, s4  }
0x8: {  	s10 =	sadd.s32 s5, s4;
	s29 =	ssub.s32 $0x2, s8;
	s31 =	sshll.u32 s8, $0xB  }
0x9: {  	s8 =	sshll.u32 s8, $0x4;
	s30 =	sshrl.u32 s29, $0x1;
	s9 =	sadd.s32 s31, s9  }
0xa: {  	s8 =	sadd.s32 s8, s10;
	s6 =	sadd.s32 s6, s4;
	s11 =	ssub.s32 s29, s30  }
0xb: {  	s4 =	sshll.u32 s7, $0x1;
	s7 =	sadd.s32 $0x99C00, s9;
	s8 =	sadd.s32 $0x1F600, s8  }
0xc: {  	s9 =	sshrl.u32 @!p0 s1, $0x3;
	s5 =	sadd.s32 $0x30AC00, s6;
	s6 =	smax.u32 s11, $0x1  }
.LBB2_1:
0xd: {  	s10 =	simm.s32 @!p0 $0x1C01  }
0xe: {  	[spmem:s9], [sflag:s10] =	dma.local @!p0 [hbm:s3], $0x27100  }
0xf: {  	s10 =	simm.s32 @!p0 $0x1  }
0x10: {  	_ =	swait.ge @!p0 [sflag:s10], $0x27100  }
0x11: {  	s11 =	sadd.s32 $0x0, s4;
	[sflag:s10] =	ssyncset.done @!p0 $0x0  }
0x12: {  	p1 =	sgt.u32 s11, $0x4E1;
	[sflag:s10] =	ssyncadd.s32 @!p0 $0xFFFD8F00  }
0x13: {  	s12 =	simm.s32 @!p1 $0x2;
	s10 =	simm.s32 @!p1 $0x0;
	[bflag:$0x0] =	sbarrier.arrive $0xFFFF  }
0x14: {  	[tilespmem:s10], [sflag:$0x2] =	stream.linear.gather @!p1 [hbm4b:s8+s10], $0x80, $0x38;
	[tilespmem:$0x17900] =	vst v63  }
0x15: {  	_ =	swait.ge @!p1 [sflag:s12], $0x80  }
0x16: {  	[sflag:s12] =	ssyncset.done @!p1 $0x0;
	p1 =	por p1, p1  }
0x17: {  	[sflag:s12] =	ssyncadd.s32 @!p1 $0xFFFFFF80;
	s14 =	simm.s32 @!p1 $0x80  }
0x18: {  	[tilespmem:s14], [sflag:$0x2] =	stream.linear.gather @!p1 [hbm4b:s7+s10], $0x4000, $0x38;
	[tilespmem:$0x17900] =	vst v63  }
0x19: {  	_ =	swait.ge @!p1 [sflag:s12], $0x4000  }
0x1a: {  	[sflag:s12] =	ssyncset.done @!p1 $0x0  }
0x1b: {  	s31 =	sadd.s32 $0x20, s4;
	s13 =	simm.s32 @!p1 $0x1;
	[sflag:s12] =	ssyncadd.s32 @!p1 $0xFFFFC000  }
0x1c: {  	[spmem:s1] =	stream.indirect.scatter.add.f32 @!p1 [tilespmem:s14], [sflag:$0x1], $0x80, s10, s14, $0xb8;
	[tilespmem:$0x17900] =	vst v63  }
0x1d: {  	s11 =	simm.s32 $0x40;
	p2 =	sgt.u32 s31, $0x4E1;
	_ =	swait.ge @!p1 [sflag:s13], $0x4000  }
0x1e: {  	s12 =	sadd.s32 $0x200, s8;
	s10 =	sadd.s32 $0x10000, s7;
	[sflag:s13] =	ssyncset.done @!p1 $0x0  }
.LBB2_2:
0x1f: {  	s14 =	simm.s32 @!p2 $0x0;
	s15 =	simm.s32 @!p2 $0x2;
	[sflag:s13] =	ssyncadd.s32 @!p1 $0xFFFFC000  }
0x20: {  	[tilespmem:s14], [sflag:$0x2] =	stream.linear.gather @!p2 [hbm4b:s12+s14], $0x80, $0x38;
	[tilespmem:$0x17900] =	vst v63  }
0x21: {  	s16 =	smov.u32 s11;
	s11 =	sadd.s32 $0x20, s11;
	_ =	swait.ge @!p2 [sflag:s15], $0x80  }
0x22: {  	p1 =	por p2, p2;
	p3 =	sne.s32 s11, $0x500;
	[sflag:s15] =	ssyncset.done @!p2 $0x0  }
0x23: {  	s17 =	simm.s32 @!p1 $0x80;
	[sflag:s15] =	ssyncadd.s32 @!p1 $0xFFFFFF80  }
0x24: {  	[tilespmem:s17], [sflag:$0x2] =	stream.linear.gather @!p1 [hbm4b:s10+s14], $0x4000, $0x38;
	[tilespmem:$0x17900] =	vst v63  }
0x25: {  	_ =	swait.ge @!p1 [sflag:s15], $0x4000  }
.Ltmp0:
0x26: {  	[sflag:s15] =	ssyncset.done @!p1 $0x0;
	(pc) =	sbr.rel @p3 .LBB2_2-.Ltmp0, $4  }
0x27: {  	s13 =	simm.s32 @!p1 $0x1;
	[sflag:s15] =	ssyncadd.s32 @!p1 $0xFFFFC000  }
0x28: {  	[spmem:s1] =	stream.indirect.scatter.add.f32 @!p1 [tilespmem:s17], [sflag:$0x1], $0x80, s14, s17, $0xb8;
	[tilespmem:$0x17900] =	vst v63  }
0x29: {  	s12 =	sadd.s32 $0x200, s12;
	s14 =	sadd.s32 s16, s4;
	_ =	swait.ge @!p1 [sflag:s13], $0x4000  }
0x2a: {  	s10 =	sadd.s32 $0x10000, s10;
	p2 =	sgt.u32 s14, $0x4E1;
	[sflag:s13] =	ssyncset.done @!p1 $0x0  }
0x2b: {  	s11 =	simm.s32 @!p2 $0x0;
	s14 =	simm.s32 @!p2 $0x2;
	[sflag:s13] =	ssyncadd.s32 @!p1 $0xFFFFC000  }
0x2c: {  	[tilespmem:s11], [sflag:$0x2] =	stream.linear.gather @!p2 [hbm4b:s12+s11], $0x80, $0x38;
	[tilespmem:$0x17900] =	vst v63  }
0x2d: {  	_ =	swait.ge @!p2 [sflag:s14], $0x80  }
0x2e: {  	p1 =	por p2, p2;
	[sflag:s14] =	ssyncset.done @!p2 $0x0  }
0x2f: {  	s12 =	simm.s32 @!p1 $0x80;
	[sflag:s14] =	ssyncadd.s32 @!p1 $0xFFFFFF80  }
0x30: {  	[tilespmem:s12], [sflag:$0x2] =	stream.linear.gather @!p1 [hbm4b:s10+s11], $0x4000, $0x38;
	[tilespmem:$0x17900] =	vst v63  }
0x31: {  	_ =	swait.ge @!p1 [sflag:s14], $0x4000  }
0x32: {  	[sflag:s14] =	ssyncset.done @!p1 $0x0  }
0x33: {  	s10 =	simm.s32 @!p1 $0x1;
	[sflag:s14] =	ssyncadd.s32 @!p1 $0xFFFFC000  }
0x34: {  	[spmem:s1] =	stream.indirect.scatter.add.f32 @!p1 [tilespmem:s12], [sflag:$0x1], $0x80, s11, s12, $0xb8;
	[tilespmem:$0x17900] =	vst v63  }
0x35: {  	_ =	swait.ge @!p1 [sflag:s10], $0x4000  }
0x36: {  	[sflag:s10] =	ssyncset.done @!p1 $0x0  }
0x37: {  	s2 =	sadd.s32 $0x1, s2;
	[sflag:s10] =	ssyncadd.s32 @!p1 $0xFFFFC000  }
0x38: {  	s10 =	simm.s32 @!p0 $0x1C01;
	p1 =	sne.s32 s2, s6;
	[bflag:$0x0] =	sbarrier.arrive $0xFFFF  }
0x39: {  	[hbm:s5], [sflag:s10] =	dma.local @!p0 [spmem:s9], $0x27100  }
.Ltmp1:
0x3a: {  	_ = 	snop;
	(pc) =	sbr.rel @p1 .LBB2_1-.Ltmp1, $4  }
0x3b: {  	s10 =	simm.s32 @!p0 $0x1  }
0x3c: {  	_ =	swait.ge @!p0 [sflag:s10], $0x27100  }
0x3d: {  	[sflag:s10] =	ssyncset.done @!p0 $0x0  }
0x3e: {  	[sflag:s10] =	ssyncadd.s32 @!p0 $0xFFFD8F00  }
0x3f: {  	_ =	sfence.sel $0x180000  }
0x40: {  	[bflag:$0x0] =	sbarrier.arrive $0xFFFF  }
0x41: {  	_ =	strace $0x90000050  }
0x42: {  	s0 =	sadd.s32 @!p0 $0x100000, s0;
	[bflag:$0x2] =	sbarrier.arrive $0xFFFF  }
0x43: {  	[sflag:s0] =	ssyncadd.tile.s32 @!p0 $0x1;
	_ =	shalt  }
.Lfunc_end2:
_tile_overlayer_lowered:
.L_overlay_start_2:
0x44: {  	(tag) =	ssettag $0x2  }
0x45: {  	s0 =	rddreg [dreg:$0x0];
	s2 =	stileid.u32  }
0x46: {  	s1 =	rddreg [dreg:$0x1];
	p0 =	sne.s32 s2, $0x0  }
0x47: {  	s3 =	rddreg [dreg:$0x2];
	[bflag:$0x3] =	sbarrier.arrive $0xFFFF;
	s2 =	simm.s32 @!p0 $0x1C01  }
0x48: {  	[timem:s3], [sflag:s2] =	dma.local @!p0 [hbm:s0], s1  }
0x49: {  	s0 =	simm.s32 @!p0 $0x1  }
0x4a: {  	_ =	swait.ge @!p0 [sflag:s0], s1  }
0x4b: {  	s1 =	ssub.s32 @!p0 $0x0, s1;
	[sflag:s0] =	ssyncset.done @!p0 $0x0  }
0x4c: {  	[sflag:s0] =	ssyncadd.s32 @!p0 s1  }
0x4d: {  	[bflag:$0x3] =	sbarrier.arrive $0xFFFF  }
0x4e: {  	_ =	shalt  }

// kernel: kernel.49.cloned.1.call-start
scs
__scs_entry_jumppad:
0x0: {  	(pc) =	sbr.rel $0x88, $3  }
0x1: {  	(tag) =	ssettag $0x0;
	lr =	simm.s32 $0x1  }
0x2: {  	[smem:$0x3F3F] =	sst lr;
	_ =	strace $0xD0000000  }
0x3: {  	_ = 	snop  }
0x4: {  	_ = 	snop  }
0x5: {  	_ = 	snop  }
0x6: {  	_ = 	snop  }
0x7: {  	_ = 	snop  }
__scs_overlays_trampoline_lowered:
0x8: {  	[smem:$0x3F4E] =	sst s0  }
0x9: {  	[smem:$0x3F4F] =	sst s1  }
0xa: {  	[smem:$0x3F50] =	sst s2  }
0xb: {  	[smem:$0x3F51] =	sst s3  }
0xc: {  	[smem:$0x3F52] =	sst s4  }
0xd: {  	[smem:$0x3F53] =	sst s5  }
0xe: {  	[smem:$0x3F54] =	sst s6  }
0xf: {  	[smem:$0x3F55] =	sst s7  }
0x10: {  	[smem:$0x3F56] =	sst s8  }
0x11: {  	[smem:$0x3F57] =	sst s9;
	s0 =	simm.s32 @!p0 $0x0  }
0x12: {  	s1 =	sld [smem:$0x3F3D];
	s0 =	simm.s32 @p0 $0x1  }
0x13: {  	[smem:$0x3F58] =	sst s0;
	s0 =	simm.s32 @!p1 $0x0  }
0x14: {  	s2 =	sld [smem:$0x3F3C];
	s0 =	simm.s32 @p1 $0x1  }
0x15: {  	[smem:$0x3F59] =	sst s0;
	s0 =	simm.s32 @!p2 $0x0  }
0x16: {  	s3 =	sld [smem:$0x3FDB];
	s0 =	simm.s32 @p2 $0x1  }
0x17: {  	s4 =	simm.s32 $0x1BF5;
	[smem:$0x3F5B] =	sst s0  }
0x18: {  	s0 =	sld [smem:$0x3F3E];
	_ =	swait.ge [sflag:s4], $0x0  }
0x19: {  	s7 =	sld [smem:$0x3F3F]  }
0x1a: {  	s8 =	sadd.s32 $0xFFFFE003, lr  }
0x1b: {  	s9 =	sadd.s32 $0xFFFFFEF7, lr;
	s5 =	simm.s32 $0xFFFFFFFF;
	p2 =	slt.u32 s8, $0xFFFFF086  }
0x1c: {  	p1 =	slt.u32 s9, $0xF7A;
	s5 =	simm.s32 @!p2 $0x0  }
0x1d: {  	s5 =	simm.s32 @p1 $0x1;
	p0 =	seq.s32 s7, s2  }
0x1e: {  	s7 =	smul.u32 @!p0 $0xF7A, s2;
	p2 =	seq.s32 @!p0 s5, $0x0  }
0x1f: {  	s9 =	smul.u32 $0xF7A, s1;
	s8 =	simm.s32 @!p0 $0x1BF5;
	p2 =	por !p2, p0  }
0x20: {  	[sflag:s8] =	ssyncset.s32 @!p0 $0xFFFFF086;
	s6 =	sadd.s32 @!p0 s3, s7;
	s7 =	simm.s32 @!p0 $0x108  }
0x21: {  	s3 =	sadd.s32 s3, s9;
	s6 =	sadd.s32 @!p0 $0x88, s6;
	s7 =	simm.s32 @p2 $0x1082  }
0x22: {  	[simem:s7], [sflag:s8] =	dma.local @!p0 [hbm:s6], $0xF7A  }
0x23: {  	s9 =	sor.u32 $0xD0000000, s2;
	s6 =	simm.s32 $0x108;
	_ =	swait.ge @!p0 [sflag:s8], $0x0  }
0x24: {  	s3 =	sadd.s32 $0x88, s3;
	s6 =	simm.s32 @!p1 $0x1082;
	[sflag:s4] =	ssyncset.s32 $0xFFFFF086  }
0x25: {  	[simem:s6], [sflag:s4] =	dma.local [hbm:s3], $0xF7A  }
0x26: {  	[smem:$0x3F3F] =	sst s1;
	(tag) =	ssettag s2;
	_ =	strace s9  }
0x27: {  	s1 =	sld [smem:$0x3F4F]  }
0x28: {  	s2 =	sld [smem:$0x3F50]  }
0x29: {  	s4 =	sld [smem:$0x3F52]  }
0x2a: {  	p0 =	seq.s32 s5, $0x0;
	s5 =	sld [smem:$0x3F53]  }
0x2b: {  	s6 =	sld [smem:$0x3F54]  }
0x2c: {  	s7 =	sld [smem:$0x3F55]  }
0x2d: {  	s3 =	simm.s32 $0x108;
	s8 =	sld [smem:$0x3F56]  }
0x2e: {  	s3 =	simm.s32 @!p0 $0x1082;
	s9 =	sld [smem:$0x3F57]  }
0x2f: {  	lr =	sadd.s32 s0, s3;
	s0 =	sld [smem:$0x3F4E]  }
0x30: {  	s3 =	sld [smem:$0x3F51]  }
0x31: {  	[smem:$0x3F5A] =	sst s10  }
0x32: {  	s10 =	sld [smem:$0x3F58];
	_ =	sdelay $0x3  }
0x33: {  	p0 =	seq.s32 s10, $0x1;
	s10 =	sld [smem:$0x3F5A];
	_ =	sdelay $0x3  }
0x34: {  	[smem:$0x3F5A] =	sst s10  }
0x35: {  	s10 =	sld [smem:$0x3F59];
	_ =	sdelay $0x3  }
0x36: {  	p1 =	seq.s32 s10, $0x1;
	s10 =	sld [smem:$0x3F5A];
	_ =	sdelay $0x3  }
0x37: {  	[smem:$0x3F5A] =	sst s10  }
0x38: {  	s10 =	sld [smem:$0x3F5B]  }
0x39: {  	_ = 	snop;
	(pc) =	sbr.ind lr, $3  }
0x3a: {  	_ = 	snop  }
0x3b: {  	_ = 	snop  }
0x3c: {  	p2 =	seq.s32 s10, $0x1;
	s10 =	sld [smem:$0x3F5A]  }
0x3d: {  	_ =	shalt  }
0x3e: {  	_ =	shalt  }
0x3f: {  	_ =	shalt  }
0x40: {  	_ =	shalt  }
0x41: {  	_ =	shalt  }
0x42: {  	_ =	shalt  }
0x43: {  	_ =	shalt  }
0x44: {  	_ =	shalt  }
0x45: {  	_ =	shalt  }
0x46: {  	_ =	shalt  }
0x47: {  	_ =	shalt  }
0x48: {  	_ =	shalt  }
0x49: {  	_ =	shalt  }
0x4a: {  	_ =	shalt  }
0x4b: {  	_ =	shalt  }
0x4c: {  	_ =	shalt  }
0x4d: {  	_ =	shalt  }
0x4e: {  	_ =	shalt  }
0x4f: {  	_ =	shalt  }
0x50: {  	_ =	shalt  }
0x51: {  	_ =	shalt  }
0x52: {  	_ =	shalt  }
0x53: {  	_ =	shalt  }
0x54: {  	_ =	shalt  }
0x55: {  	_ =	shalt  }
0x56: {  	_ =	shalt  }
0x57: {  	_ =	shalt  }
0x58: {  	_ =	shalt  }
0x59: {  	_ =	shalt  }
0x5a: {  	_ =	shalt  }
0x5b: {  	_ =	shalt  }
0x5c: {  	_ =	shalt  }
0x5d: {  	_ =	shalt  }
0x5e: {  	_ =	shalt  }
0x5f: {  	_ =	shalt  }
0x60: {  	_ =	shalt  }
0x61: {  	_ =	shalt  }
0x62: {  	_ =	shalt  }
0x63: {  	_ =	shalt  }
0x64: {  	_ =	shalt  }
0x65: {  	_ =	shalt  }
0x66: {  	_ =	shalt  }
0x67: {  	_ =	shalt  }
0x68: {  	_ =	shalt  }
0x69: {  	_ =	shalt  }
0x6a: {  	_ =	shalt  }
0x6b: {  	_ =	shalt  }
0x6c: {  	_ =	shalt  }
0x6d: {  	_ =	shalt  }
0x6e: {  	_ =	shalt  }
0x6f: {  	_ =	shalt  }
0x70: {  	_ =	shalt  }
0x71: {  	_ =	shalt  }
0x72: {  	_ =	shalt  }
0x73: {  	_ =	shalt  }
0x74: {  	_ =	shalt  }
0x75: {  	_ =	shalt  }
0x76: {  	_ =	shalt  }
0x77: {  	_ =	shalt  }
0x78: {  	_ =	shalt  }
0x79: {  	_ =	shalt  }
0x7a: {  	_ =	shalt  }
0x7b: {  	_ =	shalt  }
0x7c: {  	_ =	shalt  }
0x7d: {  	_ =	shalt  }
0x7e: {  	_ =	shalt  }
0x7f: {  	_ =	shalt  }
0x80: {  	_ =	shalt  }
0x81: {  	_ =	shalt  }
0x82: {  	_ =	shalt  }
0x83: {  	_ =	shalt  }
0x84: {  	_ =	shalt  }
0x85: {  	_ =	shalt  }
0x86: {  	_ =	shalt  }
0x87: {  	_ =	shalt  }
.Lfunc_end0:
.L_simem_size_0:
called_computation.4_lowered:
.L_overlay_start_0:
0x88: {  	s2 =	sld [smem:$0x3FD9]  }
0x89: {  	s3 =	sld [smem:$0x3FFE];
	_ =	sdelay $0x1  }
0x8a: {  	s1 =	srdreg.scid  }
0x8b: {  	s0 =	sand.u32 $0x1, s1  }
0x8c: {  	s16 =	sshll.u32 s0, $0xA;
	s2 =	sadd.s32 s3, s2  }
0x8d: {  	s2 =	sadd.s32 s2, s16  }
0x8e: {  	[smem:$0x3F66] =	sst s2  }
0x8f: {  	_ = 	snop  }
0x90: {  	(tm) =	ssettm $0x1  }
0x91: {  	s17 =	sld [smem:$0x3FFB];
	_ =	sdelay $0x3  }
0x92: {  	_ =	strace s17  }
0x93: {  	s2 =	sld [smem:$0x3FFC];
	_ =	sdelay $0x3  }
0x94: {  	_ =	strace s2  }
0x95: {  	s2 =	sld [smem:$0x3FFD];
	_ =	sdelay $0x3  }
0x96: {  	_ =	strace s2  }
0x97: {  	_ =	strace $0x8FFFFFFF  }
0x98: {  	s18 =	sld [smem:$0x3FDB];
	_ =	sdelay $0x1  }
0x99: {  	s19 =	simm.s32 $_scs_section_size  }
0x9a: {  	s4 =	simm.s32 $_size__tile_overlayer_lowered;
	s5 =	simm.s32 $_tile_overlayer_lowered  }
0x9b: {  	s22 =	simm.s32 $0x1BFF;
	s21 =	sshll.u32 s5, $0x1;
	s2 =	sadd.s32 s19, s18  }
0x9c: {  	s6 =	simm.s32 $0x0;
	s20 =	sshll.u32 s4, $0x1;
	s4 =	sadd.s32 s21, s2  }
0x9d: {  	[timem:s6], [sflag:s22] =	dma.local [hbm:s4], s20  }
0x9e: {  	_ =	swait.ge [sflag:s22], s20  }
0x9f: {  	s3 =	ssub.s32 $0x0, s20;
	[sflag:s22] =	ssyncset.done $0x0  }
0xa0: {  	[sflag:s22] =	ssyncadd.s32 s3;
	_ =	sdelay $0x1  }
0xa1: {  	s23 =	simm.s32 $0x1B8B  }
0xa2: {  	_ =	swait.ge [sflag:s23], $0x1  }
0xa3: {  	[sflag:s23] =	ssyncset.done $0x0  }
0xa4: {  	s25 =	simm.s32 $0x1B8E;
	s24 =	sld [smem:$0x3FFE];
	[sflag:s23] =	ssyncadd.s32 $0xFFFFFFFF  }
0xa5: {  	s26 =	simm.s32 $execute0_lowered;
	[smem:$0x3FD2] =	sst s25  }
0xa6: {  	s4 =	sshll.u32 s26, $0x1;
	_ =	strace $0x80000052;
	[dreg:$0x1] =	wrdreg $0xFFFFFFFF  }
0xa7: {  	s28 =	simm.s32 $_size_execute0_lowered;
	s2 =	sadd.s32 s2, s4;
	[dreg:$0x0] =	wrdreg $0x0  }
0xa8: {  	s4 =	sshll.u32 s28, $0x1;
	[dreg:$0x2] =	wrdreg s2  }
0xa9: {  	[dreg:$0x3] =	wrdreg s4  }
0xaa: {  	[dreg:$0x4] =	wrdreg $0xC0  }
0xab: {  	_ =	task [dreg:s6], $0x5FFFF  }
0xac: {  	[dreg:$0x1] =	wrdreg $0xFFFFFFFF  }
0xad: {  	[dreg:$0x0] =	wrdreg $0x60  }
0xae: {  	[dreg:$0x2] =	wrdreg s24  }
0xaf: {  	[dreg:$0x3] =	wrdreg $0x9  }
0xb0: {  	_ =	task.clear_ibuf [dreg:s6], $0x4FFFF;
	_ =	strace $0x90000052  }
0xb1: {  	s29 =	simm.s32 $0x9;
	_ =	strace $0x80000054  }
0xb2: {  	_ =	swait.ge [sflag:s29], $0x1  }
0xb3: {  	[sflag:s29] =	ssyncadd.s32 $0xFFFFFFFF  }
0xb4: {  	_ =	strace $0x90000054  }
0xb5: {  	_ =	sfence  }
0xb6: {  	s30 =	sld [smem:$0x0];
	_ =	sdelay $0x2  }
0xb7: {  	s31 =	sshll.u32 s1, $0xD;
	s1 =	sshrl.u32 s1, $0x2  }
0xb8: {  	s3 =	sand.u32 $0x4000, s31;
	s1 =	sadd.s32 s1, s30  }
0xb9: {  	s0 =	sor.u32 s3, s0;
	s1 =	sshll.u32 s1, $0x11  }
0xba: {  	s0 =	sor.u32 s1, s0  }
0xbb: {  	s0 =	sadd.s32 $0x8F2B, s0  }
0xbc: {  	[sflag:s0] =	ssyncadd.remote.s32 $0x1  }
0xbd: {  	_ =	sfence.sel $0xFFFF  }
0xbe: {  	[dreg:$0x0] =	wrdreg $0xFFFFFFFF;
	(pc) =	sbr.abs _section_cstart, $3  }
0xbf: {  	[dreg:$0x1] =	wrdreg $0xFFFFFFFF  }
0xc0: {  	_ =	task.clear_ibuf [dreg:s6], $0x2FFFF;
	_ =	strace $0x9FFFFFFF  }
0xc1: {  	(tm) =	ssettm $0x7FFFFFFF  }
tec
execute0_lowered:
.L_overlay_start_1:
0x0: {  	(tag) =	ssettag $0x1  }
0x1: {  	s4 =	rddreg [dreg:$0x0]  }
0x2: {  	s0 =	rddreg [dreg:$0x1]  }
0x3: {  	s2 =	simm.s32 $0x0;
	s3 =	srdreg.scid;
	s1 =	stileid.u32  }
0x4: {  	[smem:$0x7FF] =	sst s2;
	s5 =	sand.u32 $0x1, s3;
	s3 =	sadd.s32 $0xC0E00, s4  }
0x5: {  	s6 =	sshll.u32 s1, $0x5;
	s8 =	sshll.u32 s1, $0xC;
	_ =	strace $0x80000053  }
0x6: {  	s7 =	ssub.s32 $0x2, s5;
	s6 =	sadd.s32 s6, s4;
	s8 =	sadd.s32 s8, s4  }
0x7: {  	s31 =	sshll.u32 s5, $0x4;
	s10 =	sshll.u32 s5, $0xB;
	s9 =	sshrl.u32 s7, $0x1  }
0x8: {  	s4 =	sshll.u32 s1, $0x1;
	s10 =	sadd.s32 s10, s8;
	s7 =	ssub.s32 s7, s9  }
0x9: {  	s9 =	sadd.s32 s31, s6;
	s8 =	sadd.s32 $0x359000, s10;
	s5 =	smax.u32 s7, $0x1  }
0xa: {  	s6 =	sadd.s32 $0x1F600, s9;
	s7 =	sadd.s32 $0x1A600, s9;
	s9 =	sadd.s32 $0xE8000, s10  }
.LBB2_1:
0xb: {  	p0 =	sgt.u32 s4, $0x4E1  }
0xc: {  	s10 =	sadd.s32 @!p0 $0x0, s7;
	s11 =	simm.s32 @!p0 $0x0;
	s14 =	simm.s32 @!p0 $0x4  }
0xd: {  	[tilespmem:s11], [sflag:$0x4] =	stream.linear.gather @!p0 [hbm4b:s10+s11], $0x80, $0x38;
	[tilespmem:$0x8100] =	vst v63  }
0xe: {  	_ =	swait.ge @!p0 [sflag:s14], $0x80;
	p0 =	por p0, p0  }
0xf: {  	[sflag:s14] =	ssyncset.done @!p0 $0x0  }
0x10: {  	s10 =	sadd.s32 @!p0 $0x0, s6;
	s12 =	simm.s32 @!p0 $0x80;
	[sflag:s14] =	ssyncadd.s32 @!p0 $0xFFFFFF80  }
0x11: {  	[tilespmem:s12], [sflag:$0x4] =	stream.linear.gather @!p0 [hbm4b:s10+s11], $0x80, $0x38;
	[tilespmem:$0x8100] =	vst v63  }
0x12: {  	_ =	swait.ge @!p0 [sflag:s14], $0x80  }
0x13: {  	[sflag:s14] =	ssyncset.done @!p0 $0x0  }
0x14: {  	s10 =	simm.s32 @!p0 $0x100;
	[sflag:s14] =	ssyncadd.s32 @!p0 $0xFFFFFF80  }
0x15: {  	[tilespmem:s10], [sflag:$0x1] =	stream.indirect.gather @!p0 [hbm4b:s3+s12], $0x80, s11, s12, $0xb8;
	[tilespmem:$0x8100] =	vst v63  }
0x16: {  	s15 =	simm.s32 @!p0 $0x4100;
	s13 =	simm.s32 @!p0 $0x1  }
0x17: {  	[tilespmem:s15], [sflag:$0x2] =	stream.indirect.gather @!p0 [hbm4b:s3+s12], $0x80, s12, s12, $0xb8;
	[tilespmem:$0x8100] =	vst v63  }
0x18: {  	_ =	swait.ge @!p0 [sflag:s13], $0x4000  }
0x19: {  	[sflag:s13] =	ssyncset.done @!p0 $0x0  }
0x1a: {  	s12 =	simm.s32 @!p0 $0x2;
	[sflag:s13] =	ssyncadd.s32 @!p0 $0xFFFFC000  }
0x1b: {  	_ =	swait.ge @!p0 [sflag:s12], $0x4000  }
0x1c: {  	[sflag:s12] =	ssyncset.done @!p0 $0x0  }
0x1d: {  	[sflag:s12] =	ssyncadd.s32 @!p0 $0xFFFFC000  }
0x1e: {  	[hbm4b:s9+s11] =	stream.linear.scatter @!p0 [tilespmem:s10], [sflag:$0x4], $0x4000, $0x38;
	[tilespmem:$0x8100] =	vst v63  }
0x1f: {  	_ =	swait.ge @!p0 [sflag:s14], $0x4000  }
0x20: {  	[sflag:s14] =	ssyncset.done @!p0 $0x0  }
0x21: {  	s13 =	simm.s32 $0x400;
	s12 =	simm.s32 $0x200;
	[sflag:s14] =	ssyncadd.s32 @!p0 $0xFFFFC000  }
0x22: {  	[hbm4b:s8+s11] =	stream.linear.scatter @!p0 [tilespmem:s15], [sflag:$0x3], $0x4000, $0x38;
	[tilespmem:$0x8100] =	vst v63  }
0x23: {  	s10 =	sadd.s32 $0x10000, s9;
	s14 =	sadd.s32 $0x20, s4;
	s15 =	simm.s32 @!p0 $0x3  }
0x24: {  	p2 =	sgt.u32 s14, $0x4E1;
	s11 =	sadd.s32 $0x10000, s8;
	_ =	swait.ge @!p0 [sflag:s15], $0x4000  }
.LBB2_2:
0x25: {  	s16 =	sadd.s32 @!p2 s12, s7  }
0x26: {  	s17 =	simm.s32 @!p2 $0x0;
	[sflag:s15] =	ssyncset.done @!p0 $0x0;
	s18 =	smov.u32 s13  }
0x27: {  	s13 =	sadd.s32 $0x200, s13;
	s19 =	simm.s32 @!p2 $0x4;
	[sflag:s15] =	ssyncadd.s32 @!p0 $0xFFFFC000  }
0x28: {  	[tilespmem:s17], [sflag:$0x4] =	stream.linear.gather @!p2 [hbm4b:s16+s17], $0x80, $0x38;
	[tilespmem:$0x8100] =	vst v63  }
0x29: {  	p1 =	sne.s32 s13, $0x5000;
	p0 =	por p2, p2;
	_ =	swait.ge @!p2 [sflag:s19], $0x80  }
0x2a: {  	[sflag:s19] =	ssyncset.done @!p0 $0x0  }
0x2b: {  	s12 =	sadd.s32 @!p0 s12, s6;
	s15 =	simm.s32 @!p0 $0x80;
	[sflag:s19] =	ssyncadd.s32 @!p0 $0xFFFFFF80  }
0x2c: {  	[tilespmem:s15], [sflag:$0x4] =	stream.linear.gather @!p0 [hbm4b:s12+s17], $0x80, $0x38;
	[tilespmem:$0x8100] =	vst v63  }
0x2d: {  	s12 =	smov.u32 s18;
	_ =	swait.ge @!p0 [sflag:s19], $0x80  }
0x2e: {  	[sflag:s19] =	ssyncset.done @!p0 $0x0  }
0x2f: {  	s16 =	simm.s32 @!p0 $0x100;
	[sflag:s19] =	ssyncadd.s32 @!p0 $0xFFFFFF80  }
0x30: {  	[tilespmem:s16], [sflag:$0x1] =	stream.indirect.gather @!p0 [hbm4b:s3+s15], $0x80, s17, s15, $0xb8;
	[tilespmem:$0x8100] =	vst v63  }
0x31: {  	s20 =	simm.s32 @!p0 $0x1;
	s18 =	simm.s32 @!p0 $0x4100  }
0x32: {  	[tilespmem:s18], [sflag:$0x2] =	stream.indirect.gather @!p0 [hbm4b:s3+s15], $0x80, s15, s15, $0xb8;
	[tilespmem:$0x8100] =	vst v63  }
0x33: {  	_ =	swait.ge @!p0 [sflag:s20], $0x4000  }
0x34: {  	[sflag:s20] =	ssyncset.done @!p0 $0x0  }
0x35: {  	s15 =	simm.s32 @!p0 $0x2;
	[sflag:s20] =	ssyncadd.s32 @!p0 $0xFFFFC000  }
0x36: {  	_ =	swait.ge @!p0 [sflag:s15], $0x4000  }
0x37: {  	[sflag:s15] =	ssyncset.done @!p0 $0x0  }
0x38: {  	[sflag:s15] =	ssyncadd.s32 @!p0 $0xFFFFC000  }
0x39: {  	[hbm4b:s10+s17] =	stream.linear.scatter @!p0 [tilespmem:s16], [sflag:$0x4], $0x4000, $0x38;
	[tilespmem:$0x8100] =	vst v63  }
.Ltmp0:
0x3a: {  	_ =	swait.ge @!p0 [sflag:s19], $0x4000;
	(pc) =	sbr.rel @p1 .LBB2_2-.Ltmp0, $4  }
0x3b: {  	s10 =	sadd.s32 $0x10000, s10;
	[sflag:s19] =	ssyncset.done @!p0 $0x0  }
0x3c: {  	s14 =	sadd.s32 $0x20, s14;
	s15 =	simm.s32 @!p0 $0x3;
	[sflag:s19] =	ssyncadd.s32 @!p0 $0xFFFFC000  }
0x3d: {  	[hbm4b:s11+s17] =	stream.linear.scatter @!p0 [tilespmem:s18], [sflag:$0x3], $0x4000, $0x38;
	[tilespmem:$0x8100] =	vst v63  }
0x3e: {  	p2 =	sgt.u32 s14, $0x4E1;
	s11 =	sadd.s32 $0x10000, s11;
	_ =	swait.ge @!p0 [sflag:s15], $0x4000  }
0x3f: {  	s13 =	sadd.s32 @!p2 s12, s7;
	[sflag:s15] =	ssyncset.done @!p0 $0x0  }
0x40: {  	s14 =	simm.s32 @!p2 $0x0;
	s16 =	simm.s32 @!p2 $0x4;
	[sflag:s15] =	ssyncadd.s32 @!p0 $0xFFFFC000  }
0x41: {  	[tilespmem:s14], [sflag:$0x4] =	stream.linear.gather @!p2 [hbm4b:s13+s14], $0x80, $0x38;
	[tilespmem:$0x8100] =	vst v63  }
0x42: {  	p0 =	por p2, p2;
	_ =	swait.ge @!p2 [sflag:s16], $0x80  }
0x43: {  	[sflag:s16] =	ssyncset.done @!p0 $0x0  }
0x44: {  	s12 =	sadd.s32 @!p0 s12, s6;
	s13 =	simm.s32 @!p0 $0x80;
	[sflag:s16] =	ssyncadd.s32 @!p0 $0xFFFFFF80  }
0x45: {  	[tilespmem:s13], [sflag:$0x4] =	stream.linear.gather @!p0 [hbm4b:s12+s14], $0x80, $0x38;
	[tilespmem:$0x8100] =	vst v63  }
0x46: {  	_ =	swait.ge @!p0 [sflag:s16], $0x80  }
0x47: {  	[sflag:s16] =	ssyncset.done @!p0 $0x0  }
0x48: {  	s12 =	simm.s32 @!p0 $0x100;
	[sflag:s16] =	ssyncadd.s32 @!p0 $0xFFFFFF80  }
0x49: {  	[tilespmem:s12], [sflag:$0x1] =	stream.indirect.gather @!p0 [hbm4b:s3+s13], $0x80, s14, s13, $0xb8;
	[tilespmem:$0x8100] =	vst v63  }
0x4a: {  	s15 =	simm.s32 @!p0 $0x4100;
	s17 =	simm.s32 @!p0 $0x1  }
0x4b: {  	[tilespmem:s15], [sflag:$0x2] =	stream.indirect.gather @!p0 [hbm4b:s3+s13], $0x80, s13, s13, $0xb8;
	[tilespmem:$0x8100] =	vst v63  }
0x4c: {  	_ =	swait.ge @!p0 [sflag:s17], $0x4000  }
0x4d: {  	[sflag:s17] =	ssyncset.done @!p0 $0x0  }
0x4e: {  	s13 =	simm.s32 @!p0 $0x2;
	[sflag:s17] =	ssyncadd.s32 @!p0 $0xFFFFC000  }
0x4f: {  	_ =	swait.ge @!p0 [sflag:s13], $0x4000  }
0x50: {  	[sflag:s13] =	ssyncset.done @!p0 $0x0  }
0x51: {  	[sflag:s13] =	ssyncadd.s32 @!p0 $0xFFFFC000  }
0x52: {  	[hbm4b:s10+s14] =	stream.linear.scatter @!p0 [tilespmem:s12], [sflag:$0x4], $0x4000, $0x38;
	[tilespmem:$0x8100] =	vst v63  }
0x53: {  	s2 =	sadd.s32 $0x1, s2;
	_ =	swait.ge @!p0 [sflag:s16], $0x4000  }
0x54: {  	p1 =	sne.s32 s2, s5;
	[sflag:s16] =	ssyncset.done @!p0 $0x0  }
.Ltmp1:
0x55: {  	s10 =	simm.s32 @!p0 $0x3;
	[sflag:s16] =	ssyncadd.s32 @!p0 $0xFFFFC000;
	(pc) =	sbr.rel @p1 .LBB2_1-.Ltmp1, $4  }
0x56: {  	[hbm4b:s11+s14] =	stream.linear.scatter @!p0 [tilespmem:s15], [sflag:$0x3], $0x4000, $0x38;
	[tilespmem:$0x8100] =	vst v63  }
0x57: {  	_ =	swait.ge @!p0 [sflag:s10], $0x4000  }
0x58: {  	[sflag:s10] =	ssyncset.done @!p0 $0x0  }
0x59: {  	[sflag:s10] =	ssyncadd.s32 @!p0 $0xFFFFC000  }
0x5a: {  	_ =	sfence.sel $0x180000  }
0x5b: {  	[bflag:$0x0] =	sbarrier.arrive $0xFFFF  }
0x5c: {  	p0 =	sne.s32 s1, $0x0;
	_ =	strace $0x90000053  }
0x5d: {  	s0 =	sadd.s32 @!p0 $0x100000, s0;
	[bflag:$0x2] =	sbarrier.arrive $0xFFFF  }
0x5e: {  	[sflag:s0] =	ssyncadd.tile.s32 @!p0 $0x1;
	_ =	shalt  }
.Lfunc_end2:
_tile_overlayer_lowered:
.L_overlay_start_2:
0x5f: {  	(tag) =	ssettag $0x2  }
0x60: {  	s0 =	rddreg [dreg:$0x0];
	s2 =	stileid.u32  }
0x61: {  	s1 =	rddreg [dreg:$0x1];
	p0 =	sne.s32 s2, $0x0  }
0x62: {  	s3 =	rddreg [dreg:$0x2];
	[bflag:$0x3] =	sbarrier.arrive $0xFFFF;
	s2 =	simm.s32 @!p0 $0x1C03  }
0x63: {  	[timem:s3], [sflag:s2] =	dma.local @!p0 [hbm:s0], s1  }
0x64: {  	s0 =	simm.s32 @!p0 $0x3  }
0x65: {  	_ =	swait.ge @!p0 [sflag:s0], s1  }
0x66: {  	s1 =	ssub.s32 @!p0 $0x0, s1;
	[sflag:s0] =	ssyncset.done @!p0 $0x0  }
0x67: {  	[sflag:s0] =	ssyncadd.s32 @!p0 s1  }
0x68: {  	[bflag:$0x3] =	sbarrier.arrive $0xFFFF  }
0x69: {  	_ =	shalt  }

// kernel: kernel.52.cloned.1.call-start
scs
__scs_entry_jumppad:
0x0: {  	(pc) =	sbr.rel $0x88, $3  }
0x1: {  	(tag) =	ssettag $0x0;
	lr =	simm.s32 $0x1  }
0x2: {  	[smem:$0x3F3F] =	sst lr;
	_ =	strace $0xD0000000  }
0x3: {  	_ = 	snop  }
0x4: {  	_ = 	snop  }
0x5: {  	_ = 	snop  }
0x6: {  	_ = 	snop  }
0x7: {  	_ = 	snop  }
__scs_overlays_trampoline_lowered:
0x8: {  	[smem:$0x3F4E] =	sst s0  }
0x9: {  	[smem:$0x3F4F] =	sst s1  }
0xa: {  	[smem:$0x3F50] =	sst s2  }
0xb: {  	[smem:$0x3F51] =	sst s3  }
0xc: {  	[smem:$0x3F52] =	sst s4  }
0xd: {  	[smem:$0x3F53] =	sst s5  }
0xe: {  	[smem:$0x3F54] =	sst s6  }
0xf: {  	[smem:$0x3F55] =	sst s7  }
0x10: {  	[smem:$0x3F56] =	sst s8  }
0x11: {  	[smem:$0x3F57] =	sst s9;
	s0 =	simm.s32 @!p0 $0x0  }
0x12: {  	s1 =	sld [smem:$0x3F3D];
	s0 =	simm.s32 @p0 $0x1  }
0x13: {  	[smem:$0x3F58] =	sst s0;
	s0 =	simm.s32 @!p1 $0x0  }
0x14: {  	s2 =	sld [smem:$0x3F3C];
	s0 =	simm.s32 @p1 $0x1  }
0x15: {  	[smem:$0x3F59] =	sst s0;
	s0 =	simm.s32 @!p2 $0x0  }
0x16: {  	s3 =	sld [smem:$0x3FDB];
	s0 =	simm.s32 @p2 $0x1  }
0x17: {  	s4 =	simm.s32 $0x1BF5;
	[smem:$0x3F5B] =	sst s0  }
0x18: {  	s0 =	sld [smem:$0x3F3E];
	_ =	swait.ge [sflag:s4], $0x0  }
0x19: {  	s7 =	sld [smem:$0x3F3F]  }
0x1a: {  	s8 =	sadd.s32 $0xFFFFE003, lr  }
0x1b: {  	s9 =	sadd.s32 $0xFFFFFEF7, lr;
	s5 =	simm.s32 $0xFFFFFFFF;
	p2 =	slt.u32 s8, $0xFFFFF086  }
0x1c: {  	p1 =	slt.u32 s9, $0xF7A;
	s5 =	simm.s32 @!p2 $0x0  }
0x1d: {  	s5 =	simm.s32 @p1 $0x1;
	p0 =	seq.s32 s7, s2  }
0x1e: {  	s7 =	smul.u32 @!p0 $0xF7A, s2;
	p2 =	seq.s32 @!p0 s5, $0x0  }
0x1f: {  	s9 =	smul.u32 $0xF7A, s1;
	s8 =	simm.s32 @!p0 $0x1BF5;
	p2 =	por !p2, p0  }
0x20: {  	[sflag:s8] =	ssyncset.s32 @!p0 $0xFFFFF086;
	s6 =	sadd.s32 @!p0 s3, s7;
	s7 =	simm.s32 @!p0 $0x108  }
0x21: {  	s3 =	sadd.s32 s3, s9;
	s6 =	sadd.s32 @!p0 $0x88, s6;
	s7 =	simm.s32 @p2 $0x1082  }
0x22: {  	[simem:s7], [sflag:s8] =	dma.local @!p0 [hbm:s6], $0xF7A  }
0x23: {  	s9 =	sor.u32 $0xD0000000, s2;
	s6 =	simm.s32 $0x108;
	_ =	swait.ge @!p0 [sflag:s8], $0x0  }
0x24: {  	s3 =	sadd.s32 $0x88, s3;
	s6 =	simm.s32 @!p1 $0x1082;
	[sflag:s4] =	ssyncset.s32 $0xFFFFF086  }
0x25: {  	[simem:s6], [sflag:s4] =	dma.local [hbm:s3], $0xF7A  }
0x26: {  	[smem:$0x3F3F] =	sst s1;
	(tag) =	ssettag s2;
	_ =	strace s9  }
0x27: {  	s1 =	sld [smem:$0x3F4F]  }
0x28: {  	s2 =	sld [smem:$0x3F50]  }
0x29: {  	s4 =	sld [smem:$0x3F52]  }
0x2a: {  	p0 =	seq.s32 s5, $0x0;
	s5 =	sld [smem:$0x3F53]  }
0x2b: {  	s6 =	sld [smem:$0x3F54]  }
0x2c: {  	s7 =	sld [smem:$0x3F55]  }
0x2d: {  	s3 =	simm.s32 $0x108;
	s8 =	sld [smem:$0x3F56]  }
0x2e: {  	s3 =	simm.s32 @!p0 $0x1082;
	s9 =	sld [smem:$0x3F57]  }
0x2f: {  	lr =	sadd.s32 s0, s3;
	s0 =	sld [smem:$0x3F4E]  }
0x30: {  	s3 =	sld [smem:$0x3F51]  }
0x31: {  	[smem:$0x3F5A] =	sst s10  }
0x32: {  	s10 =	sld [smem:$0x3F58];
	_ =	sdelay $0x3  }
0x33: {  	p0 =	seq.s32 s10, $0x1;
	s10 =	sld [smem:$0x3F5A];
	_ =	sdelay $0x3  }
0x34: {  	[smem:$0x3F5A] =	sst s10  }
0x35: {  	s10 =	sld [smem:$0x3F59];
	_ =	sdelay $0x3  }
0x36: {  	p1 =	seq.s32 s10, $0x1;
	s10 =	sld [smem:$0x3F5A];
	_ =	sdelay $0x3  }
0x37: {  	[smem:$0x3F5A] =	sst s10  }
0x38: {  	s10 =	sld [smem:$0x3F5B]  }
0x39: {  	_ = 	snop;
	(pc) =	sbr.ind lr, $3  }
0x3a: {  	_ = 	snop  }
0x3b: {  	_ = 	snop  }
0x3c: {  	p2 =	seq.s32 s10, $0x1;
	s10 =	sld [smem:$0x3F5A]  }
0x3d: {  	_ =	shalt  }
0x3e: {  	_ =	shalt  }
0x3f: {  	_ =	shalt  }
0x40: {  	_ =	shalt  }
0x41: {  	_ =	shalt  }
0x42: {  	_ =	shalt  }
0x43: {  	_ =	shalt  }
0x44: {  	_ =	shalt  }
0x45: {  	_ =	shalt  }
0x46: {  	_ =	shalt  }
0x47: {  	_ =	shalt  }
0x48: {  	_ =	shalt  }
0x49: {  	_ =	shalt  }
0x4a: {  	_ =	shalt  }
0x4b: {  	_ =	shalt  }
0x4c: {  	_ =	shalt  }
0x4d: {  	_ =	shalt  }
0x4e: {  	_ =	shalt  }
0x4f: {  	_ =	shalt  }
0x50: {  	_ =	shalt  }
0x51: {  	_ =	shalt  }
0x52: {  	_ =	shalt  }
0x53: {  	_ =	shalt  }
0x54: {  	_ =	shalt  }
0x55: {  	_ =	shalt  }
0x56: {  	_ =	shalt  }
0x57: {  	_ =	shalt  }
0x58: {  	_ =	shalt  }
0x59: {  	_ =	shalt  }
0x5a: {  	_ =	shalt  }
0x5b: {  	_ =	shalt  }
0x5c: {  	_ =	shalt  }
0x5d: {  	_ =	shalt  }
0x5e: {  	_ =	shalt  }
0x5f: {  	_ =	shalt  }
0x60: {  	_ =	shalt  }
0x61: {  	_ =	shalt  }
0x62: {  	_ =	shalt  }
0x63: {  	_ =	shalt  }
0x64: {  	_ =	shalt  }
0x65: {  	_ =	shalt  }
0x66: {  	_ =	shalt  }
0x67: {  	_ =	shalt  }
0x68: {  	_ =	shalt  }
0x69: {  	_ =	shalt  }
0x6a: {  	_ =	shalt  }
0x6b: {  	_ =	shalt  }
0x6c: {  	_ =	shalt  }
0x6d: {  	_ =	shalt  }
0x6e: {  	_ =	shalt  }
0x6f: {  	_ =	shalt  }
0x70: {  	_ =	shalt  }
0x71: {  	_ =	shalt  }
0x72: {  	_ =	shalt  }
0x73: {  	_ =	shalt  }
0x74: {  	_ =	shalt  }
0x75: {  	_ =	shalt  }
0x76: {  	_ =	shalt  }
0x77: {  	_ =	shalt  }
0x78: {  	_ =	shalt  }
0x79: {  	_ =	shalt  }
0x7a: {  	_ =	shalt  }
0x7b: {  	_ =	shalt  }
0x7c: {  	_ =	shalt  }
0x7d: {  	_ =	shalt  }
0x7e: {  	_ =	shalt  }
0x7f: {  	_ =	shalt  }
0x80: {  	_ =	shalt  }
0x81: {  	_ =	shalt  }
0x82: {  	_ =	shalt  }
0x83: {  	_ =	shalt  }
0x84: {  	_ =	shalt  }
0x85: {  	_ =	shalt  }
0x86: {  	_ =	shalt  }
0x87: {  	_ =	shalt  }
.Lfunc_end0:
.L_simem_size_0:
called_computation.5_lowered:
.L_overlay_start_0:
0x88: {  	s2 =	sld [smem:$0x3FD9]  }
0x89: {  	s3 =	sld [smem:$0x3FFE];
	_ =	sdelay $0x1  }
0x8a: {  	s1 =	srdreg.scid  }
0x8b: {  	s0 =	sand.u32 $0x1, s1  }
0x8c: {  	s16 =	sshll.u32 s0, $0xA;
	s2 =	sadd.s32 s3, s2  }
0x8d: {  	s2 =	sadd.s32 s2, s16  }
0x8e: {  	[smem:$0x3F66] =	sst s2  }
0x8f: {  	_ = 	snop  }
0x90: {  	(tm) =	ssettm $0x1  }
0x91: {  	s17 =	sld [smem:$0x3FFB];
	_ =	sdelay $0x3  }
0x92: {  	_ =	strace s17  }
0x93: {  	s2 =	sld [smem:$0x3FFC];
	_ =	sdelay $0x3  }
0x94: {  	_ =	strace s2  }
0x95: {  	s2 =	sld [smem:$0x3FFD];
	_ =	sdelay $0x3  }
0x96: {  	_ =	strace s2  }
0x97: {  	_ =	strace $0x8FFFFFFF  }
0x98: {  	s18 =	sld [smem:$0x3FDB];
	_ =	sdelay $0x1  }
0x99: {  	s19 =	simm.s32 $_scs_section_size  }
0x9a: {  	s4 =	simm.s32 $_size__tile_overlayer_lowered;
	s5 =	simm.s32 $_tile_overlayer_lowered  }
0x9b: {  	s22 =	simm.s32 $0x1BFF;
	s21 =	sshll.u32 s5, $0x1;
	s2 =	sadd.s32 s19, s18  }
0x9c: {  	s6 =	simm.s32 $0x0;
	s20 =	sshll.u32 s4, $0x1;
	s4 =	sadd.s32 s21, s2  }
0x9d: {  	[timem:s6], [sflag:s22] =	dma.local [hbm:s4], s20  }
0x9e: {  	_ =	swait.ge [sflag:s22], s20  }
0x9f: {  	s3 =	ssub.s32 $0x0, s20;
	[sflag:s22] =	ssyncset.done $0x0  }
0xa0: {  	[sflag:s22] =	ssyncadd.s32 s3;
	_ =	sdelay $0x1  }
0xa1: {  	s23 =	simm.s32 $0x1B8B  }
0xa2: {  	_ =	swait.ge [sflag:s23], $0x1  }
0xa3: {  	[sflag:s23] =	ssyncset.done $0x0  }
0xa4: {  	s25 =	simm.s32 $0x1B8E;
	s24 =	sld [smem:$0x3FFE];
	[sflag:s23] =	ssyncadd.s32 $0xFFFFFFFF  }
0xa5: {  	s26 =	simm.s32 $execute0_lowered;
	[smem:$0x3FD2] =	sst s25  }
0xa6: {  	s4 =	sshll.u32 s26, $0x1;
	_ =	strace $0x80000055;
	[dreg:$0x1] =	wrdreg $0xFFFFFFFF  }
0xa7: {  	s28 =	simm.s32 $_size_execute0_lowered;
	s2 =	sadd.s32 s2, s4;
	[dreg:$0x0] =	wrdreg $0x0  }
0xa8: {  	s4 =	sshll.u32 s28, $0x1;
	[dreg:$0x2] =	wrdreg s2  }
0xa9: {  	[dreg:$0x3] =	wrdreg s4  }
0xaa: {  	[dreg:$0x4] =	wrdreg $0xC0  }
0xab: {  	_ =	task [dreg:s6], $0x5FFFF  }
0xac: {  	[dreg:$0x1] =	wrdreg $0xFFFFFFFF  }
0xad: {  	[dreg:$0x0] =	wrdreg $0x60  }
0xae: {  	[dreg:$0x2] =	wrdreg s24  }
0xaf: {  	[dreg:$0x3] =	wrdreg $0x40800  }
0xb0: {  	[dreg:$0x4] =	wrdreg $0x9  }
0xb1: {  	_ =	task.clear_ibuf [dreg:s6], $0x5FFFF;
	_ =	strace $0x90000055  }
0xb2: {  	s29 =	simm.s32 $0x9;
	_ =	strace $0x80000057  }
0xb3: {  	_ =	swait.ge [sflag:s29], $0x1  }
0xb4: {  	[sflag:s29] =	ssyncadd.s32 $0xFFFFFFFF  }
0xb5: {  	_ =	strace $0x90000057  }
0xb6: {  	_ =	sfence  }
0xb7: {  	s30 =	sld [smem:$0x0];
	_ =	sdelay $0x2  }
0xb8: {  	s31 =	sshll.u32 s1, $0xD;
	s1 =	sshrl.u32 s1, $0x2  }
0xb9: {  	s3 =	sand.u32 $0x4000, s31;
	s1 =	sadd.s32 s1, s30  }
0xba: {  	s0 =	sor.u32 s3, s0;
	s1 =	sshll.u32 s1, $0x11  }
0xbb: {  	s0 =	sor.u32 s1, s0  }
0xbc: {  	s0 =	sadd.s32 $0x8F2B, s0  }
0xbd: {  	[sflag:s0] =	ssyncadd.remote.s32 $0x1  }
0xbe: {  	_ =	sfence.sel $0xFFFF  }
0xbf: {  	[dreg:$0x0] =	wrdreg $0xFFFFFFFF;
	(pc) =	sbr.abs _section_cstart, $3  }
0xc0: {  	[dreg:$0x1] =	wrdreg $0xFFFFFFFF  }
0xc1: {  	_ =	task.clear_ibuf [dreg:s6], $0x2FFFF;
	_ =	strace $0x9FFFFFFF  }
0xc2: {  	(tm) =	ssettm $0x7FFFFFFF  }
0xc3: {  	_ =	shalt  }
tec
execute0_lowered:
.L_overlay_start_1:
0x0: {  	(tag) =	ssettag $0x1  }
0x1: {  	s4 =	rddreg [dreg:$0x0]  }
0x2: {  	s1 =	rddreg [dreg:$0x1]  }
0x3: {  	s0 =	rddreg [dreg:$0x2]  }
0x4: {  	s2 =	simm.s32 $0x0;
	s3 =	srdreg.scid;
	s7 =	stileid.u32  }
0x5: {  	[smem:$0x7FF] =	sst s2;
	s8 =	sand.u32 $0x1, s3;
	s28 =	sshll.u32 s7, $0xC  }
0x6: {  	s5 =	sshll.u32 s7, $0x5;
	s3 =	sadd.s32 $0x24600, s4;
	p0 =	sne.s32 s7, $0x0  }
0x7: {  	_ =	strace $0x80000056;
	s6 =	smul.u32 $0x27100, s8;
	s9 =	sadd.s32 s28, s4  }
0x8: {  	s10 =	sadd.s32 s5, s4;
	s29 =	ssub.s32 $0x2, s8;
	s31 =	sshll.u32 s8, $0xB  }
0x9: {  	s8 =	sshll.u32 s8, $0x4;
	s30 =	sshrl.u32 s29, $0x1;
	s9 =	sadd.s32 s31, s9  }
0xa: {  	s8 =	sadd.s32 s8, s10;
	s6 =	sadd.s32 s6, s4;
	s11 =	ssub.s32 s29, s30  }
0xb: {  	s4 =	sshll.u32 s7, $0x1;
	s7 =	sadd.s32 $0x5CA600, s9;
	s8 =	sadd.s32 $0x1F600, s8  }
0xc: {  	s9 =	sshrl.u32 @!p0 s1, $0x3;
	s5 =	sadd.s32 $0x83B600, s6;
	s6 =	smax.u32 s11, $0x1  }
.LBB2_1:
0xd: {  	s10 =	simm.s32 @!p0 $0x1C01  }
0xe: {  	[spmem:s9], [sflag:s10] =	dma.local @!p0 [hbm:s3], $0x27100  }
0xf: {  	s10 =	simm.s32 @!p0 $0x1  }
0x10: {  	_ =	swait.ge @!p0 [sflag:s10], $0x27100  }
0x11: {  	s11 =	sadd.s32 $0x0, s4;
	[sflag:s10] =	ssyncset.done @!p0 $0x0  }
0x12: {  	p1 =	sgt.u32 s11, $0x4E1;
	[sflag:s10] =	ssyncadd.s32 @!p0 $0xFFFD8F00  }
0x13: {  	s12 =	simm.s32 @!p1 $0x2;
	s10 =	simm.s32 @!p1 $0x0;
	[bflag:$0x0] =	sbarrier.arrive $0xFFFF  }
0x14: {  	[tilespmem:s10], [sflag:$0x2] =	stream.linear.gather @!p1 [hbm4b:s8+s10], $0x80, $0x38;
	[tilespmem:$0x17900] =	vst v63  }
0x15: {  	_ =	swait.ge @!p1 [sflag:s12], $0x80  }
0x16: {  	[sflag:s12] =	ssyncset.done @!p1 $0x0;
	p1 =	por p1, p1  }
0x17: {  	[sflag:s12] =	ssyncadd.s32 @!p1 $0xFFFFFF80;
	s14 =	simm.s32 @!p1 $0x80  }
0x18: {  	[tilespmem:s14], [sflag:$0x2] =	stream.linear.gather @!p1 [hbm4b:s7+s10], $0x4000, $0x38;
	[tilespmem:$0x17900] =	vst v63  }
0x19: {  	_ =	swait.ge @!p1 [sflag:s12], $0x4000  }
0x1a: {  	[sflag:s12] =	ssyncset.done @!p1 $0x0  }
0x1b: {  	s31 =	sadd.s32 $0x20, s4;
	s13 =	simm.s32 @!p1 $0x1;
	[sflag:s12] =	ssyncadd.s32 @!p1 $0xFFFFC000  }
0x1c: {  	[spmem:s1] =	stream.indirect.scatter.add.f32 @!p1 [tilespmem:s14], [sflag:$0x1], $0x80, s10, s14, $0xb8;
	[tilespmem:$0x17900] =	vst v63  }
0x1d: {  	s11 =	simm.s32 $0x40;
	p2 =	sgt.u32 s31, $0x4E1;
	_ =	swait.ge @!p1 [sflag:s13], $0x4000  }
0x1e: {  	s12 =	sadd.s32 $0x200, s8;
	s10 =	sadd.s32 $0x10000, s7;
	[sflag:s13] =	ssyncset.done @!p1 $0x0  }
.LBB2_2:
0x1f: {  	s14 =	simm.s32 @!p2 $0x0;
	s15 =	simm.s32 @!p2 $0x2;
	[sflag:s13] =	ssyncadd.s32 @!p1 $0xFFFFC000  }
0x20: {  	[tilespmem:s14], [sflag:$0x2] =	stream.linear.gather @!p2 [hbm4b:s12+s14], $0x80, $0x38;
	[tilespmem:$0x17900] =	vst v63  }
0x21: {  	s16 =	smov.u32 s11;
	s11 =	sadd.s32 $0x20, s11;
	_ =	swait.ge @!p2 [sflag:s15], $0x80  }
0x22: {  	p1 =	por p2, p2;
	p3 =	sne.s32 s11, $0x500;
	[sflag:s15] =	ssyncset.done @!p2 $0x0  }
0x23: {  	s17 =	simm.s32 @!p1 $0x80;
	[sflag:s15] =	ssyncadd.s32 @!p1 $0xFFFFFF80  }
0x24: {  	[tilespmem:s17], [sflag:$0x2] =	stream.linear.gather @!p1 [hbm4b:s10+s14], $0x4000, $0x38;
	[tilespmem:$0x17900] =	vst v63  }
0x25: {  	_ =	swait.ge @!p1 [sflag:s15], $0x4000  }
.Ltmp0:
0x26: {  	[sflag:s15] =	ssyncset.done @!p1 $0x0;
	(pc) =	sbr.rel @p3 .LBB2_2-.Ltmp0, $4  }
0x27: {  	s13 =	simm.s32 @!p1 $0x1;
	[sflag:s15] =	ssyncadd.s32 @!p1 $0xFFFFC000  }
0x28: {  	[spmem:s1] =	stream.indirect.scatter.add.f32 @!p1 [tilespmem:s17], [sflag:$0x1], $0x80, s14, s17, $0xb8;
	[tilespmem:$0x17900] =	vst v63  }
0x29: {  	s12 =	sadd.s32 $0x200, s12;
	s14 =	sadd.s32 s16, s4;
	_ =	swait.ge @!p1 [sflag:s13], $0x4000  }
0x2a: {  	s10 =	sadd.s32 $0x10000, s10;
	p2 =	sgt.u32 s14, $0x4E1;
	[sflag:s13] =	ssyncset.done @!p1 $0x0  }
0x2b: {  	s11 =	simm.s32 @!p2 $0x0;
	s14 =	simm.s32 @!p2 $0x2;
	[sflag:s13] =	ssyncadd.s32 @!p1 $0xFFFFC000  }
0x2c: {  	[tilespmem:s11], [sflag:$0x2] =	stream.linear.gather @!p2 [hbm4b:s12+s11], $0x80, $0x38;
	[tilespmem:$0x17900] =	vst v63  }
0x2d: {  	_ =	swait.ge @!p2 [sflag:s14], $0x80  }
0x2e: {  	p1 =	por p2, p2;
	[sflag:s14] =	ssyncset.done @!p2 $0x0  }
0x2f: {  	s12 =	simm.s32 @!p1 $0x80;
	[sflag:s14] =	ssyncadd.s32 @!p1 $0xFFFFFF80  }
0x30: {  	[tilespmem:s12], [sflag:$0x2] =	stream.linear.gather @!p1 [hbm4b:s10+s11], $0x4000, $0x38;
	[tilespmem:$0x17900] =	vst v63  }
0x31: {  	_ =	swait.ge @!p1 [sflag:s14], $0x4000  }
0x32: {  	[sflag:s14] =	ssyncset.done @!p1 $0x0  }
0x33: {  	s10 =	simm.s32 @!p1 $0x1;
	[sflag:s14] =	ssyncadd.s32 @!p1 $0xFFFFC000  }
0x34: {  	[spmem:s1] =	stream.indirect.scatter.add.f32 @!p1 [tilespmem:s12], [sflag:$0x1], $0x80, s11, s12, $0xb8;
	[tilespmem:$0x17900] =	vst v63  }
0x35: {  	_ =	swait.ge @!p1 [sflag:s10], $0x4000  }
0x36: {  	[sflag:s10] =	ssyncset.done @!p1 $0x0  }
0x37: {  	s2 =	sadd.s32 $0x1, s2;
	[sflag:s10] =	ssyncadd.s32 @!p1 $0xFFFFC000  }
0x38: {  	s10 =	simm.s32 @!p0 $0x1C01;
	p1 =	sne.s32 s2, s6;
	[bflag:$0x0] =	sbarrier.arrive $0xFFFF  }
0x39: {  	[hbm:s5], [sflag:s10] =	dma.local @!p0 [spmem:s9], $0x27100  }
.Ltmp1:
0x3a: {  	_ = 	snop;
	(pc) =	sbr.rel @p1 .LBB2_1-.Ltmp1, $4  }
0x3b: {  	s10 =	simm.s32 @!p0 $0x1  }
0x3c: {  	_ =	swait.ge @!p0 [sflag:s10], $0x27100  }
0x3d: {  	[sflag:s10] =	ssyncset.done @!p0 $0x0  }
0x3e: {  	[sflag:s10] =	ssyncadd.s32 @!p0 $0xFFFD8F00  }
0x3f: {  	_ =	sfence.sel $0x180000  }
0x40: {  	[bflag:$0x0] =	sbarrier.arrive $0xFFFF  }
0x41: {  	_ =	strace $0x90000056  }
0x42: {  	s0 =	sadd.s32 @!p0 $0x100000, s0;
	[bflag:$0x2] =	sbarrier.arrive $0xFFFF  }
0x43: {  	[sflag:s0] =	ssyncadd.tile.s32 @!p0 $0x1;
	_ =	shalt  }
.Lfunc_end2:
_tile_overlayer_lowered:
.L_overlay_start_2:
0x44: {  	(tag) =	ssettag $0x2  }
0x45: {  	s0 =	rddreg [dreg:$0x0];
	s2 =	stileid.u32  }
0x46: {  	s1 =	rddreg [dreg:$0x1];
	p0 =	sne.s32 s2, $0x0  }
0x47: {  	s3 =	rddreg [dreg:$0x2];
	[bflag:$0x3] =	sbarrier.arrive $0xFFFF;
	s2 =	simm.s32 @!p0 $0x1C01  }
0x48: {  	[timem:s3], [sflag:s2] =	dma.local @!p0 [hbm:s0], s1  }
0x49: {  	s0 =	simm.s32 @!p0 $0x1  }
0x4a: {  	_ =	swait.ge @!p0 [sflag:s0], s1  }
0x4b: {  	s1 =	ssub.s32 @!p0 $0x0, s1;
	[sflag:s0] =	ssyncset.done @!p0 $0x0  }
0x4c: {  	[sflag:s0] =	ssyncadd.s32 @!p0 s1  }
0x4d: {  	[bflag:$0x3] =	sbarrier.arrive $0xFFFF  }
0x4e: {  	_ =	shalt  }

// kernel: kernel.55.cloned.1.call-start
scs
__scs_entry_jumppad:
0x0: {  	(pc) =	sbr.rel $0x88, $3  }
0x1: {  	(tag) =	ssettag $0x0;
	lr =	simm.s32 $0x1  }
0x2: {  	[smem:$0x3F3F] =	sst lr;
	_ =	strace $0xD0000000  }
0x3: {  	_ = 	snop  }
0x4: {  	_ = 	snop  }
0x5: {  	_ = 	snop  }
0x6: {  	_ = 	snop  }
0x7: {  	_ = 	snop  }
__scs_overlays_trampoline_lowered:
0x8: {  	[smem:$0x3F4E] =	sst s0  }
0x9: {  	[smem:$0x3F4F] =	sst s1  }
0xa: {  	[smem:$0x3F50] =	sst s2  }
0xb: {  	[smem:$0x3F51] =	sst s3  }
0xc: {  	[smem:$0x3F52] =	sst s4  }
0xd: {  	[smem:$0x3F53] =	sst s5  }
0xe: {  	[smem:$0x3F54] =	sst s6  }
0xf: {  	[smem:$0x3F55] =	sst s7  }
0x10: {  	[smem:$0x3F56] =	sst s8  }
0x11: {  	[smem:$0x3F57] =	sst s9;
	s0 =	simm.s32 @!p0 $0x0  }
0x12: {  	s1 =	sld [smem:$0x3F3D];
	s0 =	simm.s32 @p0 $0x1  }
0x13: {  	[smem:$0x3F58] =	sst s0;
	s0 =	simm.s32 @!p1 $0x0  }
0x14: {  	s2 =	sld [smem:$0x3F3C];
	s0 =	simm.s32 @p1 $0x1  }
0x15: {  	[smem:$0x3F59] =	sst s0;
	s0 =	simm.s32 @!p2 $0x0  }
0x16: {  	s3 =	sld [smem:$0x3FDB];
	s0 =	simm.s32 @p2 $0x1  }
0x17: {  	s4 =	simm.s32 $0x1BF5;
	[smem:$0x3F5B] =	sst s0  }
0x18: {  	s0 =	sld [smem:$0x3F3E];
	_ =	swait.ge [sflag:s4], $0x0  }
0x19: {  	s7 =	sld [smem:$0x3F3F]  }
0x1a: {  	s8 =	sadd.s32 $0xFFFFE003, lr  }
0x1b: {  	s9 =	sadd.s32 $0xFFFFFEF7, lr;
	s5 =	simm.s32 $0xFFFFFFFF;
	p2 =	slt.u32 s8, $0xFFFFF086  }
0x1c: {  	p1 =	slt.u32 s9, $0xF7A;
	s5 =	simm.s32 @!p2 $0x0  }
0x1d: {  	s5 =	simm.s32 @p1 $0x1;
	p0 =	seq.s32 s7, s2  }
0x1e: {  	s7 =	smul.u32 @!p0 $0xF7A, s2;
	p2 =	seq.s32 @!p0 s5, $0x0  }
0x1f: {  	s9 =	smul.u32 $0xF7A, s1;
	s8 =	simm.s32 @!p0 $0x1BF5;
	p2 =	por !p2, p0  }
0x20: {  	[sflag:s8] =	ssyncset.s32 @!p0 $0xFFFFF086;
	s6 =	sadd.s32 @!p0 s3, s7;
	s7 =	simm.s32 @!p0 $0x108  }
0x21: {  	s3 =	sadd.s32 s3, s9;
	s6 =	sadd.s32 @!p0 $0x88, s6;
	s7 =	simm.s32 @p2 $0x1082  }
0x22: {  	[simem:s7], [sflag:s8] =	dma.local @!p0 [hbm:s6], $0xF7A  }
0x23: {  	s9 =	sor.u32 $0xD0000000, s2;
	s6 =	simm.s32 $0x108;
	_ =	swait.ge @!p0 [sflag:s8], $0x0  }
0x24: {  	s3 =	sadd.s32 $0x88, s3;
	s6 =	simm.s32 @!p1 $0x1082;
	[sflag:s4] =	ssyncset.s32 $0xFFFFF086  }
0x25: {  	[simem:s6], [sflag:s4] =	dma.local [hbm:s3], $0xF7A  }
0x26: {  	[smem:$0x3F3F] =	sst s1;
	(tag) =	ssettag s2;
	_ =	strace s9  }
0x27: {  	s1 =	sld [smem:$0x3F4F]  }
0x28: {  	s2 =	sld [smem:$0x3F50]  }
0x29: {  	s4 =	sld [smem:$0x3F52]  }
0x2a: {  	p0 =	seq.s32 s5, $0x0;
	s5 =	sld [smem:$0x3F53]  }
0x2b: {  	s6 =	sld [smem:$0x3F54]  }
0x2c: {  	s7 =	sld [smem:$0x3F55]  }
0x2d: {  	s3 =	simm.s32 $0x108;
	s8 =	sld [smem:$0x3F56]  }
0x2e: {  	s3 =	simm.s32 @!p0 $0x1082;
	s9 =	sld [smem:$0x3F57]  }
0x2f: {  	lr =	sadd.s32 s0, s3;
	s0 =	sld [smem:$0x3F4E]  }
0x30: {  	s3 =	sld [smem:$0x3F51]  }
0x31: {  	[smem:$0x3F5A] =	sst s10  }
0x32: {  	s10 =	sld [smem:$0x3F58];
	_ =	sdelay $0x3  }
0x33: {  	p0 =	seq.s32 s10, $0x1;
	s10 =	sld [smem:$0x3F5A];
	_ =	sdelay $0x3  }
0x34: {  	[smem:$0x3F5A] =	sst s10  }
0x35: {  	s10 =	sld [smem:$0x3F59];
	_ =	sdelay $0x3  }
0x36: {  	p1 =	seq.s32 s10, $0x1;
	s10 =	sld [smem:$0x3F5A];
	_ =	sdelay $0x3  }
0x37: {  	[smem:$0x3F5A] =	sst s10  }
0x38: {  	s10 =	sld [smem:$0x3F5B]  }
0x39: {  	_ = 	snop;
	(pc) =	sbr.ind lr, $3  }
0x3a: {  	_ = 	snop  }
0x3b: {  	_ = 	snop  }
0x3c: {  	p2 =	seq.s32 s10, $0x1;
	s10 =	sld [smem:$0x3F5A]  }
0x3d: {  	_ =	shalt  }
0x3e: {  	_ =	shalt  }
0x3f: {  	_ =	shalt  }
0x40: {  	_ =	shalt  }
0x41: {  	_ =	shalt  }
0x42: {  	_ =	shalt  }
0x43: {  	_ =	shalt  }
0x44: {  	_ =	shalt  }
0x45: {  	_ =	shalt  }
0x46: {  	_ =	shalt  }
0x47: {  	_ =	shalt  }
0x48: {  	_ =	shalt  }
0x49: {  	_ =	shalt  }
0x4a: {  	_ =	shalt  }
0x4b: {  	_ =	shalt  }
0x4c: {  	_ =	shalt  }
0x4d: {  	_ =	shalt  }
0x4e: {  	_ =	shalt  }
0x4f: {  	_ =	shalt  }
0x50: {  	_ =	shalt  }
0x51: {  	_ =	shalt  }
0x52: {  	_ =	shalt  }
0x53: {  	_ =	shalt  }
0x54: {  	_ =	shalt  }
0x55: {  	_ =	shalt  }
0x56: {  	_ =	shalt  }
0x57: {  	_ =	shalt  }
0x58: {  	_ =	shalt  }
0x59: {  	_ =	shalt  }
0x5a: {  	_ =	shalt  }
0x5b: {  	_ =	shalt  }
0x5c: {  	_ =	shalt  }
0x5d: {  	_ =	shalt  }
0x5e: {  	_ =	shalt  }
0x5f: {  	_ =	shalt  }
0x60: {  	_ =	shalt  }
0x61: {  	_ =	shalt  }
0x62: {  	_ =	shalt  }
0x63: {  	_ =	shalt  }
0x64: {  	_ =	shalt  }
0x65: {  	_ =	shalt  }
0x66: {  	_ =	shalt  }
0x67: {  	_ =	shalt  }
0x68: {  	_ =	shalt  }
0x69: {  	_ =	shalt  }
0x6a: {  	_ =	shalt  }
0x6b: {  	_ =	shalt  }
0x6c: {  	_ =	shalt  }
0x6d: {  	_ =	shalt  }
0x6e: {  	_ =	shalt  }
0x6f: {  	_ =	shalt  }
0x70: {  	_ =	shalt  }
0x71: {  	_ =	shalt  }
0x72: {  	_ =	shalt  }
0x73: {  	_ =	shalt  }
0x74: {  	_ =	shalt  }
0x75: {  	_ =	shalt  }
0x76: {  	_ =	shalt  }
0x77: {  	_ =	shalt  }
0x78: {  	_ =	shalt  }
0x79: {  	_ =	shalt  }
0x7a: {  	_ =	shalt  }
0x7b: {  	_ =	shalt  }
0x7c: {  	_ =	shalt  }
0x7d: {  	_ =	shalt  }
0x7e: {  	_ =	shalt  }
0x7f: {  	_ =	shalt  }
0x80: {  	_ =	shalt  }
0x81: {  	_ =	shalt  }
0x82: {  	_ =	shalt  }
0x83: {  	_ =	shalt  }
0x84: {  	_ =	shalt  }
0x85: {  	_ =	shalt  }
0x86: {  	_ =	shalt  }
0x87: {  	_ =	shalt  }
.Lfunc_end0:
.L_simem_size_0:
called_computation.6_lowered:
.L_overlay_start_0:
0x88: {  	s2 =	sld [smem:$0x3FD9]  }
0x89: {  	s3 =	sld [smem:$0x3FFE];
	_ =	sdelay $0x1  }
0x8a: {  	s1 =	srdreg.scid  }
0x8b: {  	s0 =	sand.u32 $0x1, s1  }
0x8c: {  	s16 =	sshll.u32 s0, $0xA;
	s2 =	sadd.s32 s3, s2  }
0x8d: {  	s2 =	sadd.s32 s2, s16  }
0x8e: {  	[smem:$0x3F66] =	sst s2  }
0x8f: {  	_ = 	snop  }
0x90: {  	(tm) =	ssettm $0x1  }
0x91: {  	s17 =	sld [smem:$0x3FFB];
	_ =	sdelay $0x3  }
0x92: {  	_ =	strace s17  }
0x93: {  	s2 =	sld [smem:$0x3FFC];
	_ =	sdelay $0x3  }
0x94: {  	_ =	strace s2  }
0x95: {  	s2 =	sld [smem:$0x3FFD];
	_ =	sdelay $0x3  }
0x96: {  	_ =	strace s2  }
0x97: {  	_ =	strace $0x8FFFFFFF  }
0x98: {  	s18 =	sld [smem:$0x3FDB];
	_ =	sdelay $0x1  }
0x99: {  	s19 =	simm.s32 $_scs_section_size  }
0x9a: {  	s4 =	simm.s32 $_size__tile_overlayer_lowered;
	s5 =	simm.s32 $_tile_overlayer_lowered  }
0x9b: {  	s22 =	simm.s32 $0x1BFF;
	s21 =	sshll.u32 s5, $0x1;
	s2 =	sadd.s32 s19, s18  }
0x9c: {  	s6 =	simm.s32 $0x0;
	s20 =	sshll.u32 s4, $0x1;
	s4 =	sadd.s32 s21, s2  }
0x9d: {  	[timem:s6], [sflag:s22] =	dma.local [hbm:s4], s20  }
0x9e: {  	_ =	swait.ge [sflag:s22], s20  }
0x9f: {  	s3 =	ssub.s32 $0x0, s20;
	[sflag:s22] =	ssyncset.done $0x0  }
0xa0: {  	[sflag:s22] =	ssyncadd.s32 s3;
	_ =	sdelay $0x1  }
0xa1: {  	s23 =	simm.s32 $0x1B8B  }
0xa2: {  	_ =	swait.ge [sflag:s23], $0x1  }
0xa3: {  	[sflag:s23] =	ssyncset.done $0x0  }
0xa4: {  	s25 =	simm.s32 $0x1B8E;
	s24 =	sld [smem:$0x3FFE];
	[sflag:s23] =	ssyncadd.s32 $0xFFFFFFFF  }
0xa5: {  	s26 =	simm.s32 $execute0_lowered;
	[smem:$0x3FD2] =	sst s25  }
0xa6: {  	s4 =	sshll.u32 s26, $0x1;
	_ =	strace $0x80000058;
	[dreg:$0x1] =	wrdreg $0xFFFFFFFF  }
0xa7: {  	s28 =	simm.s32 $_size_execute0_lowered;
	s2 =	sadd.s32 s2, s4;
	[dreg:$0x0] =	wrdreg $0x0  }
0xa8: {  	s4 =	sshll.u32 s28, $0x1;
	[dreg:$0x2] =	wrdreg s2  }
0xa9: {  	[dreg:$0x3] =	wrdreg s4  }
0xaa: {  	[dreg:$0x4] =	wrdreg $0xC0  }
0xab: {  	_ =	task [dreg:s6], $0x5FFFF  }
0xac: {  	[dreg:$0x1] =	wrdreg $0xFFFFFFFF  }
0xad: {  	[dreg:$0x0] =	wrdreg $0x60  }
0xae: {  	[dreg:$0x2] =	wrdreg s24  }
0xaf: {  	[dreg:$0x3] =	wrdreg $0x9  }
0xb0: {  	_ =	task.clear_ibuf [dreg:s6], $0x4FFFF;
	_ =	strace $0x90000058  }
0xb1: {  	s29 =	simm.s32 $0x9;
	_ =	strace $0x8000005A  }
0xb2: {  	_ =	swait.ge [sflag:s29], $0x1  }
0xb3: {  	[sflag:s29] =	ssyncadd.s32 $0xFFFFFFFF  }
0xb4: {  	_ =	strace $0x9000005A  }
0xb5: {  	_ =	sfence  }
0xb6: {  	s30 =	sld [smem:$0x0];
	_ =	sdelay $0x2  }
0xb7: {  	s31 =	sshll.u32 s1, $0xD;
	s1 =	sshrl.u32 s1, $0x2  }
0xb8: {  	s3 =	sand.u32 $0x4000, s31;
	s1 =	sadd.s32 s1, s30  }
0xb9: {  	s0 =	sor.u32 s3, s0;
	s1 =	sshll.u32 s1, $0x11  }
0xba: {  	s0 =	sor.u32 s1, s0  }
0xbb: {  	s0 =	sadd.s32 $0x8F2B, s0  }
0xbc: {  	[sflag:s0] =	ssyncadd.remote.s32 $0x1  }
0xbd: {  	_ =	sfence.sel $0xFFFF  }
0xbe: {  	[dreg:$0x0] =	wrdreg $0xFFFFFFFF;
	(pc) =	sbr.abs _section_cstart, $3  }
0xbf: {  	[dreg:$0x1] =	wrdreg $0xFFFFFFFF  }
0xc0: {  	_ =	task.clear_ibuf [dreg:s6], $0x2FFFF;
	_ =	strace $0x9FFFFFFF  }
0xc1: {  	(tm) =	ssettm $0x7FFFFFFF  }
tec
execute0_lowered:
.L_overlay_start_1:
0x0: {  	(tag) =	ssettag $0x1  }
0x1: {  	s4 =	rddreg [dreg:$0x0]  }
0x2: {  	s0 =	rddreg [dreg:$0x1]  }
0x3: {  	s2 =	simm.s32 $0x0;
	s3 =	srdreg.scid;
	s1 =	stileid.u32  }
0x4: {  	[smem:$0x7FF] =	sst s2;
	s5 =	sand.u32 $0x1, s3;
	s3 =	sadd.s32 $0xC0E00, s4  }
0x5: {  	s6 =	sshll.u32 s1, $0x5;
	s8 =	sshll.u32 s1, $0xC;
	_ =	strace $0x80000059  }
0x6: {  	s7 =	ssub.s32 $0x2, s5;
	s6 =	sadd.s32 s6, s4;
	s8 =	sadd.s32 s8, s4  }
0x7: {  	s31 =	sshll.u32 s5, $0x4;
	s10 =	sshll.u32 s5, $0xB;
	s9 =	sshrl.u32 s7, $0x1  }
0x8: {  	s4 =	sshll.u32 s1, $0x1;
	s10 =	sadd.s32 s10, s8;
	s7 =	ssub.s32 s7, s9  }
0x9: {  	s9 =	sadd.s32 s31, s6;
	s8 =	sadd.s32 $0x359000, s10;
	s5 =	smax.u32 s7, $0x1  }
0xa: {  	s6 =	sadd.s32 $0x1F600, s9;
	s7 =	sadd.s32 $0x1A600, s9;
	s9 =	sadd.s32 $0xE8000, s10  }
.LBB2_1:
0xb: {  	p0 =	sgt.u32 s4, $0x4E1  }
0xc: {  	s10 =	sadd.s32 @!p0 $0x0, s7;
	s11 =	simm.s32 @!p0 $0x0;
	s14 =	simm.s32 @!p0 $0x4  }
0xd: {  	[tilespmem:s11], [sflag:$0x4] =	stream.linear.gather @!p0 [hbm4b:s10+s11], $0x80, $0x38;
	[tilespmem:$0x8100] =	vst v63  }
0xe: {  	_ =	swait.ge @!p0 [sflag:s14], $0x80;
	p0 =	por p0, p0  }
0xf: {  	[sflag:s14] =	ssyncset.done @!p0 $0x0  }
0x10: {  	s10 =	sadd.s32 @!p0 $0x0, s6;
	s12 =	simm.s32 @!p0 $0x80;
	[sflag:s14] =	ssyncadd.s32 @!p0 $0xFFFFFF80  }
0x11: {  	[tilespmem:s12], [sflag:$0x4] =	stream.linear.gather @!p0 [hbm4b:s10+s11], $0x80, $0x38;
	[tilespmem:$0x8100] =	vst v63  }
0x12: {  	_ =	swait.ge @!p0 [sflag:s14], $0x80  }
0x13: {  	[sflag:s14] =	ssyncset.done @!p0 $0x0  }
0x14: {  	s10 =	simm.s32 @!p0 $0x100;
	[sflag:s14] =	ssyncadd.s32 @!p0 $0xFFFFFF80  }
0x15: {  	[tilespmem:s10], [sflag:$0x1] =	stream.indirect.gather @!p0 [hbm4b:s3+s12], $0x80, s11, s12, $0xb8;
	[tilespmem:$0x8100] =	vst v63  }
0x16: {  	s15 =	simm.s32 @!p0 $0x4100;
	s13 =	simm.s32 @!p0 $0x1  }
0x17: {  	[tilespmem:s15], [sflag:$0x2] =	stream.indirect.gather @!p0 [hbm4b:s3+s12], $0x80, s12, s12, $0xb8;
	[tilespmem:$0x8100] =	vst v63  }
0x18: {  	_ =	swait.ge @!p0 [sflag:s13], $0x4000  }
0x19: {  	[sflag:s13] =	ssyncset.done @!p0 $0x0  }
0x1a: {  	s12 =	simm.s32 @!p0 $0x2;
	[sflag:s13] =	ssyncadd.s32 @!p0 $0xFFFFC000  }
0x1b: {  	_ =	swait.ge @!p0 [sflag:s12], $0x4000  }
0x1c: {  	[sflag:s12] =	ssyncset.done @!p0 $0x0  }
0x1d: {  	[sflag:s12] =	ssyncadd.s32 @!p0 $0xFFFFC000  }
0x1e: {  	[hbm4b:s9+s11] =	stream.linear.scatter @!p0 [tilespmem:s10], [sflag:$0x4], $0x4000, $0x38;
	[tilespmem:$0x8100] =	vst v63  }
0x1f: {  	_ =	swait.ge @!p0 [sflag:s14], $0x4000  }
0x20: {  	[sflag:s14] =	ssyncset.done @!p0 $0x0  }
0x21: {  	s13 =	simm.s32 $0x400;
	s12 =	simm.s32 $0x200;
	[sflag:s14] =	ssyncadd.s32 @!p0 $0xFFFFC000  }
0x22: {  	[hbm4b:s8+s11] =	stream.linear.scatter @!p0 [tilespmem:s15], [sflag:$0x3], $0x4000, $0x38;
	[tilespmem:$0x8100] =	vst v63  }
0x23: {  	s10 =	sadd.s32 $0x10000, s9;
	s14 =	sadd.s32 $0x20, s4;
	s15 =	simm.s32 @!p0 $0x3  }
0x24: {  	p2 =	sgt.u32 s14, $0x4E1;
	s11 =	sadd.s32 $0x10000, s8;
	_ =	swait.ge @!p0 [sflag:s15], $0x4000  }
.LBB2_2:
0x25: {  	s16 =	sadd.s32 @!p2 s12, s7  }
0x26: {  	s17 =	simm.s32 @!p2 $0x0;
	[sflag:s15] =	ssyncset.done @!p0 $0x0;
	s18 =	smov.u32 s13  }
0x27: {  	s13 =	sadd.s32 $0x200, s13;
	s19 =	simm.s32 @!p2 $0x4;
	[sflag:s15] =	ssyncadd.s32 @!p0 $0xFFFFC000  }
0x28: {  	[tilespmem:s17], [sflag:$0x4] =	stream.linear.gather @!p2 [hbm4b:s16+s17], $0x80, $0x38;
	[tilespmem:$0x8100] =	vst v63  }
0x29: {  	p1 =	sne.s32 s13, $0x5000;
	p0 =	por p2, p2;
	_ =	swait.ge @!p2 [sflag:s19], $0x80  }
0x2a: {  	[sflag:s19] =	ssyncset.done @!p0 $0x0  }
0x2b: {  	s12 =	sadd.s32 @!p0 s12, s6;
	s15 =	simm.s32 @!p0 $0x80;
	[sflag:s19] =	ssyncadd.s32 @!p0 $0xFFFFFF80  }
0x2c: {  	[tilespmem:s15], [sflag:$0x4] =	stream.linear.gather @!p0 [hbm4b:s12+s17], $0x80, $0x38;
	[tilespmem:$0x8100] =	vst v63  }
0x2d: {  	s12 =	smov.u32 s18;
	_ =	swait.ge @!p0 [sflag:s19], $0x80  }
0x2e: {  	[sflag:s19] =	ssyncset.done @!p0 $0x0  }
0x2f: {  	s16 =	simm.s32 @!p0 $0x100;
	[sflag:s19] =	ssyncadd.s32 @!p0 $0xFFFFFF80  }
0x30: {  	[tilespmem:s16], [sflag:$0x1] =	stream.indirect.gather @!p0 [hbm4b:s3+s15], $0x80, s17, s15, $0xb8;
	[tilespmem:$0x8100] =	vst v63  }
0x31: {  	s20 =	simm.s32 @!p0 $0x1;
	s18 =	simm.s32 @!p0 $0x4100  }
0x32: {  	[tilespmem:s18], [sflag:$0x2] =	stream.indirect.gather @!p0 [hbm4b:s3+s15], $0x80, s15, s15, $0xb8;
	[tilespmem:$0x8100] =	vst v63  }
0x33: {  	_ =	swait.ge @!p0 [sflag:s20], $0x4000  }
0x34: {  	[sflag:s20] =	ssyncset.done @!p0 $0x0  }
0x35: {  	s15 =	simm.s32 @!p0 $0x2;
	[sflag:s20] =	ssyncadd.s32 @!p0 $0xFFFFC000  }
0x36: {  	_ =	swait.ge @!p0 [sflag:s15], $0x4000  }
0x37: {  	[sflag:s15] =	ssyncset.done @!p0 $0x0  }
0x38: {  	[sflag:s15] =	ssyncadd.s32 @!p0 $0xFFFFC000  }
0x39: {  	[hbm4b:s10+s17] =	stream.linear.scatter @!p0 [tilespmem:s16], [sflag:$0x4], $0x4000, $0x38;
	[tilespmem:$0x8100] =	vst v63  }
.Ltmp0:
0x3a: {  	_ =	swait.ge @!p0 [sflag:s19], $0x4000;
	(pc) =	sbr.rel @p1 .LBB2_2-.Ltmp0, $4  }
0x3b: {  	s10 =	sadd.s32 $0x10000, s10;
	[sflag:s19] =	ssyncset.done @!p0 $0x0  }
0x3c: {  	s14 =	sadd.s32 $0x20, s14;
	s15 =	simm.s32 @!p0 $0x3;
	[sflag:s19] =	ssyncadd.s32 @!p0 $0xFFFFC000  }
0x3d: {  	[hbm4b:s11+s17] =	stream.linear.scatter @!p0 [tilespmem:s18], [sflag:$0x3], $0x4000, $0x38;
	[tilespmem:$0x8100] =	vst v63  }
0x3e: {  	p2 =	sgt.u32 s14, $0x4E1;
	s11 =	sadd.s32 $0x10000, s11;
	_ =	swait.ge @!p0 [sflag:s15], $0x4000  }
0x3f: {  	s13 =	sadd.s32 @!p2 s12, s7;
	[sflag:s15] =	ssyncset.done @!p0 $0x0  }
0x40: {  	s14 =	simm.s32 @!p2 $0x0;
	s16 =	simm.s32 @!p2 $0x4;
	[sflag:s15] =	ssyncadd.s32 @!p0 $0xFFFFC000  }
0x41: {  	[tilespmem:s14], [sflag:$0x4] =	stream.linear.gather @!p2 [hbm4b:s13+s14], $0x80, $0x38;
	[tilespmem:$0x8100] =	vst v63  }
0x42: {  	p0 =	por p2, p2;
	_ =	swait.ge @!p2 [sflag:s16], $0x80  }
0x43: {  	[sflag:s16] =	ssyncset.done @!p0 $0x0  }
0x44: {  	s12 =	sadd.s32 @!p0 s12, s6;
	s13 =	simm.s32 @!p0 $0x80;
	[sflag:s16] =	ssyncadd.s32 @!p0 $0xFFFFFF80  }
0x45: {  	[tilespmem:s13], [sflag:$0x4] =	stream.linear.gather @!p0 [hbm4b:s12+s14], $0x80, $0x38;
	[tilespmem:$0x8100] =	vst v63  }
0x46: {  	_ =	swait.ge @!p0 [sflag:s16], $0x80  }
0x47: {  	[sflag:s16] =	ssyncset.done @!p0 $0x0  }
0x48: {  	s12 =	simm.s32 @!p0 $0x100;
	[sflag:s16] =	ssyncadd.s32 @!p0 $0xFFFFFF80  }
0x49: {  	[tilespmem:s12], [sflag:$0x1] =	stream.indirect.gather @!p0 [hbm4b:s3+s13], $0x80, s14, s13, $0xb8;
	[tilespmem:$0x8100] =	vst v63  }
0x4a: {  	s15 =	simm.s32 @!p0 $0x4100;
	s17 =	simm.s32 @!p0 $0x1  }
0x4b: {  	[tilespmem:s15], [sflag:$0x2] =	stream.indirect.gather @!p0 [hbm4b:s3+s13], $0x80, s13, s13, $0xb8;
	[tilespmem:$0x8100] =	vst v63  }
0x4c: {  	_ =	swait.ge @!p0 [sflag:s17], $0x4000  }
0x4d: {  	[sflag:s17] =	ssyncset.done @!p0 $0x0  }
0x4e: {  	s13 =	simm.s32 @!p0 $0x2;
	[sflag:s17] =	ssyncadd.s32 @!p0 $0xFFFFC000  }
0x4f: {  	_ =	swait.ge @!p0 [sflag:s13], $0x4000  }
0x50: {  	[sflag:s13] =	ssyncset.done @!p0 $0x0  }
0x51: {  	[sflag:s13] =	ssyncadd.s32 @!p0 $0xFFFFC000  }
0x52: {  	[hbm4b:s10+s14] =	stream.linear.scatter @!p0 [tilespmem:s12], [sflag:$0x4], $0x4000, $0x38;
	[tilespmem:$0x8100] =	vst v63  }
0x53: {  	s2 =	sadd.s32 $0x1, s2;
	_ =	swait.ge @!p0 [sflag:s16], $0x4000  }
0x54: {  	p1 =	sne.s32 s2, s5;
	[sflag:s16] =	ssyncset.done @!p0 $0x0  }
.Ltmp1:
0x55: {  	s10 =	simm.s32 @!p0 $0x3;
	[sflag:s16] =	ssyncadd.s32 @!p0 $0xFFFFC000;
	(pc) =	sbr.rel @p1 .LBB2_1-.Ltmp1, $4  }
0x56: {  	[hbm4b:s11+s14] =	stream.linear.scatter @!p0 [tilespmem:s15], [sflag:$0x3], $0x4000, $0x38;
	[tilespmem:$0x8100] =	vst v63  }
0x57: {  	_ =	swait.ge @!p0 [sflag:s10], $0x4000  }
0x58: {  	[sflag:s10] =	ssyncset.done @!p0 $0x0  }
0x59: {  	[sflag:s10] =	ssyncadd.s32 @!p0 $0xFFFFC000  }
0x5a: {  	_ =	sfence.sel $0x180000  }
0x5b: {  	[bflag:$0x0] =	sbarrier.arrive $0xFFFF  }
0x5c: {  	p0 =	sne.s32 s1, $0x0;
	_ =	strace $0x90000059  }
0x5d: {  	s0 =	sadd.s32 @!p0 $0x100000, s0;
	[bflag:$0x2] =	sbarrier.arrive $0xFFFF  }
0x5e: {  	[sflag:s0] =	ssyncadd.tile.s32 @!p0 $0x1;
	_ =	shalt  }
.Lfunc_end2:
_tile_overlayer_lowered:
.L_overlay_start_2:
0x5f: {  	(tag) =	ssettag $0x2  }
0x60: {  	s0 =	rddreg [dreg:$0x0];
	s2 =	stileid.u32  }
0x61: {  	s1 =	rddreg [dreg:$0x1];
	p0 =	sne.s32 s2, $0x0  }
0x62: {  	s3 =	rddreg [dreg:$0x2];
	[bflag:$0x3] =	sbarrier.arrive $0xFFFF;
	s2 =	simm.s32 @!p0 $0x1C03  }
0x63: {  	[timem:s3], [sflag:s2] =	dma.local @!p0 [hbm:s0], s1  }
0x64: {  	s0 =	simm.s32 @!p0 $0x3  }
0x65: {  	_ =	swait.ge @!p0 [sflag:s0], s1  }
0x66: {  	s1 =	ssub.s32 @!p0 $0x0, s1;
	[sflag:s0] =	ssyncset.done @!p0 $0x0  }
0x67: {  	[sflag:s0] =	ssyncadd.s32 @!p0 s1  }
0x68: {  	[bflag:$0x3] =	sbarrier.arrive $0xFFFF  }
0x69: {  	_ =	shalt  }

// kernel: kernel.58.cloned.1.call-start
scs
__scs_entry_jumppad:
0x0: {  	(pc) =	sbr.rel $0x88, $3  }
0x1: {  	(tag) =	ssettag $0x0;
	lr =	simm.s32 $0x1  }
0x2: {  	[smem:$0x3F3F] =	sst lr;
	_ =	strace $0xD0000000  }
0x3: {  	_ = 	snop  }
0x4: {  	_ = 	snop  }
0x5: {  	_ = 	snop  }
0x6: {  	_ = 	snop  }
0x7: {  	_ = 	snop  }
__scs_overlays_trampoline_lowered:
0x8: {  	[smem:$0x3F4E] =	sst s0  }
0x9: {  	[smem:$0x3F4F] =	sst s1  }
0xa: {  	[smem:$0x3F50] =	sst s2  }
0xb: {  	[smem:$0x3F51] =	sst s3  }
0xc: {  	[smem:$0x3F52] =	sst s4  }
0xd: {  	[smem:$0x3F53] =	sst s5  }
0xe: {  	[smem:$0x3F54] =	sst s6  }
0xf: {  	[smem:$0x3F55] =	sst s7  }
0x10: {  	[smem:$0x3F56] =	sst s8  }
0x11: {  	[smem:$0x3F57] =	sst s9;
	s0 =	simm.s32 @!p0 $0x0  }
0x12: {  	s1 =	sld [smem:$0x3F3D];
	s0 =	simm.s32 @p0 $0x1  }
0x13: {  	[smem:$0x3F58] =	sst s0;
	s0 =	simm.s32 @!p1 $0x0  }
0x14: {  	s2 =	sld [smem:$0x3F3C];
	s0 =	simm.s32 @p1 $0x1  }
0x15: {  	[smem:$0x3F59] =	sst s0;
	s0 =	simm.s32 @!p2 $0x0  }
0x16: {  	s3 =	sld [smem:$0x3FDB];
	s0 =	simm.s32 @p2 $0x1  }
0x17: {  	s4 =	simm.s32 $0x1BF5;
	[smem:$0x3F5B] =	sst s0  }
0x18: {  	s0 =	sld [smem:$0x3F3E];
	_ =	swait.ge [sflag:s4], $0x0  }
0x19: {  	s7 =	sld [smem:$0x3F3F]  }
0x1a: {  	s8 =	sadd.s32 $0xFFFFE003, lr  }
0x1b: {  	s9 =	sadd.s32 $0xFFFFFEF7, lr;
	s5 =	simm.s32 $0xFFFFFFFF;
	p2 =	slt.u32 s8, $0xFFFFF086  }
0x1c: {  	p1 =	slt.u32 s9, $0xF7A;
	s5 =	simm.s32 @!p2 $0x0  }
0x1d: {  	s5 =	simm.s32 @p1 $0x1;
	p0 =	seq.s32 s7, s2  }
0x1e: {  	s7 =	smul.u32 @!p0 $0xF7A, s2;
	p2 =	seq.s32 @!p0 s5, $0x0  }
0x1f: {  	s9 =	smul.u32 $0xF7A, s1;
	s8 =	simm.s32 @!p0 $0x1BF5;
	p2 =	por !p2, p0  }
0x20: {  	[sflag:s8] =	ssyncset.s32 @!p0 $0xFFFFF086;
	s6 =	sadd.s32 @!p0 s3, s7;
	s7 =	simm.s32 @!p0 $0x108  }
0x21: {  	s3 =	sadd.s32 s3, s9;
	s6 =	sadd.s32 @!p0 $0x88, s6;
	s7 =	simm.s32 @p2 $0x1082  }
0x22: {  	[simem:s7], [sflag:s8] =	dma.local @!p0 [hbm:s6], $0xF7A  }
0x23: {  	s9 =	sor.u32 $0xD0000000, s2;
	s6 =	simm.s32 $0x108;
	_ =	swait.ge @!p0 [sflag:s8], $0x0  }
0x24: {  	s3 =	sadd.s32 $0x88, s3;
	s6 =	simm.s32 @!p1 $0x1082;
	[sflag:s4] =	ssyncset.s32 $0xFFFFF086  }
0x25: {  	[simem:s6], [sflag:s4] =	dma.local [hbm:s3], $0xF7A  }
0x26: {  	[smem:$0x3F3F] =	sst s1;
	(tag) =	ssettag s2;
	_ =	strace s9  }
0x27: {  	s1 =	sld [smem:$0x3F4F]  }
0x28: {  	s2 =	sld [smem:$0x3F50]  }
0x29: {  	s4 =	sld [smem:$0x3F52]  }
0x2a: {  	p0 =	seq.s32 s5, $0x0;
	s5 =	sld [smem:$0x3F53]  }
0x2b: {  	s6 =	sld [smem:$0x3F54]  }
0x2c: {  	s7 =	sld [smem:$0x3F55]  }
0x2d: {  	s3 =	simm.s32 $0x108;
	s8 =	sld [smem:$0x3F56]  }
0x2e: {  	s3 =	simm.s32 @!p0 $0x1082;
	s9 =	sld [smem:$0x3F57]  }
0x2f: {  	lr =	sadd.s32 s0, s3;
	s0 =	sld [smem:$0x3F4E]  }
0x30: {  	s3 =	sld [smem:$0x3F51]  }
0x31: {  	[smem:$0x3F5A] =	sst s10  }
0x32: {  	s10 =	sld [smem:$0x3F58];
	_ =	sdelay $0x3  }
0x33: {  	p0 =	seq.s32 s10, $0x1;
	s10 =	sld [smem:$0x3F5A];
	_ =	sdelay $0x3  }
0x34: {  	[smem:$0x3F5A] =	sst s10  }
0x35: {  	s10 =	sld [smem:$0x3F59];
	_ =	sdelay $0x3  }
0x36: {  	p1 =	seq.s32 s10, $0x1;
	s10 =	sld [smem:$0x3F5A];
	_ =	sdelay $0x3  }
0x37: {  	[smem:$0x3F5A] =	sst s10  }
0x38: {  	s10 =	sld [smem:$0x3F5B]  }
0x39: {  	_ = 	snop;
	(pc) =	sbr.ind lr, $3  }
0x3a: {  	_ = 	snop  }
0x3b: {  	_ = 	snop  }
0x3c: {  	p2 =	seq.s32 s10, $0x1;
	s10 =	sld [smem:$0x3F5A]  }
0x3d: {  	_ =	shalt  }
0x3e: {  	_ =	shalt  }
0x3f: {  	_ =	shalt  }
0x40: {  	_ =	shalt  }
0x41: {  	_ =	shalt  }
0x42: {  	_ =	shalt  }
0x43: {  	_ =	shalt  }
0x44: {  	_ =	shalt  }
0x45: {  	_ =	shalt  }
0x46: {  	_ =	shalt  }
0x47: {  	_ =	shalt  }
0x48: {  	_ =	shalt  }
0x49: {  	_ =	shalt  }
0x4a: {  	_ =	shalt  }
0x4b: {  	_ =	shalt  }
0x4c: {  	_ =	shalt  }
0x4d: {  	_ =	shalt  }
0x4e: {  	_ =	shalt  }
0x4f: {  	_ =	shalt  }
0x50: {  	_ =	shalt  }
0x51: {  	_ =	shalt  }
0x52: {  	_ =	shalt  }
0x53: {  	_ =	shalt  }
0x54: {  	_ =	shalt  }
0x55: {  	_ =	shalt  }
0x56: {  	_ =	shalt  }
0x57: {  	_ =	shalt  }
0x58: {  	_ =	shalt  }
0x59: {  	_ =	shalt  }
0x5a: {  	_ =	shalt  }
0x5b: {  	_ =	shalt  }
0x5c: {  	_ =	shalt  }
0x5d: {  	_ =	shalt  }
0x5e: {  	_ =	shalt  }
0x5f: {  	_ =	shalt  }
0x60: {  	_ =	shalt  }
0x61: {  	_ =	shalt  }
0x62: {  	_ =	shalt  }
0x63: {  	_ =	shalt  }
0x64: {  	_ =	shalt  }
0x65: {  	_ =	shalt  }
0x66: {  	_ =	shalt  }
0x67: {  	_ =	shalt  }
0x68: {  	_ =	shalt  }
0x69: {  	_ =	shalt  }
0x6a: {  	_ =	shalt  }
0x6b: {  	_ =	shalt  }
0x6c: {  	_ =	shalt  }
0x6d: {  	_ =	shalt  }
0x6e: {  	_ =	shalt  }
0x6f: {  	_ =	shalt  }
0x70: {  	_ =	shalt  }
0x71: {  	_ =	shalt  }
0x72: {  	_ =	shalt  }
0x73: {  	_ =	shalt  }
0x74: {  	_ =	shalt  }
0x75: {  	_ =	shalt  }
0x76: {  	_ =	shalt  }
0x77: {  	_ =	shalt  }
0x78: {  	_ =	shalt  }
0x79: {  	_ =	shalt  }
0x7a: {  	_ =	shalt  }
0x7b: {  	_ =	shalt  }
0x7c: {  	_ =	shalt  }
0x7d: {  	_ =	shalt  }
0x7e: {  	_ =	shalt  }
0x7f: {  	_ =	shalt  }
0x80: {  	_ =	shalt  }
0x81: {  	_ =	shalt  }
0x82: {  	_ =	shalt  }
0x83: {  	_ =	shalt  }
0x84: {  	_ =	shalt  }
0x85: {  	_ =	shalt  }
0x86: {  	_ =	shalt  }
0x87: {  	_ =	shalt  }
.Lfunc_end0:
.L_simem_size_0:
called_computation.7_lowered:
.L_overlay_start_0:
0x88: {  	s2 =	sld [smem:$0x3FD9]  }
0x89: {  	s3 =	sld [smem:$0x3FFE];
	_ =	sdelay $0x1  }
0x8a: {  	s1 =	srdreg.scid  }
0x8b: {  	s0 =	sand.u32 $0x1, s1  }
0x8c: {  	s16 =	sshll.u32 s0, $0xA;
	s2 =	sadd.s32 s3, s2  }
0x8d: {  	s2 =	sadd.s32 s2, s16  }
0x8e: {  	[smem:$0x3F66] =	sst s2  }
0x8f: {  	_ = 	snop  }
0x90: {  	(tm) =	ssettm $0x1  }
0x91: {  	s17 =	sld [smem:$0x3FFB];
	_ =	sdelay $0x3  }
0x92: {  	_ =	strace s17  }
0x93: {  	s2 =	sld [smem:$0x3FFC];
	_ =	sdelay $0x3  }
0x94: {  	_ =	strace s2  }
0x95: {  	s2 =	sld [smem:$0x3FFD];
	_ =	sdelay $0x3  }
0x96: {  	_ =	strace s2  }
0x97: {  	_ =	strace $0x8FFFFFFF  }
0x98: {  	s18 =	sld [smem:$0x3FDB];
	_ =	sdelay $0x1  }
0x99: {  	s19 =	simm.s32 $_scs_section_size  }
0x9a: {  	s4 =	simm.s32 $_size__tile_overlayer_lowered;
	s5 =	simm.s32 $_tile_overlayer_lowered  }
0x9b: {  	s22 =	simm.s32 $0x1BFF;
	s21 =	sshll.u32 s5, $0x1;
	s2 =	sadd.s32 s19, s18  }
0x9c: {  	s6 =	simm.s32 $0x0;
	s20 =	sshll.u32 s4, $0x1;
	s4 =	sadd.s32 s21, s2  }
0x9d: {  	[timem:s6], [sflag:s22] =	dma.local [hbm:s4], s20  }
0x9e: {  	_ =	swait.ge [sflag:s22], s20  }
0x9f: {  	s3 =	ssub.s32 $0x0, s20;
	[sflag:s22] =	ssyncset.done $0x0  }
0xa0: {  	[sflag:s22] =	ssyncadd.s32 s3;
	_ =	sdelay $0x1  }
0xa1: {  	s23 =	simm.s32 $0x1B8B  }
0xa2: {  	_ =	swait.ge [sflag:s23], $0x1  }
0xa3: {  	[sflag:s23] =	ssyncset.done $0x0  }
0xa4: {  	s25 =	simm.s32 $0x1B8E;
	s24 =	sld [smem:$0x3FFE];
	[sflag:s23] =	ssyncadd.s32 $0xFFFFFFFF  }
0xa5: {  	s26 =	simm.s32 $execute0_lowered;
	[smem:$0x3FD2] =	sst s25  }
0xa6: {  	s4 =	sshll.u32 s26, $0x1;
	_ =	strace $0x8000005B;
	[dreg:$0x1] =	wrdreg $0xFFFFFFFF  }
0xa7: {  	s28 =	simm.s32 $_size_execute0_lowered;
	s2 =	sadd.s32 s2, s4;
	[dreg:$0x0] =	wrdreg $0x0  }
0xa8: {  	s4 =	sshll.u32 s28, $0x1;
	[dreg:$0x2] =	wrdreg s2  }
0xa9: {  	[dreg:$0x3] =	wrdreg s4  }
0xaa: {  	[dreg:$0x4] =	wrdreg $0xC0  }
0xab: {  	_ =	task [dreg:s6], $0x5FFFF  }
0xac: {  	[dreg:$0x1] =	wrdreg $0xFFFFFFFF  }
0xad: {  	[dreg:$0x0] =	wrdreg $0x60  }
0xae: {  	[dreg:$0x2] =	wrdreg s24  }
0xaf: {  	[dreg:$0x3] =	wrdreg $0x40800  }
0xb0: {  	[dreg:$0x4] =	wrdreg $0x9  }
0xb1: {  	_ =	task.clear_ibuf [dreg:s6], $0x5FFFF;
	_ =	strace $0x9000005B  }
0xb2: {  	s29 =	simm.s32 $0x9;
	_ =	strace $0x8000005D  }
0xb3: {  	_ =	swait.ge [sflag:s29], $0x1  }
0xb4: {  	[sflag:s29] =	ssyncadd.s32 $0xFFFFFFFF  }
0xb5: {  	_ =	strace $0x9000005D  }
0xb6: {  	_ =	sfence  }
0xb7: {  	s30 =	sld [smem:$0x0];
	_ =	sdelay $0x2  }
0xb8: {  	s31 =	sshll.u32 s1, $0xD;
	s1 =	sshrl.u32 s1, $0x2  }
0xb9: {  	s3 =	sand.u32 $0x4000, s31;
	s1 =	sadd.s32 s1, s30  }
0xba: {  	s0 =	sor.u32 s3, s0;
	s1 =	sshll.u32 s1, $0x11  }
0xbb: {  	s0 =	sor.u32 s1, s0  }
0xbc: {  	s0 =	sadd.s32 $0x8F2B, s0  }
0xbd: {  	[sflag:s0] =	ssyncadd.remote.s32 $0x1  }
0xbe: {  	_ =	sfence.sel $0xFFFF  }
0xbf: {  	[dreg:$0x0] =	wrdreg $0xFFFFFFFF;
	(pc) =	sbr.abs _section_cstart, $3  }
0xc0: {  	[dreg:$0x1] =	wrdreg $0xFFFFFFFF  }
0xc1: {  	_ =	task.clear_ibuf [dreg:s6], $0x2FFFF;
	_ =	strace $0x9FFFFFFF  }
0xc2: {  	(tm) =	ssettm $0x7FFFFFFF  }
0xc3: {  	_ =	shalt  }
tec
execute0_lowered:
.L_overlay_start_1:
0x0: {  	(tag) =	ssettag $0x1  }
0x1: {  	s4 =	rddreg [dreg:$0x0]  }
0x2: {  	s1 =	rddreg [dreg:$0x1]  }
0x3: {  	s0 =	rddreg [dreg:$0x2]  }
0x4: {  	s2 =	simm.s32 $0x0;
	s3 =	srdreg.scid;
	s7 =	stileid.u32  }
0x5: {  	[smem:$0x7FF] =	sst s2;
	s8 =	sand.u32 $0x1, s3;
	s28 =	sshll.u32 s7, $0xC  }
0x6: {  	s5 =	sshll.u32 s7, $0x5;
	s3 =	sadd.s32 $0x24600, s4;
	p0 =	sne.s32 s7, $0x0  }
0x7: {  	_ =	strace $0x8000005C;
	s6 =	smul.u32 $0x27100, s8;
	s9 =	sadd.s32 s28, s4  }
0x8: {  	s10 =	sadd.s32 s5, s4;
	s29 =	ssub.s32 $0x2, s8;
	s31 =	sshll.u32 s8, $0xB  }
0x9: {  	s8 =	sshll.u32 s8, $0x4;
	s30 =	sshrl.u32 s29, $0x1;
	s9 =	sadd.s32 s31, s9  }
0xa: {  	s8 =	sadd.s32 s8, s10;
	s6 =	sadd.s32 s6, s4;
	s11 =	ssub.s32 s29, s30  }
0xb: {  	s4 =	sshll.u32 s7, $0x1;
	s7 =	sadd.s32 $0x5CA600, s9;
	s8 =	sadd.s32 $0x1F600, s8  }
0xc: {  	s9 =	sshrl.u32 @!p0 s1, $0x3;
	s5 =	sadd.s32 $0xC0E00, s6;
	s6 =	smax.u32 s11, $0x1  }
.LBB2_1:
0xd: {  	s10 =	simm.s32 @!p0 $0x1C01  }
0xe: {  	[spmem:s9], [sflag:s10] =	dma.local @!p0 [hbm:s3], $0x27100  }
0xf: {  	s10 =	simm.s32 @!p0 $0x1  }
0x10: {  	_ =	swait.ge @!p0 [sflag:s10], $0x27100  }
0x11: {  	s11 =	sadd.s32 $0x0, s4;
	[sflag:s10] =	ssyncset.done @!p0 $0x0  }
0x12: {  	p1 =	sgt.u32 s11, $0x4E1;
	[sflag:s10] =	ssyncadd.s32 @!p0 $0xFFFD8F00  }
0x13: {  	s12 =	simm.s32 @!p1 $0x2;
	s10 =	simm.s32 @!p1 $0x0;
	[bflag:$0x0] =	sbarrier.arrive $0xFFFF  }
0x14: {  	[tilespmem:s10], [sflag:$0x2] =	stream.linear.gather @!p1 [hbm4b:s8+s10], $0x80, $0x38;
	[tilespmem:$0x17900] =	vst v63  }
0x15: {  	_ =	swait.ge @!p1 [sflag:s12], $0x80  }
0x16: {  	[sflag:s12] =	ssyncset.done @!p1 $0x0;
	p1 =	por p1, p1  }
0x17: {  	[sflag:s12] =	ssyncadd.s32 @!p1 $0xFFFFFF80;
	s14 =	simm.s32 @!p1 $0x80  }
0x18: {  	[tilespmem:s14], [sflag:$0x2] =	stream.linear.gather @!p1 [hbm4b:s7+s10], $0x4000, $0x38;
	[tilespmem:$0x17900] =	vst v63  }
0x19: {  	_ =	swait.ge @!p1 [sflag:s12], $0x4000  }
0x1a: {  	[sflag:s12] =	ssyncset.done @!p1 $0x0  }
0x1b: {  	s31 =	sadd.s32 $0x20, s4;
	s13 =	simm.s32 @!p1 $0x1;
	[sflag:s12] =	ssyncadd.s32 @!p1 $0xFFFFC000  }
0x1c: {  	[spmem:s1] =	stream.indirect.scatter.add.f32 @!p1 [tilespmem:s14], [sflag:$0x1], $0x80, s10, s14, $0xb8;
	[tilespmem:$0x17900] =	vst v63  }
0x1d: {  	s11 =	simm.s32 $0x40;
	p2 =	sgt.u32 s31, $0x4E1;
	_ =	swait.ge @!p1 [sflag:s13], $0x4000  }
0x1e: {  	s12 =	sadd.s32 $0x200, s8;
	s10 =	sadd.s32 $0x10000, s7;
	[sflag:s13] =	ssyncset.done @!p1 $0x0  }
.LBB2_2:
0x1f: {  	s14 =	simm.s32 @!p2 $0x0;
	s15 =	simm.s32 @!p2 $0x2;
	[sflag:s13] =	ssyncadd.s32 @!p1 $0xFFFFC000  }
0x20: {  	[tilespmem:s14], [sflag:$0x2] =	stream.linear.gather @!p2 [hbm4b:s12+s14], $0x80, $0x38;
	[tilespmem:$0x17900] =	vst v63  }
0x21: {  	s16 =	smov.u32 s11;
	s11 =	sadd.s32 $0x20, s11;
	_ =	swait.ge @!p2 [sflag:s15], $0x80  }
0x22: {  	p1 =	por p2, p2;
	p3 =	sne.s32 s11, $0x500;
	[sflag:s15] =	ssyncset.done @!p2 $0x0  }
0x23: {  	s17 =	simm.s32 @!p1 $0x80;
	[sflag:s15] =	ssyncadd.s32 @!p1 $0xFFFFFF80  }
0x24: {  	[tilespmem:s17], [sflag:$0x2] =	stream.linear.gather @!p1 [hbm4b:s10+s14], $0x4000, $0x38;
	[tilespmem:$0x17900] =	vst v63  }
0x25: {  	_ =	swait.ge @!p1 [sflag:s15], $0x4000  }
.Ltmp0:
0x26: {  	[sflag:s15] =	ssyncset.done @!p1 $0x0;
	(pc) =	sbr.rel @p3 .LBB2_2-.Ltmp0, $4  }
0x27: {  	s13 =	simm.s32 @!p1 $0x1;
	[sflag:s15] =	ssyncadd.s32 @!p1 $0xFFFFC000  }
0x28: {  	[spmem:s1] =	stream.indirect.scatter.add.f32 @!p1 [tilespmem:s17], [sflag:$0x1], $0x80, s14, s17, $0xb8;
	[tilespmem:$0x17900] =	vst v63  }
0x29: {  	s12 =	sadd.s32 $0x200, s12;
	s14 =	sadd.s32 s16, s4;
	_ =	swait.ge @!p1 [sflag:s13], $0x4000  }
0x2a: {  	s10 =	sadd.s32 $0x10000, s10;
	p2 =	sgt.u32 s14, $0x4E1;
	[sflag:s13] =	ssyncset.done @!p1 $0x0  }
0x2b: {  	s11 =	simm.s32 @!p2 $0x0;
	s14 =	simm.s32 @!p2 $0x2;
	[sflag:s13] =	ssyncadd.s32 @!p1 $0xFFFFC000  }
0x2c: {  	[tilespmem:s11], [sflag:$0x2] =	stream.linear.gather @!p2 [hbm4b:s12+s11], $0x80, $0x38;
	[tilespmem:$0x17900] =	vst v63  }
0x2d: {  	_ =	swait.ge @!p2 [sflag:s14], $0x80  }
0x2e: {  	p1 =	por p2, p2;
	[sflag:s14] =	ssyncset.done @!p2 $0x0  }
0x2f: {  	s12 =	simm.s32 @!p1 $0x80;
	[sflag:s14] =	ssyncadd.s32 @!p1 $0xFFFFFF80  }
0x30: {  	[tilespmem:s12], [sflag:$0x2] =	stream.linear.gather @!p1 [hbm4b:s10+s11], $0x4000, $0x38;
	[tilespmem:$0x17900] =	vst v63  }
0x31: {  	_ =	swait.ge @!p1 [sflag:s14], $0x4000  }
0x32: {  	[sflag:s14] =	ssyncset.done @!p1 $0x0  }
0x33: {  	s10 =	simm.s32 @!p1 $0x1;
	[sflag:s14] =	ssyncadd.s32 @!p1 $0xFFFFC000  }
0x34: {  	[spmem:s1] =	stream.indirect.scatter.add.f32 @!p1 [tilespmem:s12], [sflag:$0x1], $0x80, s11, s12, $0xb8;
	[tilespmem:$0x17900] =	vst v63  }
0x35: {  	_ =	swait.ge @!p1 [sflag:s10], $0x4000  }
0x36: {  	[sflag:s10] =	ssyncset.done @!p1 $0x0  }
0x37: {  	s2 =	sadd.s32 $0x1, s2;
	[sflag:s10] =	ssyncadd.s32 @!p1 $0xFFFFC000  }
0x38: {  	s10 =	simm.s32 @!p0 $0x1C01;
	p1 =	sne.s32 s2, s6;
	[bflag:$0x0] =	sbarrier.arrive $0xFFFF  }
0x39: {  	[hbm:s5], [sflag:s10] =	dma.local @!p0 [spmem:s9], $0x27100  }
.Ltmp1:
0x3a: {  	_ = 	snop;
	(pc) =	sbr.rel @p1 .LBB2_1-.Ltmp1, $4  }
0x3b: {  	s10 =	simm.s32 @!p0 $0x1  }
0x3c: {  	_ =	swait.ge @!p0 [sflag:s10], $0x27100  }
0x3d: {  	[sflag:s10] =	ssyncset.done @!p0 $0x0  }
0x3e: {  	[sflag:s10] =	ssyncadd.s32 @!p0 $0xFFFD8F00  }
0x3f: {  	_ =	sfence.sel $0x180000  }
0x40: {  	[bflag:$0x0] =	sbarrier.arrive $0xFFFF  }
0x41: {  	_ =	strace $0x9000005C  }
0x42: {  	s0 =	sadd.s32 @!p0 $0x100000, s0;
	[bflag:$0x2] =	sbarrier.arrive $0xFFFF  }
0x43: {  	[sflag:s0] =	ssyncadd.tile.s32 @!p0 $0x1;
	_ =	shalt  }
.Lfunc_end2:
_tile_overlayer_lowered:
.L_overlay_start_2:
0x44: {  	(tag) =	ssettag $0x2  }
0x45: {  	s0 =	rddreg [dreg:$0x0];
	s2 =	stileid.u32  }
0x46: {  	s1 =	rddreg [dreg:$0x1];
	p0 =	sne.s32 s2, $0x0  }
0x47: {  	s3 =	rddreg [dreg:$0x2];
	[bflag:$0x3] =	sbarrier.arrive $0xFFFF;
	s2 =	simm.s32 @!p0 $0x1C01  }
0x48: {  	[timem:s3], [sflag:s2] =	dma.local @!p0 [hbm:s0], s1  }
0x49: {  	s0 =	simm.s32 @!p0 $0x1  }
0x4a: {  	_ =	swait.ge @!p0 [sflag:s0], s1  }
0x4b: {  	s1 =	ssub.s32 @!p0 $0x0, s1;
	[sflag:s0] =	ssyncset.done @!p0 $0x0  }
0x4c: {  	[sflag:s0] =	ssyncadd.s32 @!p0 s1  }
0x4d: {  	[bflag:$0x3] =	sbarrier.arrive $0xFFFF  }
0x4e: {  	_ =	shalt  }

// kernel: kernel.61.cloned.1.call-start
scs
__scs_entry_jumppad:
0x0: {  	(pc) =	sbr.rel $0x88, $3  }
0x1: {  	(tag) =	ssettag $0x0;
	lr =	simm.s32 $0x1  }
0x2: {  	[smem:$0x3F3F] =	sst lr;
	_ =	strace $0xD0000000  }
0x3: {  	_ = 	snop  }
0x4: {  	_ = 	snop  }
0x5: {  	_ = 	snop  }
0x6: {  	_ = 	snop  }
0x7: {  	_ = 	snop  }
__scs_overlays_trampoline_lowered:
0x8: {  	[smem:$0x3F4E] =	sst s0  }
0x9: {  	[smem:$0x3F4F] =	sst s1  }
0xa: {  	[smem:$0x3F50] =	sst s2  }
0xb: {  	[smem:$0x3F51] =	sst s3  }
0xc: {  	[smem:$0x3F52] =	sst s4  }
0xd: {  	[smem:$0x3F53] =	sst s5  }
0xe: {  	[smem:$0x3F54] =	sst s6  }
0xf: {  	[smem:$0x3F55] =	sst s7  }
0x10: {  	[smem:$0x3F56] =	sst s8  }
0x11: {  	[smem:$0x3F57] =	sst s9;
	s0 =	simm.s32 @!p0 $0x0  }
0x12: {  	s1 =	sld [smem:$0x3F3D];
	s0 =	simm.s32 @p0 $0x1  }
0x13: {  	[smem:$0x3F58] =	sst s0;
	s0 =	simm.s32 @!p1 $0x0  }
0x14: {  	s2 =	sld [smem:$0x3F3C];
	s0 =	simm.s32 @p1 $0x1  }
0x15: {  	[smem:$0x3F59] =	sst s0;
	s0 =	simm.s32 @!p2 $0x0  }
0x16: {  	s3 =	sld [smem:$0x3FDB];
	s0 =	simm.s32 @p2 $0x1  }
0x17: {  	s4 =	simm.s32 $0x1BF5;
	[smem:$0x3F5B] =	sst s0  }
0x18: {  	s0 =	sld [smem:$0x3F3E];
	_ =	swait.ge [sflag:s4], $0x0  }
0x19: {  	s7 =	sld [smem:$0x3F3F]  }
0x1a: {  	s8 =	sadd.s32 $0xFFFFE003, lr  }
0x1b: {  	s9 =	sadd.s32 $0xFFFFFEF7, lr;
	s5 =	simm.s32 $0xFFFFFFFF;
	p2 =	slt.u32 s8, $0xFFFFF086  }
0x1c: {  	p1 =	slt.u32 s9, $0xF7A;
	s5 =	simm.s32 @!p2 $0x0  }
0x1d: {  	s5 =	simm.s32 @p1 $0x1;
	p0 =	seq.s32 s7, s2  }
0x1e: {  	s7 =	smul.u32 @!p0 $0xF7A, s2;
	p2 =	seq.s32 @!p0 s5, $0x0  }
0x1f: {  	s9 =	smul.u32 $0xF7A, s1;
	s8 =	simm.s32 @!p0 $0x1BF5;
	p2 =	por !p2, p0  }
0x20: {  	[sflag:s8] =	ssyncset.s32 @!p0 $0xFFFFF086;
	s6 =	sadd.s32 @!p0 s3, s7;
	s7 =	simm.s32 @!p0 $0x108  }
0x21: {  	s3 =	sadd.s32 s3, s9;
	s6 =	sadd.s32 @!p0 $0x88, s6;
	s7 =	simm.s32 @p2 $0x1082  }
0x22: {  	[simem:s7], [sflag:s8] =	dma.local @!p0 [hbm:s6], $0xF7A  }
0x23: {  	s9 =	sor.u32 $0xD0000000, s2;
	s6 =	simm.s32 $0x108;
	_ =	swait.ge @!p0 [sflag:s8], $0x0  }
0x24: {  	s3 =	sadd.s32 $0x88, s3;
	s6 =	simm.s32 @!p1 $0x1082;
	[sflag:s4] =	ssyncset.s32 $0xFFFFF086  }
0x25: {  	[simem:s6], [sflag:s4] =	dma.local [hbm:s3], $0xF7A  }
0x26: {  	[smem:$0x3F3F] =	sst s1;
	(tag) =	ssettag s2;
	_ =	strace s9  }
0x27: {  	s1 =	sld [smem:$0x3F4F]  }
0x28: {  	s2 =	sld [smem:$0x3F50]  }
0x29: {  	s4 =	sld [smem:$0x3F52]  }
0x2a: {  	p0 =	seq.s32 s5, $0x0;
	s5 =	sld [smem:$0x3F53]  }
0x2b: {  	s6 =	sld [smem:$0x3F54]  }
0x2c: {  	s7 =	sld [smem:$0x3F55]  }
0x2d: {  	s3 =	simm.s32 $0x108;
	s8 =	sld [smem:$0x3F56]  }
0x2e: {  	s3 =	simm.s32 @!p0 $0x1082;
	s9 =	sld [smem:$0x3F57]  }
0x2f: {  	lr =	sadd.s32 s0, s3;
	s0 =	sld [smem:$0x3F4E]  }
0x30: {  	s3 =	sld [smem:$0x3F51]  }
0x31: {  	[smem:$0x3F5A] =	sst s10  }
0x32: {  	s10 =	sld [smem:$0x3F58];
	_ =	sdelay $0x3  }
0x33: {  	p0 =	seq.s32 s10, $0x1;
	s10 =	sld [smem:$0x3F5A];
	_ =	sdelay $0x3  }
0x34: {  	[smem:$0x3F5A] =	sst s10  }
0x35: {  	s10 =	sld [smem:$0x3F59];
	_ =	sdelay $0x3  }
0x36: {  	p1 =	seq.s32 s10, $0x1;
	s10 =	sld [smem:$0x3F5A];
	_ =	sdelay $0x3  }
0x37: {  	[smem:$0x3F5A] =	sst s10  }
0x38: {  	s10 =	sld [smem:$0x3F5B]  }
0x39: {  	_ = 	snop;
	(pc) =	sbr.ind lr, $3  }
0x3a: {  	_ = 	snop  }
0x3b: {  	_ = 	snop  }
0x3c: {  	p2 =	seq.s32 s10, $0x1;
	s10 =	sld [smem:$0x3F5A]  }
0x3d: {  	_ =	shalt  }
0x3e: {  	_ =	shalt  }
0x3f: {  	_ =	shalt  }
0x40: {  	_ =	shalt  }
0x41: {  	_ =	shalt  }
0x42: {  	_ =	shalt  }
0x43: {  	_ =	shalt  }
0x44: {  	_ =	shalt  }
0x45: {  	_ =	shalt  }
0x46: {  	_ =	shalt  }
0x47: {  	_ =	shalt  }
0x48: {  	_ =	shalt  }
0x49: {  	_ =	shalt  }
0x4a: {  	_ =	shalt  }
0x4b: {  	_ =	shalt  }
0x4c: {  	_ =	shalt  }
0x4d: {  	_ =	shalt  }
0x4e: {  	_ =	shalt  }
0x4f: {  	_ =	shalt  }
0x50: {  	_ =	shalt  }
0x51: {  	_ =	shalt  }
0x52: {  	_ =	shalt  }
0x53: {  	_ =	shalt  }
0x54: {  	_ =	shalt  }
0x55: {  	_ =	shalt  }
0x56: {  	_ =	shalt  }
0x57: {  	_ =	shalt  }
0x58: {  	_ =	shalt  }
0x59: {  	_ =	shalt  }
0x5a: {  	_ =	shalt  }
0x5b: {  	_ =	shalt  }
0x5c: {  	_ =	shalt  }
0x5d: {  	_ =	shalt  }
0x5e: {  	_ =	shalt  }
0x5f: {  	_ =	shalt  }
0x60: {  	_ =	shalt  }
0x61: {  	_ =	shalt  }
0x62: {  	_ =	shalt  }
0x63: {  	_ =	shalt  }
0x64: {  	_ =	shalt  }
0x65: {  	_ =	shalt  }
0x66: {  	_ =	shalt  }
0x67: {  	_ =	shalt  }
0x68: {  	_ =	shalt  }
0x69: {  	_ =	shalt  }
0x6a: {  	_ =	shalt  }
0x6b: {  	_ =	shalt  }
0x6c: {  	_ =	shalt  }
0x6d: {  	_ =	shalt  }
0x6e: {  	_ =	shalt  }
0x6f: {  	_ =	shalt  }
0x70: {  	_ =	shalt  }
0x71: {  	_ =	shalt  }
0x72: {  	_ =	shalt  }
0x73: {  	_ =	shalt  }
0x74: {  	_ =	shalt  }
0x75: {  	_ =	shalt  }
0x76: {  	_ =	shalt  }
0x77: {  	_ =	shalt  }
0x78: {  	_ =	shalt  }
0x79: {  	_ =	shalt  }
0x7a: {  	_ =	shalt  }
0x7b: {  	_ =	shalt  }
0x7c: {  	_ =	shalt  }
0x7d: {  	_ =	shalt  }
0x7e: {  	_ =	shalt  }
0x7f: {  	_ =	shalt  }
0x80: {  	_ =	shalt  }
0x81: {  	_ =	shalt  }
0x82: {  	_ =	shalt  }
0x83: {  	_ =	shalt  }
0x84: {  	_ =	shalt  }
0x85: {  	_ =	shalt  }
0x86: {  	_ =	shalt  }
0x87: {  	_ =	shalt  }
.Lfunc_end0:
.L_simem_size_0:
called_computation.8_lowered:
.L_overlay_start_0:
0x88: {  	s2 =	sld [smem:$0x3FD9]  }
0x89: {  	s3 =	sld [smem:$0x3FFE];
	_ =	sdelay $0x1  }
0x8a: {  	s1 =	srdreg.scid  }
0x8b: {  	s0 =	sand.u32 $0x1, s1  }
0x8c: {  	s16 =	sshll.u32 s0, $0xA;
	s2 =	sadd.s32 s3, s2  }
0x8d: {  	s2 =	sadd.s32 s2, s16  }
0x8e: {  	[smem:$0x3F66] =	sst s2  }
0x8f: {  	_ = 	snop  }
0x90: {  	(tm) =	ssettm $0x1  }
0x91: {  	s17 =	sld [smem:$0x3FFB];
	_ =	sdelay $0x3  }
0x92: {  	_ =	strace s17  }
0x93: {  	s2 =	sld [smem:$0x3FFC];
	_ =	sdelay $0x3  }
0x94: {  	_ =	strace s2  }
0x95: {  	s2 =	sld [smem:$0x3FFD];
	_ =	sdelay $0x3  }
0x96: {  	_ =	strace s2  }
0x97: {  	_ =	strace $0x8FFFFFFF  }
0x98: {  	s18 =	sld [smem:$0x3FDB];
	_ =	sdelay $0x1  }
0x99: {  	s19 =	simm.s32 $_scs_section_size  }
0x9a: {  	s4 =	simm.s32 $_size__tile_overlayer_lowered;
	s5 =	simm.s32 $_tile_overlayer_lowered  }
0x9b: {  	s22 =	simm.s32 $0x1BFF;
	s21 =	sshll.u32 s5, $0x1;
	s2 =	sadd.s32 s19, s18  }
0x9c: {  	s6 =	simm.s32 $0x0;
	s20 =	sshll.u32 s4, $0x1;
	s4 =	sadd.s32 s21, s2  }
0x9d: {  	[timem:s6], [sflag:s22] =	dma.local [hbm:s4], s20  }
0x9e: {  	_ =	swait.ge [sflag:s22], s20  }
0x9f: {  	s3 =	ssub.s32 $0x0, s20;
	[sflag:s22] =	ssyncset.done $0x0  }
0xa0: {  	[sflag:s22] =	ssyncadd.s32 s3;
	_ =	sdelay $0x1  }
0xa1: {  	s23 =	simm.s32 $0x1B8B  }
0xa2: {  	_ =	swait.ge [sflag:s23], $0x1  }
0xa3: {  	[sflag:s23] =	ssyncset.done $0x0  }
0xa4: {  	s25 =	simm.s32 $0x1B8E;
	s24 =	sld [smem:$0x3FFE];
	[sflag:s23] =	ssyncadd.s32 $0xFFFFFFFF  }
0xa5: {  	s26 =	simm.s32 $execute0_lowered;
	[smem:$0x3FD2] =	sst s25  }
0xa6: {  	s4 =	sshll.u32 s26, $0x1;
	_ =	strace $0x8000005E;
	[dreg:$0x1] =	wrdreg $0xFFFFFFFF  }
0xa7: {  	s28 =	simm.s32 $_size_execute0_lowered;
	s2 =	sadd.s32 s2, s4;
	[dreg:$0x0] =	wrdreg $0x0  }
0xa8: {  	s4 =	sshll.u32 s28, $0x1;
	[dreg:$0x2] =	wrdreg s2  }
0xa9: {  	[dreg:$0x3] =	wrdreg s4  }
0xaa: {  	[dreg:$0x4] =	wrdreg $0xC0  }
0xab: {  	_ =	task [dreg:s6], $0x5FFFF  }
0xac: {  	[dreg:$0x1] =	wrdreg $0xFFFFFFFF  }
0xad: {  	[dreg:$0x0] =	wrdreg $0x60  }
0xae: {  	[dreg:$0x2] =	wrdreg s24  }
0xaf: {  	[dreg:$0x3] =	wrdreg $0x9  }
0xb0: {  	_ =	task.clear_ibuf [dreg:s6], $0x4FFFF;
	_ =	strace $0x9000005E  }
0xb1: {  	s29 =	simm.s32 $0x9;
	_ =	strace $0x80000060  }
0xb2: {  	_ =	swait.ge [sflag:s29], $0x1  }
0xb3: {  	[sflag:s29] =	ssyncadd.s32 $0xFFFFFFFF  }
0xb4: {  	_ =	strace $0x90000060  }
0xb5: {  	_ =	sfence  }
0xb6: {  	s30 =	sld [smem:$0x0];
	_ =	sdelay $0x2  }
0xb7: {  	s31 =	sshll.u32 s1, $0xD;
	s1 =	sshrl.u32 s1, $0x2  }
0xb8: {  	s3 =	sand.u32 $0x4000, s31;
	s1 =	sadd.s32 s1, s30  }
0xb9: {  	s0 =	sor.u32 s3, s0;
	s1 =	sshll.u32 s1, $0x11  }
0xba: {  	s0 =	sor.u32 s1, s0  }
0xbb: {  	s0 =	sadd.s32 $0x8F2B, s0  }
0xbc: {  	[sflag:s0] =	ssyncadd.remote.s32 $0x1  }
0xbd: {  	_ =	sfence.sel $0xFFFF  }
0xbe: {  	[dreg:$0x0] =	wrdreg $0xFFFFFFFF;
	(pc) =	sbr.abs _section_cstart, $3  }
0xbf: {  	[dreg:$0x1] =	wrdreg $0xFFFFFFFF  }
0xc0: {  	_ =	task.clear_ibuf [dreg:s6], $0x2FFFF;
	_ =	strace $0x9FFFFFFF  }
0xc1: {  	(tm) =	ssettm $0x7FFFFFFF  }
tec
execute0_lowered:
.L_overlay_start_1:
0x0: {  	(tag) =	ssettag $0x1  }
0x1: {  	s4 =	rddreg [dreg:$0x0]  }
0x2: {  	s0 =	rddreg [dreg:$0x1]  }
0x3: {  	s2 =	simm.s32 $0x0;
	s3 =	srdreg.scid;
	s1 =	stileid.u32  }
0x4: {  	[smem:$0x7FF] =	sst s2;
	s5 =	sand.u32 $0x1, s3;
	s3 =	sadd.s32 $0x5F1400, s4  }
0x5: {  	s6 =	sshll.u32 s1, $0x5;
	s8 =	sshll.u32 s1, $0xC;
	_ =	strace $0x8000005F  }
0x6: {  	s7 =	ssub.s32 $0x2, s5;
	s6 =	sadd.s32 s6, s4;
	s8 =	sadd.s32 s8, s4  }
0x7: {  	s31 =	sshll.u32 s5, $0x4;
	s10 =	sshll.u32 s5, $0xB;
	s9 =	sshrl.u32 s7, $0x1  }
0x8: {  	s4 =	sshll.u32 s1, $0x1;
	s10 =	sadd.s32 s10, s8;
	s7 =	ssub.s32 s7, s9  }
0x9: {  	s9 =	sadd.s32 s31, s6;
	s8 =	sadd.s32 $0x30AC00, s10;
	s5 =	smax.u32 s7, $0x1  }
0xa: {  	s6 =	sadd.s32 $0x1F600, s9;
	s7 =	sadd.s32 $0x1A600, s9;
	s9 =	sadd.s32 $0x99C00, s10  }
.LBB2_1:
0xb: {  	p0 =	sgt.u32 s4, $0x4E1  }
0xc: {  	s10 =	sadd.s32 @!p0 $0x0, s7;
	s11 =	simm.s32 @!p0 $0x0;
	s14 =	simm.s32 @!p0 $0x4  }
0xd: {  	[tilespmem:s11], [sflag:$0x4] =	stream.linear.gather @!p0 [hbm4b:s10+s11], $0x80, $0x38;
	[tilespmem:$0x8100] =	vst v63  }
0xe: {  	_ =	swait.ge @!p0 [sflag:s14], $0x80;
	p0 =	por p0, p0  }
0xf: {  	[sflag:s14] =	ssyncset.done @!p0 $0x0  }
0x10: {  	s10 =	sadd.s32 @!p0 $0x0, s6;
	s12 =	simm.s32 @!p0 $0x80;
	[sflag:s14] =	ssyncadd.s32 @!p0 $0xFFFFFF80  }
0x11: {  	[tilespmem:s12], [sflag:$0x4] =	stream.linear.gather @!p0 [hbm4b:s10+s11], $0x80, $0x38;
	[tilespmem:$0x8100] =	vst v63  }
0x12: {  	_ =	swait.ge @!p0 [sflag:s14], $0x80  }
0x13: {  	[sflag:s14] =	ssyncset.done @!p0 $0x0  }
0x14: {  	s10 =	simm.s32 @!p0 $0x100;
	[sflag:s14] =	ssyncadd.s32 @!p0 $0xFFFFFF80  }
0x15: {  	[tilespmem:s10], [sflag:$0x1] =	stream.indirect.gather @!p0 [hbm4b:s3+s12], $0x80, s11, s12, $0xb8;
	[tilespmem:$0x8100] =	vst v63  }
0x16: {  	s15 =	simm.s32 @!p0 $0x4100;
	s13 =	simm.s32 @!p0 $0x1  }
0x17: {  	[tilespmem:s15], [sflag:$0x2] =	stream.indirect.gather @!p0 [hbm4b:s3+s12], $0x80, s12, s12, $0xb8;
	[tilespmem:$0x8100] =	vst v63  }
0x18: {  	_ =	swait.ge @!p0 [sflag:s13], $0x4000  }
0x19: {  	[sflag:s13] =	ssyncset.done @!p0 $0x0  }
0x1a: {  	s12 =	simm.s32 @!p0 $0x2;
	[sflag:s13] =	ssyncadd.s32 @!p0 $0xFFFFC000  }
0x1b: {  	_ =	swait.ge @!p0 [sflag:s12], $0x4000  }
0x1c: {  	[sflag:s12] =	ssyncset.done @!p0 $0x0  }
0x1d: {  	[sflag:s12] =	ssyncadd.s32 @!p0 $0xFFFFC000  }
0x1e: {  	[hbm4b:s9+s11] =	stream.linear.scatter @!p0 [tilespmem:s10], [sflag:$0x4], $0x4000, $0x38;
	[tilespmem:$0x8100] =	vst v63  }
0x1f: {  	_ =	swait.ge @!p0 [sflag:s14], $0x4000  }
0x20: {  	[sflag:s14] =	ssyncset.done @!p0 $0x0  }
0x21: {  	s13 =	simm.s32 $0x400;
	s12 =	simm.s32 $0x200;
	[sflag:s14] =	ssyncadd.s32 @!p0 $0xFFFFC000  }
0x22: {  	[hbm4b:s8+s11] =	stream.linear.scatter @!p0 [tilespmem:s15], [sflag:$0x3], $0x4000, $0x38;
	[tilespmem:$0x8100] =	vst v63  }
0x23: {  	s10 =	sadd.s32 $0x10000, s9;
	s14 =	sadd.s32 $0x20, s4;
	s15 =	simm.s32 @!p0 $0x3  }
0x24: {  	p2 =	sgt.u32 s14, $0x4E1;
	s11 =	sadd.s32 $0x10000, s8;
	_ =	swait.ge @!p0 [sflag:s15], $0x4000  }
.LBB2_2:
0x25: {  	s16 =	sadd.s32 @!p2 s12, s7  }
0x26: {  	s17 =	simm.s32 @!p2 $0x0;
	[sflag:s15] =	ssyncset.done @!p0 $0x0;
	s18 =	smov.u32 s13  }
0x27: {  	s13 =	sadd.s32 $0x200, s13;
	s19 =	simm.s32 @!p2 $0x4;
	[sflag:s15] =	ssyncadd.s32 @!p0 $0xFFFFC000  }
0x28: {  	[tilespmem:s17], [sflag:$0x4] =	stream.linear.gather @!p2 [hbm4b:s16+s17], $0x80, $0x38;
	[tilespmem:$0x8100] =	vst v63  }
0x29: {  	p1 =	sne.s32 s13, $0x5000;
	p0 =	por p2, p2;
	_ =	swait.ge @!p2 [sflag:s19], $0x80  }
0x2a: {  	[sflag:s19] =	ssyncset.done @!p0 $0x0  }
0x2b: {  	s12 =	sadd.s32 @!p0 s12, s6;
	s15 =	simm.s32 @!p0 $0x80;
	[sflag:s19] =	ssyncadd.s32 @!p0 $0xFFFFFF80  }
0x2c: {  	[tilespmem:s15], [sflag:$0x4] =	stream.linear.gather @!p0 [hbm4b:s12+s17], $0x80, $0x38;
	[tilespmem:$0x8100] =	vst v63  }
0x2d: {  	s12 =	smov.u32 s18;
	_ =	swait.ge @!p0 [sflag:s19], $0x80  }
0x2e: {  	[sflag:s19] =	ssyncset.done @!p0 $0x0  }
0x2f: {  	s16 =	simm.s32 @!p0 $0x100;
	[sflag:s19] =	ssyncadd.s32 @!p0 $0xFFFFFF80  }
0x30: {  	[tilespmem:s16], [sflag:$0x1] =	stream.indirect.gather @!p0 [hbm4b:s3+s15], $0x80, s17, s15, $0xb8;
	[tilespmem:$0x8100] =	vst v63  }
0x31: {  	s20 =	simm.s32 @!p0 $0x1;
	s18 =	simm.s32 @!p0 $0x4100  }
0x32: {  	[tilespmem:s18], [sflag:$0x2] =	stream.indirect.gather @!p0 [hbm4b:s3+s15], $0x80, s15, s15, $0xb8;
	[tilespmem:$0x8100] =	vst v63  }
0x33: {  	_ =	swait.ge @!p0 [sflag:s20], $0x4000  }
0x34: {  	[sflag:s20] =	ssyncset.done @!p0 $0x0  }
0x35: {  	s15 =	simm.s32 @!p0 $0x2;
	[sflag:s20] =	ssyncadd.s32 @!p0 $0xFFFFC000  }
0x36: {  	_ =	swait.ge @!p0 [sflag:s15], $0x4000  }
0x37: {  	[sflag:s15] =	ssyncset.done @!p0 $0x0  }
0x38: {  	[sflag:s15] =	ssyncadd.s32 @!p0 $0xFFFFC000  }
0x39: {  	[hbm4b:s10+s17] =	stream.linear.scatter @!p0 [tilespmem:s16], [sflag:$0x4], $0x4000, $0x38;
	[tilespmem:$0x8100] =	vst v63  }
.Ltmp0:
0x3a: {  	_ =	swait.ge @!p0 [sflag:s19], $0x4000;
	(pc) =	sbr.rel @p1 .LBB2_2-.Ltmp0, $4  }
0x3b: {  	s10 =	sadd.s32 $0x10000, s10;
	[sflag:s19] =	ssyncset.done @!p0 $0x0  }
0x3c: {  	s14 =	sadd.s32 $0x20, s14;
	s15 =	simm.s32 @!p0 $0x3;
	[sflag:s19] =	ssyncadd.s32 @!p0 $0xFFFFC000  }
0x3d: {  	[hbm4b:s11+s17] =	stream.linear.scatter @!p0 [tilespmem:s18], [sflag:$0x3], $0x4000, $0x38;
	[tilespmem:$0x8100] =	vst v63  }
0x3e: {  	p2 =	sgt.u32 s14, $0x4E1;
	s11 =	sadd.s32 $0x10000, s11;
	_ =	swait.ge @!p0 [sflag:s15], $0x4000  }
0x3f: {  	s13 =	sadd.s32 @!p2 s12, s7;
	[sflag:s15] =	ssyncset.done @!p0 $0x0  }
0x40: {  	s14 =	simm.s32 @!p2 $0x0;
	s16 =	simm.s32 @!p2 $0x4;
	[sflag:s15] =	ssyncadd.s32 @!p0 $0xFFFFC000  }
0x41: {  	[tilespmem:s14], [sflag:$0x4] =	stream.linear.gather @!p2 [hbm4b:s13+s14], $0x80, $0x38;
	[tilespmem:$0x8100] =	vst v63  }
0x42: {  	p0 =	por p2, p2;
	_ =	swait.ge @!p2 [sflag:s16], $0x80  }
0x43: {  	[sflag:s16] =	ssyncset.done @!p0 $0x0  }
0x44: {  	s12 =	sadd.s32 @!p0 s12, s6;
	s13 =	simm.s32 @!p0 $0x80;
	[sflag:s16] =	ssyncadd.s32 @!p0 $0xFFFFFF80  }
0x45: {  	[tilespmem:s13], [sflag:$0x4] =	stream.linear.gather @!p0 [hbm4b:s12+s14], $0x80, $0x38;
	[tilespmem:$0x8100] =	vst v63  }
0x46: {  	_ =	swait.ge @!p0 [sflag:s16], $0x80  }
0x47: {  	[sflag:s16] =	ssyncset.done @!p0 $0x0  }
0x48: {  	s12 =	simm.s32 @!p0 $0x100;
	[sflag:s16] =	ssyncadd.s32 @!p0 $0xFFFFFF80  }
0x49: {  	[tilespmem:s12], [sflag:$0x1] =	stream.indirect.gather @!p0 [hbm4b:s3+s13], $0x80, s14, s13, $0xb8;
	[tilespmem:$0x8100] =	vst v63  }
0x4a: {  	s15 =	simm.s32 @!p0 $0x4100;
	s17 =	simm.s32 @!p0 $0x1  }
0x4b: {  	[tilespmem:s15], [sflag:$0x2] =	stream.indirect.gather @!p0 [hbm4b:s3+s13], $0x80, s13, s13, $0xb8;
	[tilespmem:$0x8100] =	vst v63  }
0x4c: {  	_ =	swait.ge @!p0 [sflag:s17], $0x4000  }
0x4d: {  	[sflag:s17] =	ssyncset.done @!p0 $0x0  }
0x4e: {  	s13 =	simm.s32 @!p0 $0x2;
	[sflag:s17] =	ssyncadd.s32 @!p0 $0xFFFFC000  }
0x4f: {  	_ =	swait.ge @!p0 [sflag:s13], $0x4000  }
0x50: {  	[sflag:s13] =	ssyncset.done @!p0 $0x0  }
0x51: {  	[sflag:s13] =	ssyncadd.s32 @!p0 $0xFFFFC000  }
0x52: {  	[hbm4b:s10+s14] =	stream.linear.scatter @!p0 [tilespmem:s12], [sflag:$0x4], $0x4000, $0x38;
	[tilespmem:$0x8100] =	vst v63  }
0x53: {  	s2 =	sadd.s32 $0x1, s2;
	_ =	swait.ge @!p0 [sflag:s16], $0x4000  }
0x54: {  	p1 =	sne.s32 s2, s5;
	[sflag:s16] =	ssyncset.done @!p0 $0x0  }
.Ltmp1:
0x55: {  	s10 =	simm.s32 @!p0 $0x3;
	[sflag:s16] =	ssyncadd.s32 @!p0 $0xFFFFC000;
	(pc) =	sbr.rel @p1 .LBB2_1-.Ltmp1, $4  }
0x56: {  	[hbm4b:s11+s14] =	stream.linear.scatter @!p0 [tilespmem:s15], [sflag:$0x3], $0x4000, $0x38;
	[tilespmem:$0x8100] =	vst v63  }
0x57: {  	_ =	swait.ge @!p0 [sflag:s10], $0x4000  }
0x58: {  	[sflag:s10] =	ssyncset.done @!p0 $0x0  }
0x59: {  	[sflag:s10] =	ssyncadd.s32 @!p0 $0xFFFFC000  }
0x5a: {  	_ =	sfence.sel $0x180000  }
0x5b: {  	[bflag:$0x0] =	sbarrier.arrive $0xFFFF  }
0x5c: {  	p0 =	sne.s32 s1, $0x0;
	_ =	strace $0x9000005F  }
0x5d: {  	s0 =	sadd.s32 @!p0 $0x100000, s0;
	[bflag:$0x2] =	sbarrier.arrive $0xFFFF  }
0x5e: {  	[sflag:s0] =	ssyncadd.tile.s32 @!p0 $0x1;
	_ =	shalt  }
.Lfunc_end2:
_tile_overlayer_lowered:
.L_overlay_start_2:
0x5f: {  	(tag) =	ssettag $0x2  }
0x60: {  	s0 =	rddreg [dreg:$0x0];
	s2 =	stileid.u32  }
0x61: {  	s1 =	rddreg [dreg:$0x1];
	p0 =	sne.s32 s2, $0x0  }
0x62: {  	s3 =	rddreg [dreg:$0x2];
	[bflag:$0x3] =	sbarrier.arrive $0xFFFF;
	s2 =	simm.s32 @!p0 $0x1C03  }
0x63: {  	[timem:s3], [sflag:s2] =	dma.local @!p0 [hbm:s0], s1  }
0x64: {  	s0 =	simm.s32 @!p0 $0x3  }
0x65: {  	_ =	swait.ge @!p0 [sflag:s0], s1  }
0x66: {  	s1 =	ssub.s32 @!p0 $0x0, s1;
	[sflag:s0] =	ssyncset.done @!p0 $0x0  }
0x67: {  	[sflag:s0] =	ssyncadd.s32 @!p0 s1  }
0x68: {  	[bflag:$0x3] =	sbarrier.arrive $0xFFFF  }
0x69: {  	_ =	shalt  }

// kernel: kernel.64.cloned.1.call-start
scs
__scs_entry_jumppad:
0x0: {  	(pc) =	sbr.rel $0x88, $3  }
0x1: {  	(tag) =	ssettag $0x0;
	lr =	simm.s32 $0x1  }
0x2: {  	[smem:$0x3F3F] =	sst lr;
	_ =	strace $0xD0000000  }
0x3: {  	_ = 	snop  }
0x4: {  	_ = 	snop  }
0x5: {  	_ = 	snop  }
0x6: {  	_ = 	snop  }
0x7: {  	_ = 	snop  }
__scs_overlays_trampoline_lowered:
0x8: {  	[smem:$0x3F4E] =	sst s0  }
0x9: {  	[smem:$0x3F4F] =	sst s1  }
0xa: {  	[smem:$0x3F50] =	sst s2  }
0xb: {  	[smem:$0x3F51] =	sst s3  }
0xc: {  	[smem:$0x3F52] =	sst s4  }
0xd: {  	[smem:$0x3F53] =	sst s5  }
0xe: {  	[smem:$0x3F54] =	sst s6  }
0xf: {  	[smem:$0x3F55] =	sst s7  }
0x10: {  	[smem:$0x3F56] =	sst s8  }
0x11: {  	[smem:$0x3F57] =	sst s9;
	s0 =	simm.s32 @!p0 $0x0  }
0x12: {  	s1 =	sld [smem:$0x3F3D];
	s0 =	simm.s32 @p0 $0x1  }
0x13: {  	[smem:$0x3F58] =	sst s0;
	s0 =	simm.s32 @!p1 $0x0  }
0x14: {  	s2 =	sld [smem:$0x3F3C];
	s0 =	simm.s32 @p1 $0x1  }
0x15: {  	[smem:$0x3F59] =	sst s0;
	s0 =	simm.s32 @!p2 $0x0  }
0x16: {  	s3 =	sld [smem:$0x3FDB];
	s0 =	simm.s32 @p2 $0x1  }
0x17: {  	s4 =	simm.s32 $0x1BF5;
	[smem:$0x3F5B] =	sst s0  }
0x18: {  	s0 =	sld [smem:$0x3F3E];
	_ =	swait.ge [sflag:s4], $0x0  }
0x19: {  	s7 =	sld [smem:$0x3F3F]  }
0x1a: {  	s8 =	sadd.s32 $0xFFFFE003, lr  }
0x1b: {  	s9 =	sadd.s32 $0xFFFFFEF7, lr;
	s5 =	simm.s32 $0xFFFFFFFF;
	p2 =	slt.u32 s8, $0xFFFFF086  }
0x1c: {  	p1 =	slt.u32 s9, $0xF7A;
	s5 =	simm.s32 @!p2 $0x0  }
0x1d: {  	s5 =	simm.s32 @p1 $0x1;
	p0 =	seq.s32 s7, s2  }
0x1e: {  	s7 =	smul.u32 @!p0 $0xF7A, s2;
	p2 =	seq.s32 @!p0 s5, $0x0  }
0x1f: {  	s9 =	smul.u32 $0xF7A, s1;
	s8 =	simm.s32 @!p0 $0x1BF5;
	p2 =	por !p2, p0  }
0x20: {  	[sflag:s8] =	ssyncset.s32 @!p0 $0xFFFFF086;
	s6 =	sadd.s32 @!p0 s3, s7;
	s7 =	simm.s32 @!p0 $0x108  }
0x21: {  	s3 =	sadd.s32 s3, s9;
	s6 =	sadd.s32 @!p0 $0x88, s6;
	s7 =	simm.s32 @p2 $0x1082  }
0x22: {  	[simem:s7], [sflag:s8] =	dma.local @!p0 [hbm:s6], $0xF7A  }
0x23: {  	s9 =	sor.u32 $0xD0000000, s2;
	s6 =	simm.s32 $0x108;
	_ =	swait.ge @!p0 [sflag:s8], $0x0  }
0x24: {  	s3 =	sadd.s32 $0x88, s3;
	s6 =	simm.s32 @!p1 $0x1082;
	[sflag:s4] =	ssyncset.s32 $0xFFFFF086  }
0x25: {  	[simem:s6], [sflag:s4] =	dma.local [hbm:s3], $0xF7A  }
0x26: {  	[smem:$0x3F3F] =	sst s1;
	(tag) =	ssettag s2;
	_ =	strace s9  }
0x27: {  	s1 =	sld [smem:$0x3F4F]  }
0x28: {  	s2 =	sld [smem:$0x3F50]  }
0x29: {  	s4 =	sld [smem:$0x3F52]  }
0x2a: {  	p0 =	seq.s32 s5, $0x0;
	s5 =	sld [smem:$0x3F53]  }
0x2b: {  	s6 =	sld [smem:$0x3F54]  }
0x2c: {  	s7 =	sld [smem:$0x3F55]  }
0x2d: {  	s3 =	simm.s32 $0x108;
	s8 =	sld [smem:$0x3F56]  }
0x2e: {  	s3 =	simm.s32 @!p0 $0x1082;
	s9 =	sld [smem:$0x3F57]  }
0x2f: {  	lr =	sadd.s32 s0, s3;
	s0 =	sld [smem:$0x3F4E]  }
0x30: {  	s3 =	sld [smem:$0x3F51]  }
0x31: {  	[smem:$0x3F5A] =	sst s10  }
0x32: {  	s10 =	sld [smem:$0x3F58];
	_ =	sdelay $0x3  }
0x33: {  	p0 =	seq.s32 s10, $0x1;
	s10 =	sld [smem:$0x3F5A];
	_ =	sdelay $0x3  }
0x34: {  	[smem:$0x3F5A] =	sst s10  }
0x35: {  	s10 =	sld [smem:$0x3F59];
	_ =	sdelay $0x3  }
0x36: {  	p1 =	seq.s32 s10, $0x1;
	s10 =	sld [smem:$0x3F5A];
	_ =	sdelay $0x3  }
0x37: {  	[smem:$0x3F5A] =	sst s10  }
0x38: {  	s10 =	sld [smem:$0x3F5B]  }
0x39: {  	_ = 	snop;
	(pc) =	sbr.ind lr, $3  }
0x3a: {  	_ = 	snop  }
0x3b: {  	_ = 	snop  }
0x3c: {  	p2 =	seq.s32 s10, $0x1;
	s10 =	sld [smem:$0x3F5A]  }
0x3d: {  	_ =	shalt  }
0x3e: {  	_ =	shalt  }
0x3f: {  	_ =	shalt  }
0x40: {  	_ =	shalt  }
0x41: {  	_ =	shalt  }
0x42: {  	_ =	shalt  }
0x43: {  	_ =	shalt  }
0x44: {  	_ =	shalt  }
0x45: {  	_ =	shalt  }
0x46: {  	_ =	shalt  }
0x47: {  	_ =	shalt  }
0x48: {  	_ =	shalt  }
0x49: {  	_ =	shalt  }
0x4a: {  	_ =	shalt  }
0x4b: {  	_ =	shalt  }
0x4c: {  	_ =	shalt  }
0x4d: {  	_ =	shalt  }
0x4e: {  	_ =	shalt  }
0x4f: {  	_ =	shalt  }
0x50: {  	_ =	shalt  }
0x51: {  	_ =	shalt  }
0x52: {  	_ =	shalt  }
0x53: {  	_ =	shalt  }
0x54: {  	_ =	shalt  }
0x55: {  	_ =	shalt  }
0x56: {  	_ =	shalt  }
0x57: {  	_ =	shalt  }
0x58: {  	_ =	shalt  }
0x59: {  	_ =	shalt  }
0x5a: {  	_ =	shalt  }
0x5b: {  	_ =	shalt  }
0x5c: {  	_ =	shalt  }
0x5d: {  	_ =	shalt  }
0x5e: {  	_ =	shalt  }
0x5f: {  	_ =	shalt  }
0x60: {  	_ =	shalt  }
0x61: {  	_ =	shalt  }
0x62: {  	_ =	shalt  }
0x63: {  	_ =	shalt  }
0x64: {  	_ =	shalt  }
0x65: {  	_ =	shalt  }
0x66: {  	_ =	shalt  }
0x67: {  	_ =	shalt  }
0x68: {  	_ =	shalt  }
0x69: {  	_ =	shalt  }
0x6a: {  	_ =	shalt  }
0x6b: {  	_ =	shalt  }
0x6c: {  	_ =	shalt  }
0x6d: {  	_ =	shalt  }
0x6e: {  	_ =	shalt  }
0x6f: {  	_ =	shalt  }
0x70: {  	_ =	shalt  }
0x71: {  	_ =	shalt  }
0x72: {  	_ =	shalt  }
0x73: {  	_ =	shalt  }
0x74: {  	_ =	shalt  }
0x75: {  	_ =	shalt  }
0x76: {  	_ =	shalt  }
0x77: {  	_ =	shalt  }
0x78: {  	_ =	shalt  }
0x79: {  	_ =	shalt  }
0x7a: {  	_ =	shalt  }
0x7b: {  	_ =	shalt  }
0x7c: {  	_ =	shalt  }
0x7d: {  	_ =	shalt  }
0x7e: {  	_ =	shalt  }
0x7f: {  	_ =	shalt  }
0x80: {  	_ =	shalt  }
0x81: {  	_ =	shalt  }
0x82: {  	_ =	shalt  }
0x83: {  	_ =	shalt  }
0x84: {  	_ =	shalt  }
0x85: {  	_ =	shalt  }
0x86: {  	_ =	shalt  }
0x87: {  	_ =	shalt  }
.Lfunc_end0:
.L_simem_size_0:
called_computation.9_lowered:
.L_overlay_start_0:
0x88: {  	s2 =	sld [smem:$0x3FD9]  }
0x89: {  	s3 =	sld [smem:$0x3FFE];
	_ =	sdelay $0x1  }
0x8a: {  	s1 =	srdreg.scid  }
0x8b: {  	s0 =	sand.u32 $0x1, s1  }
0x8c: {  	s16 =	sshll.u32 s0, $0xA;
	s2 =	sadd.s32 s3, s2  }
0x8d: {  	s2 =	sadd.s32 s2, s16  }
0x8e: {  	[smem:$0x3F66] =	sst s2  }
0x8f: {  	_ = 	snop  }
0x90: {  	(tm) =	ssettm $0x1  }
0x91: {  	s17 =	sld [smem:$0x3FFB];
	_ =	sdelay $0x3  }
0x92: {  	_ =	strace s17  }
0x93: {  	s2 =	sld [smem:$0x3FFC];
	_ =	sdelay $0x3  }
0x94: {  	_ =	strace s2  }
0x95: {  	s2 =	sld [smem:$0x3FFD];
	_ =	sdelay $0x3  }
0x96: {  	_ =	strace s2  }
0x97: {  	_ =	strace $0x8FFFFFFF  }
0x98: {  	s18 =	sld [smem:$0x3FDB];
	_ =	sdelay $0x1  }
0x99: {  	s19 =	simm.s32 $_scs_section_size  }
0x9a: {  	s4 =	simm.s32 $_size__tile_overlayer_lowered;
	s5 =	simm.s32 $_tile_overlayer_lowered  }
0x9b: {  	s22 =	simm.s32 $0x1BFF;
	s21 =	sshll.u32 s5, $0x1;
	s2 =	sadd.s32 s19, s18  }
0x9c: {  	s6 =	simm.s32 $0x0;
	s20 =	sshll.u32 s4, $0x1;
	s4 =	sadd.s32 s21, s2  }
0x9d: {  	[timem:s6], [sflag:s22] =	dma.local [hbm:s4], s20  }
0x9e: {  	_ =	swait.ge [sflag:s22], s20  }
0x9f: {  	s3 =	ssub.s32 $0x0, s20;
	[sflag:s22] =	ssyncset.done $0x0  }
0xa0: {  	[sflag:s22] =	ssyncadd.s32 s3;
	_ =	sdelay $0x1  }
0xa1: {  	s23 =	simm.s32 $0x1B8B  }
0xa2: {  	_ =	swait.ge [sflag:s23], $0x1  }
0xa3: {  	[sflag:s23] =	ssyncset.done $0x0  }
0xa4: {  	s25 =	simm.s32 $0x1B8E;
	s24 =	sld [smem:$0x3FFE];
	[sflag:s23] =	ssyncadd.s32 $0xFFFFFFFF  }
0xa5: {  	s26 =	simm.s32 $execute0_lowered;
	[smem:$0x3FD2] =	sst s25  }
0xa6: {  	s4 =	sshll.u32 s26, $0x1;
	_ =	strace $0x80000061;
	[dreg:$0x1] =	wrdreg $0xFFFFFFFF  }
0xa7: {  	s28 =	simm.s32 $_size_execute0_lowered;
	s2 =	sadd.s32 s2, s4;
	[dreg:$0x0] =	wrdreg $0x0  }
0xa8: {  	s4 =	sshll.u32 s28, $0x1;
	[dreg:$0x2] =	wrdreg s2  }
0xa9: {  	[dreg:$0x3] =	wrdreg s4  }
0xaa: {  	[dreg:$0x4] =	wrdreg $0xC0  }
0xab: {  	_ =	task [dreg:s6], $0x5FFFF  }
0xac: {  	[dreg:$0x1] =	wrdreg $0xFFFFFFFF  }
0xad: {  	[dreg:$0x0] =	wrdreg $0x60  }
0xae: {  	[dreg:$0x2] =	wrdreg s24  }
0xaf: {  	[dreg:$0x3] =	wrdreg $0x40800  }
0xb0: {  	[dreg:$0x4] =	wrdreg $0x9  }
0xb1: {  	_ =	task.clear_ibuf [dreg:s6], $0x5FFFF;
	_ =	strace $0x90000061  }
0xb2: {  	s29 =	simm.s32 $0x9;
	_ =	strace $0x80000063  }
0xb3: {  	_ =	swait.ge [sflag:s29], $0x1  }
0xb4: {  	[sflag:s29] =	ssyncadd.s32 $0xFFFFFFFF  }
0xb5: {  	_ =	strace $0x90000063  }
0xb6: {  	_ =	sfence  }
0xb7: {  	s30 =	sld [smem:$0x0];
	_ =	sdelay $0x2  }
0xb8: {  	s31 =	sshll.u32 s1, $0xD;
	s1 =	sshrl.u32 s1, $0x2  }
0xb9: {  	s3 =	sand.u32 $0x4000, s31;
	s1 =	sadd.s32 s1, s30  }
0xba: {  	s0 =	sor.u32 s3, s0;
	s1 =	sshll.u32 s1, $0x11  }
0xbb: {  	s0 =	sor.u32 s1, s0  }
0xbc: {  	s0 =	sadd.s32 $0x8F2B, s0  }
0xbd: {  	[sflag:s0] =	ssyncadd.remote.s32 $0x1  }
0xbe: {  	_ =	sfence.sel $0xFFFF  }
0xbf: {  	[dreg:$0x0] =	wrdreg $0xFFFFFFFF;
	(pc) =	sbr.abs _section_cstart, $3  }
0xc0: {  	[dreg:$0x1] =	wrdreg $0xFFFFFFFF  }
0xc1: {  	_ =	task.clear_ibuf [dreg:s6], $0x2FFFF;
	_ =	strace $0x9FFFFFFF  }
0xc2: {  	(tm) =	ssettm $0x7FFFFFFF  }
0xc3: {  	_ =	shalt  }
tec
execute0_lowered:
.L_overlay_start_1:
0x0: {  	(tag) =	ssettag $0x1  }
0x1: {  	s4 =	rddreg [dreg:$0x0]  }
0x2: {  	s1 =	rddreg [dreg:$0x1]  }
0x3: {  	s0 =	rddreg [dreg:$0x2]  }
0x4: {  	s2 =	simm.s32 $0x0;
	s3 =	srdreg.scid;
	s7 =	stileid.u32  }
0x5: {  	[smem:$0x7FF] =	sst s2;
	s8 =	sand.u32 $0x1, s3;
	s28 =	sshll.u32 s7, $0xC  }
0x6: {  	s5 =	sshll.u32 s7, $0x5;
	s3 =	sadd.s32 $0x24600, s4;
	p0 =	sne.s32 s7, $0x0  }
0x7: {  	_ =	strace $0x80000062;
	s6 =	smul.u32 $0x27100, s8;
	s9 =	sadd.s32 s28, s4  }
0x8: {  	s10 =	sadd.s32 s5, s4;
	s29 =	ssub.s32 $0x2, s8;
	s31 =	sshll.u32 s8, $0xB  }
0x9: {  	s8 =	sshll.u32 s8, $0x4;
	s30 =	sshrl.u32 s29, $0x1;
	s9 =	sadd.s32 s31, s9  }
0xa: {  	s8 =	sadd.s32 s8, s10;
	s6 =	sadd.s32 s6, s4;
	s11 =	ssub.s32 s29, s30  }
0xb: {  	s4 =	sshll.u32 s7, $0x1;
	s7 =	sadd.s32 $0xD1D600, s9;
	s8 =	sadd.s32 $0x1F600, s8  }
0xc: {  	s9 =	sshrl.u32 @!p0 s1, $0x3;
	s5 =	sadd.s32 $0x72E00, s6;
	s6 =	smax.u32 s11, $0x1  }
.LBB2_1:
0xd: {  	s10 =	simm.s32 @!p0 $0x1C01  }
0xe: {  	[spmem:s9], [sflag:s10] =	dma.local @!p0 [hbm:s3], $0x27100  }
0xf: {  	s10 =	simm.s32 @!p0 $0x1  }
0x10: {  	_ =	swait.ge @!p0 [sflag:s10], $0x27100  }
0x11: {  	s11 =	sadd.s32 $0x0, s4;
	[sflag:s10] =	ssyncset.done @!p0 $0x0  }
0x12: {  	p1 =	sgt.u32 s11, $0x4E1;
	[sflag:s10] =	ssyncadd.s32 @!p0 $0xFFFD8F00  }
0x13: {  	s12 =	simm.s32 @!p1 $0x2;
	s10 =	simm.s32 @!p1 $0x0;
	[bflag:$0x0] =	sbarrier.arrive $0xFFFF  }
0x14: {  	[tilespmem:s10], [sflag:$0x2] =	stream.linear.gather @!p1 [hbm4b:s8+s10], $0x80, $0x38;
	[tilespmem:$0x17900] =	vst v63  }
0x15: {  	_ =	swait.ge @!p1 [sflag:s12], $0x80  }
0x16: {  	[sflag:s12] =	ssyncset.done @!p1 $0x0;
	p1 =	por p1, p1  }
0x17: {  	[sflag:s12] =	ssyncadd.s32 @!p1 $0xFFFFFF80;
	s14 =	simm.s32 @!p1 $0x80  }
0x18: {  	[tilespmem:s14], [sflag:$0x2] =	stream.linear.gather @!p1 [hbm4b:s7+s10], $0x4000, $0x38;
	[tilespmem:$0x17900] =	vst v63  }
0x19: {  	_ =	swait.ge @!p1 [sflag:s12], $0x4000  }
0x1a: {  	[sflag:s12] =	ssyncset.done @!p1 $0x0  }
0x1b: {  	s31 =	sadd.s32 $0x20, s4;
	s13 =	simm.s32 @!p1 $0x1;
	[sflag:s12] =	ssyncadd.s32 @!p1 $0xFFFFC000  }
0x1c: {  	[spmem:s1] =	stream.indirect.scatter.add.f32 @!p1 [tilespmem:s14], [sflag:$0x1], $0x80, s10, s14, $0xb8;
	[tilespmem:$0x17900] =	vst v63  }
0x1d: {  	s11 =	simm.s32 $0x40;
	p2 =	sgt.u32 s31, $0x4E1;
	_ =	swait.ge @!p1 [sflag:s13], $0x4000  }
0x1e: {  	s12 =	sadd.s32 $0x200, s8;
	s10 =	sadd.s32 $0x10000, s7;
	[sflag:s13] =	ssyncset.done @!p1 $0x0  }
.LBB2_2:
0x1f: {  	s14 =	simm.s32 @!p2 $0x0;
	s15 =	simm.s32 @!p2 $0x2;
	[sflag:s13] =	ssyncadd.s32 @!p1 $0xFFFFC000  }
0x20: {  	[tilespmem:s14], [sflag:$0x2] =	stream.linear.gather @!p2 [hbm4b:s12+s14], $0x80, $0x38;
	[tilespmem:$0x17900] =	vst v63  }
0x21: {  	s16 =	smov.u32 s11;
	s11 =	sadd.s32 $0x20, s11;
	_ =	swait.ge @!p2 [sflag:s15], $0x80  }
0x22: {  	p1 =	por p2, p2;
	p3 =	sne.s32 s11, $0x500;
	[sflag:s15] =	ssyncset.done @!p2 $0x0  }
0x23: {  	s17 =	simm.s32 @!p1 $0x80;
	[sflag:s15] =	ssyncadd.s32 @!p1 $0xFFFFFF80  }
0x24: {  	[tilespmem:s17], [sflag:$0x2] =	stream.linear.gather @!p1 [hbm4b:s10+s14], $0x4000, $0x38;
	[tilespmem:$0x17900] =	vst v63  }
0x25: {  	_ =	swait.ge @!p1 [sflag:s15], $0x4000  }
.Ltmp0:
0x26: {  	[sflag:s15] =	ssyncset.done @!p1 $0x0;
	(pc) =	sbr.rel @p3 .LBB2_2-.Ltmp0, $4  }
0x27: {  	s13 =	simm.s32 @!p1 $0x1;
	[sflag:s15] =	ssyncadd.s32 @!p1 $0xFFFFC000  }
0x28: {  	[spmem:s1] =	stream.indirect.scatter.add.f32 @!p1 [tilespmem:s17], [sflag:$0x1], $0x80, s14, s17, $0xb8;
	[tilespmem:$0x17900] =	vst v63  }
0x29: {  	s12 =	sadd.s32 $0x200, s12;
	s14 =	sadd.s32 s16, s4;
	_ =	swait.ge @!p1 [sflag:s13], $0x4000  }
0x2a: {  	s10 =	sadd.s32 $0x10000, s10;
	p2 =	sgt.u32 s14, $0x4E1;
	[sflag:s13] =	ssyncset.done @!p1 $0x0  }
0x2b: {  	s11 =	simm.s32 @!p2 $0x0;
	s14 =	simm.s32 @!p2 $0x2;
	[sflag:s13] =	ssyncadd.s32 @!p1 $0xFFFFC000  }
0x2c: {  	[tilespmem:s11], [sflag:$0x2] =	stream.linear.gather @!p2 [hbm4b:s12+s11], $0x80, $0x38;
	[tilespmem:$0x17900] =	vst v63  }
0x2d: {  	_ =	swait.ge @!p2 [sflag:s14], $0x80  }
0x2e: {  	p1 =	por p2, p2;
	[sflag:s14] =	ssyncset.done @!p2 $0x0  }
0x2f: {  	s12 =	simm.s32 @!p1 $0x80;
	[sflag:s14] =	ssyncadd.s32 @!p1 $0xFFFFFF80  }
0x30: {  	[tilespmem:s12], [sflag:$0x2] =	stream.linear.gather @!p1 [hbm4b:s10+s11], $0x4000, $0x38;
	[tilespmem:$0x17900] =	vst v63  }
0x31: {  	_ =	swait.ge @!p1 [sflag:s14], $0x4000  }
0x32: {  	[sflag:s14] =	ssyncset.done @!p1 $0x0  }
0x33: {  	s10 =	simm.s32 @!p1 $0x1;
	[sflag:s14] =	ssyncadd.s32 @!p1 $0xFFFFC000  }
0x34: {  	[spmem:s1] =	stream.indirect.scatter.add.f32 @!p1 [tilespmem:s12], [sflag:$0x1], $0x80, s11, s12, $0xb8;
	[tilespmem:$0x17900] =	vst v63  }
0x35: {  	_ =	swait.ge @!p1 [sflag:s10], $0x4000  }
0x36: {  	[sflag:s10] =	ssyncset.done @!p1 $0x0  }
0x37: {  	s2 =	sadd.s32 $0x1, s2;
	[sflag:s10] =	ssyncadd.s32 @!p1 $0xFFFFC000  }
0x38: {  	s10 =	simm.s32 @!p0 $0x1C01;
	p1 =	sne.s32 s2, s6;
	[bflag:$0x0] =	sbarrier.arrive $0xFFFF  }
0x39: {  	[hbm:s5], [sflag:s10] =	dma.local @!p0 [spmem:s9], $0x27100  }
.Ltmp1:
0x3a: {  	_ = 	snop;
	(pc) =	sbr.rel @p1 .LBB2_1-.Ltmp1, $4  }
0x3b: {  	s10 =	simm.s32 @!p0 $0x1  }
0x3c: {  	_ =	swait.ge @!p0 [sflag:s10], $0x27100  }
0x3d: {  	[sflag:s10] =	ssyncset.done @!p0 $0x0  }
0x3e: {  	[sflag:s10] =	ssyncadd.s32 @!p0 $0xFFFD8F00  }
0x3f: {  	_ =	sfence.sel $0x180000  }
0x40: {  	[bflag:$0x0] =	sbarrier.arrive $0xFFFF  }
0x41: {  	_ =	strace $0x90000062  }
0x42: {  	s0 =	sadd.s32 @!p0 $0x100000, s0;
	[bflag:$0x2] =	sbarrier.arrive $0xFFFF  }
0x43: {  	[sflag:s0] =	ssyncadd.tile.s32 @!p0 $0x1;
	_ =	shalt  }
.Lfunc_end2:
_tile_overlayer_lowered:
.L_overlay_start_2:
0x44: {  	(tag) =	ssettag $0x2  }
0x45: {  	s0 =	rddreg [dreg:$0x0];
	s2 =	stileid.u32  }
0x46: {  	s1 =	rddreg [dreg:$0x1];
	p0 =	sne.s32 s2, $0x0  }
0x47: {  	s3 =	rddreg [dreg:$0x2];
	[bflag:$0x3] =	sbarrier.arrive $0xFFFF;
	s2 =	simm.s32 @!p0 $0x1C01  }
0x48: {  	[timem:s3], [sflag:s2] =	dma.local @!p0 [hbm:s0], s1  }
0x49: {  	s0 =	simm.s32 @!p0 $0x1  }
0x4a: {  	_ =	swait.ge @!p0 [sflag:s0], s1  }
0x4b: {  	s1 =	ssub.s32 @!p0 $0x0, s1;
	[sflag:s0] =	ssyncset.done @!p0 $0x0  }
0x4c: {  	[sflag:s0] =	ssyncadd.s32 @!p0 s1  }
0x4d: {  	[bflag:$0x3] =	sbarrier.arrive $0xFFFF  }
0x4e: {  	_ =	shalt  }

</sc_bundles>
